<compile_context>
chip_gen: v7x
topology: tpu7x:2x2x1
jax: 0.10.2.dev20260603
libtpu: 0.0.44.dev20260713+nightly
codegen_flags: <defaults>
</compile_context>

<pallas_src>
import functools

import jax
import jax.numpy as jnp
from jax import lax
from jax.experimental import pallas as pl
from jax.experimental.pallas import tpu as pltpu
from jax.experimental.pallas import tpu_sc as plsc

B = 4096
L = 200
DIM = 64
ACTION_SPACE = 20
VOCAB = 1000
VP = 1024
NG = VP // 128

NC = 2
NS = 16
NW = NC * NS
RCHUNK = 32
LPAD = 211

NSPLIT = 1
BH = B // NSPLIT
CPW = BH // RCHUNK // NW


def _hist_body(text_hbm, counts_hbm, tok_v, cnt_v, sem_in, sem_out):
    wid = lax.axis_index("s") * NC + lax.axis_index("c")
    lane = lax.iota(jnp.int32, 16)
    ones = jnp.full((16,), 1.0, dtype=jnp.float32)
    zeros = jnp.zeros((16,), dtype=jnp.float32)
    row_ids = [lane + 16 * h for h in range(RCHUNK // 16)]

    def start_in(c):
        row0 = (wid * CPW + c) * RCHUNK
        return pltpu.async_copy(
            text_hbm.at[pl.ds(row0, RCHUNK)],
            tok_v.at[c % 2, :, pl.ds(0, L)], sem_in.at[c % 2])

    def start_out(c):
        row0 = (wid * CPW + c) * RCHUNK
        return [pltpu.async_copy(
                    cnt_v.at[c % 2, :, pl.ds(128 * g, 128)],
                    counts_hbm.at[g, pl.ds(row0, RCHUNK)], sem_out.at[c % 2])
                for g in range(NG)]

    din = {0: start_in(0)}
    dout = {}
    for c in range(CPW):
        if c + 1 < CPW:
            din[c + 1] = start_in(c + 1)
        din.pop(c).wait()
        if c >= 2:
            for d in dout.pop(c - 2):
                d.wait()

        def _zero(r, carry):
            for k in range(VP // 16):
                cnt_v[c % 2, r, pl.ds(16 * k, 16)] = zeros
            return carry
        lax.fori_loop(0, RCHUNK, _zero, 0)

        def _scat(i, lcol):
            for _ in range(4):
                for h in range(RCHUNK // 16):
                    tok = plsc.load_gather(tok_v.at[c % 2],
                                           [row_ids[h], lcol])
                    plsc.addupdate_scatter(cnt_v.at[c % 2],
                                           [row_ids[h], tok], ones)
                lcol = lcol + 1
            return lcol
        lax.fori_loop(0, L // 4, _scat, jnp.zeros((16,), jnp.int32))

        dout[c] = start_out(c)
    for c in sorted(dout):
        for d in dout.pop(c):
            d.wait()


@functools.partial(
    pl.kernel,
    out_type=jax.ShapeDtypeStruct((NG, BH, 128), jnp.float32),
    mesh=plsc.VectorSubcoreMesh(
        core_axis_name="c", subcore_axis_name="s", num_cores=NC, num_subcores=NS
    ),
    scratch_types=[
        pltpu.VMEM((2, RCHUNK, LPAD), jnp.int32),
        pltpu.VMEM((2, RCHUNK, VP), jnp.float32),
        pltpu.SemaphoreType.DMA((2,)),
        pltpu.SemaphoreType.DMA((2,)),
    ],
    compiler_params=pltpu.CompilerParams(
        use_tc_tiling_on_sc=False, needs_layout_passes=False
    ),
)
def _histogram(text_hbm, counts_hbm, tok_v, cnt_v, sem_in, sem_out):
    _hist_body(text_hbm, counts_hbm, tok_v, cnt_v, sem_in, sem_out)


BB = 512


def _dense_body(cnt_ref, emb_ref, pw_ref, pb_ref, lw_ref, lb_ref, vw_ref,
                vb_ref, h_ref, lg_ref, val_ref):
    hi = jax.lax.Precision.DEFAULT
    pooled = jnp.dot(cnt_ref[0], emb_ref[0], precision=hi,
                     preferred_element_type=jnp.float32)
    for g in range(1, NG):
        pooled += jnp.dot(cnt_ref[g], emb_ref[g], precision=hi,
                          preferred_element_type=jnp.float32)
    pooled *= 1.0 / L
    h = jnp.dot(pooled, pw_ref[...], precision=hi,
                preferred_element_type=jnp.float32) + pb_ref[...]
    h_ref[...] = h
    lg_ref[...] = jnp.dot(h, lw_ref[...], precision=hi,
                          preferred_element_type=jnp.float32) + lb_ref[...]
    val_ref[...] = jnp.dot(h, vw_ref[...], precision=hi,
                           preferred_element_type=jnp.float32) + vb_ref[...]


def _dense(counts, embg, proj_w, proj_b, logit_w, logit_b, value_w, value_b):
    grid = (BH // BB,)
    return pl.pallas_call(
        _dense_body,
        grid=grid,
        in_specs=[
            pl.BlockSpec((NG, BB, 128), lambda i: (0, i, 0)),
            pl.BlockSpec((NG, 128, DIM), lambda i: (0, 0, 0)),
            pl.BlockSpec((DIM, DIM), lambda i: (0, 0)),
            pl.BlockSpec((1, DIM), lambda i: (0, 0)),
            pl.BlockSpec((DIM, ACTION_SPACE), lambda i: (0, 0)),
            pl.BlockSpec((1, ACTION_SPACE), lambda i: (0, 0)),
            pl.BlockSpec((DIM, 1), lambda i: (0, 0)),
            pl.BlockSpec((1, 1), lambda i: (0, 0)),
        ],
        out_specs=[
            pl.BlockSpec((BB, DIM), lambda i: (i, 0)),
            pl.BlockSpec((BB, ACTION_SPACE), lambda i: (i, 0)),
            pl.BlockSpec((BB, 1), lambda i: (i, 0)),
        ],
        out_shape=[
            jax.ShapeDtypeStruct((BH, DIM), jnp.float32),
            jax.ShapeDtypeStruct((BH, ACTION_SPACE), jnp.float32),
            jax.ShapeDtypeStruct((BH, 1), jnp.float32),
        ],
    )(counts, embg, proj_w, proj_b, logit_w, logit_b, value_w, value_b)


def kernel(text, emb, proj_w, proj_b, logit_w, logit_b, value_w, value_b):
    ti = text.astype(jnp.int32)
    embp = jnp.pad(emb, ((0, VP - VOCAB), (0, 0)))
    embg = embp.reshape(NG, 128, DIM)
    pb = proj_b.reshape(1, DIM)
    lb = logit_b.reshape(1, ACTION_SPACE)
    vb = value_b.reshape(1, 1)

    counts = _histogram(ti)
    h, logits, value = _dense(counts, embg, proj_w, pb, logit_w, lb,
                              value_w, vb)

    hidden = jnp.broadcast_to(h[:, None, :], (B, L, DIM))
    custom_key = jnp.zeros((2, 3), dtype=jnp.float32)
    return (hidden, logits, value, custom_key)

# --- scband reference (transcript-rebuilt; emitter-appended) ---
"""Pipeline reference for scband-mock-core-model-70111046139964 (READ-ONLY COPY).

The authoritative reference and input builder live on the scoring server;
editing this copy changes nothing except your own understanding.
"""

import jax, jax.numpy as jnp
import numpy as np

B = 4096
L = 200
DIM = 64
ACTION_SPACE = 20
VOCAB = 1000


def setup_inputs(seed: int = 0) -> dict:
    key = jax.random.key(seed)
    ks = jax.random.split(key, 8)
    text = jax.random.randint(ks[0], (B, L), 0, VOCAB)
    emb = jax.random.normal(ks[1], (VOCAB, DIM), dtype=jnp.float32) * 0.02
    proj_w = jax.random.normal(ks[2], (DIM, DIM), dtype=jnp.float32) * (1.0 / np.sqrt(DIM))
    proj_b = jnp.zeros((DIM,), dtype=jnp.float32)
    logit_w = jax.random.normal(ks[3], (DIM, ACTION_SPACE), dtype=jnp.float32) * (1.0 / np.sqrt(DIM))
    logit_b = jnp.zeros((ACTION_SPACE,), dtype=jnp.float32)
    value_w = jax.random.normal(ks[4], (DIM, 1), dtype=jnp.float32) * (1.0 / np.sqrt(DIM))
    value_b = jnp.zeros((1,), dtype=jnp.float32)
    return {
        "text": text,
        "emb": emb,
        "proj_w": proj_w,
        "proj_b": proj_b,
        "logit_w": logit_w,
        "logit_b": logit_b,
        "value_w": value_w,
        "value_b": value_b,
    }


def reference(text, emb, proj_w, proj_b, logit_w, logit_b, value_w, value_b):
    # h = self.emb(text).mean(1)
    h = jnp.take(emb, text, axis=0)  # [B, L, DIM] gather (SparseCore-style embedding lookup)
    h = h.mean(axis=1)               # [B, DIM]
    # h = self.proj(h)
    h = h @ proj_w + proj_b
    # hidden_states = h.unsqueeze(1).expand(-1, L, -1)
    hidden_states = jnp.broadcast_to(h[:, None, :], (text.shape[0], text.shape[1], h.shape[-1]))
    action_logits = h @ logit_w + logit_b
    value = h @ value_w + value_b
    # module hardcodes torch.zeros(B, 3) with global B=2
    custom_key = jnp.zeros((2, 3), dtype=jnp.float32)
    return (hidden_states, action_logits, value, custom_key)

if __name__ == "__main__":
    import jax
    _d = setup_inputs()
    print(jax.jit(kernel)(*tuple(_d.values())))

</pallas_src>

<mosaic_0001>
#map = affine_map<(d0, d1) -> (0, 0)>
#map1 = affine_map<(d0, d1) -> (0, 0, 0)>
module attributes {stable_mosaic.version = 14 : i64} {
  func.func @_histogram(%arg0: i32, %arg1: i32, %arg2: memref<4096x200xi32, #tpu.memory_space<hbm>>, %arg3: memref<8x4096x128xf32, #tpu.memory_space<hbm>>, %arg4: memref<2x32x211xi32, #tpu.memory_space<vmem>>, %arg5: memref<2x32x1024xf32, #tpu.memory_space<vmem>>, %arg6: memref<2x!tpu.dma_semaphore, #tpu.memory_space<semaphore_mem>>, %arg7: memref<2x!tpu.dma_semaphore, #tpu.memory_space<semaphore_mem>>) attributes {dimension_semantics = [#tpu.dimension_semantics<core_parallel>, #tpu.dimension_semantics<subcore_parallel>], iteration_bounds = array<i64: 2, 16>, scalar_prefetch = 0 : i64, scratch_operands = 4 : i64, tpu.core_type = #tpu.core_type<sc_vector_subcore>, window_params = [{transform_indices = #map}, {transform_indices = #map1}]} {
    %mul3A = arith.constant 2 : i32
    %mul3A_0 = arith.muli %arg1, %mul3A : i32
    %add3A = arith.addi %mul3A_0, %arg0 : i32
    %iota3A = tpu.iota {dimensions = array<i32: 0>} : vector<16xi32>
    %broadcast_in_dim3A = arith.constant 1.000000e+00 : f32
    %broadcast_in_dim3A_1 = vector.broadcast %broadcast_in_dim3A : f32 to vector<16xf32>
    %broadcast_in_dim3A_2 = arith.constant 0.000000e+00 : f32
    %broadcast_in_dim3A_3 = vector.broadcast %broadcast_in_dim3A_2 : f32 to vector<16xf32>
    %add3A_4 = arith.constant 0 : i32
    %add3A_5 = vector.broadcast %add3A_4 : i32 to vector<16xi32>
    %add3A_6 = arith.addi %iota3A, %add3A_5 : vector<16xi32>
    %add3A_7 = arith.constant 16 : i32
    %add3A_8 = vector.broadcast %add3A_7 : i32 to vector<16xi32>
    %add3A_9 = arith.addi %iota3A, %add3A_8 : vector<16xi32>
    %mul3A_10 = arith.constant 4 : i32
    %mul3A_11 = arith.muli %add3A, %mul3A_10 : i32
    %add3A_12 = arith.constant 0 : i32
    %add3A_13 = arith.addi %mul3A_11, %add3A_12 : i32
    %mul3A_14 = arith.constant 32 : i32
    %mul3A_15 = arith.muli %add3A_13, %mul3A_14 : i32
    %dma_start3A = arith.constant 0 : i32
    %dma_start3A_16 = arith.constant 0 : i32
    %dma_start3A_17 = arith.constant 0 : i32
    %dma_start3A_18 = arith.constant 0 : i32
    %dma_start3A_19 = tpu.memref_slice %arg4[%dma_start3A, %dma_start3A_17, %dma_start3A_18] : memref<2x32x211xi32, #tpu.memory_space<vmem>> -> memref<1x32x200xi32, #tpu.memory_space<vmem>>
    %dma_start3A_20 = tpu.memref_squeeze %dma_start3A_19 : memref<1x32x200xi32, #tpu.memory_space<vmem>> -> memref<32x200xi32, #tpu.memory_space<vmem>>
    %dma_start3A_21 = arith.constant 0 : i32
    %dma_start3A_22 = tpu.memref_slice %arg2[%mul3A_15, %dma_start3A_21] : memref<4096x200xi32, #tpu.memory_space<hbm>> -> memref<32x200xi32, #tpu.memory_space<hbm>>
    %dma_start3A_23 = tpu.memref_slice %arg6[%dma_start3A_16] : memref<2x!tpu.dma_semaphore, #tpu.memory_space<semaphore_mem>> -> memref<1x!tpu.dma_semaphore, #tpu.memory_space<semaphore_mem>>
    %dma_start3A_24 = tpu.memref_squeeze %dma_start3A_23 : memref<1x!tpu.dma_semaphore, #tpu.memory_space<semaphore_mem>> -> memref<!tpu.dma_semaphore, #tpu.memory_space<semaphore_mem>>
    %dma_start3A_25 = arith.constant 0 : i32
    %dma_start3A_26 = arith.constant 0 : i32
    %dma_start3A_27 = tpu.memref_slice %arg4[%dma_start3A, %dma_start3A_25, %dma_start3A_26] : memref<2x32x211xi32, #tpu.memory_space<vmem>> -> memref<1x32x200xi32, #tpu.memory_space<vmem>>
    %dma_start3A_28 = tpu.memref_squeeze %dma_start3A_27 : memref<1x32x200xi32, #tpu.memory_space<vmem>> -> memref<32x200xi32, #tpu.memory_space<vmem>>
    %dma_start3A_29 = arith.constant 0 : i32
    %dma_start3A_30 = tpu.memref_slice %arg2[%mul3A_15, %dma_start3A_29] : memref<4096x200xi32, #tpu.memory_space<hbm>> -> memref<32x200xi32, #tpu.memory_space<hbm>>
    tpu.enqueue_dma source(%dma_start3A_30 : memref<32x200xi32, #tpu.memory_space<hbm>>) target(%dma_start3A_28 : memref<32x200xi32, #tpu.memory_space<vmem>>) target_semaphore(%dma_start3A_24 : memref<!tpu.dma_semaphore, #tpu.memory_space<semaphore_mem>>)
    %mul3A_31 = arith.constant 4 : i32
    %mul3A_32 = arith.muli %add3A, %mul3A_31 : i32
    %add3A_33 = arith.constant 1 : i32
    %add3A_34 = arith.addi %mul3A_32, %add3A_33 : i32
    %mul3A_35 = arith.constant 32 : i32
    %mul3A_36 = arith.muli %add3A_34, %mul3A_35 : i32
    %dma_start3A_37 = arith.constant 1 : i32
    %dma_start3A_38 = arith.constant 1 : i32
    %dma_start3A_39 = arith.constant 0 : i32
    %dma_start3A_40 = arith.constant 0 : i32
    %dma_start3A_41 = tpu.memref_slice %arg4[%dma_start3A_37, %dma_start3A_39, %dma_start3A_40] : memref<2x32x211xi32, #tpu.memory_space<vmem>> -> memref<1x32x200xi32, #tpu.memory_space<vmem>>
    %dma_start3A_42 = tpu.memref_squeeze %dma_start3A_41 : memref<1x32x200xi32, #tpu.memory_space<vmem>> -> memref<32x200xi32, #tpu.memory_space<vmem>>
    %dma_start3A_43 = arith.constant 0 : i32
    %dma_start3A_44 = tpu.memref_slice %arg2[%mul3A_36, %dma_start3A_43] : memref<4096x200xi32, #tpu.memory_space<hbm>> -> memref<32x200xi32, #tpu.memory_space<hbm>>
    %dma_start3A_45 = tpu.memref_slice %arg6[%dma_start3A_38] : memref<2x!tpu.dma_semaphore, #tpu.memory_space<semaphore_mem>> -> memref<1x!tpu.dma_semaphore, #tpu.memory_space<semaphore_mem>>
    %dma_start3A_46 = tpu.memref_squeeze %dma_start3A_45 : memref<1x!tpu.dma_semaphore, #tpu.memory_space<semaphore_mem>> -> memref<!tpu.dma_semaphore, #tpu.memory_space<semaphore_mem>>
    %dma_start3A_47 = arith.constant 0 : i32
    %dma_start3A_48 = arith.constant 0 : i32
    %dma_start3A_49 = tpu.memref_slice %arg4[%dma_start3A_37, %dma_start3A_47, %dma_start3A_48] : memref<2x32x211xi32, #tpu.memory_space<vmem>> -> memref<1x32x200xi32, #tpu.memory_space<vmem>>
    %dma_start3A_50 = tpu.memref_squeeze %dma_start3A_49 : memref<1x32x200xi32, #tpu.memory_space<vmem>> -> memref<32x200xi32, #tpu.memory_space<vmem>>
    %dma_start3A_51 = arith.constant 0 : i32
    %dma_start3A_52 = tpu.memref_slice %arg2[%mul3A_36, %dma_start3A_51] : memref<4096x200xi32, #tpu.memory_space<hbm>> -> memref<32x200xi32, #tpu.memory_space<hbm>>
    tpu.enqueue_dma source(%dma_start3A_52 : memref<32x200xi32, #tpu.memory_space<hbm>>) target(%dma_start3A_50 : memref<32x200xi32, #tpu.memory_space<vmem>>) target_semaphore(%dma_start3A_46 : memref<!tpu.dma_semaphore, #tpu.memory_space<semaphore_mem>>)
    %dma_wait3A = arith.constant 0 : i32
    %dma_wait3A_53 = arith.constant 0 : i32
    %dma_wait3A_54 = arith.constant 0 : i32
    %dma_wait3A_55 = arith.constant 0 : i32
    %dma_wait3A_56 = tpu.memref_slice %arg4[%dma_wait3A, %dma_wait3A_54, %dma_wait3A_55] : memref<2x32x211xi32, #tpu.memory_space<vmem>> -> memref<1x32x200xi32, #tpu.memory_space<vmem>>
    %dma_wait3A_57 = tpu.memref_squeeze %dma_wait3A_56 : memref<1x32x200xi32, #tpu.memory_space<vmem>> -> memref<32x200xi32, #tpu.memory_space<vmem>>
    %dma_wait3A_58 = arith.constant 0 : i32
    %dma_wait3A_59 = tpu.memref_slice %arg2[%mul3A_15, %dma_wait3A_58] : memref<4096x200xi32, #tpu.memory_space<hbm>> -> memref<32x200xi32, #tpu.memory_space<hbm>>
    %dma_wait3A_60 = tpu.memref_slice %arg6[%dma_wait3A_53] : memref<2x!tpu.dma_semaphore, #tpu.memory_space<semaphore_mem>> -> memref<1x!tpu.dma_semaphore, #tpu.memory_space<semaphore_mem>>
    %dma_wait3A_61 = tpu.memref_squeeze %dma_wait3A_60 : memref<1x!tpu.dma_semaphore, #tpu.memory_space<semaphore_mem>> -> memref<!tpu.dma_semaphore, #tpu.memory_space<semaphore_mem>>
    %dma_wait3A_62 = arith.constant 0 : i32
    %dma_wait3A_63 = arith.constant 0 : i32
    %dma_wait3A_64 = tpu.memref_slice %arg4[%dma_wait3A, %dma_wait3A_62, %dma_wait3A_63] : memref<2x32x211xi32, #tpu.memory_space<vmem>> -> memref<1x32x200xi32, #tpu.memory_space<vmem>>
    %dma_wait3A_65 = tpu.memref_squeeze %dma_wait3A_64 : memref<1x32x200xi32, #tpu.memory_space<vmem>> -> memref<32x200xi32, #tpu.memory_space<vmem>>
    %dma_wait3A_66 = arith.constant 0 : i32
    %dma_wait3A_67 = tpu.memref_slice %arg2[%mul3A_15, %dma_wait3A_66] : memref<4096x200xi32, #tpu.memory_space<hbm>> -> memref<32x200xi32, #tpu.memory_space<hbm>>
    tpu.wait_dma2 semaphore(%dma_wait3A_61 : memref<!tpu.dma_semaphore, #tpu.memory_space<semaphore_mem>>) src(%dma_wait3A_67 : memref<32x200xi32, #tpu.memory_space<hbm>>) dst(%dma_wait3A_65 : memref<32x200xi32, #tpu.memory_space<vmem>>)
    %scan3A = arith.constant 0 : i32
    %scan3A_68 = arith.constant 0 : i32
    %scan3A_69 = arith.constant 32 : i32
    %scan3A_70 = arith.addi %scan3A_68, %scan3A_69 : i32
    %scan3A_71 = arith.constant 1 : i32
    scf.for %scan3A_1455 = %scan3A_68 to %scan3A_70 step %scan3A_71  : i32 {
      %swap3A = arith.constant 0 : i32
      %swap3A_1456 = arith.index_cast %swap3A : i32 to index
      %swap3A_1457 = arith.index_cast %scan3A_1455 : i32 to index
      %swap3A_1458 = arith.constant 0 : index
      %swap3A_1459 = tpu.vector_load %arg5[%swap3A_1456, %swap3A_1457, %swap3A_1458] {strides = array<i32>} : memref<2x32x1024xf32, #tpu.memory_space<vmem>>, vector<16xf32>,
      tpu.vector_store %arg5[%swap3A_1456, %swap3A_1457, %swap3A_1458], %broadcast_in_dim3A_3 {strides = array<i32>} : memref<2x32x1024xf32, #tpu.memory_space<vmem>>, vector<16xf32>,
      %swap3A_1460 = arith.constant 0 : i32
      %swap3A_1461 = arith.index_cast %swap3A_1460 : i32 to index
      %swap3A_1462 = arith.index_cast %scan3A_1455 : i32 to index
      %swap3A_1463 = arith.constant 16 : index
      %swap3A_1464 = tpu.vector_load %arg5[%swap3A_1461, %swap3A_1462, %swap3A_1463] {strides = array<i32>} : memref<2x32x1024xf32, #tpu.memory_space<vmem>>, vector<16xf32>,
      tpu.vector_store %arg5[%swap3A_1461, %swap3A_1462, %swap3A_1463], %broadcast_in_dim3A_3 {strides = array<i32>} : memref<2x32x1024xf32, #tpu.memory_space<vmem>>, vector<16xf32>,
      %swap3A_1465 = arith.constant 0 : i32
      %swap3A_1466 = arith.index_cast %swap3A_1465 : i32 to index
      %swap3A_1467 = arith.index_cast %scan3A_1455 : i32 to index
      %swap3A_1468 = arith.constant 32 : index
      %swap3A_1469 = tpu.vector_load %arg5[%swap3A_1466, %swap3A_1467, %swap3A_1468] {strides = array<i32>} : memref<2x32x1024xf32, #tpu.memory_space<vmem>>, vector<16xf32>,
      tpu.vector_store %arg5[%swap3A_1466, %swap3A_1467, %swap3A_1468], %broadcast_in_dim3A_3 {strides = array<i32>} : memref<2x32x1024xf32, #tpu.memory_space<vmem>>, vector<16xf32>,
      %swap3A_1470 = arith.constant 0 : i32
      %swap3A_1471 = arith.index_cast %swap3A_1470 : i32 to index
      %swap3A_1472 = arith.index_cast %scan3A_1455 : i32 to index
      %swap3A_1473 = arith.constant 48 : index
      %swap3A_1474 = tpu.vector_load %arg5[%swap3A_1471, %swap3A_1472, %swap3A_1473] {strides = array<i32>} : memref<2x32x1024xf32, #tpu.memory_space<vmem>>, vector<16xf32>,
      tpu.vector_store %arg5[%swap3A_1471, %swap3A_1472, %swap3A_1473], %broadcast_in_dim3A_3 {strides = array<i32>} : memref<2x32x1024xf32, #tpu.memory_space<vmem>>, vector<16xf32>,
      %swap3A_1475 = arith.constant 0 : i32
      %swap3A_1476 = arith.index_cast %swap3A_1475 : i32 to index
      %swap3A_1477 = arith.index_cast %scan3A_1455 : i32 to index
      %swap3A_1478 = arith.constant 64 : index
      %swap3A_1479 = tpu.vector_load %arg5[%swap3A_1476, %swap3A_1477, %swap3A_1478] {strides = array<i32>} : memref<2x32x1024xf32, #tpu.memory_space<vmem>>, vector<16xf32>,
      tpu.vector_store %arg5[%swap3A_1476, %swap3A_1477, %swap3A_1478], %broadcast_in_dim3A_3 {strides = array<i32>} : memref<2x32x1024xf32, #tpu.memory_space<vmem>>, vector<16xf32>,
      %swap3A_1480 = arith.constant 0 : i32
      %swap3A_1481 = arith.index_cast %swap3A_1480 : i32 to index
      %swap3A_1482 = arith.index_cast %scan3A_1455 : i32 to index
      %swap3A_1483 = arith.constant 80 : index
      %swap3A_1484 = tpu.vector_load %arg5[%swap3A_1481, %swap3A_1482, %swap3A_1483] {strides = array<i32>} : memref<2x32x1024xf32, #tpu.memory_space<vmem>>, vector<16xf32>,
      tpu.vector_store %arg5[%swap3A_1481, %swap3A_1482, %swap3A_1483], %broadcast_in_dim3A_3 {strides = array<i32>} : memref<2x32x1024xf32, #tpu.memory_space<vmem>>, vector<16xf32>,
      %swap3A_1485 = arith.constant 0 : i32
      %swap3A_1486 = arith.index_cast %swap3A_1485 : i32 to index
      %swap3A_1487 = arith.index_cast %scan3A_1455 : i32 to index
      %swap3A_1488 = arith.constant 96 : index
      %swap3A_1489 = tpu.vector_load %arg5[%swap3A_1486, %swap3A_1487, %swap3A_1488] {strides = array<i32>} : memref<2x32x1024xf32, #tpu.memory_space<vmem>>, vector<16xf32>,
      tpu.vector_store %arg5[%swap3A_1486, %swap3A_1487, %swap3A_1488], %broadcast_in_dim3A_3 {strides = array<i32>} : memref<2x32x1024xf32, #tpu.memory_space<vmem>>, vector<16xf32>,
      %swap3A_1490 = arith.constant 0 : i32
      %swap3A_1491 = arith.index_cast %swap3A_1490 : i32 to index
      %swap3A_1492 = arith.index_cast %scan3A_1455 : i32 to index
      %swap3A_1493 = arith.constant 112 : index
      %swap3A_1494 = tpu.vector_load %arg5[%swap3A_1491, %swap3A_1492, %swap3A_1493] {strides = array<i32>} : memref<2x32x1024xf32, #tpu.memory_space<vmem>>, vector<16xf32>,
      tpu.vector_store %arg5[%swap3A_1491, %swap3A_1492, %swap3A_1493], %broadcast_in_dim3A_3 {strides = array<i32>} : memref<2x32x1024xf32, #tpu.memory_space<vmem>>, vector<16xf32>,
      %swap3A_1495 = arith.constant 0 : i32
      %swap3A_1496 = arith.index_cast %swap3A_1495 : i32 to index
      %swap3A_1497 = arith.index_cast %scan3A_1455 : i32 to index
      %swap3A_1498 = arith.constant 128 : index
      %swap3A_1499 = tpu.vector_load %arg5[%swap3A_1496, %swap3A_1497, %swap3A_1498] {strides = array<i32>} : memref<2x32x1024xf32, #tpu.memory_space<vmem>>, vector<16xf32>,
      tpu.vector_store %arg5[%swap3A_1496, %swap3A_1497, %swap3A_1498], %broadcast_in_dim3A_3 {strides = array<i32>} : memref<2x32x1024xf32, #tpu.memory_space<vmem>>, vector<16xf32>,
      %swap3A_1500 = arith.constant 0 : i32
      %swap3A_1501 = arith.index_cast %swap3A_1500 : i32 to index
      %swap3A_1502 = arith.index_cast %scan3A_1455 : i32 to index
      %swap3A_1503 = arith.constant 144 : index
      %swap3A_1504 = tpu.vector_load %arg5[%swap3A_1501, %swap3A_1502, %swap3A_1503] {strides = array<i32>} : memref<2x32x1024xf32, #tpu.memory_space<vmem>>, vector<16xf32>,
      tpu.vector_store %arg5[%swap3A_1501, %swap3A_1502, %swap3A_1503], %broadcast_in_dim3A_3 {strides = array<i32>} : memref<2x32x1024xf32, #tpu.memory_space<vmem>>, vector<16xf32>,
      %swap3A_1505 = arith.constant 0 : i32
      %swap3A_1506 = arith.index_cast %swap3A_1505 : i32 to index
      %swap3A_1507 = arith.index_cast %scan3A_1455 : i32 to index
      %swap3A_1508 = arith.constant 160 : index
      %swap3A_1509 = tpu.vector_load %arg5[%swap3A_1506, %swap3A_1507, %swap3A_1508] {strides = array<i32>} : memref<2x32x1024xf32, #tpu.memory_space<vmem>>, vector<16xf32>,
      tpu.vector_store %arg5[%swap3A_1506, %swap3A_1507, %swap3A_1508], %broadcast_in_dim3A_3 {strides = array<i32>} : memref<2x32x1024xf32, #tpu.memory_space<vmem>>, vector<16xf32>,
      %swap3A_1510 = arith.constant 0 : i32
      %swap3A_1511 = arith.index_cast %swap3A_1510 : i32 to index
      %swap3A_1512 = arith.index_cast %scan3A_1455 : i32 to index
      %swap3A_1513 = arith.constant 176 : index
      %swap3A_1514 = tpu.vector_load %arg5[%swap3A_1511, %swap3A_1512, %swap3A_1513] {strides = array<i32>} : memref<2x32x1024xf32, #tpu.memory_space<vmem>>, vector<16xf32>,
      tpu.vector_store %arg5[%swap3A_1511, %swap3A_1512, %swap3A_1513], %broadcast_in_dim3A_3 {strides = array<i32>} : memref<2x32x1024xf32, #tpu.memory_space<vmem>>, vector<16xf32>,
      %swap3A_1515 = arith.constant 0 : i32
      %swap3A_1516 = arith.index_cast %swap3A_1515 : i32 to index
      %swap3A_1517 = arith.index_cast %scan3A_1455 : i32 to index
      %swap3A_1518 = arith.constant 192 : index
      %swap3A_1519 = tpu.vector_load %arg5[%swap3A_1516, %swap3A_1517, %swap3A_1518] {strides = array<i32>} : memref<2x32x1024xf32, #tpu.memory_space<vmem>>, vector<16xf32>,
      tpu.vector_store %arg5[%swap3A_1516, %swap3A_1517, %swap3A_1518], %broadcast_in_dim3A_3 {strides = array<i32>} : memref<2x32x1024xf32, #tpu.memory_space<vmem>>, vector<16xf32>,
      %swap3A_1520 = arith.constant 0 : i32
      %swap3A_1521 = arith.index_cast %swap3A_1520 : i32 to index
      %swap3A_1522 = arith.index_cast %scan3A_1455 : i32 to index
      %swap3A_1523 = arith.constant 208 : index
      %swap3A_1524 = tpu.vector_load %arg5[%swap3A_1521, %swap3A_1522, %swap3A_1523] {strides = array<i32>} : memref<2x32x1024xf32, #tpu.memory_space<vmem>>, vector<16xf32>,
      tpu.vector_store %arg5[%swap3A_1521, %swap3A_1522, %swap3A_1523], %broadcast_in_dim3A_3 {strides = array<i32>} : memref<2x32x1024xf32, #tpu.memory_space<vmem>>, vector<16xf32>,
      %swap3A_1525 = arith.constant 0 : i32
      %swap3A_1526 = arith.index_cast %swap3A_1525 : i32 to index
      %swap3A_1527 = arith.index_cast %scan3A_1455 : i32 to index
      %swap3A_1528 = arith.constant 224 : index
      %swap3A_1529 = tpu.vector_load %arg5[%swap3A_1526, %swap3A_1527, %swap3A_1528] {strides = array<i32>} : memref<2x32x1024xf32, #tpu.memory_space<vmem>>, vector<16xf32>,
      tpu.vector_store %arg5[%swap3A_1526, %swap3A_1527, %swap3A_1528], %broadcast_in_dim3A_3 {strides = array<i32>} : memref<2x32x1024xf32, #tpu.memory_space<vmem>>, vector<16xf32>,
      %swap3A_1530 = arith.constant 0 : i32
      %swap3A_1531 = arith.index_cast %swap3A_1530 : i32 to index
      %swap3A_1532 = arith.index_cast %scan3A_1455 : i32 to index
      %swap3A_1533 = arith.constant 240 : index
      %swap3A_1534 = tpu.vector_load %arg5[%swap3A_1531, %swap3A_1532, %swap3A_1533] {strides = array<i32>} : memref<2x32x1024xf32, #tpu.memory_space<vmem>>, vector<16xf32>,
      tpu.vector_store %arg5[%swap3A_1531, %swap3A_1532, %swap3A_1533], %broadcast_in_dim3A_3 {strides = array<i32>} : memref<2x32x1024xf32, #tpu.memory_space<vmem>>, vector<16xf32>,
      %swap3A_1535 = arith.constant 0 : i32
      %swap3A_1536 = arith.index_cast %swap3A_1535 : i32 to index
      %swap3A_1537 = arith.index_cast %scan3A_1455 : i32 to index
      %swap3A_1538 = arith.constant 256 : index
      %swap3A_1539 = tpu.vector_load %arg5[%swap3A_1536, %swap3A_1537, %swap3A_1538] {strides = array<i32>} : memref<2x32x1024xf32, #tpu.memory_space<vmem>>, vector<16xf32>,
      tpu.vector_store %arg5[%swap3A_1536, %swap3A_1537, %swap3A_1538], %broadcast_in_dim3A_3 {strides = array<i32>} : memref<2x32x1024xf32, #tpu.memory_space<vmem>>, vector<16xf32>,
      %swap3A_1540 = arith.constant 0 : i32
      %swap3A_1541 = arith.index_cast %swap3A_1540 : i32 to index
      %swap3A_1542 = arith.index_cast %scan3A_1455 : i32 to index
      %swap3A_1543 = arith.constant 272 : index
      %swap3A_1544 = tpu.vector_load %arg5[%swap3A_1541, %swap3A_1542, %swap3A_1543] {strides = array<i32>} : memref<2x32x1024xf32, #tpu.memory_space<vmem>>, vector<16xf32>,
      tpu.vector_store %arg5[%swap3A_1541, %swap3A_1542, %swap3A_1543], %broadcast_in_dim3A_3 {strides = array<i32>} : memref<2x32x1024xf32, #tpu.memory_space<vmem>>, vector<16xf32>,
      %swap3A_1545 = arith.constant 0 : i32
      %swap3A_1546 = arith.index_cast %swap3A_1545 : i32 to index
      %swap3A_1547 = arith.index_cast %scan3A_1455 : i32 to index
      %swap3A_1548 = arith.constant 288 : index
      %swap3A_1549 = tpu.vector_load %arg5[%swap3A_1546, %swap3A_1547, %swap3A_1548] {strides = array<i32>} : memref<2x32x1024xf32, #tpu.memory_space<vmem>>, vector<16xf32>,
      tpu.vector_store %arg5[%swap3A_1546, %swap3A_1547, %swap3A_1548], %broadcast_in_dim3A_3 {strides = array<i32>} : memref<2x32x1024xf32, #tpu.memory_space<vmem>>, vector<16xf32>,
      %swap3A_1550 = arith.constant 0 : i32
      %swap3A_1551 = arith.index_cast %swap3A_1550 : i32 to index
      %swap3A_1552 = arith.index_cast %scan3A_1455 : i32 to index
      %swap3A_1553 = arith.constant 304 : index
      %swap3A_1554 = tpu.vector_load %arg5[%swap3A_1551, %swap3A_1552, %swap3A_1553] {strides = array<i32>} : memref<2x32x1024xf32, #tpu.memory_space<vmem>>, vector<16xf32>,
      tpu.vector_store %arg5[%swap3A_1551, %swap3A_1552, %swap3A_1553], %broadcast_in_dim3A_3 {strides = array<i32>} : memref<2x32x1024xf32, #tpu.memory_space<vmem>>, vector<16xf32>,
      %swap3A_1555 = arith.constant 0 : i32
      %swap3A_1556 = arith.index_cast %swap3A_1555 : i32 to index
      %swap3A_1557 = arith.index_cast %scan3A_1455 : i32 to index
      %swap3A_1558 = arith.constant 320 : index
      %swap3A_1559 = tpu.vector_load %arg5[%swap3A_1556, %swap3A_1557, %swap3A_1558] {strides = array<i32>} : memref<2x32x1024xf32, #tpu.memory_space<vmem>>, vector<16xf32>,
      tpu.vector_store %arg5[%swap3A_1556, %swap3A_1557, %swap3A_1558], %broadcast_in_dim3A_3 {strides = array<i32>} : memref<2x32x1024xf32, #tpu.memory_space<vmem>>, vector<16xf32>,
      %swap3A_1560 = arith.constant 0 : i32
      %swap3A_1561 = arith.index_cast %swap3A_1560 : i32 to index
      %swap3A_1562 = arith.index_cast %scan3A_1455 : i32 to index
      %swap3A_1563 = arith.constant 336 : index
      %swap3A_1564 = tpu.vector_load %arg5[%swap3A_1561, %swap3A_1562, %swap3A_1563] {strides = array<i32>} : memref<2x32x1024xf32, #tpu.memory_space<vmem>>, vector<16xf32>,
      tpu.vector_store %arg5[%swap3A_1561, %swap3A_1562, %swap3A_1563], %broadcast_in_dim3A_3 {strides = array<i32>} : memref<2x32x1024xf32, #tpu.memory_space<vmem>>, vector<16xf32>,
      %swap3A_1565 = arith.constant 0 : i32
      %swap3A_1566 = arith.index_cast %swap3A_1565 : i32 to index
      %swap3A_1567 = arith.index_cast %scan3A_1455 : i32 to index
      %swap3A_1568 = arith.constant 352 : index
      %swap3A_1569 = tpu.vector_load %arg5[%swap3A_1566, %swap3A_1567, %swap3A_1568] {strides = array<i32>} : memref<2x32x1024xf32, #tpu.memory_space<vmem>>, vector<16xf32>,
      tpu.vector_store %arg5[%swap3A_1566, %swap3A_1567, %swap3A_1568], %broadcast_in_dim3A_3 {strides = array<i32>} : memref<2x32x1024xf32, #tpu.memory_space<vmem>>, vector<16xf32>,
      %swap3A_1570 = arith.constant 0 : i32
      %swap3A_1571 = arith.index_cast %swap3A_1570 : i32 to index
      %swap3A_1572 = arith.index_cast %scan3A_1455 : i32 to index
      %swap3A_1573 = arith.constant 368 : index
      %swap3A_1574 = tpu.vector_load %arg5[%swap3A_1571, %swap3A_1572, %swap3A_1573] {strides = array<i32>} : memref<2x32x1024xf32, #tpu.memory_space<vmem>>, vector<16xf32>,
      tpu.vector_store %arg5[%swap3A_1571, %swap3A_1572, %swap3A_1573], %broadcast_in_dim3A_3 {strides = array<i32>} : memref<2x32x1024xf32, #tpu.memory_space<vmem>>, vector<16xf32>,
      %swap3A_1575 = arith.constant 0 : i32
      %swap3A_1576 = arith.index_cast %swap3A_1575 : i32 to index
      %swap3A_1577 = arith.index_cast %scan3A_1455 : i32 to index
      %swap3A_1578 = arith.constant 384 : index
      %swap3A_1579 = tpu.vector_load %arg5[%swap3A_1576, %swap3A_1577, %swap3A_1578] {strides = array<i32>} : memref<2x32x1024xf32, #tpu.memory_space<vmem>>, vector<16xf32>,
      tpu.vector_store %arg5[%swap3A_1576, %swap3A_1577, %swap3A_1578], %broadcast_in_dim3A_3 {strides = array<i32>} : memref<2x32x1024xf32, #tpu.memory_space<vmem>>, vector<16xf32>,
      %swap3A_1580 = arith.constant 0 : i32
      %swap3A_1581 = arith.index_cast %swap3A_1580 : i32 to index
      %swap3A_1582 = arith.index_cast %scan3A_1455 : i32 to index
      %swap3A_1583 = arith.constant 400 : index
      %swap3A_1584 = tpu.vector_load %arg5[%swap3A_1581, %swap3A_1582, %swap3A_1583] {strides = array<i32>} : memref<2x32x1024xf32, #tpu.memory_space<vmem>>, vector<16xf32>,
      tpu.vector_store %arg5[%swap3A_1581, %swap3A_1582, %swap3A_1583], %broadcast_in_dim3A_3 {strides = array<i32>} : memref<2x32x1024xf32, #tpu.memory_space<vmem>>, vector<16xf32>,
      %swap3A_1585 = arith.constant 0 : i32
      %swap3A_1586 = arith.index_cast %swap3A_1585 : i32 to index
      %swap3A_1587 = arith.index_cast %scan3A_1455 : i32 to index
      %swap3A_1588 = arith.constant 416 : index
      %swap3A_1589 = tpu.vector_load %arg5[%swap3A_1586, %swap3A_1587, %swap3A_1588] {strides = array<i32>} : memref<2x32x1024xf32, #tpu.memory_space<vmem>>, vector<16xf32>,
      tpu.vector_store %arg5[%swap3A_1586, %swap3A_1587, %swap3A_1588], %broadcast_in_dim3A_3 {strides = array<i32>} : memref<2x32x1024xf32, #tpu.memory_space<vmem>>, vector<16xf32>,
      %swap3A_1590 = arith.constant 0 : i32
      %swap3A_1591 = arith.index_cast %swap3A_1590 : i32 to index
      %swap3A_1592 = arith.index_cast %scan3A_1455 : i32 to index
      %swap3A_1593 = arith.constant 432 : index
      %swap3A_1594 = tpu.vector_load %arg5[%swap3A_1591, %swap3A_1592, %swap3A_1593] {strides = array<i32>} : memref<2x32x1024xf32, #tpu.memory_space<vmem>>, vector<16xf32>,
      tpu.vector_store %arg5[%swap3A_1591, %swap3A_1592, %swap3A_1593], %broadcast_in_dim3A_3 {strides = array<i32>} : memref<2x32x1024xf32, #tpu.memory_space<vmem>>, vector<16xf32>,
      %swap3A_1595 = arith.constant 0 : i32
      %swap3A_1596 = arith.index_cast %swap3A_1595 : i32 to index
      %swap3A_1597 = arith.index_cast %scan3A_1455 : i32 to index
      %swap3A_1598 = arith.constant 448 : index
      %swap3A_1599 = tpu.vector_load %arg5[%swap3A_1596, %swap3A_1597, %swap3A_1598] {strides = array<i32>} : memref<2x32x1024xf32, #tpu.memory_space<vmem>>, vector<16xf32>,
      tpu.vector_store %arg5[%swap3A_1596, %swap3A_1597, %swap3A_1598], %broadcast_in_dim3A_3 {strides = array<i32>} : memref<2x32x1024xf32, #tpu.memory_space<vmem>>, vector<16xf32>,
      %swap3A_1600 = arith.constant 0 : i32
      %swap3A_1601 = arith.index_cast %swap3A_1600 : i32 to index
      %swap3A_1602 = arith.index_cast %scan3A_1455 : i32 to index
      %swap3A_1603 = arith.constant 464 : index
      %swap3A_1604 = tpu.vector_load %arg5[%swap3A_1601, %swap3A_1602, %swap3A_1603] {strides = array<i32>} : memref<2x32x1024xf32, #tpu.memory_space<vmem>>, vector<16xf32>,
      tpu.vector_store %arg5[%swap3A_1601, %swap3A_1602, %swap3A_1603], %broadcast_in_dim3A_3 {strides = array<i32>} : memref<2x32x1024xf32, #tpu.memory_space<vmem>>, vector<16xf32>,
      %swap3A_1605 = arith.constant 0 : i32
      %swap3A_1606 = arith.index_cast %swap3A_1605 : i32 to index
      %swap3A_1607 = arith.index_cast %scan3A_1455 : i32 to index
      %swap3A_1608 = arith.constant 480 : index
      %swap3A_1609 = tpu.vector_load %arg5[%swap3A_1606, %swap3A_1607, %swap3A_1608] {strides = array<i32>} : memref<2x32x1024xf32, #tpu.memory_space<vmem>>, vector<16xf32>,
      tpu.vector_store %arg5[%swap3A_1606, %swap3A_1607, %swap3A_1608], %broadcast_in_dim3A_3 {strides = array<i32>} : memref<2x32x1024xf32, #tpu.memory_space<vmem>>, vector<16xf32>,
      %swap3A_1610 = arith.constant 0 : i32
      %swap3A_1611 = arith.index_cast %swap3A_1610 : i32 to index
      %swap3A_1612 = arith.index_cast %scan3A_1455 : i32 to index
      %swap3A_1613 = arith.constant 496 : index
      %swap3A_1614 = tpu.vector_load %arg5[%swap3A_1611, %swap3A_1612, %swap3A_1613] {strides = array<i32>} : memref<2x32x1024xf32, #tpu.memory_space<vmem>>, vector<16xf32>,
      tpu.vector_store %arg5[%swap3A_1611, %swap3A_1612, %swap3A_1613], %broadcast_in_dim3A_3 {strides = array<i32>} : memref<2x32x1024xf32, #tpu.memory_space<vmem>>, vector<16xf32>,
      %swap3A_1615 = arith.constant 0 : i32
      %swap3A_1616 = arith.index_cast %swap3A_1615 : i32 to index
      %swap3A_1617 = arith.index_cast %scan3A_1455 : i32 to index
      %swap3A_1618 = arith.constant 512 : index
      %swap3A_1619 = tpu.vector_load %arg5[%swap3A_1616, %swap3A_1617, %swap3A_1618] {strides = array<i32>} : memref<2x32x1024xf32, #tpu.memory_space<vmem>>, vector<16xf32>,
      tpu.vector_store %arg5[%swap3A_1616, %swap3A_1617, %swap3A_1618], %broadcast_in_dim3A_3 {strides = array<i32>} : memref<2x32x1024xf32, #tpu.memory_space<vmem>>, vector<16xf32>,
      %swap3A_1620 = arith.constant 0 : i32
      %swap3A_1621 = arith.index_cast %swap3A_1620 : i32 to index
      %swap3A_1622 = arith.index_cast %scan3A_1455 : i32 to index
      %swap3A_1623 = arith.constant 528 : index
      %swap3A_1624 = tpu.vector_load %arg5[%swap3A_1621, %swap3A_1622, %swap3A_1623] {strides = array<i32>} : memref<2x32x1024xf32, #tpu.memory_space<vmem>>, vector<16xf32>,
      tpu.vector_store %arg5[%swap3A_1621, %swap3A_1622, %swap3A_1623], %broadcast_in_dim3A_3 {strides = array<i32>} : memref<2x32x1024xf32, #tpu.memory_space<vmem>>, vector<16xf32>,
      %swap3A_1625 = arith.constant 0 : i32
      %swap3A_1626 = arith.index_cast %swap3A_1625 : i32 to index
      %swap3A_1627 = arith.index_cast %scan3A_1455 : i32 to index
      %swap3A_1628 = arith.constant 544 : index
      %swap3A_1629 = tpu.vector_load %arg5[%swap3A_1626, %swap3A_1627, %swap3A_1628] {strides = array<i32>} : memref<2x32x1024xf32, #tpu.memory_space<vmem>>, vector<16xf32>,
      tpu.vector_store %arg5[%swap3A_1626, %swap3A_1627, %swap3A_1628], %broadcast_in_dim3A_3 {strides = array<i32>} : memref<2x32x1024xf32, #tpu.memory_space<vmem>>, vector<16xf32>,
      %swap3A_1630 = arith.constant 0 : i32
      %swap3A_1631 = arith.index_cast %swap3A_1630 : i32 to index
      %swap3A_1632 = arith.index_cast %scan3A_1455 : i32 to index
      %swap3A_1633 = arith.constant 560 : index
      %swap3A_1634 = tpu.vector_load %arg5[%swap3A_1631, %swap3A_1632, %swap3A_1633] {strides = array<i32>} : memref<2x32x1024xf32, #tpu.memory_space<vmem>>, vector<16xf32>,
      tpu.vector_store %arg5[%swap3A_1631, %swap3A_1632, %swap3A_1633], %broadcast_in_dim3A_3 {strides = array<i32>} : memref<2x32x1024xf32, #tpu.memory_space<vmem>>, vector<16xf32>,
      %swap3A_1635 = arith.constant 0 : i32
      %swap3A_1636 = arith.index_cast %swap3A_1635 : i32 to index
      %swap3A_1637 = arith.index_cast %scan3A_1455 : i32 to index
      %swap3A_1638 = arith.constant 576 : index
      %swap3A_1639 = tpu.vector_load %arg5[%swap3A_1636, %swap3A_1637, %swap3A_1638] {strides = array<i32>} : memref<2x32x1024xf32, #tpu.memory_space<vmem>>, vector<16xf32>,
      tpu.vector_store %arg5[%swap3A_1636, %swap3A_1637, %swap3A_1638], %broadcast_in_dim3A_3 {strides = array<i32>} : memref<2x32x1024xf32, #tpu.memory_space<vmem>>, vector<16xf32>,
      %swap3A_1640 = arith.constant 0 : i32
      %swap3A_1641 = arith.index_cast %swap3A_1640 : i32 to index
      %swap3A_1642 = arith.index_cast %scan3A_1455 : i32 to index
      %swap3A_1643 = arith.constant 592 : index
      %swap3A_1644 = tpu.vector_load %arg5[%swap3A_1641, %swap3A_1642, %swap3A_1643] {strides = array<i32>} : memref<2x32x1024xf32, #tpu.memory_space<vmem>>, vector<16xf32>,
      tpu.vector_store %arg5[%swap3A_1641, %swap3A_1642, %swap3A_1643], %broadcast_in_dim3A_3 {strides = array<i32>} : memref<2x32x1024xf32, #tpu.memory_space<vmem>>, vector<16xf32>,
      %swap3A_1645 = arith.constant 0 : i32
      %swap3A_1646 = arith.index_cast %swap3A_1645 : i32 to index
      %swap3A_1647 = arith.index_cast %scan3A_1455 : i32 to index
      %swap3A_1648 = arith.constant 608 : index
      %swap3A_1649 = tpu.vector_load %arg5[%swap3A_1646, %swap3A_1647, %swap3A_1648] {strides = array<i32>} : memref<2x32x1024xf32, #tpu.memory_space<vmem>>, vector<16xf32>,
      tpu.vector_store %arg5[%swap3A_1646, %swap3A_1647, %swap3A_1648], %broadcast_in_dim3A_3 {strides = array<i32>} : memref<2x32x1024xf32, #tpu.memory_space<vmem>>, vector<16xf32>,
      %swap3A_1650 = arith.constant 0 : i32
      %swap3A_1651 = arith.index_cast %swap3A_1650 : i32 to index
      %swap3A_1652 = arith.index_cast %scan3A_1455 : i32 to index
      %swap3A_1653 = arith.constant 624 : index
      %swap3A_1654 = tpu.vector_load %arg5[%swap3A_1651, %swap3A_1652, %swap3A_1653] {strides = array<i32>} : memref<2x32x1024xf32, #tpu.memory_space<vmem>>, vector<16xf32>,
      tpu.vector_store %arg5[%swap3A_1651, %swap3A_1652, %swap3A_1653], %broadcast_in_dim3A_3 {strides = array<i32>} : memref<2x32x1024xf32, #tpu.memory_space<vmem>>, vector<16xf32>,
      %swap3A_1655 = arith.constant 0 : i32
      %swap3A_1656 = arith.index_cast %swap3A_1655 : i32 to index
      %swap3A_1657 = arith.index_cast %scan3A_1455 : i32 to index
      %swap3A_1658 = arith.constant 640 : index
      %swap3A_1659 = tpu.vector_load %arg5[%swap3A_1656, %swap3A_1657, %swap3A_1658] {strides = array<i32>} : memref<2x32x1024xf32, #tpu.memory_space<vmem>>, vector<16xf32>,
      tpu.vector_store %arg5[%swap3A_1656, %swap3A_1657, %swap3A_1658], %broadcast_in_dim3A_3 {strides = array<i32>} : memref<2x32x1024xf32, #tpu.memory_space<vmem>>, vector<16xf32>,
      %swap3A_1660 = arith.constant 0 : i32
      %swap3A_1661 = arith.index_cast %swap3A_1660 : i32 to index
      %swap3A_1662 = arith.index_cast %scan3A_1455 : i32 to index
      %swap3A_1663 = arith.constant 656 : index
      %swap3A_1664 = tpu.vector_load %arg5[%swap3A_1661, %swap3A_1662, %swap3A_1663] {strides = array<i32>} : memref<2x32x1024xf32, #tpu.memory_space<vmem>>, vector<16xf32>,
      tpu.vector_store %arg5[%swap3A_1661, %swap3A_1662, %swap3A_1663], %broadcast_in_dim3A_3 {strides = array<i32>} : memref<2x32x1024xf32, #tpu.memory_space<vmem>>, vector<16xf32>,
      %swap3A_1665 = arith.constant 0 : i32
      %swap3A_1666 = arith.index_cast %swap3A_1665 : i32 to index
      %swap3A_1667 = arith.index_cast %scan3A_1455 : i32 to index
      %swap3A_1668 = arith.constant 672 : index
      %swap3A_1669 = tpu.vector_load %arg5[%swap3A_1666, %swap3A_1667, %swap3A_1668] {strides = array<i32>} : memref<2x32x1024xf32, #tpu.memory_space<vmem>>, vector<16xf32>,
      tpu.vector_store %arg5[%swap3A_1666, %swap3A_1667, %swap3A_1668], %broadcast_in_dim3A_3 {strides = array<i32>} : memref<2x32x1024xf32, #tpu.memory_space<vmem>>, vector<16xf32>,
      %swap3A_1670 = arith.constant 0 : i32
      %swap3A_1671 = arith.index_cast %swap3A_1670 : i32 to index
      %swap3A_1672 = arith.index_cast %scan3A_1455 : i32 to index
      %swap3A_1673 = arith.constant 688 : index
      %swap3A_1674 = tpu.vector_load %arg5[%swap3A_1671, %swap3A_1672, %swap3A_1673] {strides = array<i32>} : memref<2x32x1024xf32, #tpu.memory_space<vmem>>, vector<16xf32>,
      tpu.vector_store %arg5[%swap3A_1671, %swap3A_1672, %swap3A_1673], %broadcast_in_dim3A_3 {strides = array<i32>} : memref<2x32x1024xf32, #tpu.memory_space<vmem>>, vector<16xf32>,
      %swap3A_1675 = arith.constant 0 : i32
      %swap3A_1676 = arith.index_cast %swap3A_1675 : i32 to index
      %swap3A_1677 = arith.index_cast %scan3A_1455 : i32 to index
      %swap3A_1678 = arith.constant 704 : index
      %swap3A_1679 = tpu.vector_load %arg5[%swap3A_1676, %swap3A_1677, %swap3A_1678] {strides = array<i32>} : memref<2x32x1024xf32, #tpu.memory_space<vmem>>, vector<16xf32>,
      tpu.vector_store %arg5[%swap3A_1676, %swap3A_1677, %swap3A_1678], %broadcast_in_dim3A_3 {strides = array<i32>} : memref<2x32x1024xf32, #tpu.memory_space<vmem>>, vector<16xf32>,
      %swap3A_1680 = arith.constant 0 : i32
      %swap3A_1681 = arith.index_cast %swap3A_1680 : i32 to index
      %swap3A_1682 = arith.index_cast %scan3A_1455 : i32 to index
      %swap3A_1683 = arith.constant 720 : index
      %swap3A_1684 = tpu.vector_load %arg5[%swap3A_1681, %swap3A_1682, %swap3A_1683] {strides = array<i32>} : memref<2x32x1024xf32, #tpu.memory_space<vmem>>, vector<16xf32>,
      tpu.vector_store %arg5[%swap3A_1681, %swap3A_1682, %swap3A_1683], %broadcast_in_dim3A_3 {strides = array<i32>} : memref<2x32x1024xf32, #tpu.memory_space<vmem>>, vector<16xf32>,
      %swap3A_1685 = arith.constant 0 : i32
      %swap3A_1686 = arith.index_cast %swap3A_1685 : i32 to index
      %swap3A_1687 = arith.index_cast %scan3A_1455 : i32 to index
      %swap3A_1688 = arith.constant 736 : index
      %swap3A_1689 = tpu.vector_load %arg5[%swap3A_1686, %swap3A_1687, %swap3A_1688] {strides = array<i32>} : memref<2x32x1024xf32, #tpu.memory_space<vmem>>, vector<16xf32>,
      tpu.vector_store %arg5[%swap3A_1686, %swap3A_1687, %swap3A_1688], %broadcast_in_dim3A_3 {strides = array<i32>} : memref<2x32x1024xf32, #tpu.memory_space<vmem>>, vector<16xf32>,
      %swap3A_1690 = arith.constant 0 : i32
      %swap3A_1691 = arith.index_cast %swap3A_1690 : i32 to index
      %swap3A_1692 = arith.index_cast %scan3A_1455 : i32 to index
      %swap3A_1693 = arith.constant 752 : index
      %swap3A_1694 = tpu.vector_load %arg5[%swap3A_1691, %swap3A_1692, %swap3A_1693] {strides = array<i32>} : memref<2x32x1024xf32, #tpu.memory_space<vmem>>, vector<16xf32>,
      tpu.vector_store %arg5[%swap3A_1691, %swap3A_1692, %swap3A_1693], %broadcast_in_dim3A_3 {strides = array<i32>} : memref<2x32x1024xf32, #tpu.memory_space<vmem>>, vector<16xf32>,
      %swap3A_1695 = arith.constant 0 : i32
      %swap3A_1696 = arith.index_cast %swap3A_1695 : i32 to index
      %swap3A_1697 = arith.index_cast %scan3A_1455 : i32 to index
      %swap3A_1698 = arith.constant 768 : index
      %swap3A_1699 = tpu.vector_load %arg5[%swap3A_1696, %swap3A_1697, %swap3A_1698] {strides = array<i32>} : memref<2x32x1024xf32, #tpu.memory_space<vmem>>, vector<16xf32>,
      tpu.vector_store %arg5[%swap3A_1696, %swap3A_1697, %swap3A_1698], %broadcast_in_dim3A_3 {strides = array<i32>} : memref<2x32x1024xf32, #tpu.memory_space<vmem>>, vector<16xf32>,
      %swap3A_1700 = arith.constant 0 : i32
      %swap3A_1701 = arith.index_cast %swap3A_1700 : i32 to index
      %swap3A_1702 = arith.index_cast %scan3A_1455 : i32 to index
      %swap3A_1703 = arith.constant 784 : index
      %swap3A_1704 = tpu.vector_load %arg5[%swap3A_1701, %swap3A_1702, %swap3A_1703] {strides = array<i32>} : memref<2x32x1024xf32, #tpu.memory_space<vmem>>, vector<16xf32>,
      tpu.vector_store %arg5[%swap3A_1701, %swap3A_1702, %swap3A_1703], %broadcast_in_dim3A_3 {strides = array<i32>} : memref<2x32x1024xf32, #tpu.memory_space<vmem>>, vector<16xf32>,
      %swap3A_1705 = arith.constant 0 : i32
      %swap3A_1706 = arith.index_cast %swap3A_1705 : i32 to index
      %swap3A_1707 = arith.index_cast %scan3A_1455 : i32 to index
      %swap3A_1708 = arith.constant 800 : index
      %swap3A_1709 = tpu.vector_load %arg5[%swap3A_1706, %swap3A_1707, %swap3A_1708] {strides = array<i32>} : memref<2x32x1024xf32, #tpu.memory_space<vmem>>, vector<16xf32>,
      tpu.vector_store %arg5[%swap3A_1706, %swap3A_1707, %swap3A_1708], %broadcast_in_dim3A_3 {strides = array<i32>} : memref<2x32x1024xf32, #tpu.memory_space<vmem>>, vector<16xf32>,
      %swap3A_1710 = arith.constant 0 : i32
      %swap3A_1711 = arith.index_cast %swap3A_1710 : i32 to index
      %swap3A_1712 = arith.index_cast %scan3A_1455 : i32 to index
      %swap3A_1713 = arith.constant 816 : index
      %swap3A_1714 = tpu.vector_load %arg5[%swap3A_1711, %swap3A_1712, %swap3A_1713] {strides = array<i32>} : memref<2x32x1024xf32, #tpu.memory_space<vmem>>, vector<16xf32>,
      tpu.vector_store %arg5[%swap3A_1711, %swap3A_1712, %swap3A_1713], %broadcast_in_dim3A_3 {strides = array<i32>} : memref<2x32x1024xf32, #tpu.memory_space<vmem>>, vector<16xf32>,
      %swap3A_1715 = arith.constant 0 : i32
      %swap3A_1716 = arith.index_cast %swap3A_1715 : i32 to index
      %swap3A_1717 = arith.index_cast %scan3A_1455 : i32 to index
      %swap3A_1718 = arith.constant 832 : index
      %swap3A_1719 = tpu.vector_load %arg5[%swap3A_1716, %swap3A_1717, %swap3A_1718] {strides = array<i32>} : memref<2x32x1024xf32, #tpu.memory_space<vmem>>, vector<16xf32>,
      tpu.vector_store %arg5[%swap3A_1716, %swap3A_1717, %swap3A_1718], %broadcast_in_dim3A_3 {strides = array<i32>} : memref<2x32x1024xf32, #tpu.memory_space<vmem>>, vector<16xf32>,
      %swap3A_1720 = arith.constant 0 : i32
      %swap3A_1721 = arith.index_cast %swap3A_1720 : i32 to index
      %swap3A_1722 = arith.index_cast %scan3A_1455 : i32 to index
      %swap3A_1723 = arith.constant 848 : index
      %swap3A_1724 = tpu.vector_load %arg5[%swap3A_1721, %swap3A_1722, %swap3A_1723] {strides = array<i32>} : memref<2x32x1024xf32, #tpu.memory_space<vmem>>, vector<16xf32>,
      tpu.vector_store %arg5[%swap3A_1721, %swap3A_1722, %swap3A_1723], %broadcast_in_dim3A_3 {strides = array<i32>} : memref<2x32x1024xf32, #tpu.memory_space<vmem>>, vector<16xf32>,
      %swap3A_1725 = arith.constant 0 : i32
      %swap3A_1726 = arith.index_cast %swap3A_1725 : i32 to index
      %swap3A_1727 = arith.index_cast %scan3A_1455 : i32 to index
      %swap3A_1728 = arith.constant 864 : index
      %swap3A_1729 = tpu.vector_load %arg5[%swap3A_1726, %swap3A_1727, %swap3A_1728] {strides = array<i32>} : memref<2x32x1024xf32, #tpu.memory_space<vmem>>, vector<16xf32>,
      tpu.vector_store %arg5[%swap3A_1726, %swap3A_1727, %swap3A_1728], %broadcast_in_dim3A_3 {strides = array<i32>} : memref<2x32x1024xf32, #tpu.memory_space<vmem>>, vector<16xf32>,
      %swap3A_1730 = arith.constant 0 : i32
      %swap3A_1731 = arith.index_cast %swap3A_1730 : i32 to index
      %swap3A_1732 = arith.index_cast %scan3A_1455 : i32 to index
      %swap3A_1733 = arith.constant 880 : index
      %swap3A_1734 = tpu.vector_load %arg5[%swap3A_1731, %swap3A_1732, %swap3A_1733] {strides = array<i32>} : memref<2x32x1024xf32, #tpu.memory_space<vmem>>, vector<16xf32>,
      tpu.vector_store %arg5[%swap3A_1731, %swap3A_1732, %swap3A_1733], %broadcast_in_dim3A_3 {strides = array<i32>} : memref<2x32x1024xf32, #tpu.memory_space<vmem>>, vector<16xf32>,
      %swap3A_1735 = arith.constant 0 : i32
      %swap3A_1736 = arith.index_cast %swap3A_1735 : i32 to index
      %swap3A_1737 = arith.index_cast %scan3A_1455 : i32 to index
      %swap3A_1738 = arith.constant 896 : index
      %swap3A_1739 = tpu.vector_load %arg5[%swap3A_1736, %swap3A_1737, %swap3A_1738] {strides = array<i32>} : memref<2x32x1024xf32, #tpu.memory_space<vmem>>, vector<16xf32>,
      tpu.vector_store %arg5[%swap3A_1736, %swap3A_1737, %swap3A_1738], %broadcast_in_dim3A_3 {strides = array<i32>} : memref<2x32x1024xf32, #tpu.memory_space<vmem>>, vector<16xf32>,
      %swap3A_1740 = arith.constant 0 : i32
      %swap3A_1741 = arith.index_cast %swap3A_1740 : i32 to index
      %swap3A_1742 = arith.index_cast %scan3A_1455 : i32 to index
      %swap3A_1743 = arith.constant 912 : index
      %swap3A_1744 = tpu.vector_load %arg5[%swap3A_1741, %swap3A_1742, %swap3A_1743] {strides = array<i32>} : memref<2x32x1024xf32, #tpu.memory_space<vmem>>, vector<16xf32>,
      tpu.vector_store %arg5[%swap3A_1741, %swap3A_1742, %swap3A_1743], %broadcast_in_dim3A_3 {strides = array<i32>} : memref<2x32x1024xf32, #tpu.memory_space<vmem>>, vector<16xf32>,
      %swap3A_1745 = arith.constant 0 : i32
      %swap3A_1746 = arith.index_cast %swap3A_1745 : i32 to index
      %swap3A_1747 = arith.index_cast %scan3A_1455 : i32 to index
      %swap3A_1748 = arith.constant 928 : index
      %swap3A_1749 = tpu.vector_load %arg5[%swap3A_1746, %swap3A_1747, %swap3A_1748] {strides = array<i32>} : memref<2x32x1024xf32, #tpu.memory_space<vmem>>, vector<16xf32>,
      tpu.vector_store %arg5[%swap3A_1746, %swap3A_1747, %swap3A_1748], %broadcast_in_dim3A_3 {strides = array<i32>} : memref<2x32x1024xf32, #tpu.memory_space<vmem>>, vector<16xf32>,
      %swap3A_1750 = arith.constant 0 : i32
      %swap3A_1751 = arith.index_cast %swap3A_1750 : i32 to index
      %swap3A_1752 = arith.index_cast %scan3A_1455 : i32 to index
      %swap3A_1753 = arith.constant 944 : index
      %swap3A_1754 = tpu.vector_load %arg5[%swap3A_1751, %swap3A_1752, %swap3A_1753] {strides = array<i32>} : memref<2x32x1024xf32, #tpu.memory_space<vmem>>, vector<16xf32>,
      tpu.vector_store %arg5[%swap3A_1751, %swap3A_1752, %swap3A_1753], %broadcast_in_dim3A_3 {strides = array<i32>} : memref<2x32x1024xf32, #tpu.memory_space<vmem>>, vector<16xf32>,
      %swap3A_1755 = arith.constant 0 : i32
      %swap3A_1756 = arith.index_cast %swap3A_1755 : i32 to index
      %swap3A_1757 = arith.index_cast %scan3A_1455 : i32 to index
      %swap3A_1758 = arith.constant 960 : index
      %swap3A_1759 = tpu.vector_load %arg5[%swap3A_1756, %swap3A_1757, %swap3A_1758] {strides = array<i32>} : memref<2x32x1024xf32, #tpu.memory_space<vmem>>, vector<16xf32>,
      tpu.vector_store %arg5[%swap3A_1756, %swap3A_1757, %swap3A_1758], %broadcast_in_dim3A_3 {strides = array<i32>} : memref<2x32x1024xf32, #tpu.memory_space<vmem>>, vector<16xf32>,
      %swap3A_1760 = arith.constant 0 : i32
      %swap3A_1761 = arith.index_cast %swap3A_1760 : i32 to index
      %swap3A_1762 = arith.index_cast %scan3A_1455 : i32 to index
      %swap3A_1763 = arith.constant 976 : index
      %swap3A_1764 = tpu.vector_load %arg5[%swap3A_1761, %swap3A_1762, %swap3A_1763] {strides = array<i32>} : memref<2x32x1024xf32, #tpu.memory_space<vmem>>, vector<16xf32>,
      tpu.vector_store %arg5[%swap3A_1761, %swap3A_1762, %swap3A_1763], %broadcast_in_dim3A_3 {strides = array<i32>} : memref<2x32x1024xf32, #tpu.memory_space<vmem>>, vector<16xf32>,
      %swap3A_1765 = arith.constant 0 : i32
      %swap3A_1766 = arith.index_cast %swap3A_1765 : i32 to index
      %swap3A_1767 = arith.index_cast %scan3A_1455 : i32 to index
      %swap3A_1768 = arith.constant 992 : index
      %swap3A_1769 = tpu.vector_load %arg5[%swap3A_1766, %swap3A_1767, %swap3A_1768] {strides = array<i32>} : memref<2x32x1024xf32, #tpu.memory_space<vmem>>, vector<16xf32>,
      tpu.vector_store %arg5[%swap3A_1766, %swap3A_1767, %swap3A_1768], %broadcast_in_dim3A_3 {strides = array<i32>} : memref<2x32x1024xf32, #tpu.memory_space<vmem>>, vector<16xf32>,
      %swap3A_1770 = arith.constant 0 : i32
      %swap3A_1771 = arith.index_cast %swap3A_1770 : i32 to index
      %swap3A_1772 = arith.index_cast %scan3A_1455 : i32 to index
      %swap3A_1773 = arith.constant 1008 : index
      %swap3A_1774 = tpu.vector_load %arg5[%swap3A_1771, %swap3A_1772, %swap3A_1773] {strides = array<i32>} : memref<2x32x1024xf32, #tpu.memory_space<vmem>>, vector<16xf32>,
      tpu.vector_store %arg5[%swap3A_1771, %swap3A_1772, %swap3A_1773], %broadcast_in_dim3A_3 {strides = array<i32>} : memref<2x32x1024xf32, #tpu.memory_space<vmem>>, vector<16xf32>,
    }
    %scan3A_72 = arith.constant 32 : i32
    %broadcast_in_dim3A_73 = arith.constant 0 : i32
    %broadcast_in_dim3A_74 = vector.broadcast %broadcast_in_dim3A_73 : i32 to vector<16xi32>
    %scan3A_75 = arith.constant 0 : i32
    %scan3A_76 = arith.constant 50 : i32
    %scan3A_77 = arith.addi %scan3A_75, %scan3A_76 : i32
    %scan3A_78 = arith.constant 1 : i32
    %scan3A_79 = scf.for %scan3A_1455 = %scan3A_75 to %scan3A_77 step %scan3A_78 iter_args(%scan3A_1456 = %broadcast_in_dim3A_74) -> (vector<16xi32>)  : i32 {
      %gather3A = arith.constant 0 : i32
      %gather3A_1457 = arith.constant 0 : i32
      %gather3A_1458 = arith.constant 0 : i32
      %gather3A_1459 = tpu.memref_slice %arg4[%gather3A, %gather3A_1457, %gather3A_1458] : memref<2x32x211xi32, #tpu.memory_space<vmem>> -> memref<1x32x211xi32, #tpu.memory_space<vmem>>
      %gather3A_1460 = tpu.memref_squeeze %gather3A_1459 : memref<1x32x211xi32, #tpu.memory_space<vmem>> -> memref<32x211xi32, #tpu.memory_space<vmem>>
      %gather3A_1461 = tpu.vector_load_idx %gather3A_1460[%add3A_6, %scan3A_1456] : memref<32x211xi32, #tpu.memory_space<vmem>>[vector<16xi32>, vector<16xi32>], vector<16xi32>,
      %scatter3A = arith.constant 0 : i32
      %scatter3A_1462 = arith.constant 0 : i32
      %scatter3A_1463 = arith.constant 0 : i32
      %scatter3A_1464 = tpu.memref_slice %arg5[%scatter3A, %scatter3A_1462, %scatter3A_1463] : memref<2x32x1024xf32, #tpu.memory_space<vmem>> -> memref<1x32x1024xf32, #tpu.memory_space<vmem>>
      %scatter3A_1465 = tpu.memref_squeeze %scatter3A_1464 : memref<1x32x1024xf32, #tpu.memory_space<vmem>> -> memref<32x1024xf32, #tpu.memory_space<vmem>>
      tpu.vector_store_idx %scatter3A_1465[%add3A_6, %gather3A_1461], %broadcast_in_dim3A_1 {add = true} : memref<32x1024xf32, #tpu.memory_space<vmem>>[vector<16xi32>, vector<16xi32>], vector<16xf32>,
      %gather3A_1466 = arith.constant 0 : i32
      %gather3A_1467 = arith.constant 0 : i32
      %gather3A_1468 = arith.constant 0 : i32
      %gather3A_1469 = tpu.memref_slice %arg4[%gather3A_1466, %gather3A_1467, %gather3A_1468] : memref<2x32x211xi32, #tpu.memory_space<vmem>> -> memref<1x32x211xi32, #tpu.memory_space<vmem>>
      %gather3A_1470 = tpu.memref_squeeze %gather3A_1469 : memref<1x32x211xi32, #tpu.memory_space<vmem>> -> memref<32x211xi32, #tpu.memory_space<vmem>>
      %gather3A_1471 = tpu.vector_load_idx %gather3A_1470[%add3A_9, %scan3A_1456] : memref<32x211xi32, #tpu.memory_space<vmem>>[vector<16xi32>, vector<16xi32>], vector<16xi32>,
      %scatter3A_1472 = arith.constant 0 : i32
      %scatter3A_1473 = arith.constant 0 : i32
      %scatter3A_1474 = arith.constant 0 : i32
      %scatter3A_1475 = tpu.memref_slice %arg5[%scatter3A_1472, %scatter3A_1473, %scatter3A_1474] : memref<2x32x1024xf32, #tpu.memory_space<vmem>> -> memref<1x32x1024xf32, #tpu.memory_space<vmem>>
      %scatter3A_1476 = tpu.memref_squeeze %scatter3A_1475 : memref<1x32x1024xf32, #tpu.memory_space<vmem>> -> memref<32x1024xf32, #tpu.memory_space<vmem>>
      tpu.vector_store_idx %scatter3A_1476[%add3A_9, %gather3A_1471], %broadcast_in_dim3A_1 {add = true} : memref<32x1024xf32, #tpu.memory_space<vmem>>[vector<16xi32>, vector<16xi32>], vector<16xf32>,
      %add3A_1477 = arith.constant 1 : i32
      %add3A_1478 = vector.broadcast %add3A_1477 : i32 to vector<16xi32>
      %add3A_1479 = arith.addi %scan3A_1456, %add3A_1478 : vector<16xi32>
      %gather3A_1480 = arith.constant 0 : i32
      %gather3A_1481 = arith.constant 0 : i32
      %gather3A_1482 = arith.constant 0 : i32
      %gather3A_1483 = tpu.memref_slice %arg4[%gather3A_1480, %gather3A_1481, %gather3A_1482] : memref<2x32x211xi32, #tpu.memory_space<vmem>> -> memref<1x32x211xi32, #tpu.memory_space<vmem>>
      %gather3A_1484 = tpu.memref_squeeze %gather3A_1483 : memref<1x32x211xi32, #tpu.memory_space<vmem>> -> memref<32x211xi32, #tpu.memory_space<vmem>>
      %gather3A_1485 = tpu.vector_load_idx %gather3A_1484[%add3A_6, %add3A_1479] : memref<32x211xi32, #tpu.memory_space<vmem>>[vector<16xi32>, vector<16xi32>], vector<16xi32>,
      %scatter3A_1486 = arith.constant 0 : i32
      %scatter3A_1487 = arith.constant 0 : i32
      %scatter3A_1488 = arith.constant 0 : i32
      %scatter3A_1489 = tpu.memref_slice %arg5[%scatter3A_1486, %scatter3A_1487, %scatter3A_1488] : memref<2x32x1024xf32, #tpu.memory_space<vmem>> -> memref<1x32x1024xf32, #tpu.memory_space<vmem>>
      %scatter3A_1490 = tpu.memref_squeeze %scatter3A_1489 : memref<1x32x1024xf32, #tpu.memory_space<vmem>> -> memref<32x1024xf32, #tpu.memory_space<vmem>>
      tpu.vector_store_idx %scatter3A_1490[%add3A_6, %gather3A_1485], %broadcast_in_dim3A_1 {add = true} : memref<32x1024xf32, #tpu.memory_space<vmem>>[vector<16xi32>, vector<16xi32>], vector<16xf32>,
      %gather3A_1491 = arith.constant 0 : i32
      %gather3A_1492 = arith.constant 0 : i32
      %gather3A_1493 = arith.constant 0 : i32
      %gather3A_1494 = tpu.memref_slice %arg4[%gather3A_1491, %gather3A_1492, %gather3A_1493] : memref<2x32x211xi32, #tpu.memory_space<vmem>> -> memref<1x32x211xi32, #tpu.memory_space<vmem>>
      %gather3A_1495 = tpu.memref_squeeze %gather3A_1494 : memref<1x32x211xi32, #tpu.memory_space<vmem>> -> memref<32x211xi32, #tpu.memory_space<vmem>>
      %gather3A_1496 = tpu.vector_load_idx %gather3A_1495[%add3A_9, %add3A_1479] : memref<32x211xi32, #tpu.memory_space<vmem>>[vector<16xi32>, vector<16xi32>], vector<16xi32>,
      %scatter3A_1497 = arith.constant 0 : i32
      %scatter3A_1498 = arith.constant 0 : i32
      %scatter3A_1499 = arith.constant 0 : i32
      %scatter3A_1500 = tpu.memref_slice %arg5[%scatter3A_1497, %scatter3A_1498, %scatter3A_1499] : memref<2x32x1024xf32, #tpu.memory_space<vmem>> -> memref<1x32x1024xf32, #tpu.memory_space<vmem>>
      %scatter3A_1501 = tpu.memref_squeeze %scatter3A_1500 : memref<1x32x1024xf32, #tpu.memory_space<vmem>> -> memref<32x1024xf32, #tpu.memory_space<vmem>>
      tpu.vector_store_idx %scatter3A_1501[%add3A_9, %gather3A_1496], %broadcast_in_dim3A_1 {add = true} : memref<32x1024xf32, #tpu.memory_space<vmem>>[vector<16xi32>, vector<16xi32>], vector<16xf32>,
      %add3A_1502 = arith.constant 1 : i32
      %add3A_1503 = vector.broadcast %add3A_1502 : i32 to vector<16xi32>
      %add3A_1504 = arith.addi %add3A_1479, %add3A_1503 : vector<16xi32>
      %gather3A_1505 = arith.constant 0 : i32
      %gather3A_1506 = arith.constant 0 : i32
      %gather3A_1507 = arith.constant 0 : i32
      %gather3A_1508 = tpu.memref_slice %arg4[%gather3A_1505, %gather3A_1506, %gather3A_1507] : memref<2x32x211xi32, #tpu.memory_space<vmem>> -> memref<1x32x211xi32, #tpu.memory_space<vmem>>
      %gather3A_1509 = tpu.memref_squeeze %gather3A_1508 : memref<1x32x211xi32, #tpu.memory_space<vmem>> -> memref<32x211xi32, #tpu.memory_space<vmem>>
      %gather3A_1510 = tpu.vector_load_idx %gather3A_1509[%add3A_6, %add3A_1504] : memref<32x211xi32, #tpu.memory_space<vmem>>[vector<16xi32>, vector<16xi32>], vector<16xi32>,
      %scatter3A_1511 = arith.constant 0 : i32
      %scatter3A_1512 = arith.constant 0 : i32
      %scatter3A_1513 = arith.constant 0 : i32
      %scatter3A_1514 = tpu.memref_slice %arg5[%scatter3A_1511, %scatter3A_1512, %scatter3A_1513] : memref<2x32x1024xf32, #tpu.memory_space<vmem>> -> memref<1x32x1024xf32, #tpu.memory_space<vmem>>
      %scatter3A_1515 = tpu.memref_squeeze %scatter3A_1514 : memref<1x32x1024xf32, #tpu.memory_space<vmem>> -> memref<32x1024xf32, #tpu.memory_space<vmem>>
      tpu.vector_store_idx %scatter3A_1515[%add3A_6, %gather3A_1510], %broadcast_in_dim3A_1 {add = true} : memref<32x1024xf32, #tpu.memory_space<vmem>>[vector<16xi32>, vector<16xi32>], vector<16xf32>,
      %gather3A_1516 = arith.constant 0 : i32
      %gather3A_1517 = arith.constant 0 : i32
      %gather3A_1518 = arith.constant 0 : i32
      %gather3A_1519 = tpu.memref_slice %arg4[%gather3A_1516, %gather3A_1517, %gather3A_1518] : memref<2x32x211xi32, #tpu.memory_space<vmem>> -> memref<1x32x211xi32, #tpu.memory_space<vmem>>
      %gather3A_1520 = tpu.memref_squeeze %gather3A_1519 : memref<1x32x211xi32, #tpu.memory_space<vmem>> -> memref<32x211xi32, #tpu.memory_space<vmem>>
      %gather3A_1521 = tpu.vector_load_idx %gather3A_1520[%add3A_9, %add3A_1504] : memref<32x211xi32, #tpu.memory_space<vmem>>[vector<16xi32>, vector<16xi32>], vector<16xi32>,
      %scatter3A_1522 = arith.constant 0 : i32
      %scatter3A_1523 = arith.constant 0 : i32
      %scatter3A_1524 = arith.constant 0 : i32
      %scatter3A_1525 = tpu.memref_slice %arg5[%scatter3A_1522, %scatter3A_1523, %scatter3A_1524] : memref<2x32x1024xf32, #tpu.memory_space<vmem>> -> memref<1x32x1024xf32, #tpu.memory_space<vmem>>
      %scatter3A_1526 = tpu.memref_squeeze %scatter3A_1525 : memref<1x32x1024xf32, #tpu.memory_space<vmem>> -> memref<32x1024xf32, #tpu.memory_space<vmem>>
      tpu.vector_store_idx %scatter3A_1526[%add3A_9, %gather3A_1521], %broadcast_in_dim3A_1 {add = true} : memref<32x1024xf32, #tpu.memory_space<vmem>>[vector<16xi32>, vector<16xi32>], vector<16xf32>,
      %add3A_1527 = arith.constant 1 : i32
      %add3A_1528 = vector.broadcast %add3A_1527 : i32 to vector<16xi32>
      %add3A_1529 = arith.addi %add3A_1504, %add3A_1528 : vector<16xi32>
      %gather3A_1530 = arith.constant 0 : i32
      %gather3A_1531 = arith.constant 0 : i32
      %gather3A_1532 = arith.constant 0 : i32
      %gather3A_1533 = tpu.memref_slice %arg4[%gather3A_1530, %gather3A_1531, %gather3A_1532] : memref<2x32x211xi32, #tpu.memory_space<vmem>> -> memref<1x32x211xi32, #tpu.memory_space<vmem>>
      %gather3A_1534 = tpu.memref_squeeze %gather3A_1533 : memref<1x32x211xi32, #tpu.memory_space<vmem>> -> memref<32x211xi32, #tpu.memory_space<vmem>>
      %gather3A_1535 = tpu.vector_load_idx %gather3A_1534[%add3A_6, %add3A_1529] : memref<32x211xi32, #tpu.memory_space<vmem>>[vector<16xi32>, vector<16xi32>], vector<16xi32>,
      %scatter3A_1536 = arith.constant 0 : i32
      %scatter3A_1537 = arith.constant 0 : i32
      %scatter3A_1538 = arith.constant 0 : i32
      %scatter3A_1539 = tpu.memref_slice %arg5[%scatter3A_1536, %scatter3A_1537, %scatter3A_1538] : memref<2x32x1024xf32, #tpu.memory_space<vmem>> -> memref<1x32x1024xf32, #tpu.memory_space<vmem>>
      %scatter3A_1540 = tpu.memref_squeeze %scatter3A_1539 : memref<1x32x1024xf32, #tpu.memory_space<vmem>> -> memref<32x1024xf32, #tpu.memory_space<vmem>>
      tpu.vector_store_idx %scatter3A_1540[%add3A_6, %gather3A_1535], %broadcast_in_dim3A_1 {add = true} : memref<32x1024xf32, #tpu.memory_space<vmem>>[vector<16xi32>, vector<16xi32>], vector<16xf32>,
      %gather3A_1541 = arith.constant 0 : i32
      %gather3A_1542 = arith.constant 0 : i32
      %gather3A_1543 = arith.constant 0 : i32
      %gather3A_1544 = tpu.memref_slice %arg4[%gather3A_1541, %gather3A_1542, %gather3A_1543] : memref<2x32x211xi32, #tpu.memory_space<vmem>> -> memref<1x32x211xi32, #tpu.memory_space<vmem>>
      %gather3A_1545 = tpu.memref_squeeze %gather3A_1544 : memref<1x32x211xi32, #tpu.memory_space<vmem>> -> memref<32x211xi32, #tpu.memory_space<vmem>>
      %gather3A_1546 = tpu.vector_load_idx %gather3A_1545[%add3A_9, %add3A_1529] : memref<32x211xi32, #tpu.memory_space<vmem>>[vector<16xi32>, vector<16xi32>], vector<16xi32>,
      %scatter3A_1547 = arith.constant 0 : i32
      %scatter3A_1548 = arith.constant 0 : i32
      %scatter3A_1549 = arith.constant 0 : i32
      %scatter3A_1550 = tpu.memref_slice %arg5[%scatter3A_1547, %scatter3A_1548, %scatter3A_1549] : memref<2x32x1024xf32, #tpu.memory_space<vmem>> -> memref<1x32x1024xf32, #tpu.memory_space<vmem>>
      %scatter3A_1551 = tpu.memref_squeeze %scatter3A_1550 : memref<1x32x1024xf32, #tpu.memory_space<vmem>> -> memref<32x1024xf32, #tpu.memory_space<vmem>>
      tpu.vector_store_idx %scatter3A_1551[%add3A_9, %gather3A_1546], %broadcast_in_dim3A_1 {add = true} : memref<32x1024xf32, #tpu.memory_space<vmem>>[vector<16xi32>, vector<16xi32>], vector<16xf32>,
      %add3A_1552 = arith.constant 1 : i32
      %add3A_1553 = vector.broadcast %add3A_1552 : i32 to vector<16xi32>
      %add3A_1554 = arith.addi %add3A_1529, %add3A_1553 : vector<16xi32>
      scf.yield %add3A_1554 : vector<16xi32>
    }
    %scan3A_80 = arith.constant 50 : i32
    %mul3A_81 = arith.constant 4 : i32
    %mul3A_82 = arith.muli %add3A, %mul3A_81 : i32
    %add3A_83 = arith.constant 0 : i32
    %add3A_84 = arith.addi %mul3A_82, %add3A_83 : i32
    %mul3A_85 = arith.constant 32 : i32
    %mul3A_86 = arith.muli %add3A_84, %mul3A_85 : i32
    %dma_start3A_87 = arith.constant 0 : i32
    %dma_start3A_88 = arith.constant 0 : i32
    %dma_start3A_89 = arith.constant 0 : i32
    %dma_start3A_90 = arith.constant 0 : i32
    %dma_start3A_91 = arith.constant 0 : i32
    %dma_start3A_92 = tpu.memref_slice %arg5[%dma_start3A_87, %dma_start3A_90, %dma_start3A_91] : memref<2x32x1024xf32, #tpu.memory_space<vmem>> -> memref<1x32x128xf32, #tpu.memory_space<vmem>>
    %dma_start3A_93 = tpu.memref_squeeze %dma_start3A_92 : memref<1x32x128xf32, #tpu.memory_space<vmem>> -> memref<32x128xf32, #tpu.memory_space<vmem>>
    %dma_start3A_94 = arith.constant 0 : i32
    %dma_start3A_95 = tpu.memref_slice %arg3[%dma_start3A_88, %mul3A_86, %dma_start3A_94] : memref<8x4096x128xf32, #tpu.memory_space<hbm>> -> memref<1x32x128xf32, #tpu.memory_space<hbm>>
    %dma_start3A_96 = tpu.memref_squeeze %dma_start3A_95 : memref<1x32x128xf32, #tpu.memory_space<hbm>> -> memref<32x128xf32, #tpu.memory_space<hbm>>
    %dma_start3A_97 = tpu.memref_slice %arg7[%dma_start3A_89] : memref<2x!tpu.dma_semaphore, #tpu.memory_space<semaphore_mem>> -> memref<1x!tpu.dma_semaphore, #tpu.memory_space<semaphore_mem>>
    %dma_start3A_98 = tpu.memref_squeeze %dma_start3A_97 : memref<1x!tpu.dma_semaphore, #tpu.memory_space<semaphore_mem>> -> memref<!tpu.dma_semaphore, #tpu.memory_space<semaphore_mem>>
    %dma_start3A_99 = arith.constant 0 : i32
    %dma_start3A_100 = tpu.memref_slice %arg3[%dma_start3A_88, %mul3A_86, %dma_start3A_99] : memref<8x4096x128xf32, #tpu.memory_space<hbm>> -> memref<1x32x128xf32, #tpu.memory_space<hbm>>
    %dma_start3A_101 = tpu.memref_squeeze %dma_start3A_100 : memref<1x32x128xf32, #tpu.memory_space<hbm>> -> memref<32x128xf32, #tpu.memory_space<hbm>>
    %dma_start3A_102 = arith.constant 0 : i32
    %dma_start3A_103 = arith.constant 0 : i32
    %dma_start3A_104 = tpu.memref_slice %arg5[%dma_start3A_87, %dma_start3A_102, %dma_start3A_103] : memref<2x32x1024xf32, #tpu.memory_space<vmem>> -> memref<1x32x128xf32, #tpu.memory_space<vmem>>
    %dma_start3A_105 = tpu.memref_squeeze %dma_start3A_104 : memref<1x32x128xf32, #tpu.memory_space<vmem>> -> memref<32x128xf32, #tpu.memory_space<vmem>>
    tpu.enqueue_dma source(%dma_start3A_105 : memref<32x128xf32, #tpu.memory_space<vmem>>) target(%dma_start3A_101 : memref<32x128xf32, #tpu.memory_space<hbm>>) target_semaphore(%dma_start3A_98 : memref<!tpu.dma_semaphore, #tpu.memory_space<semaphore_mem>>)
    %dma_start3A_106 = arith.constant 0 : i32
    %dma_start3A_107 = arith.constant 1 : i32
    %dma_start3A_108 = arith.constant 0 : i32
    %dma_start3A_109 = arith.constant 0 : i32
    %dma_start3A_110 = arith.constant 128 : i32
    %dma_start3A_111 = tpu.memref_slice %arg5[%dma_start3A_106, %dma_start3A_109, %dma_start3A_110] : memref<2x32x1024xf32, #tpu.memory_space<vmem>> -> memref<1x32x128xf32, #tpu.memory_space<vmem>>
    %dma_start3A_112 = tpu.memref_squeeze %dma_start3A_111 : memref<1x32x128xf32, #tpu.memory_space<vmem>> -> memref<32x128xf32, #tpu.memory_space<vmem>>
    %dma_start3A_113 = arith.constant 0 : i32
    %dma_start3A_114 = tpu.memref_slice %arg3[%dma_start3A_107, %mul3A_86, %dma_start3A_113] : memref<8x4096x128xf32, #tpu.memory_space<hbm>> -> memref<1x32x128xf32, #tpu.memory_space<hbm>>
    %dma_start3A_115 = tpu.memref_squeeze %dma_start3A_114 : memref<1x32x128xf32, #tpu.memory_space<hbm>> -> memref<32x128xf32, #tpu.memory_space<hbm>>
    %dma_start3A_116 = tpu.memref_slice %arg7[%dma_start3A_108] : memref<2x!tpu.dma_semaphore, #tpu.memory_space<semaphore_mem>> -> memref<1x!tpu.dma_semaphore, #tpu.memory_space<semaphore_mem>>
    %dma_start3A_117 = tpu.memref_squeeze %dma_start3A_116 : memref<1x!tpu.dma_semaphore, #tpu.memory_space<semaphore_mem>> -> memref<!tpu.dma_semaphore, #tpu.memory_space<semaphore_mem>>
    %dma_start3A_118 = arith.constant 0 : i32
    %dma_start3A_119 = tpu.memref_slice %arg3[%dma_start3A_107, %mul3A_86, %dma_start3A_118] : memref<8x4096x128xf32, #tpu.memory_space<hbm>> -> memref<1x32x128xf32, #tpu.memory_space<hbm>>
    %dma_start3A_120 = tpu.memref_squeeze %dma_start3A_119 : memref<1x32x128xf32, #tpu.memory_space<hbm>> -> memref<32x128xf32, #tpu.memory_space<hbm>>
    %dma_start3A_121 = arith.constant 0 : i32
    %dma_start3A_122 = arith.constant 128 : i32
    %dma_start3A_123 = tpu.memref_slice %arg5[%dma_start3A_106, %dma_start3A_121, %dma_start3A_122] : memref<2x32x1024xf32, #tpu.memory_space<vmem>> -> memref<1x32x128xf32, #tpu.memory_space<vmem>>
    %dma_start3A_124 = tpu.memref_squeeze %dma_start3A_123 : memref<1x32x128xf32, #tpu.memory_space<vmem>> -> memref<32x128xf32, #tpu.memory_space<vmem>>
    tpu.enqueue_dma source(%dma_start3A_124 : memref<32x128xf32, #tpu.memory_space<vmem>>) target(%dma_start3A_120 : memref<32x128xf32, #tpu.memory_space<hbm>>) target_semaphore(%dma_start3A_117 : memref<!tpu.dma_semaphore, #tpu.memory_space<semaphore_mem>>)
    %dma_start3A_125 = arith.constant 0 : i32
    %dma_start3A_126 = arith.constant 2 : i32
    %dma_start3A_127 = arith.constant 0 : i32
    %dma_start3A_128 = arith.constant 0 : i32
    %dma_start3A_129 = arith.constant 256 : i32
    %dma_start3A_130 = tpu.memref_slice %arg5[%dma_start3A_125, %dma_start3A_128, %dma_start3A_129] : memref<2x32x1024xf32, #tpu.memory_space<vmem>> -> memref<1x32x128xf32, #tpu.memory_space<vmem>>
    %dma_start3A_131 = tpu.memref_squeeze %dma_start3A_130 : memref<1x32x128xf32, #tpu.memory_space<vmem>> -> memref<32x128xf32, #tpu.memory_space<vmem>>
    %dma_start3A_132 = arith.constant 0 : i32
    %dma_start3A_133 = tpu.memref_slice %arg3[%dma_start3A_126, %mul3A_86, %dma_start3A_132] : memref<8x4096x128xf32, #tpu.memory_space<hbm>> -> memref<1x32x128xf32, #tpu.memory_space<hbm>>
    %dma_start3A_134 = tpu.memref_squeeze %dma_start3A_133 : memref<1x32x128xf32, #tpu.memory_space<hbm>> -> memref<32x128xf32, #tpu.memory_space<hbm>>
    %dma_start3A_135 = tpu.memref_slice %arg7[%dma_start3A_127] : memref<2x!tpu.dma_semaphore, #tpu.memory_space<semaphore_mem>> -> memref<1x!tpu.dma_semaphore, #tpu.memory_space<semaphore_mem>>
    %dma_start3A_136 = tpu.memref_squeeze %dma_start3A_135 : memref<1x!tpu.dma_semaphore, #tpu.memory_space<semaphore_mem>> -> memref<!tpu.dma_semaphore, #tpu.memory_space<semaphore_mem>>
    %dma_start3A_137 = arith.constant 0 : i32
    %dma_start3A_138 = tpu.memref_slice %arg3[%dma_start3A_126, %mul3A_86, %dma_start3A_137] : memref<8x4096x128xf32, #tpu.memory_space<hbm>> -> memref<1x32x128xf32, #tpu.memory_space<hbm>>
    %dma_start3A_139 = tpu.memref_squeeze %dma_start3A_138 : memref<1x32x128xf32, #tpu.memory_space<hbm>> -> memref<32x128xf32, #tpu.memory_space<hbm>>
    %dma_start3A_140 = arith.constant 0 : i32
    %dma_start3A_141 = arith.constant 256 : i32
    %dma_start3A_142 = tpu.memref_slice %arg5[%dma_start3A_125, %dma_start3A_140, %dma_start3A_141] : memref<2x32x1024xf32, #tpu.memory_space<vmem>> -> memref<1x32x128xf32, #tpu.memory_space<vmem>>
    %dma_start3A_143 = tpu.memref_squeeze %dma_start3A_142 : memref<1x32x128xf32, #tpu.memory_space<vmem>> -> memref<32x128xf32, #tpu.memory_space<vmem>>
    tpu.enqueue_dma source(%dma_start3A_143 : memref<32x128xf32, #tpu.memory_space<vmem>>) target(%dma_start3A_139 : memref<32x128xf32, #tpu.memory_space<hbm>>) target_semaphore(%dma_start3A_136 : memref<!tpu.dma_semaphore, #tpu.memory_space<semaphore_mem>>)
    %dma_start3A_144 = arith.constant 0 : i32
    %dma_start3A_145 = arith.constant 3 : i32
    %dma_start3A_146 = arith.constant 0 : i32
    %dma_start3A_147 = arith.constant 0 : i32
    %dma_start3A_148 = arith.constant 384 : i32
    %dma_start3A_149 = tpu.memref_slice %arg5[%dma_start3A_144, %dma_start3A_147, %dma_start3A_148] : memref<2x32x1024xf32, #tpu.memory_space<vmem>> -> memref<1x32x128xf32, #tpu.memory_space<vmem>>
    %dma_start3A_150 = tpu.memref_squeeze %dma_start3A_149 : memref<1x32x128xf32, #tpu.memory_space<vmem>> -> memref<32x128xf32, #tpu.memory_space<vmem>>
    %dma_start3A_151 = arith.constant 0 : i32
    %dma_start3A_152 = tpu.memref_slice %arg3[%dma_start3A_145, %mul3A_86, %dma_start3A_151] : memref<8x4096x128xf32, #tpu.memory_space<hbm>> -> memref<1x32x128xf32, #tpu.memory_space<hbm>>
    %dma_start3A_153 = tpu.memref_squeeze %dma_start3A_152 : memref<1x32x128xf32, #tpu.memory_space<hbm>> -> memref<32x128xf32, #tpu.memory_space<hbm>>
    %dma_start3A_154 = tpu.memref_slice %arg7[%dma_start3A_146] : memref<2x!tpu.dma_semaphore, #tpu.memory_space<semaphore_mem>> -> memref<1x!tpu.dma_semaphore, #tpu.memory_space<semaphore_mem>>
    %dma_start3A_155 = tpu.memref_squeeze %dma_start3A_154 : memref<1x!tpu.dma_semaphore, #tpu.memory_space<semaphore_mem>> -> memref<!tpu.dma_semaphore, #tpu.memory_space<semaphore_mem>>
    %dma_start3A_156 = arith.constant 0 : i32
    %dma_start3A_157 = tpu.memref_slice %arg3[%dma_start3A_145, %mul3A_86, %dma_start3A_156] : memref<8x4096x128xf32, #tpu.memory_space<hbm>> -> memref<1x32x128xf32, #tpu.memory_space<hbm>>
    %dma_start3A_158 = tpu.memref_squeeze %dma_start3A_157 : memref<1x32x128xf32, #tpu.memory_space<hbm>> -> memref<32x128xf32, #tpu.memory_space<hbm>>
    %dma_start3A_159 = arith.constant 0 : i32
    %dma_start3A_160 = arith.constant 384 : i32
    %dma_start3A_161 = tpu.memref_slice %arg5[%dma_start3A_144, %dma_start3A_159, %dma_start3A_160] : memref<2x32x1024xf32, #tpu.memory_space<vmem>> -> memref<1x32x128xf32, #tpu.memory_space<vmem>>
    %dma_start3A_162 = tpu.memref_squeeze %dma_start3A_161 : memref<1x32x128xf32, #tpu.memory_space<vmem>> -> memref<32x128xf32, #tpu.memory_space<vmem>>
    tpu.enqueue_dma source(%dma_start3A_162 : memref<32x128xf32, #tpu.memory_space<vmem>>) target(%dma_start3A_158 : memref<32x128xf32, #tpu.memory_space<hbm>>) target_semaphore(%dma_start3A_155 : memref<!tpu.dma_semaphore, #tpu.memory_space<semaphore_mem>>)
    %dma_start3A_163 = arith.constant 0 : i32
    %dma_start3A_164 = arith.constant 4 : i32
    %dma_start3A_165 = arith.constant 0 : i32
    %dma_start3A_166 = arith.constant 0 : i32
    %dma_start3A_167 = arith.constant 512 : i32
    %dma_start3A_168 = tpu.memref_slice %arg5[%dma_start3A_163, %dma_start3A_166, %dma_start3A_167] : memref<2x32x1024xf32, #tpu.memory_space<vmem>> -> memref<1x32x128xf32, #tpu.memory_space<vmem>>
    %dma_start3A_169 = tpu.memref_squeeze %dma_start3A_168 : memref<1x32x128xf32, #tpu.memory_space<vmem>> -> memref<32x128xf32, #tpu.memory_space<vmem>>
    %dma_start3A_170 = arith.constant 0 : i32
    %dma_start3A_171 = tpu.memref_slice %arg3[%dma_start3A_164, %mul3A_86, %dma_start3A_170] : memref<8x4096x128xf32, #tpu.memory_space<hbm>> -> memref<1x32x128xf32, #tpu.memory_space<hbm>>
    %dma_start3A_172 = tpu.memref_squeeze %dma_start3A_171 : memref<1x32x128xf32, #tpu.memory_space<hbm>> -> memref<32x128xf32, #tpu.memory_space<hbm>>
    %dma_start3A_173 = tpu.memref_slice %arg7[%dma_start3A_165] : memref<2x!tpu.dma_semaphore, #tpu.memory_space<semaphore_mem>> -> memref<1x!tpu.dma_semaphore, #tpu.memory_space<semaphore_mem>>
    %dma_start3A_174 = tpu.memref_squeeze %dma_start3A_173 : memref<1x!tpu.dma_semaphore, #tpu.memory_space<semaphore_mem>> -> memref<!tpu.dma_semaphore, #tpu.memory_space<semaphore_mem>>
    %dma_start3A_175 = arith.constant 0 : i32
    %dma_start3A_176 = tpu.memref_slice %arg3[%dma_start3A_164, %mul3A_86, %dma_start3A_175] : memref<8x4096x128xf32, #tpu.memory_space<hbm>> -> memref<1x32x128xf32, #tpu.memory_space<hbm>>
    %dma_start3A_177 = tpu.memref_squeeze %dma_start3A_176 : memref<1x32x128xf32, #tpu.memory_space<hbm>> -> memref<32x128xf32, #tpu.memory_space<hbm>>
    %dma_start3A_178 = arith.constant 0 : i32
    %dma_start3A_179 = arith.constant 512 : i32
    %dma_start3A_180 = tpu.memref_slice %arg5[%dma_start3A_163, %dma_start3A_178, %dma_start3A_179] : memref<2x32x1024xf32, #tpu.memory_space<vmem>> -> memref<1x32x128xf32, #tpu.memory_space<vmem>>
    %dma_start3A_181 = tpu.memref_squeeze %dma_start3A_180 : memref<1x32x128xf32, #tpu.memory_space<vmem>> -> memref<32x128xf32, #tpu.memory_space<vmem>>
    tpu.enqueue_dma source(%dma_start3A_181 : memref<32x128xf32, #tpu.memory_space<vmem>>) target(%dma_start3A_177 : memref<32x128xf32, #tpu.memory_space<hbm>>) target_semaphore(%dma_start3A_174 : memref<!tpu.dma_semaphore, #tpu.memory_space<semaphore_mem>>)
    %dma_start3A_182 = arith.constant 0 : i32
    %dma_start3A_183 = arith.constant 5 : i32
    %dma_start3A_184 = arith.constant 0 : i32
    %dma_start3A_185 = arith.constant 0 : i32
    %dma_start3A_186 = arith.constant 640 : i32
    %dma_start3A_187 = tpu.memref_slice %arg5[%dma_start3A_182, %dma_start3A_185, %dma_start3A_186] : memref<2x32x1024xf32, #tpu.memory_space<vmem>> -> memref<1x32x128xf32, #tpu.memory_space<vmem>>
    %dma_start3A_188 = tpu.memref_squeeze %dma_start3A_187 : memref<1x32x128xf32, #tpu.memory_space<vmem>> -> memref<32x128xf32, #tpu.memory_space<vmem>>
    %dma_start3A_189 = arith.constant 0 : i32
    %dma_start3A_190 = tpu.memref_slice %arg3[%dma_start3A_183, %mul3A_86, %dma_start3A_189] : memref<8x4096x128xf32, #tpu.memory_space<hbm>> -> memref<1x32x128xf32, #tpu.memory_space<hbm>>
    %dma_start3A_191 = tpu.memref_squeeze %dma_start3A_190 : memref<1x32x128xf32, #tpu.memory_space<hbm>> -> memref<32x128xf32, #tpu.memory_space<hbm>>
    %dma_start3A_192 = tpu.memref_slice %arg7[%dma_start3A_184] : memref<2x!tpu.dma_semaphore, #tpu.memory_space<semaphore_mem>> -> memref<1x!tpu.dma_semaphore, #tpu.memory_space<semaphore_mem>>
    %dma_start3A_193 = tpu.memref_squeeze %dma_start3A_192 : memref<1x!tpu.dma_semaphore, #tpu.memory_space<semaphore_mem>> -> memref<!tpu.dma_semaphore, #tpu.memory_space<semaphore_mem>>
    %dma_start3A_194 = arith.constant 0 : i32
    %dma_start3A_195 = tpu.memref_slice %arg3[%dma_start3A_183, %mul3A_86, %dma_start3A_194] : memref<8x4096x128xf32, #tpu.memory_space<hbm>> -> memref<1x32x128xf32, #tpu.memory_space<hbm>>
    %dma_start3A_196 = tpu.memref_squeeze %dma_start3A_195 : memref<1x32x128xf32, #tpu.memory_space<hbm>> -> memref<32x128xf32, #tpu.memory_space<hbm>>
    %dma_start3A_197 = arith.constant 0 : i32
    %dma_start3A_198 = arith.constant 640 : i32
    %dma_start3A_199 = tpu.memref_slice %arg5[%dma_start3A_182, %dma_start3A_197, %dma_start3A_198] : memref<2x32x1024xf32, #tpu.memory_space<vmem>> -> memref<1x32x128xf32, #tpu.memory_space<vmem>>
    %dma_start3A_200 = tpu.memref_squeeze %dma_start3A_199 : memref<1x32x128xf32, #tpu.memory_space<vmem>> -> memref<32x128xf32, #tpu.memory_space<vmem>>
    tpu.enqueue_dma source(%dma_start3A_200 : memref<32x128xf32, #tpu.memory_space<vmem>>) target(%dma_start3A_196 : memref<32x128xf32, #tpu.memory_space<hbm>>) target_semaphore(%dma_start3A_193 : memref<!tpu.dma_semaphore, #tpu.memory_space<semaphore_mem>>)
    %dma_start3A_201 = arith.constant 0 : i32
    %dma_start3A_202 = arith.constant 6 : i32
    %dma_start3A_203 = arith.constant 0 : i32
    %dma_start3A_204 = arith.constant 0 : i32
    %dma_start3A_205 = arith.constant 768 : i32
    %dma_start3A_206 = tpu.memref_slice %arg5[%dma_start3A_201, %dma_start3A_204, %dma_start3A_205] : memref<2x32x1024xf32, #tpu.memory_space<vmem>> -> memref<1x32x128xf32, #tpu.memory_space<vmem>>
    %dma_start3A_207 = tpu.memref_squeeze %dma_start3A_206 : memref<1x32x128xf32, #tpu.memory_space<vmem>> -> memref<32x128xf32, #tpu.memory_space<vmem>>
    %dma_start3A_208 = arith.constant 0 : i32
    %dma_start3A_209 = tpu.memref_slice %arg3[%dma_start3A_202, %mul3A_86, %dma_start3A_208] : memref<8x4096x128xf32, #tpu.memory_space<hbm>> -> memref<1x32x128xf32, #tpu.memory_space<hbm>>
    %dma_start3A_210 = tpu.memref_squeeze %dma_start3A_209 : memref<1x32x128xf32, #tpu.memory_space<hbm>> -> memref<32x128xf32, #tpu.memory_space<hbm>>
    %dma_start3A_211 = tpu.memref_slice %arg7[%dma_start3A_203] : memref<2x!tpu.dma_semaphore, #tpu.memory_space<semaphore_mem>> -> memref<1x!tpu.dma_semaphore, #tpu.memory_space<semaphore_mem>>
    %dma_start3A_212 = tpu.memref_squeeze %dma_start3A_211 : memref<1x!tpu.dma_semaphore, #tpu.memory_space<semaphore_mem>> -> memref<!tpu.dma_semaphore, #tpu.memory_space<semaphore_mem>>
    %dma_start3A_213 = arith.constant 0 : i32
    %dma_start3A_214 = tpu.memref_slice %arg3[%dma_start3A_202, %mul3A_86, %dma_start3A_213] : memref<8x4096x128xf32, #tpu.memory_space<hbm>> -> memref<1x32x128xf32, #tpu.memory_space<hbm>>
    %dma_start3A_215 = tpu.memref_squeeze %dma_start3A_214 : memref<1x32x128xf32, #tpu.memory_space<hbm>> -> memref<32x128xf32, #tpu.memory_space<hbm>>
    %dma_start3A_216 = arith.constant 0 : i32
    %dma_start3A_217 = arith.constant 768 : i32
    %dma_start3A_218 = tpu.memref_slice %arg5[%dma_start3A_201, %dma_start3A_216, %dma_start3A_217] : memref<2x32x1024xf32, #tpu.memory_space<vmem>> -> memref<1x32x128xf32, #tpu.memory_space<vmem>>
    %dma_start3A_219 = tpu.memref_squeeze %dma_start3A_218 : memref<1x32x128xf32, #tpu.memory_space<vmem>> -> memref<32x128xf32, #tpu.memory_space<vmem>>
    tpu.enqueue_dma source(%dma_start3A_219 : memref<32x128xf32, #tpu.memory_space<vmem>>) target(%dma_start3A_215 : memref<32x128xf32, #tpu.memory_space<hbm>>) target_semaphore(%dma_start3A_212 : memref<!tpu.dma_semaphore, #tpu.memory_space<semaphore_mem>>)
    %dma_start3A_220 = arith.constant 0 : i32
    %dma_start3A_221 = arith.constant 7 : i32
    %dma_start3A_222 = arith.constant 0 : i32
    %dma_start3A_223 = arith.constant 0 : i32
    %dma_start3A_224 = arith.constant 896 : i32
    %dma_start3A_225 = tpu.memref_slice %arg5[%dma_start3A_220, %dma_start3A_223, %dma_start3A_224] : memref<2x32x1024xf32, #tpu.memory_space<vmem>> -> memref<1x32x128xf32, #tpu.memory_space<vmem>>
    %dma_start3A_226 = tpu.memref_squeeze %dma_start3A_225 : memref<1x32x128xf32, #tpu.memory_space<vmem>> -> memref<32x128xf32, #tpu.memory_space<vmem>>
    %dma_start3A_227 = arith.constant 0 : i32
    %dma_start3A_228 = tpu.memref_slice %arg3[%dma_start3A_221, %mul3A_86, %dma_start3A_227] : memref<8x4096x128xf32, #tpu.memory_space<hbm>> -> memref<1x32x128xf32, #tpu.memory_space<hbm>>
    %dma_start3A_229 = tpu.memref_squeeze %dma_start3A_228 : memref<1x32x128xf32, #tpu.memory_space<hbm>> -> memref<32x128xf32, #tpu.memory_space<hbm>>
    %dma_start3A_230 = tpu.memref_slice %arg7[%dma_start3A_222] : memref<2x!tpu.dma_semaphore, #tpu.memory_space<semaphore_mem>> -> memref<1x!tpu.dma_semaphore, #tpu.memory_space<semaphore_mem>>
    %dma_start3A_231 = tpu.memref_squeeze %dma_start3A_230 : memref<1x!tpu.dma_semaphore, #tpu.memory_space<semaphore_mem>> -> memref<!tpu.dma_semaphore, #tpu.memory_space<semaphore_mem>>
    %dma_start3A_232 = arith.constant 0 : i32
    %dma_start3A_233 = tpu.memref_slice %arg3[%dma_start3A_221, %mul3A_86, %dma_start3A_232] : memref<8x4096x128xf32, #tpu.memory_space<hbm>> -> memref<1x32x128xf32, #tpu.memory_space<hbm>>
    %dma_start3A_234 = tpu.memref_squeeze %dma_start3A_233 : memref<1x32x128xf32, #tpu.memory_space<hbm>> -> memref<32x128xf32, #tpu.memory_space<hbm>>
    %dma_start3A_235 = arith.constant 0 : i32
    %dma_start3A_236 = arith.constant 896 : i32
    %dma_start3A_237 = tpu.memref_slice %arg5[%dma_start3A_220, %dma_start3A_235, %dma_start3A_236] : memref<2x32x1024xf32, #tpu.memory_space<vmem>> -> memref<1x32x128xf32, #tpu.memory_space<vmem>>
    %dma_start3A_238 = tpu.memref_squeeze %dma_start3A_237 : memref<1x32x128xf32, #tpu.memory_space<vmem>> -> memref<32x128xf32, #tpu.memory_space<vmem>>
    tpu.enqueue_dma source(%dma_start3A_238 : memref<32x128xf32, #tpu.memory_space<vmem>>) target(%dma_start3A_234 : memref<32x128xf32, #tpu.memory_space<hbm>>) target_semaphore(%dma_start3A_231 : memref<!tpu.dma_semaphore, #tpu.memory_space<semaphore_mem>>)
    %mul3A_239 = arith.constant 4 : i32
    %mul3A_240 = arith.muli %add3A, %mul3A_239 : i32
    %add3A_241 = arith.constant 2 : i32
    %add3A_242 = arith.addi %mul3A_240, %add3A_241 : i32
    %mul3A_243 = arith.constant 32 : i32
    %mul3A_244 = arith.muli %add3A_242, %mul3A_243 : i32
    %dma_start3A_245 = arith.constant 0 : i32
    %dma_start3A_246 = arith.constant 0 : i32
    %dma_start3A_247 = arith.constant 0 : i32
    %dma_start3A_248 = arith.constant 0 : i32
    %dma_start3A_249 = tpu.memref_slice %arg4[%dma_start3A_245, %dma_start3A_247, %dma_start3A_248] : memref<2x32x211xi32, #tpu.memory_space<vmem>> -> memref<1x32x200xi32, #tpu.memory_space<vmem>>
    %dma_start3A_250 = tpu.memref_squeeze %dma_start3A_249 : memref<1x32x200xi32, #tpu.memory_space<vmem>> -> memref<32x200xi32, #tpu.memory_space<vmem>>
    %dma_start3A_251 = arith.constant 0 : i32
    %dma_start3A_252 = tpu.memref_slice %arg2[%mul3A_244, %dma_start3A_251] : memref<4096x200xi32, #tpu.memory_space<hbm>> -> memref<32x200xi32, #tpu.memory_space<hbm>>
    %dma_start3A_253 = tpu.memref_slice %arg6[%dma_start3A_246] : memref<2x!tpu.dma_semaphore, #tpu.memory_space<semaphore_mem>> -> memref<1x!tpu.dma_semaphore, #tpu.memory_space<semaphore_mem>>
    %dma_start3A_254 = tpu.memref_squeeze %dma_start3A_253 : memref<1x!tpu.dma_semaphore, #tpu.memory_space<semaphore_mem>> -> memref<!tpu.dma_semaphore, #tpu.memory_space<semaphore_mem>>
    %dma_start3A_255 = arith.constant 0 : i32
    %dma_start3A_256 = arith.constant 0 : i32
    %dma_start3A_257 = tpu.memref_slice %arg4[%dma_start3A_245, %dma_start3A_255, %dma_start3A_256] : memref<2x32x211xi32, #tpu.memory_space<vmem>> -> memref<1x32x200xi32, #tpu.memory_space<vmem>>
    %dma_start3A_258 = tpu.memref_squeeze %dma_start3A_257 : memref<1x32x200xi32, #tpu.memory_space<vmem>> -> memref<32x200xi32, #tpu.memory_space<vmem>>
    %dma_start3A_259 = arith.constant 0 : i32
    %dma_start3A_260 = tpu.memref_slice %arg2[%mul3A_244, %dma_start3A_259] : memref<4096x200xi32, #tpu.memory_space<hbm>> -> memref<32x200xi32, #tpu.memory_space<hbm>>
    tpu.enqueue_dma source(%dma_start3A_260 : memref<32x200xi32, #tpu.memory_space<hbm>>) target(%dma_start3A_258 : memref<32x200xi32, #tpu.memory_space<vmem>>) target_semaphore(%dma_start3A_254 : memref<!tpu.dma_semaphore, #tpu.memory_space<semaphore_mem>>)
    %dma_wait3A_261 = arith.constant 1 : i32
    %dma_wait3A_262 = arith.constant 1 : i32
    %dma_wait3A_263 = arith.constant 0 : i32
    %dma_wait3A_264 = arith.constant 0 : i32
    %dma_wait3A_265 = tpu.memref_slice %arg4[%dma_wait3A_261, %dma_wait3A_263, %dma_wait3A_264] : memref<2x32x211xi32, #tpu.memory_space<vmem>> -> memref<1x32x200xi32, #tpu.memory_space<vmem>>
    %dma_wait3A_266 = tpu.memref_squeeze %dma_wait3A_265 : memref<1x32x200xi32, #tpu.memory_space<vmem>> -> memref<32x200xi32, #tpu.memory_space<vmem>>
    %dma_wait3A_267 = arith.constant 0 : i32
    %dma_wait3A_268 = tpu.memref_slice %arg2[%mul3A_36, %dma_wait3A_267] : memref<4096x200xi32, #tpu.memory_space<hbm>> -> memref<32x200xi32, #tpu.memory_space<hbm>>
    %dma_wait3A_269 = tpu.memref_slice %arg6[%dma_wait3A_262] : memref<2x!tpu.dma_semaphore, #tpu.memory_space<semaphore_mem>> -> memref<1x!tpu.dma_semaphore, #tpu.memory_space<semaphore_mem>>
    %dma_wait3A_270 = tpu.memref_squeeze %dma_wait3A_269 : memref<1x!tpu.dma_semaphore, #tpu.memory_space<semaphore_mem>> -> memref<!tpu.dma_semaphore, #tpu.memory_space<semaphore_mem>>
    %dma_wait3A_271 = arith.constant 0 : i32
    %dma_wait3A_272 = arith.constant 0 : i32
    %dma_wait3A_273 = tpu.memref_slice %arg4[%dma_wait3A_261, %dma_wait3A_271, %dma_wait3A_272] : memref<2x32x211xi32, #tpu.memory_space<vmem>> -> memref<1x32x200xi32, #tpu.memory_space<vmem>>
    %dma_wait3A_274 = tpu.memref_squeeze %dma_wait3A_273 : memref<1x32x200xi32, #tpu.memory_space<vmem>> -> memref<32x200xi32, #tpu.memory_space<vmem>>
    %dma_wait3A_275 = arith.constant 0 : i32
    %dma_wait3A_276 = tpu.memref_slice %arg2[%mul3A_36, %dma_wait3A_275] : memref<4096x200xi32, #tpu.memory_space<hbm>> -> memref<32x200xi32, #tpu.memory_space<hbm>>
    tpu.wait_dma2 semaphore(%dma_wait3A_270 : memref<!tpu.dma_semaphore, #tpu.memory_space<semaphore_mem>>) src(%dma_wait3A_276 : memref<32x200xi32, #tpu.memory_space<hbm>>) dst(%dma_wait3A_274 : memref<32x200xi32, #tpu.memory_space<vmem>>)
    %scan3A_277 = arith.constant 0 : i32
    %scan3A_278 = arith.constant 0 : i32
    %scan3A_279 = arith.constant 32 : i32
    %scan3A_280 = arith.addi %scan3A_278, %scan3A_279 : i32
    %scan3A_281 = arith.constant 1 : i32
    scf.for %scan3A_1455 = %scan3A_278 to %scan3A_280 step %scan3A_281  : i32 {
      %swap3A = arith.constant 1 : i32
      %swap3A_1456 = arith.index_cast %swap3A : i32 to index
      %swap3A_1457 = arith.index_cast %scan3A_1455 : i32 to index
      %swap3A_1458 = arith.constant 0 : index
      %swap3A_1459 = tpu.vector_load %arg5[%swap3A_1456, %swap3A_1457, %swap3A_1458] {strides = array<i32>} : memref<2x32x1024xf32, #tpu.memory_space<vmem>>, vector<16xf32>,
      tpu.vector_store %arg5[%swap3A_1456, %swap3A_1457, %swap3A_1458], %broadcast_in_dim3A_3 {strides = array<i32>} : memref<2x32x1024xf32, #tpu.memory_space<vmem>>, vector<16xf32>,
      %swap3A_1460 = arith.constant 1 : i32
      %swap3A_1461 = arith.index_cast %swap3A_1460 : i32 to index
      %swap3A_1462 = arith.index_cast %scan3A_1455 : i32 to index
      %swap3A_1463 = arith.constant 16 : index
      %swap3A_1464 = tpu.vector_load %arg5[%swap3A_1461, %swap3A_1462, %swap3A_1463] {strides = array<i32>} : memref<2x32x1024xf32, #tpu.memory_space<vmem>>, vector<16xf32>,
      tpu.vector_store %arg5[%swap3A_1461, %swap3A_1462, %swap3A_1463], %broadcast_in_dim3A_3 {strides = array<i32>} : memref<2x32x1024xf32, #tpu.memory_space<vmem>>, vector<16xf32>,
      %swap3A_1465 = arith.constant 1 : i32
      %swap3A_1466 = arith.index_cast %swap3A_1465 : i32 to index
      %swap3A_1467 = arith.index_cast %scan3A_1455 : i32 to index
      %swap3A_1468 = arith.constant 32 : index
      %swap3A_1469 = tpu.vector_load %arg5[%swap3A_1466, %swap3A_1467, %swap3A_1468] {strides = array<i32>} : memref<2x32x1024xf32, #tpu.memory_space<vmem>>, vector<16xf32>,
      tpu.vector_store %arg5[%swap3A_1466, %swap3A_1467, %swap3A_1468], %broadcast_in_dim3A_3 {strides = array<i32>} : memref<2x32x1024xf32, #tpu.memory_space<vmem>>, vector<16xf32>,
      %swap3A_1470 = arith.constant 1 : i32
      %swap3A_1471 = arith.index_cast %swap3A_1470 : i32 to index
      %swap3A_1472 = arith.index_cast %scan3A_1455 : i32 to index
      %swap3A_1473 = arith.constant 48 : index
      %swap3A_1474 = tpu.vector_load %arg5[%swap3A_1471, %swap3A_1472, %swap3A_1473] {strides = array<i32>} : memref<2x32x1024xf32, #tpu.memory_space<vmem>>, vector<16xf32>,
      tpu.vector_store %arg5[%swap3A_1471, %swap3A_1472, %swap3A_1473], %broadcast_in_dim3A_3 {strides = array<i32>} : memref<2x32x1024xf32, #tpu.memory_space<vmem>>, vector<16xf32>,
      %swap3A_1475 = arith.constant 1 : i32
      %swap3A_1476 = arith.index_cast %swap3A_1475 : i32 to index
      %swap3A_1477 = arith.index_cast %scan3A_1455 : i32 to index
      %swap3A_1478 = arith.constant 64 : index
      %swap3A_1479 = tpu.vector_load %arg5[%swap3A_1476, %swap3A_1477, %swap3A_1478] {strides = array<i32>} : memref<2x32x1024xf32, #tpu.memory_space<vmem>>, vector<16xf32>,
      tpu.vector_store %arg5[%swap3A_1476, %swap3A_1477, %swap3A_1478], %broadcast_in_dim3A_3 {strides = array<i32>} : memref<2x32x1024xf32, #tpu.memory_space<vmem>>, vector<16xf32>,
      %swap3A_1480 = arith.constant 1 : i32
      %swap3A_1481 = arith.index_cast %swap3A_1480 : i32 to index
      %swap3A_1482 = arith.index_cast %scan3A_1455 : i32 to index
      %swap3A_1483 = arith.constant 80 : index
      %swap3A_1484 = tpu.vector_load %arg5[%swap3A_1481, %swap3A_1482, %swap3A_1483] {strides = array<i32>} : memref<2x32x1024xf32, #tpu.memory_space<vmem>>, vector<16xf32>,
      tpu.vector_store %arg5[%swap3A_1481, %swap3A_1482, %swap3A_1483], %broadcast_in_dim3A_3 {strides = array<i32>} : memref<2x32x1024xf32, #tpu.memory_space<vmem>>, vector<16xf32>,
      %swap3A_1485 = arith.constant 1 : i32
      %swap3A_1486 = arith.index_cast %swap3A_1485 : i32 to index
      %swap3A_1487 = arith.index_cast %scan3A_1455 : i32 to index
      %swap3A_1488 = arith.constant 96 : index
      %swap3A_1489 = tpu.vector_load %arg5[%swap3A_1486, %swap3A_1487, %swap3A_1488] {strides = array<i32>} : memref<2x32x1024xf32, #tpu.memory_space<vmem>>, vector<16xf32>,
      tpu.vector_store %arg5[%swap3A_1486, %swap3A_1487, %swap3A_1488], %broadcast_in_dim3A_3 {strides = array<i32>} : memref<2x32x1024xf32, #tpu.memory_space<vmem>>, vector<16xf32>,
      %swap3A_1490 = arith.constant 1 : i32
      %swap3A_1491 = arith.index_cast %swap3A_1490 : i32 to index
      %swap3A_1492 = arith.index_cast %scan3A_1455 : i32 to index
      %swap3A_1493 = arith.constant 112 : index
      %swap3A_1494 = tpu.vector_load %arg5[%swap3A_1491, %swap3A_1492, %swap3A_1493] {strides = array<i32>} : memref<2x32x1024xf32, #tpu.memory_space<vmem>>, vector<16xf32>,
      tpu.vector_store %arg5[%swap3A_1491, %swap3A_1492, %swap3A_1493], %broadcast_in_dim3A_3 {strides = array<i32>} : memref<2x32x1024xf32, #tpu.memory_space<vmem>>, vector<16xf32>,
      %swap3A_1495 = arith.constant 1 : i32
      %swap3A_1496 = arith.index_cast %swap3A_1495 : i32 to index
      %swap3A_1497 = arith.index_cast %scan3A_1455 : i32 to index
      %swap3A_1498 = arith.constant 128 : index
      %swap3A_1499 = tpu.vector_load %arg5[%swap3A_1496, %swap3A_1497, %swap3A_1498] {strides = array<i32>} : memref<2x32x1024xf32, #tpu.memory_space<vmem>>, vector<16xf32>,
      tpu.vector_store %arg5[%swap3A_1496, %swap3A_1497, %swap3A_1498], %broadcast_in_dim3A_3 {strides = array<i32>} : memref<2x32x1024xf32, #tpu.memory_space<vmem>>, vector<16xf32>,
      %swap3A_1500 = arith.constant 1 : i32
      %swap3A_1501 = arith.index_cast %swap3A_1500 : i32 to index
      %swap3A_1502 = arith.index_cast %scan3A_1455 : i32 to index
      %swap3A_1503 = arith.constant 144 : index
      %swap3A_1504 = tpu.vector_load %arg5[%swap3A_1501, %swap3A_1502, %swap3A_1503] {strides = array<i32>} : memref<2x32x1024xf32, #tpu.memory_space<vmem>>, vector<16xf32>,
      tpu.vector_store %arg5[%swap3A_1501, %swap3A_1502, %swap3A_1503], %broadcast_in_dim3A_3 {strides = array<i32>} : memref<2x32x1024xf32, #tpu.memory_space<vmem>>, vector<16xf32>,
      %swap3A_1505 = arith.constant 1 : i32
      %swap3A_1506 = arith.index_cast %swap3A_1505 : i32 to index
      %swap3A_1507 = arith.index_cast %scan3A_1455 : i32 to index
      %swap3A_1508 = arith.constant 160 : index
      %swap3A_1509 = tpu.vector_load %arg5[%swap3A_1506, %swap3A_1507, %swap3A_1508] {strides = array<i32>} : memref<2x32x1024xf32, #tpu.memory_space<vmem>>, vector<16xf32>,
      tpu.vector_store %arg5[%swap3A_1506, %swap3A_1507, %swap3A_1508], %broadcast_in_dim3A_3 {strides = array<i32>} : memref<2x32x1024xf32, #tpu.memory_space<vmem>>, vector<16xf32>,
      %swap3A_1510 = arith.constant 1 : i32
      %swap3A_1511 = arith.index_cast %swap3A_1510 : i32 to index
      %swap3A_1512 = arith.index_cast %scan3A_1455 : i32 to index
      %swap3A_1513 = arith.constant 176 : index
      %swap3A_1514 = tpu.vector_load %arg5[%swap3A_1511, %swap3A_1512, %swap3A_1513] {strides = array<i32>} : memref<2x32x1024xf32, #tpu.memory_space<vmem>>, vector<16xf32>,
      tpu.vector_store %arg5[%swap3A_1511, %swap3A_1512, %swap3A_1513], %broadcast_in_dim3A_3 {strides = array<i32>} : memref<2x32x1024xf32, #tpu.memory_space<vmem>>, vector<16xf32>,
      %swap3A_1515 = arith.constant 1 : i32
      %swap3A_1516 = arith.index_cast %swap3A_1515 : i32 to index
      %swap3A_1517 = arith.index_cast %scan3A_1455 : i32 to index
      %swap3A_1518 = arith.constant 192 : index
      %swap3A_1519 = tpu.vector_load %arg5[%swap3A_1516, %swap3A_1517, %swap3A_1518] {strides = array<i32>} : memref<2x32x1024xf32, #tpu.memory_space<vmem>>, vector<16xf32>,
      tpu.vector_store %arg5[%swap3A_1516, %swap3A_1517, %swap3A_1518], %broadcast_in_dim3A_3 {strides = array<i32>} : memref<2x32x1024xf32, #tpu.memory_space<vmem>>, vector<16xf32>,
      %swap3A_1520 = arith.constant 1 : i32
      %swap3A_1521 = arith.index_cast %swap3A_1520 : i32 to index
      %swap3A_1522 = arith.index_cast %scan3A_1455 : i32 to index
      %swap3A_1523 = arith.constant 208 : index
      %swap3A_1524 = tpu.vector_load %arg5[%swap3A_1521, %swap3A_1522, %swap3A_1523] {strides = array<i32>} : memref<2x32x1024xf32, #tpu.memory_space<vmem>>, vector<16xf32>,
      tpu.vector_store %arg5[%swap3A_1521, %swap3A_1522, %swap3A_1523], %broadcast_in_dim3A_3 {strides = array<i32>} : memref<2x32x1024xf32, #tpu.memory_space<vmem>>, vector<16xf32>,
      %swap3A_1525 = arith.constant 1 : i32
      %swap3A_1526 = arith.index_cast %swap3A_1525 : i32 to index
      %swap3A_1527 = arith.index_cast %scan3A_1455 : i32 to index
      %swap3A_1528 = arith.constant 224 : index
      %swap3A_1529 = tpu.vector_load %arg5[%swap3A_1526, %swap3A_1527, %swap3A_1528] {strides = array<i32>} : memref<2x32x1024xf32, #tpu.memory_space<vmem>>, vector<16xf32>,
      tpu.vector_store %arg5[%swap3A_1526, %swap3A_1527, %swap3A_1528], %broadcast_in_dim3A_3 {strides = array<i32>} : memref<2x32x1024xf32, #tpu.memory_space<vmem>>, vector<16xf32>,
      %swap3A_1530 = arith.constant 1 : i32
      %swap3A_1531 = arith.index_cast %swap3A_1530 : i32 to index
      %swap3A_1532 = arith.index_cast %scan3A_1455 : i32 to index
      %swap3A_1533 = arith.constant 240 : index
      %swap3A_1534 = tpu.vector_load %arg5[%swap3A_1531, %swap3A_1532, %swap3A_1533] {strides = array<i32>} : memref<2x32x1024xf32, #tpu.memory_space<vmem>>, vector<16xf32>,
      tpu.vector_store %arg5[%swap3A_1531, %swap3A_1532, %swap3A_1533], %broadcast_in_dim3A_3 {strides = array<i32>} : memref<2x32x1024xf32, #tpu.memory_space<vmem>>, vector<16xf32>,
      %swap3A_1535 = arith.constant 1 : i32
      %swap3A_1536 = arith.index_cast %swap3A_1535 : i32 to index
      %swap3A_1537 = arith.index_cast %scan3A_1455 : i32 to index
      %swap3A_1538 = arith.constant 256 : index
      %swap3A_1539 = tpu.vector_load %arg5[%swap3A_1536, %swap3A_1537, %swap3A_1538] {strides = array<i32>} : memref<2x32x1024xf32, #tpu.memory_space<vmem>>, vector<16xf32>,
      tpu.vector_store %arg5[%swap3A_1536, %swap3A_1537, %swap3A_1538], %broadcast_in_dim3A_3 {strides = array<i32>} : memref<2x32x1024xf32, #tpu.memory_space<vmem>>, vector<16xf32>,
      %swap3A_1540 = arith.constant 1 : i32
      %swap3A_1541 = arith.index_cast %swap3A_1540 : i32 to index
      %swap3A_1542 = arith.index_cast %scan3A_1455 : i32 to index
      %swap3A_1543 = arith.constant 272 : index
      %swap3A_1544 = tpu.vector_load %arg5[%swap3A_1541, %swap3A_1542, %swap3A_1543] {strides = array<i32>} : memref<2x32x1024xf32, #tpu.memory_space<vmem>>, vector<16xf32>,
      tpu.vector_store %arg5[%swap3A_1541, %swap3A_1542, %swap3A_1543], %broadcast_in_dim3A_3 {strides = array<i32>} : memref<2x32x1024xf32, #tpu.memory_space<vmem>>, vector<16xf32>,
      %swap3A_1545 = arith.constant 1 : i32
      %swap3A_1546 = arith.index_cast %swap3A_1545 : i32 to index
      %swap3A_1547 = arith.index_cast %scan3A_1455 : i32 to index
      %swap3A_1548 = arith.constant 288 : index
      %swap3A_1549 = tpu.vector_load %arg5[%swap3A_1546, %swap3A_1547, %swap3A_1548] {strides = array<i32>} : memref<2x32x1024xf32, #tpu.memory_space<vmem>>, vector<16xf32>,
      tpu.vector_store %arg5[%swap3A_1546, %swap3A_1547, %swap3A_1548], %broadcast_in_dim3A_3 {strides = array<i32>} : memref<2x32x1024xf32, #tpu.memory_space<vmem>>, vector<16xf32>,
      %swap3A_1550 = arith.constant 1 : i32
      %swap3A_1551 = arith.index_cast %swap3A_1550 : i32 to index
      %swap3A_1552 = arith.index_cast %scan3A_1455 : i32 to index
      %swap3A_1553 = arith.constant 304 : index
      %swap3A_1554 = tpu.vector_load %arg5[%swap3A_1551, %swap3A_1552, %swap3A_1553] {strides = array<i32>} : memref<2x32x1024xf32, #tpu.memory_space<vmem>>, vector<16xf32>,
      tpu.vector_store %arg5[%swap3A_1551, %swap3A_1552, %swap3A_1553], %broadcast_in_dim3A_3 {strides = array<i32>} : memref<2x32x1024xf32, #tpu.memory_space<vmem>>, vector<16xf32>,
      %swap3A_1555 = arith.constant 1 : i32
      %swap3A_1556 = arith.index_cast %swap3A_1555 : i32 to index
      %swap3A_1557 = arith.index_cast %scan3A_1455 : i32 to index
      %swap3A_1558 = arith.constant 320 : index
      %swap3A_1559 = tpu.vector_load %arg5[%swap3A_1556, %swap3A_1557, %swap3A_1558] {strides = array<i32>} : memref<2x32x1024xf32, #tpu.memory_space<vmem>>, vector<16xf32>,
      tpu.vector_store %arg5[%swap3A_1556, %swap3A_1557, %swap3A_1558], %broadcast_in_dim3A_3 {strides = array<i32>} : memref<2x32x1024xf32, #tpu.memory_space<vmem>>, vector<16xf32>,
      %swap3A_1560 = arith.constant 1 : i32
      %swap3A_1561 = arith.index_cast %swap3A_1560 : i32 to index
      %swap3A_1562 = arith.index_cast %scan3A_1455 : i32 to index
      %swap3A_1563 = arith.constant 336 : index
      %swap3A_1564 = tpu.vector_load %arg5[%swap3A_1561, %swap3A_1562, %swap3A_1563] {strides = array<i32>} : memref<2x32x1024xf32, #tpu.memory_space<vmem>>, vector<16xf32>,
      tpu.vector_store %arg5[%swap3A_1561, %swap3A_1562, %swap3A_1563], %broadcast_in_dim3A_3 {strides = array<i32>} : memref<2x32x1024xf32, #tpu.memory_space<vmem>>, vector<16xf32>,
      %swap3A_1565 = arith.constant 1 : i32
      %swap3A_1566 = arith.index_cast %swap3A_1565 : i32 to index
      %swap3A_1567 = arith.index_cast %scan3A_1455 : i32 to index
      %swap3A_1568 = arith.constant 352 : index
      %swap3A_1569 = tpu.vector_load %arg5[%swap3A_1566, %swap3A_1567, %swap3A_1568] {strides = array<i32>} : memref<2x32x1024xf32, #tpu.memory_space<vmem>>, vector<16xf32>,
      tpu.vector_store %arg5[%swap3A_1566, %swap3A_1567, %swap3A_1568], %broadcast_in_dim3A_3 {strides = array<i32>} : memref<2x32x1024xf32, #tpu.memory_space<vmem>>, vector<16xf32>,
      %swap3A_1570 = arith.constant 1 : i32
      %swap3A_1571 = arith.index_cast %swap3A_1570 : i32 to index
      %swap3A_1572 = arith.index_cast %scan3A_1455 : i32 to index
      %swap3A_1573 = arith.constant 368 : index
      %swap3A_1574 = tpu.vector_load %arg5[%swap3A_1571, %swap3A_1572, %swap3A_1573] {strides = array<i32>} : memref<2x32x1024xf32, #tpu.memory_space<vmem>>, vector<16xf32>,
      tpu.vector_store %arg5[%swap3A_1571, %swap3A_1572, %swap3A_1573], %broadcast_in_dim3A_3 {strides = array<i32>} : memref<2x32x1024xf32, #tpu.memory_space<vmem>>, vector<16xf32>,
      %swap3A_1575 = arith.constant 1 : i32
      %swap3A_1576 = arith.index_cast %swap3A_1575 : i32 to index
      %swap3A_1577 = arith.index_cast %scan3A_1455 : i32 to index
      %swap3A_1578 = arith.constant 384 : index
      %swap3A_1579 = tpu.vector_load %arg5[%swap3A_1576, %swap3A_1577, %swap3A_1578] {strides = array<i32>} : memref<2x32x1024xf32, #tpu.memory_space<vmem>>, vector<16xf32>,
      tpu.vector_store %arg5[%swap3A_1576, %swap3A_1577, %swap3A_1578], %broadcast_in_dim3A_3 {strides = array<i32>} : memref<2x32x1024xf32, #tpu.memory_space<vmem>>, vector<16xf32>,
      %swap3A_1580 = arith.constant 1 : i32
      %swap3A_1581 = arith.index_cast %swap3A_1580 : i32 to index
      %swap3A_1582 = arith.index_cast %scan3A_1455 : i32 to index
      %swap3A_1583 = arith.constant 400 : index
      %swap3A_1584 = tpu.vector_load %arg5[%swap3A_1581, %swap3A_1582, %swap3A_1583] {strides = array<i32>} : memref<2x32x1024xf32, #tpu.memory_space<vmem>>, vector<16xf32>,
      tpu.vector_store %arg5[%swap3A_1581, %swap3A_1582, %swap3A_1583], %broadcast_in_dim3A_3 {strides = array<i32>} : memref<2x32x1024xf32, #tpu.memory_space<vmem>>, vector<16xf32>,
      %swap3A_1585 = arith.constant 1 : i32
      %swap3A_1586 = arith.index_cast %swap3A_1585 : i32 to index
      %swap3A_1587 = arith.index_cast %scan3A_1455 : i32 to index
      %swap3A_1588 = arith.constant 416 : index
      %swap3A_1589 = tpu.vector_load %arg5[%swap3A_1586, %swap3A_1587, %swap3A_1588] {strides = array<i32>} : memref<2x32x1024xf32, #tpu.memory_space<vmem>>, vector<16xf32>,
      tpu.vector_store %arg5[%swap3A_1586, %swap3A_1587, %swap3A_1588], %broadcast_in_dim3A_3 {strides = array<i32>} : memref<2x32x1024xf32, #tpu.memory_space<vmem>>, vector<16xf32>,
      %swap3A_1590 = arith.constant 1 : i32
      %swap3A_1591 = arith.index_cast %swap3A_1590 : i32 to index
      %swap3A_1592 = arith.index_cast %scan3A_1455 : i32 to index
      %swap3A_1593 = arith.constant 432 : index
      %swap3A_1594 = tpu.vector_load %arg5[%swap3A_1591, %swap3A_1592, %swap3A_1593] {strides = array<i32>} : memref<2x32x1024xf32, #tpu.memory_space<vmem>>, vector<16xf32>,
      tpu.vector_store %arg5[%swap3A_1591, %swap3A_1592, %swap3A_1593], %broadcast_in_dim3A_3 {strides = array<i32>} : memref<2x32x1024xf32, #tpu.memory_space<vmem>>, vector<16xf32>,
      %swap3A_1595 = arith.constant 1 : i32
      %swap3A_1596 = arith.index_cast %swap3A_1595 : i32 to index
      %swap3A_1597 = arith.index_cast %scan3A_1455 : i32 to index
      %swap3A_1598 = arith.constant 448 : index
      %swap3A_1599 = tpu.vector_load %arg5[%swap3A_1596, %swap3A_1597, %swap3A_1598] {strides = array<i32>} : memref<2x32x1024xf32, #tpu.memory_space<vmem>>, vector<16xf32>,
      tpu.vector_store %arg5[%swap3A_1596, %swap3A_1597, %swap3A_1598], %broadcast_in_dim3A_3 {strides = array<i32>} : memref<2x32x1024xf32, #tpu.memory_space<vmem>>, vector<16xf32>,
      %swap3A_1600 = arith.constant 1 : i32
      %swap3A_1601 = arith.index_cast %swap3A_1600 : i32 to index
      %swap3A_1602 = arith.index_cast %scan3A_1455 : i32 to index
      %swap3A_1603 = arith.constant 464 : index
      %swap3A_1604 = tpu.vector_load %arg5[%swap3A_1601, %swap3A_1602, %swap3A_1603] {strides = array<i32>} : memref<2x32x1024xf32, #tpu.memory_space<vmem>>, vector<16xf32>,
      tpu.vector_store %arg5[%swap3A_1601, %swap3A_1602, %swap3A_1603], %broadcast_in_dim3A_3 {strides = array<i32>} : memref<2x32x1024xf32, #tpu.memory_space<vmem>>, vector<16xf32>,
      %swap3A_1605 = arith.constant 1 : i32
      %swap3A_1606 = arith.index_cast %swap3A_1605 : i32 to index
      %swap3A_1607 = arith.index_cast %scan3A_1455 : i32 to index
      %swap3A_1608 = arith.constant 480 : index
      %swap3A_1609 = tpu.vector_load %arg5[%swap3A_1606, %swap3A_1607, %swap3A_1608] {strides = array<i32>} : memref<2x32x1024xf32, #tpu.memory_space<vmem>>, vector<16xf32>,
      tpu.vector_store %arg5[%swap3A_1606, %swap3A_1607, %swap3A_1608], %broadcast_in_dim3A_3 {strides = array<i32>} : memref<2x32x1024xf32, #tpu.memory_space<vmem>>, vector<16xf32>,
      %swap3A_1610 = arith.constant 1 : i32
      %swap3A_1611 = arith.index_cast %swap3A_1610 : i32 to index
      %swap3A_1612 = arith.index_cast %scan3A_1455 : i32 to index
      %swap3A_1613 = arith.constant 496 : index
      %swap3A_1614 = tpu.vector_load %arg5[%swap3A_1611, %swap3A_1612, %swap3A_1613] {strides = array<i32>} : memref<2x32x1024xf32, #tpu.memory_space<vmem>>, vector<16xf32>,
      tpu.vector_store %arg5[%swap3A_1611, %swap3A_1612, %swap3A_1613], %broadcast_in_dim3A_3 {strides = array<i32>} : memref<2x32x1024xf32, #tpu.memory_space<vmem>>, vector<16xf32>,
      %swap3A_1615 = arith.constant 1 : i32
      %swap3A_1616 = arith.index_cast %swap3A_1615 : i32 to index
      %swap3A_1617 = arith.index_cast %scan3A_1455 : i32 to index
      %swap3A_1618 = arith.constant 512 : index
      %swap3A_1619 = tpu.vector_load %arg5[%swap3A_1616, %swap3A_1617, %swap3A_1618] {strides = array<i32>} : memref<2x32x1024xf32, #tpu.memory_space<vmem>>, vector<16xf32>,
      tpu.vector_store %arg5[%swap3A_1616, %swap3A_1617, %swap3A_1618], %broadcast_in_dim3A_3 {strides = array<i32>} : memref<2x32x1024xf32, #tpu.memory_space<vmem>>, vector<16xf32>,
      %swap3A_1620 = arith.constant 1 : i32
      %swap3A_1621 = arith.index_cast %swap3A_1620 : i32 to index
      %swap3A_1622 = arith.index_cast %scan3A_1455 : i32 to index
      %swap3A_1623 = arith.constant 528 : index
      %swap3A_1624 = tpu.vector_load %arg5[%swap3A_1621, %swap3A_1622, %swap3A_1623] {strides = array<i32>} : memref<2x32x1024xf32, #tpu.memory_space<vmem>>, vector<16xf32>,
      tpu.vector_store %arg5[%swap3A_1621, %swap3A_1622, %swap3A_1623], %broadcast_in_dim3A_3 {strides = array<i32>} : memref<2x32x1024xf32, #tpu.memory_space<vmem>>, vector<16xf32>,
      %swap3A_1625 = arith.constant 1 : i32
      %swap3A_1626 = arith.index_cast %swap3A_1625 : i32 to index
      %swap3A_1627 = arith.index_cast %scan3A_1455 : i32 to index
      %swap3A_1628 = arith.constant 544 : index
      %swap3A_1629 = tpu.vector_load %arg5[%swap3A_1626, %swap3A_1627, %swap3A_1628] {strides = array<i32>} : memref<2x32x1024xf32, #tpu.memory_space<vmem>>, vector<16xf32>,
      tpu.vector_store %arg5[%swap3A_1626, %swap3A_1627, %swap3A_1628], %broadcast_in_dim3A_3 {strides = array<i32>} : memref<2x32x1024xf32, #tpu.memory_space<vmem>>, vector<16xf32>,
      %swap3A_1630 = arith.constant 1 : i32
      %swap3A_1631 = arith.index_cast %swap3A_1630 : i32 to index
      %swap3A_1632 = arith.index_cast %scan3A_1455 : i32 to index
      %swap3A_1633 = arith.constant 560 : index
      %swap3A_1634 = tpu.vector_load %arg5[%swap3A_1631, %swap3A_1632, %swap3A_1633] {strides = array<i32>} : memref<2x32x1024xf32, #tpu.memory_space<vmem>>, vector<16xf32>,
      tpu.vector_store %arg5[%swap3A_1631, %swap3A_1632, %swap3A_1633], %broadcast_in_dim3A_3 {strides = array<i32>} : memref<2x32x1024xf32, #tpu.memory_space<vmem>>, vector<16xf32>,
      %swap3A_1635 = arith.constant 1 : i32
      %swap3A_1636 = arith.index_cast %swap3A_1635 : i32 to index
      %swap3A_1637 = arith.index_cast %scan3A_1455 : i32 to index
      %swap3A_1638 = arith.constant 576 : index
      %swap3A_1639 = tpu.vector_load %arg5[%swap3A_1636, %swap3A_1637, %swap3A_1638] {strides = array<i32>} : memref<2x32x1024xf32, #tpu.memory_space<vmem>>, vector<16xf32>,
      tpu.vector_store %arg5[%swap3A_1636, %swap3A_1637, %swap3A_1638], %broadcast_in_dim3A_3 {strides = array<i32>} : memref<2x32x1024xf32, #tpu.memory_space<vmem>>, vector<16xf32>,
      %swap3A_1640 = arith.constant 1 : i32
      %swap3A_1641 = arith.index_cast %swap3A_1640 : i32 to index
      %swap3A_1642 = arith.index_cast %scan3A_1455 : i32 to index
      %swap3A_1643 = arith.constant 592 : index
      %swap3A_1644 = tpu.vector_load %arg5[%swap3A_1641, %swap3A_1642, %swap3A_1643] {strides = array<i32>} : memref<2x32x1024xf32, #tpu.memory_space<vmem>>, vector<16xf32>,
      tpu.vector_store %arg5[%swap3A_1641, %swap3A_1642, %swap3A_1643], %broadcast_in_dim3A_3 {strides = array<i32>} : memref<2x32x1024xf32, #tpu.memory_space<vmem>>, vector<16xf32>,
      %swap3A_1645 = arith.constant 1 : i32
      %swap3A_1646 = arith.index_cast %swap3A_1645 : i32 to index
      %swap3A_1647 = arith.index_cast %scan3A_1455 : i32 to index
      %swap3A_1648 = arith.constant 608 : index
      %swap3A_1649 = tpu.vector_load %arg5[%swap3A_1646, %swap3A_1647, %swap3A_1648] {strides = array<i32>} : memref<2x32x1024xf32, #tpu.memory_space<vmem>>, vector<16xf32>,
      tpu.vector_store %arg5[%swap3A_1646, %swap3A_1647, %swap3A_1648], %broadcast_in_dim3A_3 {strides = array<i32>} : memref<2x32x1024xf32, #tpu.memory_space<vmem>>, vector<16xf32>,
      %swap3A_1650 = arith.constant 1 : i32
      %swap3A_1651 = arith.index_cast %swap3A_1650 : i32 to index
      %swap3A_1652 = arith.index_cast %scan3A_1455 : i32 to index
      %swap3A_1653 = arith.constant 624 : index
      %swap3A_1654 = tpu.vector_load %arg5[%swap3A_1651, %swap3A_1652, %swap3A_1653] {strides = array<i32>} : memref<2x32x1024xf32, #tpu.memory_space<vmem>>, vector<16xf32>,
      tpu.vector_store %arg5[%swap3A_1651, %swap3A_1652, %swap3A_1653], %broadcast_in_dim3A_3 {strides = array<i32>} : memref<2x32x1024xf32, #tpu.memory_space<vmem>>, vector<16xf32>,
      %swap3A_1655 = arith.constant 1 : i32
      %swap3A_1656 = arith.index_cast %swap3A_1655 : i32 to index
      %swap3A_1657 = arith.index_cast %scan3A_1455 : i32 to index
      %swap3A_1658 = arith.constant 640 : index
      %swap3A_1659 = tpu.vector_load %arg5[%swap3A_1656, %swap3A_1657, %swap3A_1658] {strides = array<i32>} : memref<2x32x1024xf32, #tpu.memory_space<vmem>>, vector<16xf32>,
      tpu.vector_store %arg5[%swap3A_1656, %swap3A_1657, %swap3A_1658], %broadcast_in_dim3A_3 {strides = array<i32>} : memref<2x32x1024xf32, #tpu.memory_space<vmem>>, vector<16xf32>,
      %swap3A_1660 = arith.constant 1 : i32
      %swap3A_1661 = arith.index_cast %swap3A_1660 : i32 to index
      %swap3A_1662 = arith.index_cast %scan3A_1455 : i32 to index
      %swap3A_1663 = arith.constant 656 : index
      %swap3A_1664 = tpu.vector_load %arg5[%swap3A_1661, %swap3A_1662, %swap3A_1663] {strides = array<i32>} : memref<2x32x1024xf32, #tpu.memory_space<vmem>>, vector<16xf32>,
      tpu.vector_store %arg5[%swap3A_1661, %swap3A_1662, %swap3A_1663], %broadcast_in_dim3A_3 {strides = array<i32>} : memref<2x32x1024xf32, #tpu.memory_space<vmem>>, vector<16xf32>,
      %swap3A_1665 = arith.constant 1 : i32
      %swap3A_1666 = arith.index_cast %swap3A_1665 : i32 to index
      %swap3A_1667 = arith.index_cast %scan3A_1455 : i32 to index
      %swap3A_1668 = arith.constant 672 : index
      %swap3A_1669 = tpu.vector_load %arg5[%swap3A_1666, %swap3A_1667, %swap3A_1668] {strides = array<i32>} : memref<2x32x1024xf32, #tpu.memory_space<vmem>>, vector<16xf32>,
      tpu.vector_store %arg5[%swap3A_1666, %swap3A_1667, %swap3A_1668], %broadcast_in_dim3A_3 {strides = array<i32>} : memref<2x32x1024xf32, #tpu.memory_space<vmem>>, vector<16xf32>,
      %swap3A_1670 = arith.constant 1 : i32
      %swap3A_1671 = arith.index_cast %swap3A_1670 : i32 to index
      %swap3A_1672 = arith.index_cast %scan3A_1455 : i32 to index
      %swap3A_1673 = arith.constant 688 : index
      %swap3A_1674 = tpu.vector_load %arg5[%swap3A_1671, %swap3A_1672, %swap3A_1673] {strides = array<i32>} : memref<2x32x1024xf32, #tpu.memory_space<vmem>>, vector<16xf32>,
      tpu.vector_store %arg5[%swap3A_1671, %swap3A_1672, %swap3A_1673], %broadcast_in_dim3A_3 {strides = array<i32>} : memref<2x32x1024xf32, #tpu.memory_space<vmem>>, vector<16xf32>,
      %swap3A_1675 = arith.constant 1 : i32
      %swap3A_1676 = arith.index_cast %swap3A_1675 : i32 to index
      %swap3A_1677 = arith.index_cast %scan3A_1455 : i32 to index
      %swap3A_1678 = arith.constant 704 : index
      %swap3A_1679 = tpu.vector_load %arg5[%swap3A_1676, %swap3A_1677, %swap3A_1678] {strides = array<i32>} : memref<2x32x1024xf32, #tpu.memory_space<vmem>>, vector<16xf32>,
      tpu.vector_store %arg5[%swap3A_1676, %swap3A_1677, %swap3A_1678], %broadcast_in_dim3A_3 {strides = array<i32>} : memref<2x32x1024xf32, #tpu.memory_space<vmem>>, vector<16xf32>,
      %swap3A_1680 = arith.constant 1 : i32
      %swap3A_1681 = arith.index_cast %swap3A_1680 : i32 to index
      %swap3A_1682 = arith.index_cast %scan3A_1455 : i32 to index
      %swap3A_1683 = arith.constant 720 : index
      %swap3A_1684 = tpu.vector_load %arg5[%swap3A_1681, %swap3A_1682, %swap3A_1683] {strides = array<i32>} : memref<2x32x1024xf32, #tpu.memory_space<vmem>>, vector<16xf32>,
      tpu.vector_store %arg5[%swap3A_1681, %swap3A_1682, %swap3A_1683], %broadcast_in_dim3A_3 {strides = array<i32>} : memref<2x32x1024xf32, #tpu.memory_space<vmem>>, vector<16xf32>,
      %swap3A_1685 = arith.constant 1 : i32
      %swap3A_1686 = arith.index_cast %swap3A_1685 : i32 to index
      %swap3A_1687 = arith.index_cast %scan3A_1455 : i32 to index
      %swap3A_1688 = arith.constant 736 : index
      %swap3A_1689 = tpu.vector_load %arg5[%swap3A_1686, %swap3A_1687, %swap3A_1688] {strides = array<i32>} : memref<2x32x1024xf32, #tpu.memory_space<vmem>>, vector<16xf32>,
      tpu.vector_store %arg5[%swap3A_1686, %swap3A_1687, %swap3A_1688], %broadcast_in_dim3A_3 {strides = array<i32>} : memref<2x32x1024xf32, #tpu.memory_space<vmem>>, vector<16xf32>,
      %swap3A_1690 = arith.constant 1 : i32
      %swap3A_1691 = arith.index_cast %swap3A_1690 : i32 to index
      %swap3A_1692 = arith.index_cast %scan3A_1455 : i32 to index
      %swap3A_1693 = arith.constant 752 : index
      %swap3A_1694 = tpu.vector_load %arg5[%swap3A_1691, %swap3A_1692, %swap3A_1693] {strides = array<i32>} : memref<2x32x1024xf32, #tpu.memory_space<vmem>>, vector<16xf32>,
      tpu.vector_store %arg5[%swap3A_1691, %swap3A_1692, %swap3A_1693], %broadcast_in_dim3A_3 {strides = array<i32>} : memref<2x32x1024xf32, #tpu.memory_space<vmem>>, vector<16xf32>,
      %swap3A_1695 = arith.constant 1 : i32
      %swap3A_1696 = arith.index_cast %swap3A_1695 : i32 to index
      %swap3A_1697 = arith.index_cast %scan3A_1455 : i32 to index
      %swap3A_1698 = arith.constant 768 : index
      %swap3A_1699 = tpu.vector_load %arg5[%swap3A_1696, %swap3A_1697, %swap3A_1698] {strides = array<i32>} : memref<2x32x1024xf32, #tpu.memory_space<vmem>>, vector<16xf32>,
      tpu.vector_store %arg5[%swap3A_1696, %swap3A_1697, %swap3A_1698], %broadcast_in_dim3A_3 {strides = array<i32>} : memref<2x32x1024xf32, #tpu.memory_space<vmem>>, vector<16xf32>,
      %swap3A_1700 = arith.constant 1 : i32
      %swap3A_1701 = arith.index_cast %swap3A_1700 : i32 to index
      %swap3A_1702 = arith.index_cast %scan3A_1455 : i32 to index
      %swap3A_1703 = arith.constant 784 : index
      %swap3A_1704 = tpu.vector_load %arg5[%swap3A_1701, %swap3A_1702, %swap3A_1703] {strides = array<i32>} : memref<2x32x1024xf32, #tpu.memory_space<vmem>>, vector<16xf32>,
      tpu.vector_store %arg5[%swap3A_1701, %swap3A_1702, %swap3A_1703], %broadcast_in_dim3A_3 {strides = array<i32>} : memref<2x32x1024xf32, #tpu.memory_space<vmem>>, vector<16xf32>,
      %swap3A_1705 = arith.constant 1 : i32
      %swap3A_1706 = arith.index_cast %swap3A_1705 : i32 to index
      %swap3A_1707 = arith.index_cast %scan3A_1455 : i32 to index
      %swap3A_1708 = arith.constant 800 : index
      %swap3A_1709 = tpu.vector_load %arg5[%swap3A_1706, %swap3A_1707, %swap3A_1708] {strides = array<i32>} : memref<2x32x1024xf32, #tpu.memory_space<vmem>>, vector<16xf32>,
      tpu.vector_store %arg5[%swap3A_1706, %swap3A_1707, %swap3A_1708], %broadcast_in_dim3A_3 {strides = array<i32>} : memref<2x32x1024xf32, #tpu.memory_space<vmem>>, vector<16xf32>,
      %swap3A_1710 = arith.constant 1 : i32
      %swap3A_1711 = arith.index_cast %swap3A_1710 : i32 to index
      %swap3A_1712 = arith.index_cast %scan3A_1455 : i32 to index
      %swap3A_1713 = arith.constant 816 : index
      %swap3A_1714 = tpu.vector_load %arg5[%swap3A_1711, %swap3A_1712, %swap3A_1713] {strides = array<i32>} : memref<2x32x1024xf32, #tpu.memory_space<vmem>>, vector<16xf32>,
      tpu.vector_store %arg5[%swap3A_1711, %swap3A_1712, %swap3A_1713], %broadcast_in_dim3A_3 {strides = array<i32>} : memref<2x32x1024xf32, #tpu.memory_space<vmem>>, vector<16xf32>,
      %swap3A_1715 = arith.constant 1 : i32
      %swap3A_1716 = arith.index_cast %swap3A_1715 : i32 to index
      %swap3A_1717 = arith.index_cast %scan3A_1455 : i32 to index
      %swap3A_1718 = arith.constant 832 : index
      %swap3A_1719 = tpu.vector_load %arg5[%swap3A_1716, %swap3A_1717, %swap3A_1718] {strides = array<i32>} : memref<2x32x1024xf32, #tpu.memory_space<vmem>>, vector<16xf32>,
      tpu.vector_store %arg5[%swap3A_1716, %swap3A_1717, %swap3A_1718], %broadcast_in_dim3A_3 {strides = array<i32>} : memref<2x32x1024xf32, #tpu.memory_space<vmem>>, vector<16xf32>,
      %swap3A_1720 = arith.constant 1 : i32
      %swap3A_1721 = arith.index_cast %swap3A_1720 : i32 to index
      %swap3A_1722 = arith.index_cast %scan3A_1455 : i32 to index
      %swap3A_1723 = arith.constant 848 : index
      %swap3A_1724 = tpu.vector_load %arg5[%swap3A_1721, %swap3A_1722, %swap3A_1723] {strides = array<i32>} : memref<2x32x1024xf32, #tpu.memory_space<vmem>>, vector<16xf32>,
      tpu.vector_store %arg5[%swap3A_1721, %swap3A_1722, %swap3A_1723], %broadcast_in_dim3A_3 {strides = array<i32>} : memref<2x32x1024xf32, #tpu.memory_space<vmem>>, vector<16xf32>,
      %swap3A_1725 = arith.constant 1 : i32
      %swap3A_1726 = arith.index_cast %swap3A_1725 : i32 to index
      %swap3A_1727 = arith.index_cast %scan3A_1455 : i32 to index
      %swap3A_1728 = arith.constant 864 : index
      %swap3A_1729 = tpu.vector_load %arg5[%swap3A_1726, %swap3A_1727, %swap3A_1728] {strides = array<i32>} : memref<2x32x1024xf32, #tpu.memory_space<vmem>>, vector<16xf32>,
      tpu.vector_store %arg5[%swap3A_1726, %swap3A_1727, %swap3A_1728], %broadcast_in_dim3A_3 {strides = array<i32>} : memref<2x32x1024xf32, #tpu.memory_space<vmem>>, vector<16xf32>,
      %swap3A_1730 = arith.constant 1 : i32
      %swap3A_1731 = arith.index_cast %swap3A_1730 : i32 to index
      %swap3A_1732 = arith.index_cast %scan3A_1455 : i32 to index
      %swap3A_1733 = arith.constant 880 : index
      %swap3A_1734 = tpu.vector_load %arg5[%swap3A_1731, %swap3A_1732, %swap3A_1733] {strides = array<i32>} : memref<2x32x1024xf32, #tpu.memory_space<vmem>>, vector<16xf32>,
      tpu.vector_store %arg5[%swap3A_1731, %swap3A_1732, %swap3A_1733], %broadcast_in_dim3A_3 {strides = array<i32>} : memref<2x32x1024xf32, #tpu.memory_space<vmem>>, vector<16xf32>,
      %swap3A_1735 = arith.constant 1 : i32
      %swap3A_1736 = arith.index_cast %swap3A_1735 : i32 to index
      %swap3A_1737 = arith.index_cast %scan3A_1455 : i32 to index
      %swap3A_1738 = arith.constant 896 : index
      %swap3A_1739 = tpu.vector_load %arg5[%swap3A_1736, %swap3A_1737, %swap3A_1738] {strides = array<i32>} : memref<2x32x1024xf32, #tpu.memory_space<vmem>>, vector<16xf32>,
      tpu.vector_store %arg5[%swap3A_1736, %swap3A_1737, %swap3A_1738], %broadcast_in_dim3A_3 {strides = array<i32>} : memref<2x32x1024xf32, #tpu.memory_space<vmem>>, vector<16xf32>,
      %swap3A_1740 = arith.constant 1 : i32
      %swap3A_1741 = arith.index_cast %swap3A_1740 : i32 to index
      %swap3A_1742 = arith.index_cast %scan3A_1455 : i32 to index
      %swap3A_1743 = arith.constant 912 : index
      %swap3A_1744 = tpu.vector_load %arg5[%swap3A_1741, %swap3A_1742, %swap3A_1743] {strides = array<i32>} : memref<2x32x1024xf32, #tpu.memory_space<vmem>>, vector<16xf32>,
      tpu.vector_store %arg5[%swap3A_1741, %swap3A_1742, %swap3A_1743], %broadcast_in_dim3A_3 {strides = array<i32>} : memref<2x32x1024xf32, #tpu.memory_space<vmem>>, vector<16xf32>,
      %swap3A_1745 = arith.constant 1 : i32
      %swap3A_1746 = arith.index_cast %swap3A_1745 : i32 to index
      %swap3A_1747 = arith.index_cast %scan3A_1455 : i32 to index
      %swap3A_1748 = arith.constant 928 : index
      %swap3A_1749 = tpu.vector_load %arg5[%swap3A_1746, %swap3A_1747, %swap3A_1748] {strides = array<i32>} : memref<2x32x1024xf32, #tpu.memory_space<vmem>>, vector<16xf32>,
      tpu.vector_store %arg5[%swap3A_1746, %swap3A_1747, %swap3A_1748], %broadcast_in_dim3A_3 {strides = array<i32>} : memref<2x32x1024xf32, #tpu.memory_space<vmem>>, vector<16xf32>,
      %swap3A_1750 = arith.constant 1 : i32
      %swap3A_1751 = arith.index_cast %swap3A_1750 : i32 to index
      %swap3A_1752 = arith.index_cast %scan3A_1455 : i32 to index
      %swap3A_1753 = arith.constant 944 : index
      %swap3A_1754 = tpu.vector_load %arg5[%swap3A_1751, %swap3A_1752, %swap3A_1753] {strides = array<i32>} : memref<2x32x1024xf32, #tpu.memory_space<vmem>>, vector<16xf32>,
      tpu.vector_store %arg5[%swap3A_1751, %swap3A_1752, %swap3A_1753], %broadcast_in_dim3A_3 {strides = array<i32>} : memref<2x32x1024xf32, #tpu.memory_space<vmem>>, vector<16xf32>,
      %swap3A_1755 = arith.constant 1 : i32
      %swap3A_1756 = arith.index_cast %swap3A_1755 : i32 to index
      %swap3A_1757 = arith.index_cast %scan3A_1455 : i32 to index
      %swap3A_1758 = arith.constant 960 : index
      %swap3A_1759 = tpu.vector_load %arg5[%swap3A_1756, %swap3A_1757, %swap3A_1758] {strides = array<i32>} : memref<2x32x1024xf32, #tpu.memory_space<vmem>>, vector<16xf32>,
      tpu.vector_store %arg5[%swap3A_1756, %swap3A_1757, %swap3A_1758], %broadcast_in_dim3A_3 {strides = array<i32>} : memref<2x32x1024xf32, #tpu.memory_space<vmem>>, vector<16xf32>,
      %swap3A_1760 = arith.constant 1 : i32
      %swap3A_1761 = arith.index_cast %swap3A_1760 : i32 to index
      %swap3A_1762 = arith.index_cast %scan3A_1455 : i32 to index
      %swap3A_1763 = arith.constant 976 : index
      %swap3A_1764 = tpu.vector_load %arg5[%swap3A_1761, %swap3A_1762, %swap3A_1763] {strides = array<i32>} : memref<2x32x1024xf32, #tpu.memory_space<vmem>>, vector<16xf32>,
      tpu.vector_store %arg5[%swap3A_1761, %swap3A_1762, %swap3A_1763], %broadcast_in_dim3A_3 {strides = array<i32>} : memref<2x32x1024xf32, #tpu.memory_space<vmem>>, vector<16xf32>,
      %swap3A_1765 = arith.constant 1 : i32
      %swap3A_1766 = arith.index_cast %swap3A_1765 : i32 to index
      %swap3A_1767 = arith.index_cast %scan3A_1455 : i32 to index
      %swap3A_1768 = arith.constant 992 : index
      %swap3A_1769 = tpu.vector_load %arg5[%swap3A_1766, %swap3A_1767, %swap3A_1768] {strides = array<i32>} : memref<2x32x1024xf32, #tpu.memory_space<vmem>>, vector<16xf32>,
      tpu.vector_store %arg5[%swap3A_1766, %swap3A_1767, %swap3A_1768], %broadcast_in_dim3A_3 {strides = array<i32>} : memref<2x32x1024xf32, #tpu.memory_space<vmem>>, vector<16xf32>,
      %swap3A_1770 = arith.constant 1 : i32
      %swap3A_1771 = arith.index_cast %swap3A_1770 : i32 to index
      %swap3A_1772 = arith.index_cast %scan3A_1455 : i32 to index
      %swap3A_1773 = arith.constant 1008 : index
      %swap3A_1774 = tpu.vector_load %arg5[%swap3A_1771, %swap3A_1772, %swap3A_1773] {strides = array<i32>} : memref<2x32x1024xf32, #tpu.memory_space<vmem>>, vector<16xf32>,
      tpu.vector_store %arg5[%swap3A_1771, %swap3A_1772, %swap3A_1773], %broadcast_in_dim3A_3 {strides = array<i32>} : memref<2x32x1024xf32, #tpu.memory_space<vmem>>, vector<16xf32>,
    }
    %scan3A_282 = arith.constant 32 : i32
    %broadcast_in_dim3A_283 = arith.constant 0 : i32
    %broadcast_in_dim3A_284 = vector.broadcast %broadcast_in_dim3A_283 : i32 to vector<16xi32>
    %scan3A_285 = arith.constant 0 : i32
    %scan3A_286 = arith.constant 50 : i32
    %scan3A_287 = arith.addi %scan3A_285, %scan3A_286 : i32
    %scan3A_288 = arith.constant 1 : i32
    %scan3A_289 = scf.for %scan3A_1455 = %scan3A_285 to %scan3A_287 step %scan3A_288 iter_args(%scan3A_1456 = %broadcast_in_dim3A_284) -> (vector<16xi32>)  : i32 {
      %gather3A = arith.constant 1 : i32
      %gather3A_1457 = arith.constant 0 : i32
      %gather3A_1458 = arith.constant 0 : i32
      %gather3A_1459 = tpu.memref_slice %arg4[%gather3A, %gather3A_1457, %gather3A_1458] : memref<2x32x211xi32, #tpu.memory_space<vmem>> -> memref<1x32x211xi32, #tpu.memory_space<vmem>>
      %gather3A_1460 = tpu.memref_squeeze %gather3A_1459 : memref<1x32x211xi32, #tpu.memory_space<vmem>> -> memref<32x211xi32, #tpu.memory_space<vmem>>
      %gather3A_1461 = tpu.vector_load_idx %gather3A_1460[%add3A_6, %scan3A_1456] : memref<32x211xi32, #tpu.memory_space<vmem>>[vector<16xi32>, vector<16xi32>], vector<16xi32>,
      %scatter3A = arith.constant 1 : i32
      %scatter3A_1462 = arith.constant 0 : i32
      %scatter3A_1463 = arith.constant 0 : i32
      %scatter3A_1464 = tpu.memref_slice %arg5[%scatter3A, %scatter3A_1462, %scatter3A_1463] : memref<2x32x1024xf32, #tpu.memory_space<vmem>> -> memref<1x32x1024xf32, #tpu.memory_space<vmem>>
      %scatter3A_1465 = tpu.memref_squeeze %scatter3A_1464 : memref<1x32x1024xf32, #tpu.memory_space<vmem>> -> memref<32x1024xf32, #tpu.memory_space<vmem>>
      tpu.vector_store_idx %scatter3A_1465[%add3A_6, %gather3A_1461], %broadcast_in_dim3A_1 {add = true} : memref<32x1024xf32, #tpu.memory_space<vmem>>[vector<16xi32>, vector<16xi32>], vector<16xf32>,
      %gather3A_1466 = arith.constant 1 : i32
      %gather3A_1467 = arith.constant 0 : i32
      %gather3A_1468 = arith.constant 0 : i32
      %gather3A_1469 = tpu.memref_slice %arg4[%gather3A_1466, %gather3A_1467, %gather3A_1468] : memref<2x32x211xi32, #tpu.memory_space<vmem>> -> memref<1x32x211xi32, #tpu.memory_space<vmem>>
      %gather3A_1470 = tpu.memref_squeeze %gather3A_1469 : memref<1x32x211xi32, #tpu.memory_space<vmem>> -> memref<32x211xi32, #tpu.memory_space<vmem>>
      %gather3A_1471 = tpu.vector_load_idx %gather3A_1470[%add3A_9, %scan3A_1456] : memref<32x211xi32, #tpu.memory_space<vmem>>[vector<16xi32>, vector<16xi32>], vector<16xi32>,
      %scatter3A_1472 = arith.constant 1 : i32
      %scatter3A_1473 = arith.constant 0 : i32
      %scatter3A_1474 = arith.constant 0 : i32
      %scatter3A_1475 = tpu.memref_slice %arg5[%scatter3A_1472, %scatter3A_1473, %scatter3A_1474] : memref<2x32x1024xf32, #tpu.memory_space<vmem>> -> memref<1x32x1024xf32, #tpu.memory_space<vmem>>
      %scatter3A_1476 = tpu.memref_squeeze %scatter3A_1475 : memref<1x32x1024xf32, #tpu.memory_space<vmem>> -> memref<32x1024xf32, #tpu.memory_space<vmem>>
      tpu.vector_store_idx %scatter3A_1476[%add3A_9, %gather3A_1471], %broadcast_in_dim3A_1 {add = true} : memref<32x1024xf32, #tpu.memory_space<vmem>>[vector<16xi32>, vector<16xi32>], vector<16xf32>,
      %add3A_1477 = arith.constant 1 : i32
      %add3A_1478 = vector.broadcast %add3A_1477 : i32 to vector<16xi32>
      %add3A_1479 = arith.addi %scan3A_1456, %add3A_1478 : vector<16xi32>
      %gather3A_1480 = arith.constant 1 : i32
      %gather3A_1481 = arith.constant 0 : i32
      %gather3A_1482 = arith.constant 0 : i32
      %gather3A_1483 = tpu.memref_slice %arg4[%gather3A_1480, %gather3A_1481, %gather3A_1482] : memref<2x32x211xi32, #tpu.memory_space<vmem>> -> memref<1x32x211xi32, #tpu.memory_space<vmem>>
      %gather3A_1484 = tpu.memref_squeeze %gather3A_1483 : memref<1x32x211xi32, #tpu.memory_space<vmem>> -> memref<32x211xi32, #tpu.memory_space<vmem>>
      %gather3A_1485 = tpu.vector_load_idx %gather3A_1484[%add3A_6, %add3A_1479] : memref<32x211xi32, #tpu.memory_space<vmem>>[vector<16xi32>, vector<16xi32>], vector<16xi32>,
      %scatter3A_1486 = arith.constant 1 : i32
      %scatter3A_1487 = arith.constant 0 : i32
      %scatter3A_1488 = arith.constant 0 : i32
      %scatter3A_1489 = tpu.memref_slice %arg5[%scatter3A_1486, %scatter3A_1487, %scatter3A_1488] : memref<2x32x1024xf32, #tpu.memory_space<vmem>> -> memref<1x32x1024xf32, #tpu.memory_space<vmem>>
      %scatter3A_1490 = tpu.memref_squeeze %scatter3A_1489 : memref<1x32x1024xf32, #tpu.memory_space<vmem>> -> memref<32x1024xf32, #tpu.memory_space<vmem>>
      tpu.vector_store_idx %scatter3A_1490[%add3A_6, %gather3A_1485], %broadcast_in_dim3A_1 {add = true} : memref<32x1024xf32, #tpu.memory_space<vmem>>[vector<16xi32>, vector<16xi32>], vector<16xf32>,
      %gather3A_1491 = arith.constant 1 : i32
      %gather3A_1492 = arith.constant 0 : i32
      %gather3A_1493 = arith.constant 0 : i32
      %gather3A_1494 = tpu.memref_slice %arg4[%gather3A_1491, %gather3A_1492, %gather3A_1493] : memref<2x32x211xi32, #tpu.memory_space<vmem>> -> memref<1x32x211xi32, #tpu.memory_space<vmem>>
      %gather3A_1495 = tpu.memref_squeeze %gather3A_1494 : memref<1x32x211xi32, #tpu.memory_space<vmem>> -> memref<32x211xi32, #tpu.memory_space<vmem>>
      %gather3A_1496 = tpu.vector_load_idx %gather3A_1495[%add3A_9, %add3A_1479] : memref<32x211xi32, #tpu.memory_space<vmem>>[vector<16xi32>, vector<16xi32>], vector<16xi32>,
      %scatter3A_1497 = arith.constant 1 : i32
      %scatter3A_1498 = arith.constant 0 : i32
      %scatter3A_1499 = arith.constant 0 : i32
      %scatter3A_1500 = tpu.memref_slice %arg5[%scatter3A_1497, %scatter3A_1498, %scatter3A_1499] : memref<2x32x1024xf32, #tpu.memory_space<vmem>> -> memref<1x32x1024xf32, #tpu.memory_space<vmem>>
      %scatter3A_1501 = tpu.memref_squeeze %scatter3A_1500 : memref<1x32x1024xf32, #tpu.memory_space<vmem>> -> memref<32x1024xf32, #tpu.memory_space<vmem>>
      tpu.vector_store_idx %scatter3A_1501[%add3A_9, %gather3A_1496], %broadcast_in_dim3A_1 {add = true} : memref<32x1024xf32, #tpu.memory_space<vmem>>[vector<16xi32>, vector<16xi32>], vector<16xf32>,
      %add3A_1502 = arith.constant 1 : i32
      %add3A_1503 = vector.broadcast %add3A_1502 : i32 to vector<16xi32>
      %add3A_1504 = arith.addi %add3A_1479, %add3A_1503 : vector<16xi32>
      %gather3A_1505 = arith.constant 1 : i32
      %gather3A_1506 = arith.constant 0 : i32
      %gather3A_1507 = arith.constant 0 : i32
      %gather3A_1508 = tpu.memref_slice %arg4[%gather3A_1505, %gather3A_1506, %gather3A_1507] : memref<2x32x211xi32, #tpu.memory_space<vmem>> -> memref<1x32x211xi32, #tpu.memory_space<vmem>>
      %gather3A_1509 = tpu.memref_squeeze %gather3A_1508 : memref<1x32x211xi32, #tpu.memory_space<vmem>> -> memref<32x211xi32, #tpu.memory_space<vmem>>
      %gather3A_1510 = tpu.vector_load_idx %gather3A_1509[%add3A_6, %add3A_1504] : memref<32x211xi32, #tpu.memory_space<vmem>>[vector<16xi32>, vector<16xi32>], vector<16xi32>,
      %scatter3A_1511 = arith.constant 1 : i32
      %scatter3A_1512 = arith.constant 0 : i32
      %scatter3A_1513 = arith.constant 0 : i32
      %scatter3A_1514 = tpu.memref_slice %arg5[%scatter3A_1511, %scatter3A_1512, %scatter3A_1513] : memref<2x32x1024xf32, #tpu.memory_space<vmem>> -> memref<1x32x1024xf32, #tpu.memory_space<vmem>>
      %scatter3A_1515 = tpu.memref_squeeze %scatter3A_1514 : memref<1x32x1024xf32, #tpu.memory_space<vmem>> -> memref<32x1024xf32, #tpu.memory_space<vmem>>
      tpu.vector_store_idx %scatter3A_1515[%add3A_6, %gather3A_1510], %broadcast_in_dim3A_1 {add = true} : memref<32x1024xf32, #tpu.memory_space<vmem>>[vector<16xi32>, vector<16xi32>], vector<16xf32>,
      %gather3A_1516 = arith.constant 1 : i32
      %gather3A_1517 = arith.constant 0 : i32
      %gather3A_1518 = arith.constant 0 : i32
      %gather3A_1519 = tpu.memref_slice %arg4[%gather3A_1516, %gather3A_1517, %gather3A_1518] : memref<2x32x211xi32, #tpu.memory_space<vmem>> -> memref<1x32x211xi32, #tpu.memory_space<vmem>>
      %gather3A_1520 = tpu.memref_squeeze %gather3A_1519 : memref<1x32x211xi32, #tpu.memory_space<vmem>> -> memref<32x211xi32, #tpu.memory_space<vmem>>
      %gather3A_1521 = tpu.vector_load_idx %gather3A_1520[%add3A_9, %add3A_1504] : memref<32x211xi32, #tpu.memory_space<vmem>>[vector<16xi32>, vector<16xi32>], vector<16xi32>,
      %scatter3A_1522 = arith.constant 1 : i32
      %scatter3A_1523 = arith.constant 0 : i32
      %scatter3A_1524 = arith.constant 0 : i32
      %scatter3A_1525 = tpu.memref_slice %arg5[%scatter3A_1522, %scatter3A_1523, %scatter3A_1524] : memref<2x32x1024xf32, #tpu.memory_space<vmem>> -> memref<1x32x1024xf32, #tpu.memory_space<vmem>>
      %scatter3A_1526 = tpu.memref_squeeze %scatter3A_1525 : memref<1x32x1024xf32, #tpu.memory_space<vmem>> -> memref<32x1024xf32, #tpu.memory_space<vmem>>
      tpu.vector_store_idx %scatter3A_1526[%add3A_9, %gather3A_1521], %broadcast_in_dim3A_1 {add = true} : memref<32x1024xf32, #tpu.memory_space<vmem>>[vector<16xi32>, vector<16xi32>], vector<16xf32>,
      %add3A_1527 = arith.constant 1 : i32
      %add3A_1528 = vector.broadcast %add3A_1527 : i32 to vector<16xi32>
      %add3A_1529 = arith.addi %add3A_1504, %add3A_1528 : vector<16xi32>
      %gather3A_1530 = arith.constant 1 : i32
      %gather3A_1531 = arith.constant 0 : i32
      %gather3A_1532 = arith.constant 0 : i32
      %gather3A_1533 = tpu.memref_slice %arg4[%gather3A_1530, %gather3A_1531, %gather3A_1532] : memref<2x32x211xi32, #tpu.memory_space<vmem>> -> memref<1x32x211xi32, #tpu.memory_space<vmem>>
      %gather3A_1534 = tpu.memref_squeeze %gather3A_1533 : memref<1x32x211xi32, #tpu.memory_space<vmem>> -> memref<32x211xi32, #tpu.memory_space<vmem>>
      %gather3A_1535 = tpu.vector_load_idx %gather3A_1534[%add3A_6, %add3A_1529] : memref<32x211xi32, #tpu.memory_space<vmem>>[vector<16xi32>, vector<16xi32>], vector<16xi32>,
      %scatter3A_1536 = arith.constant 1 : i32
      %scatter3A_1537 = arith.constant 0 : i32
      %scatter3A_1538 = arith.constant 0 : i32
      %scatter3A_1539 = tpu.memref_slice %arg5[%scatter3A_1536, %scatter3A_1537, %scatter3A_1538] : memref<2x32x1024xf32, #tpu.memory_space<vmem>> -> memref<1x32x1024xf32, #tpu.memory_space<vmem>>
      %scatter3A_1540 = tpu.memref_squeeze %scatter3A_1539 : memref<1x32x1024xf32, #tpu.memory_space<vmem>> -> memref<32x1024xf32, #tpu.memory_space<vmem>>
      tpu.vector_store_idx %scatter3A_1540[%add3A_6, %gather3A_1535], %broadcast_in_dim3A_1 {add = true} : memref<32x1024xf32, #tpu.memory_space<vmem>>[vector<16xi32>, vector<16xi32>], vector<16xf32>,
      %gather3A_1541 = arith.constant 1 : i32
      %gather3A_1542 = arith.constant 0 : i32
      %gather3A_1543 = arith.constant 0 : i32
      %gather3A_1544 = tpu.memref_slice %arg4[%gather3A_1541, %gather3A_1542, %gather3A_1543] : memref<2x32x211xi32, #tpu.memory_space<vmem>> -> memref<1x32x211xi32, #tpu.memory_space<vmem>>
      %gather3A_1545 = tpu.memref_squeeze %gather3A_1544 : memref<1x32x211xi32, #tpu.memory_space<vmem>> -> memref<32x211xi32, #tpu.memory_space<vmem>>
      %gather3A_1546 = tpu.vector_load_idx %gather3A_1545[%add3A_9, %add3A_1529] : memref<32x211xi32, #tpu.memory_space<vmem>>[vector<16xi32>, vector<16xi32>], vector<16xi32>,
      %scatter3A_1547 = arith.constant 1 : i32
      %scatter3A_1548 = arith.constant 0 : i32
      %scatter3A_1549 = arith.constant 0 : i32
      %scatter3A_1550 = tpu.memref_slice %arg5[%scatter3A_1547, %scatter3A_1548, %scatter3A_1549] : memref<2x32x1024xf32, #tpu.memory_space<vmem>> -> memref<1x32x1024xf32, #tpu.memory_space<vmem>>
      %scatter3A_1551 = tpu.memref_squeeze %scatter3A_1550 : memref<1x32x1024xf32, #tpu.memory_space<vmem>> -> memref<32x1024xf32, #tpu.memory_space<vmem>>
      tpu.vector_store_idx %scatter3A_1551[%add3A_9, %gather3A_1546], %broadcast_in_dim3A_1 {add = true} : memref<32x1024xf32, #tpu.memory_space<vmem>>[vector<16xi32>, vector<16xi32>], vector<16xf32>,
      %add3A_1552 = arith.constant 1 : i32
      %add3A_1553 = vector.broadcast %add3A_1552 : i32 to vector<16xi32>
      %add3A_1554 = arith.addi %add3A_1529, %add3A_1553 : vector<16xi32>
      scf.yield %add3A_1554 : vector<16xi32>
    }
    %scan3A_290 = arith.constant 50 : i32
    %mul3A_291 = arith.constant 4 : i32
    %mul3A_292 = arith.muli %add3A, %mul3A_291 : i32
    %add3A_293 = arith.constant 1 : i32
    %add3A_294 = arith.addi %mul3A_292, %add3A_293 : i32
    %mul3A_295 = arith.constant 32 : i32
    %mul3A_296 = arith.muli %add3A_294, %mul3A_295 : i32
    %dma_start3A_297 = arith.constant 1 : i32
    %dma_start3A_298 = arith.constant 0 : i32
    %dma_start3A_299 = arith.constant 1 : i32
    %dma_start3A_300 = arith.constant 0 : i32
    %dma_start3A_301 = arith.constant 0 : i32
    %dma_start3A_302 = tpu.memref_slice %arg5[%dma_start3A_297, %dma_start3A_300, %dma_start3A_301] : memref<2x32x1024xf32, #tpu.memory_space<vmem>> -> memref<1x32x128xf32, #tpu.memory_space<vmem>>
    %dma_start3A_303 = tpu.memref_squeeze %dma_start3A_302 : memref<1x32x128xf32, #tpu.memory_space<vmem>> -> memref<32x128xf32, #tpu.memory_space<vmem>>
    %dma_start3A_304 = arith.constant 0 : i32
    %dma_start3A_305 = tpu.memref_slice %arg3[%dma_start3A_298, %mul3A_296, %dma_start3A_304] : memref<8x4096x128xf32, #tpu.memory_space<hbm>> -> memref<1x32x128xf32, #tpu.memory_space<hbm>>
    %dma_start3A_306 = tpu.memref_squeeze %dma_start3A_305 : memref<1x32x128xf32, #tpu.memory_space<hbm>> -> memref<32x128xf32, #tpu.memory_space<hbm>>
    %dma_start3A_307 = tpu.memref_slice %arg7[%dma_start3A_299] : memref<2x!tpu.dma_semaphore, #tpu.memory_space<semaphore_mem>> -> memref<1x!tpu.dma_semaphore, #tpu.memory_space<semaphore_mem>>
    %dma_start3A_308 = tpu.memref_squeeze %dma_start3A_307 : memref<1x!tpu.dma_semaphore, #tpu.memory_space<semaphore_mem>> -> memref<!tpu.dma_semaphore, #tpu.memory_space<semaphore_mem>>
    %dma_start3A_309 = arith.constant 0 : i32
    %dma_start3A_310 = tpu.memref_slice %arg3[%dma_start3A_298, %mul3A_296, %dma_start3A_309] : memref<8x4096x128xf32, #tpu.memory_space<hbm>> -> memref<1x32x128xf32, #tpu.memory_space<hbm>>
    %dma_start3A_311 = tpu.memref_squeeze %dma_start3A_310 : memref<1x32x128xf32, #tpu.memory_space<hbm>> -> memref<32x128xf32, #tpu.memory_space<hbm>>
    %dma_start3A_312 = arith.constant 0 : i32
    %dma_start3A_313 = arith.constant 0 : i32
    %dma_start3A_314 = tpu.memref_slice %arg5[%dma_start3A_297, %dma_start3A_312, %dma_start3A_313] : memref<2x32x1024xf32, #tpu.memory_space<vmem>> -> memref<1x32x128xf32, #tpu.memory_space<vmem>>
    %dma_start3A_315 = tpu.memref_squeeze %dma_start3A_314 : memref<1x32x128xf32, #tpu.memory_space<vmem>> -> memref<32x128xf32, #tpu.memory_space<vmem>>
    tpu.enqueue_dma source(%dma_start3A_315 : memref<32x128xf32, #tpu.memory_space<vmem>>) target(%dma_start3A_311 : memref<32x128xf32, #tpu.memory_space<hbm>>) target_semaphore(%dma_start3A_308 : memref<!tpu.dma_semaphore, #tpu.memory_space<semaphore_mem>>)
    %dma_start3A_316 = arith.constant 1 : i32
    %dma_start3A_317 = arith.constant 1 : i32
    %dma_start3A_318 = arith.constant 1 : i32
    %dma_start3A_319 = arith.constant 0 : i32
    %dma_start3A_320 = arith.constant 128 : i32
    %dma_start3A_321 = tpu.memref_slice %arg5[%dma_start3A_316, %dma_start3A_319, %dma_start3A_320] : memref<2x32x1024xf32, #tpu.memory_space<vmem>> -> memref<1x32x128xf32, #tpu.memory_space<vmem>>
    %dma_start3A_322 = tpu.memref_squeeze %dma_start3A_321 : memref<1x32x128xf32, #tpu.memory_space<vmem>> -> memref<32x128xf32, #tpu.memory_space<vmem>>
    %dma_start3A_323 = arith.constant 0 : i32
    %dma_start3A_324 = tpu.memref_slice %arg3[%dma_start3A_317, %mul3A_296, %dma_start3A_323] : memref<8x4096x128xf32, #tpu.memory_space<hbm>> -> memref<1x32x128xf32, #tpu.memory_space<hbm>>
    %dma_start3A_325 = tpu.memref_squeeze %dma_start3A_324 : memref<1x32x128xf32, #tpu.memory_space<hbm>> -> memref<32x128xf32, #tpu.memory_space<hbm>>
    %dma_start3A_326 = tpu.memref_slice %arg7[%dma_start3A_318] : memref<2x!tpu.dma_semaphore, #tpu.memory_space<semaphore_mem>> -> memref<1x!tpu.dma_semaphore, #tpu.memory_space<semaphore_mem>>
    %dma_start3A_327 = tpu.memref_squeeze %dma_start3A_326 : memref<1x!tpu.dma_semaphore, #tpu.memory_space<semaphore_mem>> -> memref<!tpu.dma_semaphore, #tpu.memory_space<semaphore_mem>>
    %dma_start3A_328 = arith.constant 0 : i32
    %dma_start3A_329 = tpu.memref_slice %arg3[%dma_start3A_317, %mul3A_296, %dma_start3A_328] : memref<8x4096x128xf32, #tpu.memory_space<hbm>> -> memref<1x32x128xf32, #tpu.memory_space<hbm>>
    %dma_start3A_330 = tpu.memref_squeeze %dma_start3A_329 : memref<1x32x128xf32, #tpu.memory_space<hbm>> -> memref<32x128xf32, #tpu.memory_space<hbm>>
    %dma_start3A_331 = arith.constant 0 : i32
    %dma_start3A_332 = arith.constant 128 : i32
    %dma_start3A_333 = tpu.memref_slice %arg5[%dma_start3A_316, %dma_start3A_331, %dma_start3A_332] : memref<2x32x1024xf32, #tpu.memory_space<vmem>> -> memref<1x32x128xf32, #tpu.memory_space<vmem>>
    %dma_start3A_334 = tpu.memref_squeeze %dma_start3A_333 : memref<1x32x128xf32, #tpu.memory_space<vmem>> -> memref<32x128xf32, #tpu.memory_space<vmem>>
    tpu.enqueue_dma source(%dma_start3A_334 : memref<32x128xf32, #tpu.memory_space<vmem>>) target(%dma_start3A_330 : memref<32x128xf32, #tpu.memory_space<hbm>>) target_semaphore(%dma_start3A_327 : memref<!tpu.dma_semaphore, #tpu.memory_space<semaphore_mem>>)
    %dma_start3A_335 = arith.constant 1 : i32
    %dma_start3A_336 = arith.constant 2 : i32
    %dma_start3A_337 = arith.constant 1 : i32
    %dma_start3A_338 = arith.constant 0 : i32
    %dma_start3A_339 = arith.constant 256 : i32
    %dma_start3A_340 = tpu.memref_slice %arg5[%dma_start3A_335, %dma_start3A_338, %dma_start3A_339] : memref<2x32x1024xf32, #tpu.memory_space<vmem>> -> memref<1x32x128xf32, #tpu.memory_space<vmem>>
    %dma_start3A_341 = tpu.memref_squeeze %dma_start3A_340 : memref<1x32x128xf32, #tpu.memory_space<vmem>> -> memref<32x128xf32, #tpu.memory_space<vmem>>
    %dma_start3A_342 = arith.constant 0 : i32
    %dma_start3A_343 = tpu.memref_slice %arg3[%dma_start3A_336, %mul3A_296, %dma_start3A_342] : memref<8x4096x128xf32, #tpu.memory_space<hbm>> -> memref<1x32x128xf32, #tpu.memory_space<hbm>>
    %dma_start3A_344 = tpu.memref_squeeze %dma_start3A_343 : memref<1x32x128xf32, #tpu.memory_space<hbm>> -> memref<32x128xf32, #tpu.memory_space<hbm>>
    %dma_start3A_345 = tpu.memref_slice %arg7[%dma_start3A_337] : memref<2x!tpu.dma_semaphore, #tpu.memory_space<semaphore_mem>> -> memref<1x!tpu.dma_semaphore, #tpu.memory_space<semaphore_mem>>
    %dma_start3A_346 = tpu.memref_squeeze %dma_start3A_345 : memref<1x!tpu.dma_semaphore, #tpu.memory_space<semaphore_mem>> -> memref<!tpu.dma_semaphore, #tpu.memory_space<semaphore_mem>>
    %dma_start3A_347 = arith.constant 0 : i32
    %dma_start3A_348 = tpu.memref_slice %arg3[%dma_start3A_336, %mul3A_296, %dma_start3A_347] : memref<8x4096x128xf32, #tpu.memory_space<hbm>> -> memref<1x32x128xf32, #tpu.memory_space<hbm>>
    %dma_start3A_349 = tpu.memref_squeeze %dma_start3A_348 : memref<1x32x128xf32, #tpu.memory_space<hbm>> -> memref<32x128xf32, #tpu.memory_space<hbm>>
    %dma_start3A_350 = arith.constant 0 : i32
    %dma_start3A_351 = arith.constant 256 : i32
    %dma_start3A_352 = tpu.memref_slice %arg5[%dma_start3A_335, %dma_start3A_350, %dma_start3A_351] : memref<2x32x1024xf32, #tpu.memory_space<vmem>> -> memref<1x32x128xf32, #tpu.memory_space<vmem>>
    %dma_start3A_353 = tpu.memref_squeeze %dma_start3A_352 : memref<1x32x128xf32, #tpu.memory_space<vmem>> -> memref<32x128xf32, #tpu.memory_space<vmem>>
    tpu.enqueue_dma source(%dma_start3A_353 : memref<32x128xf32, #tpu.memory_space<vmem>>) target(%dma_start3A_349 : memref<32x128xf32, #tpu.memory_space<hbm>>) target_semaphore(%dma_start3A_346 : memref<!tpu.dma_semaphore, #tpu.memory_space<semaphore_mem>>)
    %dma_start3A_354 = arith.constant 1 : i32
    %dma_start3A_355 = arith.constant 3 : i32
    %dma_start3A_356 = arith.constant 1 : i32
    %dma_start3A_357 = arith.constant 0 : i32
    %dma_start3A_358 = arith.constant 384 : i32
    %dma_start3A_359 = tpu.memref_slice %arg5[%dma_start3A_354, %dma_start3A_357, %dma_start3A_358] : memref<2x32x1024xf32, #tpu.memory_space<vmem>> -> memref<1x32x128xf32, #tpu.memory_space<vmem>>
    %dma_start3A_360 = tpu.memref_squeeze %dma_start3A_359 : memref<1x32x128xf32, #tpu.memory_space<vmem>> -> memref<32x128xf32, #tpu.memory_space<vmem>>
    %dma_start3A_361 = arith.constant 0 : i32
    %dma_start3A_362 = tpu.memref_slice %arg3[%dma_start3A_355, %mul3A_296, %dma_start3A_361] : memref<8x4096x128xf32, #tpu.memory_space<hbm>> -> memref<1x32x128xf32, #tpu.memory_space<hbm>>
    %dma_start3A_363 = tpu.memref_squeeze %dma_start3A_362 : memref<1x32x128xf32, #tpu.memory_space<hbm>> -> memref<32x128xf32, #tpu.memory_space<hbm>>
    %dma_start3A_364 = tpu.memref_slice %arg7[%dma_start3A_356] : memref<2x!tpu.dma_semaphore, #tpu.memory_space<semaphore_mem>> -> memref<1x!tpu.dma_semaphore, #tpu.memory_space<semaphore_mem>>
    %dma_start3A_365 = tpu.memref_squeeze %dma_start3A_364 : memref<1x!tpu.dma_semaphore, #tpu.memory_space<semaphore_mem>> -> memref<!tpu.dma_semaphore, #tpu.memory_space<semaphore_mem>>
    %dma_start3A_366 = arith.constant 0 : i32
    %dma_start3A_367 = tpu.memref_slice %arg3[%dma_start3A_355, %mul3A_296, %dma_start3A_366] : memref<8x4096x128xf32, #tpu.memory_space<hbm>> -> memref<1x32x128xf32, #tpu.memory_space<hbm>>
    %dma_start3A_368 = tpu.memref_squeeze %dma_start3A_367 : memref<1x32x128xf32, #tpu.memory_space<hbm>> -> memref<32x128xf32, #tpu.memory_space<hbm>>
    %dma_start3A_369 = arith.constant 0 : i32
    %dma_start3A_370 = arith.constant 384 : i32
    %dma_start3A_371 = tpu.memref_slice %arg5[%dma_start3A_354, %dma_start3A_369, %dma_start3A_370] : memref<2x32x1024xf32, #tpu.memory_space<vmem>> -> memref<1x32x128xf32, #tpu.memory_space<vmem>>
    %dma_start3A_372 = tpu.memref_squeeze %dma_start3A_371 : memref<1x32x128xf32, #tpu.memory_space<vmem>> -> memref<32x128xf32, #tpu.memory_space<vmem>>
    tpu.enqueue_dma source(%dma_start3A_372 : memref<32x128xf32, #tpu.memory_space<vmem>>) target(%dma_start3A_368 : memref<32x128xf32, #tpu.memory_space<hbm>>) target_semaphore(%dma_start3A_365 : memref<!tpu.dma_semaphore, #tpu.memory_space<semaphore_mem>>)
    %dma_start3A_373 = arith.constant 1 : i32
    %dma_start3A_374 = arith.constant 4 : i32
    %dma_start3A_375 = arith.constant 1 : i32
    %dma_start3A_376 = arith.constant 0 : i32
    %dma_start3A_377 = arith.constant 512 : i32
    %dma_start3A_378 = tpu.memref_slice %arg5[%dma_start3A_373, %dma_start3A_376, %dma_start3A_377] : memref<2x32x1024xf32, #tpu.memory_space<vmem>> -> memref<1x32x128xf32, #tpu.memory_space<vmem>>
    %dma_start3A_379 = tpu.memref_squeeze %dma_start3A_378 : memref<1x32x128xf32, #tpu.memory_space<vmem>> -> memref<32x128xf32, #tpu.memory_space<vmem>>
    %dma_start3A_380 = arith.constant 0 : i32
    %dma_start3A_381 = tpu.memref_slice %arg3[%dma_start3A_374, %mul3A_296, %dma_start3A_380] : memref<8x4096x128xf32, #tpu.memory_space<hbm>> -> memref<1x32x128xf32, #tpu.memory_space<hbm>>
    %dma_start3A_382 = tpu.memref_squeeze %dma_start3A_381 : memref<1x32x128xf32, #tpu.memory_space<hbm>> -> memref<32x128xf32, #tpu.memory_space<hbm>>
    %dma_start3A_383 = tpu.memref_slice %arg7[%dma_start3A_375] : memref<2x!tpu.dma_semaphore, #tpu.memory_space<semaphore_mem>> -> memref<1x!tpu.dma_semaphore, #tpu.memory_space<semaphore_mem>>
    %dma_start3A_384 = tpu.memref_squeeze %dma_start3A_383 : memref<1x!tpu.dma_semaphore, #tpu.memory_space<semaphore_mem>> -> memref<!tpu.dma_semaphore, #tpu.memory_space<semaphore_mem>>
    %dma_start3A_385 = arith.constant 0 : i32
    %dma_start3A_386 = tpu.memref_slice %arg3[%dma_start3A_374, %mul3A_296, %dma_start3A_385] : memref<8x4096x128xf32, #tpu.memory_space<hbm>> -> memref<1x32x128xf32, #tpu.memory_space<hbm>>
    %dma_start3A_387 = tpu.memref_squeeze %dma_start3A_386 : memref<1x32x128xf32, #tpu.memory_space<hbm>> -> memref<32x128xf32, #tpu.memory_space<hbm>>
    %dma_start3A_388 = arith.constant 0 : i32
    %dma_start3A_389 = arith.constant 512 : i32
    %dma_start3A_390 = tpu.memref_slice %arg5[%dma_start3A_373, %dma_start3A_388, %dma_start3A_389] : memref<2x32x1024xf32, #tpu.memory_space<vmem>> -> memref<1x32x128xf32, #tpu.memory_space<vmem>>
    %dma_start3A_391 = tpu.memref_squeeze %dma_start3A_390 : memref<1x32x128xf32, #tpu.memory_space<vmem>> -> memref<32x128xf32, #tpu.memory_space<vmem>>
    tpu.enqueue_dma source(%dma_start3A_391 : memref<32x128xf32, #tpu.memory_space<vmem>>) target(%dma_start3A_387 : memref<32x128xf32, #tpu.memory_space<hbm>>) target_semaphore(%dma_start3A_384 : memref<!tpu.dma_semaphore, #tpu.memory_space<semaphore_mem>>)
    %dma_start3A_392 = arith.constant 1 : i32
    %dma_start3A_393 = arith.constant 5 : i32
    %dma_start3A_394 = arith.constant 1 : i32
    %dma_start3A_395 = arith.constant 0 : i32
    %dma_start3A_396 = arith.constant 640 : i32
    %dma_start3A_397 = tpu.memref_slice %arg5[%dma_start3A_392, %dma_start3A_395, %dma_start3A_396] : memref<2x32x1024xf32, #tpu.memory_space<vmem>> -> memref<1x32x128xf32, #tpu.memory_space<vmem>>
    %dma_start3A_398 = tpu.memref_squeeze %dma_start3A_397 : memref<1x32x128xf32, #tpu.memory_space<vmem>> -> memref<32x128xf32, #tpu.memory_space<vmem>>
    %dma_start3A_399 = arith.constant 0 : i32
    %dma_start3A_400 = tpu.memref_slice %arg3[%dma_start3A_393, %mul3A_296, %dma_start3A_399] : memref<8x4096x128xf32, #tpu.memory_space<hbm>> -> memref<1x32x128xf32, #tpu.memory_space<hbm>>
    %dma_start3A_401 = tpu.memref_squeeze %dma_start3A_400 : memref<1x32x128xf32, #tpu.memory_space<hbm>> -> memref<32x128xf32, #tpu.memory_space<hbm>>
    %dma_start3A_402 = tpu.memref_slice %arg7[%dma_start3A_394] : memref<2x!tpu.dma_semaphore, #tpu.memory_space<semaphore_mem>> -> memref<1x!tpu.dma_semaphore, #tpu.memory_space<semaphore_mem>>
    %dma_start3A_403 = tpu.memref_squeeze %dma_start3A_402 : memref<1x!tpu.dma_semaphore, #tpu.memory_space<semaphore_mem>> -> memref<!tpu.dma_semaphore, #tpu.memory_space<semaphore_mem>>
    %dma_start3A_404 = arith.constant 0 : i32
    %dma_start3A_405 = tpu.memref_slice %arg3[%dma_start3A_393, %mul3A_296, %dma_start3A_404] : memref<8x4096x128xf32, #tpu.memory_space<hbm>> -> memref<1x32x128xf32, #tpu.memory_space<hbm>>
    %dma_start3A_406 = tpu.memref_squeeze %dma_start3A_405 : memref<1x32x128xf32, #tpu.memory_space<hbm>> -> memref<32x128xf32, #tpu.memory_space<hbm>>
    %dma_start3A_407 = arith.constant 0 : i32
    %dma_start3A_408 = arith.constant 640 : i32
    %dma_start3A_409 = tpu.memref_slice %arg5[%dma_start3A_392, %dma_start3A_407, %dma_start3A_408] : memref<2x32x1024xf32, #tpu.memory_space<vmem>> -> memref<1x32x128xf32, #tpu.memory_space<vmem>>
    %dma_start3A_410 = tpu.memref_squeeze %dma_start3A_409 : memref<1x32x128xf32, #tpu.memory_space<vmem>> -> memref<32x128xf32, #tpu.memory_space<vmem>>
    tpu.enqueue_dma source(%dma_start3A_410 : memref<32x128xf32, #tpu.memory_space<vmem>>) target(%dma_start3A_406 : memref<32x128xf32, #tpu.memory_space<hbm>>) target_semaphore(%dma_start3A_403 : memref<!tpu.dma_semaphore, #tpu.memory_space<semaphore_mem>>)
    %dma_start3A_411 = arith.constant 1 : i32
    %dma_start3A_412 = arith.constant 6 : i32
    %dma_start3A_413 = arith.constant 1 : i32
    %dma_start3A_414 = arith.constant 0 : i32
    %dma_start3A_415 = arith.constant 768 : i32
    %dma_start3A_416 = tpu.memref_slice %arg5[%dma_start3A_411, %dma_start3A_414, %dma_start3A_415] : memref<2x32x1024xf32, #tpu.memory_space<vmem>> -> memref<1x32x128xf32, #tpu.memory_space<vmem>>
    %dma_start3A_417 = tpu.memref_squeeze %dma_start3A_416 : memref<1x32x128xf32, #tpu.memory_space<vmem>> -> memref<32x128xf32, #tpu.memory_space<vmem>>
    %dma_start3A_418 = arith.constant 0 : i32
    %dma_start3A_419 = tpu.memref_slice %arg3[%dma_start3A_412, %mul3A_296, %dma_start3A_418] : memref<8x4096x128xf32, #tpu.memory_space<hbm>> -> memref<1x32x128xf32, #tpu.memory_space<hbm>>
    %dma_start3A_420 = tpu.memref_squeeze %dma_start3A_419 : memref<1x32x128xf32, #tpu.memory_space<hbm>> -> memref<32x128xf32, #tpu.memory_space<hbm>>
    %dma_start3A_421 = tpu.memref_slice %arg7[%dma_start3A_413] : memref<2x!tpu.dma_semaphore, #tpu.memory_space<semaphore_mem>> -> memref<1x!tpu.dma_semaphore, #tpu.memory_space<semaphore_mem>>
    %dma_start3A_422 = tpu.memref_squeeze %dma_start3A_421 : memref<1x!tpu.dma_semaphore, #tpu.memory_space<semaphore_mem>> -> memref<!tpu.dma_semaphore, #tpu.memory_space<semaphore_mem>>
    %dma_start3A_423 = arith.constant 0 : i32
    %dma_start3A_424 = tpu.memref_slice %arg3[%dma_start3A_412, %mul3A_296, %dma_start3A_423] : memref<8x4096x128xf32, #tpu.memory_space<hbm>> -> memref<1x32x128xf32, #tpu.memory_space<hbm>>
    %dma_start3A_425 = tpu.memref_squeeze %dma_start3A_424 : memref<1x32x128xf32, #tpu.memory_space<hbm>> -> memref<32x128xf32, #tpu.memory_space<hbm>>
    %dma_start3A_426 = arith.constant 0 : i32
    %dma_start3A_427 = arith.constant 768 : i32
    %dma_start3A_428 = tpu.memref_slice %arg5[%dma_start3A_411, %dma_start3A_426, %dma_start3A_427] : memref<2x32x1024xf32, #tpu.memory_space<vmem>> -> memref<1x32x128xf32, #tpu.memory_space<vmem>>
    %dma_start3A_429 = tpu.memref_squeeze %dma_start3A_428 : memref<1x32x128xf32, #tpu.memory_space<vmem>> -> memref<32x128xf32, #tpu.memory_space<vmem>>
    tpu.enqueue_dma source(%dma_start3A_429 : memref<32x128xf32, #tpu.memory_space<vmem>>) target(%dma_start3A_425 : memref<32x128xf32, #tpu.memory_space<hbm>>) target_semaphore(%dma_start3A_422 : memref<!tpu.dma_semaphore, #tpu.memory_space<semaphore_mem>>)
    %dma_start3A_430 = arith.constant 1 : i32
    %dma_start3A_431 = arith.constant 7 : i32
    %dma_start3A_432 = arith.constant 1 : i32
    %dma_start3A_433 = arith.constant 0 : i32
    %dma_start3A_434 = arith.constant 896 : i32
    %dma_start3A_435 = tpu.memref_slice %arg5[%dma_start3A_430, %dma_start3A_433, %dma_start3A_434] : memref<2x32x1024xf32, #tpu.memory_space<vmem>> -> memref<1x32x128xf32, #tpu.memory_space<vmem>>
    %dma_start3A_436 = tpu.memref_squeeze %dma_start3A_435 : memref<1x32x128xf32, #tpu.memory_space<vmem>> -> memref<32x128xf32, #tpu.memory_space<vmem>>
    %dma_start3A_437 = arith.constant 0 : i32
    %dma_start3A_438 = tpu.memref_slice %arg3[%dma_start3A_431, %mul3A_296, %dma_start3A_437] : memref<8x4096x128xf32, #tpu.memory_space<hbm>> -> memref<1x32x128xf32, #tpu.memory_space<hbm>>
    %dma_start3A_439 = tpu.memref_squeeze %dma_start3A_438 : memref<1x32x128xf32, #tpu.memory_space<hbm>> -> memref<32x128xf32, #tpu.memory_space<hbm>>
    %dma_start3A_440 = tpu.memref_slice %arg7[%dma_start3A_432] : memref<2x!tpu.dma_semaphore, #tpu.memory_space<semaphore_mem>> -> memref<1x!tpu.dma_semaphore, #tpu.memory_space<semaphore_mem>>
    %dma_start3A_441 = tpu.memref_squeeze %dma_start3A_440 : memref<1x!tpu.dma_semaphore, #tpu.memory_space<semaphore_mem>> -> memref<!tpu.dma_semaphore, #tpu.memory_space<semaphore_mem>>
    %dma_start3A_442 = arith.constant 0 : i32
    %dma_start3A_443 = tpu.memref_slice %arg3[%dma_start3A_431, %mul3A_296, %dma_start3A_442] : memref<8x4096x128xf32, #tpu.memory_space<hbm>> -> memref<1x32x128xf32, #tpu.memory_space<hbm>>
    %dma_start3A_444 = tpu.memref_squeeze %dma_start3A_443 : memref<1x32x128xf32, #tpu.memory_space<hbm>> -> memref<32x128xf32, #tpu.memory_space<hbm>>
    %dma_start3A_445 = arith.constant 0 : i32
    %dma_start3A_446 = arith.constant 896 : i32
    %dma_start3A_447 = tpu.memref_slice %arg5[%dma_start3A_430, %dma_start3A_445, %dma_start3A_446] : memref<2x32x1024xf32, #tpu.memory_space<vmem>> -> memref<1x32x128xf32, #tpu.memory_space<vmem>>
    %dma_start3A_448 = tpu.memref_squeeze %dma_start3A_447 : memref<1x32x128xf32, #tpu.memory_space<vmem>> -> memref<32x128xf32, #tpu.memory_space<vmem>>
    tpu.enqueue_dma source(%dma_start3A_448 : memref<32x128xf32, #tpu.memory_space<vmem>>) target(%dma_start3A_444 : memref<32x128xf32, #tpu.memory_space<hbm>>) target_semaphore(%dma_start3A_441 : memref<!tpu.dma_semaphore, #tpu.memory_space<semaphore_mem>>)
    %mul3A_449 = arith.constant 4 : i32
    %mul3A_450 = arith.muli %add3A, %mul3A_449 : i32
    %add3A_451 = arith.constant 3 : i32
    %add3A_452 = arith.addi %mul3A_450, %add3A_451 : i32
    %mul3A_453 = arith.constant 32 : i32
    %mul3A_454 = arith.muli %add3A_452, %mul3A_453 : i32
    %dma_start3A_455 = arith.constant 1 : i32
    %dma_start3A_456 = arith.constant 1 : i32
    %dma_start3A_457 = arith.constant 0 : i32
    %dma_start3A_458 = arith.constant 0 : i32
    %dma_start3A_459 = tpu.memref_slice %arg4[%dma_start3A_455, %dma_start3A_457, %dma_start3A_458] : memref<2x32x211xi32, #tpu.memory_space<vmem>> -> memref<1x32x200xi32, #tpu.memory_space<vmem>>
    %dma_start3A_460 = tpu.memref_squeeze %dma_start3A_459 : memref<1x32x200xi32, #tpu.memory_space<vmem>> -> memref<32x200xi32, #tpu.memory_space<vmem>>
    %dma_start3A_461 = arith.constant 0 : i32
    %dma_start3A_462 = tpu.memref_slice %arg2[%mul3A_454, %dma_start3A_461] : memref<4096x200xi32, #tpu.memory_space<hbm>> -> memref<32x200xi32, #tpu.memory_space<hbm>>
    %dma_start3A_463 = tpu.memref_slice %arg6[%dma_start3A_456] : memref<2x!tpu.dma_semaphore, #tpu.memory_space<semaphore_mem>> -> memref<1x!tpu.dma_semaphore, #tpu.memory_space<semaphore_mem>>
    %dma_start3A_464 = tpu.memref_squeeze %dma_start3A_463 : memref<1x!tpu.dma_semaphore, #tpu.memory_space<semaphore_mem>> -> memref<!tpu.dma_semaphore, #tpu.memory_space<semaphore_mem>>
    %dma_start3A_465 = arith.constant 0 : i32
    %dma_start3A_466 = arith.constant 0 : i32
    %dma_start3A_467 = tpu.memref_slice %arg4[%dma_start3A_455, %dma_start3A_465, %dma_start3A_466] : memref<2x32x211xi32, #tpu.memory_space<vmem>> -> memref<1x32x200xi32, #tpu.memory_space<vmem>>
    %dma_start3A_468 = tpu.memref_squeeze %dma_start3A_467 : memref<1x32x200xi32, #tpu.memory_space<vmem>> -> memref<32x200xi32, #tpu.memory_space<vmem>>
    %dma_start3A_469 = arith.constant 0 : i32
    %dma_start3A_470 = tpu.memref_slice %arg2[%mul3A_454, %dma_start3A_469] : memref<4096x200xi32, #tpu.memory_space<hbm>> -> memref<32x200xi32, #tpu.memory_space<hbm>>
    tpu.enqueue_dma source(%dma_start3A_470 : memref<32x200xi32, #tpu.memory_space<hbm>>) target(%dma_start3A_468 : memref<32x200xi32, #tpu.memory_space<vmem>>) target_semaphore(%dma_start3A_464 : memref<!tpu.dma_semaphore, #tpu.memory_space<semaphore_mem>>)
    %dma_wait3A_471 = arith.constant 0 : i32
    %dma_wait3A_472 = arith.constant 0 : i32
    %dma_wait3A_473 = arith.constant 0 : i32
    %dma_wait3A_474 = arith.constant 0 : i32
    %dma_wait3A_475 = tpu.memref_slice %arg4[%dma_wait3A_471, %dma_wait3A_473, %dma_wait3A_474] : memref<2x32x211xi32, #tpu.memory_space<vmem>> -> memref<1x32x200xi32, #tpu.memory_space<vmem>>
    %dma_wait3A_476 = tpu.memref_squeeze %dma_wait3A_475 : memref<1x32x200xi32, #tpu.memory_space<vmem>> -> memref<32x200xi32, #tpu.memory_space<vmem>>
    %dma_wait3A_477 = arith.constant 0 : i32
    %dma_wait3A_478 = tpu.memref_slice %arg2[%mul3A_244, %dma_wait3A_477] : memref<4096x200xi32, #tpu.memory_space<hbm>> -> memref<32x200xi32, #tpu.memory_space<hbm>>
    %dma_wait3A_479 = tpu.memref_slice %arg6[%dma_wait3A_472] : memref<2x!tpu.dma_semaphore, #tpu.memory_space<semaphore_mem>> -> memref<1x!tpu.dma_semaphore, #tpu.memory_space<semaphore_mem>>
    %dma_wait3A_480 = tpu.memref_squeeze %dma_wait3A_479 : memref<1x!tpu.dma_semaphore, #tpu.memory_space<semaphore_mem>> -> memref<!tpu.dma_semaphore, #tpu.memory_space<semaphore_mem>>
    %dma_wait3A_481 = arith.constant 0 : i32
    %dma_wait3A_482 = arith.constant 0 : i32
    %dma_wait3A_483 = tpu.memref_slice %arg4[%dma_wait3A_471, %dma_wait3A_481, %dma_wait3A_482] : memref<2x32x211xi32, #tpu.memory_space<vmem>> -> memref<1x32x200xi32, #tpu.memory_space<vmem>>
    %dma_wait3A_484 = tpu.memref_squeeze %dma_wait3A_483 : memref<1x32x200xi32, #tpu.memory_space<vmem>> -> memref<32x200xi32, #tpu.memory_space<vmem>>
    %dma_wait3A_485 = arith.constant 0 : i32
    %dma_wait3A_486 = tpu.memref_slice %arg2[%mul3A_244, %dma_wait3A_485] : memref<4096x200xi32, #tpu.memory_space<hbm>> -> memref<32x200xi32, #tpu.memory_space<hbm>>
    tpu.wait_dma2 semaphore(%dma_wait3A_480 : memref<!tpu.dma_semaphore, #tpu.memory_space<semaphore_mem>>) src(%dma_wait3A_486 : memref<32x200xi32, #tpu.memory_space<hbm>>) dst(%dma_wait3A_484 : memref<32x200xi32, #tpu.memory_space<vmem>>)
    %dma_wait3A_487 = arith.constant 0 : i32
    %dma_wait3A_488 = arith.constant 0 : i32
    %dma_wait3A_489 = arith.constant 0 : i32
    %dma_wait3A_490 = arith.constant 0 : i32
    %dma_wait3A_491 = arith.constant 0 : i32
    %dma_wait3A_492 = tpu.memref_slice %arg5[%dma_wait3A_487, %dma_wait3A_490, %dma_wait3A_491] : memref<2x32x1024xf32, #tpu.memory_space<vmem>> -> memref<1x32x128xf32, #tpu.memory_space<vmem>>
    %dma_wait3A_493 = tpu.memref_squeeze %dma_wait3A_492 : memref<1x32x128xf32, #tpu.memory_space<vmem>> -> memref<32x128xf32, #tpu.memory_space<vmem>>
    %dma_wait3A_494 = arith.constant 0 : i32
    %dma_wait3A_495 = tpu.memref_slice %arg3[%dma_wait3A_488, %mul3A_86, %dma_wait3A_494] : memref<8x4096x128xf32, #tpu.memory_space<hbm>> -> memref<1x32x128xf32, #tpu.memory_space<hbm>>
    %dma_wait3A_496 = tpu.memref_squeeze %dma_wait3A_495 : memref<1x32x128xf32, #tpu.memory_space<hbm>> -> memref<32x128xf32, #tpu.memory_space<hbm>>
    %dma_wait3A_497 = tpu.memref_slice %arg7[%dma_wait3A_489] : memref<2x!tpu.dma_semaphore, #tpu.memory_space<semaphore_mem>> -> memref<1x!tpu.dma_semaphore, #tpu.memory_space<semaphore_mem>>
    %dma_wait3A_498 = tpu.memref_squeeze %dma_wait3A_497 : memref<1x!tpu.dma_semaphore, #tpu.memory_space<semaphore_mem>> -> memref<!tpu.dma_semaphore, #tpu.memory_space<semaphore_mem>>
    %dma_wait3A_499 = arith.constant 0 : i32
    %dma_wait3A_500 = tpu.memref_slice %arg3[%dma_wait3A_488, %mul3A_86, %dma_wait3A_499] : memref<8x4096x128xf32, #tpu.memory_space<hbm>> -> memref<1x32x128xf32, #tpu.memory_space<hbm>>
    %dma_wait3A_501 = tpu.memref_squeeze %dma_wait3A_500 : memref<1x32x128xf32, #tpu.memory_space<hbm>> -> memref<32x128xf32, #tpu.memory_space<hbm>>
    %dma_wait3A_502 = arith.constant 0 : i32
    %dma_wait3A_503 = arith.constant 0 : i32
    %dma_wait3A_504 = tpu.memref_slice %arg5[%dma_wait3A_487, %dma_wait3A_502, %dma_wait3A_503] : memref<2x32x1024xf32, #tpu.memory_space<vmem>> -> memref<1x32x128xf32, #tpu.memory_space<vmem>>
    %dma_wait3A_505 = tpu.memref_squeeze %dma_wait3A_504 : memref<1x32x128xf32, #tpu.memory_space<vmem>> -> memref<32x128xf32, #tpu.memory_space<vmem>>
    tpu.wait_dma2 semaphore(%dma_wait3A_498 : memref<!tpu.dma_semaphore, #tpu.memory_space<semaphore_mem>>) src(%dma_wait3A_505 : memref<32x128xf32, #tpu.memory_space<vmem>>) dst(%dma_wait3A_501 : memref<32x128xf32, #tpu.memory_space<hbm>>)
    %dma_wait3A_506 = arith.constant 0 : i32
    %dma_wait3A_507 = arith.constant 1 : i32
    %dma_wait3A_508 = arith.constant 0 : i32
    %dma_wait3A_509 = arith.constant 0 : i32
    %dma_wait3A_510 = arith.constant 128 : i32
    %dma_wait3A_511 = tpu.memref_slice %arg5[%dma_wait3A_506, %dma_wait3A_509, %dma_wait3A_510] : memref<2x32x1024xf32, #tpu.memory_space<vmem>> -> memref<1x32x128xf32, #tpu.memory_space<vmem>>
    %dma_wait3A_512 = tpu.memref_squeeze %dma_wait3A_511 : memref<1x32x128xf32, #tpu.memory_space<vmem>> -> memref<32x128xf32, #tpu.memory_space<vmem>>
    %dma_wait3A_513 = arith.constant 0 : i32
    %dma_wait3A_514 = tpu.memref_slice %arg3[%dma_wait3A_507, %mul3A_86, %dma_wait3A_513] : memref<8x4096x128xf32, #tpu.memory_space<hbm>> -> memref<1x32x128xf32, #tpu.memory_space<hbm>>
    %dma_wait3A_515 = tpu.memref_squeeze %dma_wait3A_514 : memref<1x32x128xf32, #tpu.memory_space<hbm>> -> memref<32x128xf32, #tpu.memory_space<hbm>>
    %dma_wait3A_516 = tpu.memref_slice %arg7[%dma_wait3A_508] : memref<2x!tpu.dma_semaphore, #tpu.memory_space<semaphore_mem>> -> memref<1x!tpu.dma_semaphore, #tpu.memory_space<semaphore_mem>>
    %dma_wait3A_517 = tpu.memref_squeeze %dma_wait3A_516 : memref<1x!tpu.dma_semaphore, #tpu.memory_space<semaphore_mem>> -> memref<!tpu.dma_semaphore, #tpu.memory_space<semaphore_mem>>
    %dma_wait3A_518 = arith.constant 0 : i32
    %dma_wait3A_519 = tpu.memref_slice %arg3[%dma_wait3A_507, %mul3A_86, %dma_wait3A_518] : memref<8x4096x128xf32, #tpu.memory_space<hbm>> -> memref<1x32x128xf32, #tpu.memory_space<hbm>>
    %dma_wait3A_520 = tpu.memref_squeeze %dma_wait3A_519 : memref<1x32x128xf32, #tpu.memory_space<hbm>> -> memref<32x128xf32, #tpu.memory_space<hbm>>
    %dma_wait3A_521 = arith.constant 0 : i32
    %dma_wait3A_522 = arith.constant 128 : i32
    %dma_wait3A_523 = tpu.memref_slice %arg5[%dma_wait3A_506, %dma_wait3A_521, %dma_wait3A_522] : memref<2x32x1024xf32, #tpu.memory_space<vmem>> -> memref<1x32x128xf32, #tpu.memory_space<vmem>>
    %dma_wait3A_524 = tpu.memref_squeeze %dma_wait3A_523 : memref<1x32x128xf32, #tpu.memory_space<vmem>> -> memref<32x128xf32, #tpu.memory_space<vmem>>
    tpu.wait_dma2 semaphore(%dma_wait3A_517 : memref<!tpu.dma_semaphore, #tpu.memory_space<semaphore_mem>>) src(%dma_wait3A_524 : memref<32x128xf32, #tpu.memory_space<vmem>>) dst(%dma_wait3A_520 : memref<32x128xf32, #tpu.memory_space<hbm>>)
    %dma_wait3A_525 = arith.constant 0 : i32
    %dma_wait3A_526 = arith.constant 2 : i32
    %dma_wait3A_527 = arith.constant 0 : i32
    %dma_wait3A_528 = arith.constant 0 : i32
    %dma_wait3A_529 = arith.constant 256 : i32
    %dma_wait3A_530 = tpu.memref_slice %arg5[%dma_wait3A_525, %dma_wait3A_528, %dma_wait3A_529] : memref<2x32x1024xf32, #tpu.memory_space<vmem>> -> memref<1x32x128xf32, #tpu.memory_space<vmem>>
    %dma_wait3A_531 = tpu.memref_squeeze %dma_wait3A_530 : memref<1x32x128xf32, #tpu.memory_space<vmem>> -> memref<32x128xf32, #tpu.memory_space<vmem>>
    %dma_wait3A_532 = arith.constant 0 : i32
    %dma_wait3A_533 = tpu.memref_slice %arg3[%dma_wait3A_526, %mul3A_86, %dma_wait3A_532] : memref<8x4096x128xf32, #tpu.memory_space<hbm>> -> memref<1x32x128xf32, #tpu.memory_space<hbm>>
    %dma_wait3A_534 = tpu.memref_squeeze %dma_wait3A_533 : memref<1x32x128xf32, #tpu.memory_space<hbm>> -> memref<32x128xf32, #tpu.memory_space<hbm>>
    %dma_wait3A_535 = tpu.memref_slice %arg7[%dma_wait3A_527] : memref<2x!tpu.dma_semaphore, #tpu.memory_space<semaphore_mem>> -> memref<1x!tpu.dma_semaphore, #tpu.memory_space<semaphore_mem>>
    %dma_wait3A_536 = tpu.memref_squeeze %dma_wait3A_535 : memref<1x!tpu.dma_semaphore, #tpu.memory_space<semaphore_mem>> -> memref<!tpu.dma_semaphore, #tpu.memory_space<semaphore_mem>>
    %dma_wait3A_537 = arith.constant 0 : i32
    %dma_wait3A_538 = tpu.memref_slice %arg3[%dma_wait3A_526, %mul3A_86, %dma_wait3A_537] : memref<8x4096x128xf32, #tpu.memory_space<hbm>> -> memref<1x32x128xf32, #tpu.memory_space<hbm>>
    %dma_wait3A_539 = tpu.memref_squeeze %dma_wait3A_538 : memref<1x32x128xf32, #tpu.memory_space<hbm>> -> memref<32x128xf32, #tpu.memory_space<hbm>>
    %dma_wait3A_540 = arith.constant 0 : i32
    %dma_wait3A_541 = arith.constant 256 : i32
    %dma_wait3A_542 = tpu.memref_slice %arg5[%dma_wait3A_525, %dma_wait3A_540, %dma_wait3A_541] : memref<2x32x1024xf32, #tpu.memory_space<vmem>> -> memref<1x32x128xf32, #tpu.memory_space<vmem>>
    %dma_wait3A_543 = tpu.memref_squeeze %dma_wait3A_542 : memref<1x32x128xf32, #tpu.memory_space<vmem>> -> memref<32x128xf32, #tpu.memory_space<vmem>>
    tpu.wait_dma2 semaphore(%dma_wait3A_536 : memref<!tpu.dma_semaphore, #tpu.memory_space<semaphore_mem>>) src(%dma_wait3A_543 : memref<32x128xf32, #tpu.memory_space<vmem>>) dst(%dma_wait3A_539 : memref<32x128xf32, #tpu.memory_space<hbm>>)
    %dma_wait3A_544 = arith.constant 0 : i32
    %dma_wait3A_545 = arith.constant 3 : i32
    %dma_wait3A_546 = arith.constant 0 : i32
    %dma_wait3A_547 = arith.constant 0 : i32
    %dma_wait3A_548 = arith.constant 384 : i32
    %dma_wait3A_549 = tpu.memref_slice %arg5[%dma_wait3A_544, %dma_wait3A_547, %dma_wait3A_548] : memref<2x32x1024xf32, #tpu.memory_space<vmem>> -> memref<1x32x128xf32, #tpu.memory_space<vmem>>
    %dma_wait3A_550 = tpu.memref_squeeze %dma_wait3A_549 : memref<1x32x128xf32, #tpu.memory_space<vmem>> -> memref<32x128xf32, #tpu.memory_space<vmem>>
    %dma_wait3A_551 = arith.constant 0 : i32
    %dma_wait3A_552 = tpu.memref_slice %arg3[%dma_wait3A_545, %mul3A_86, %dma_wait3A_551] : memref<8x4096x128xf32, #tpu.memory_space<hbm>> -> memref<1x32x128xf32, #tpu.memory_space<hbm>>
    %dma_wait3A_553 = tpu.memref_squeeze %dma_wait3A_552 : memref<1x32x128xf32, #tpu.memory_space<hbm>> -> memref<32x128xf32, #tpu.memory_space<hbm>>
    %dma_wait3A_554 = tpu.memref_slice %arg7[%dma_wait3A_546] : memref<2x!tpu.dma_semaphore, #tpu.memory_space<semaphore_mem>> -> memref<1x!tpu.dma_semaphore, #tpu.memory_space<semaphore_mem>>
    %dma_wait3A_555 = tpu.memref_squeeze %dma_wait3A_554 : memref<1x!tpu.dma_semaphore, #tpu.memory_space<semaphore_mem>> -> memref<!tpu.dma_semaphore, #tpu.memory_space<semaphore_mem>>
    %dma_wait3A_556 = arith.constant 0 : i32
    %dma_wait3A_557 = tpu.memref_slice %arg3[%dma_wait3A_545, %mul3A_86, %dma_wait3A_556] : memref<8x4096x128xf32, #tpu.memory_space<hbm>> -> memref<1x32x128xf32, #tpu.memory_space<hbm>>
    %dma_wait3A_558 = tpu.memref_squeeze %dma_wait3A_557 : memref<1x32x128xf32, #tpu.memory_space<hbm>> -> memref<32x128xf32, #tpu.memory_space<hbm>>
    %dma_wait3A_559 = arith.constant 0 : i32
    %dma_wait3A_560 = arith.constant 384 : i32
    %dma_wait3A_561 = tpu.memref_slice %arg5[%dma_wait3A_544, %dma_wait3A_559, %dma_wait3A_560] : memref<2x32x1024xf32, #tpu.memory_space<vmem>> -> memref<1x32x128xf32, #tpu.memory_space<vmem>>
    %dma_wait3A_562 = tpu.memref_squeeze %dma_wait3A_561 : memref<1x32x128xf32, #tpu.memory_space<vmem>> -> memref<32x128xf32, #tpu.memory_space<vmem>>
    tpu.wait_dma2 semaphore(%dma_wait3A_555 : memref<!tpu.dma_semaphore, #tpu.memory_space<semaphore_mem>>) src(%dma_wait3A_562 : memref<32x128xf32, #tpu.memory_space<vmem>>) dst(%dma_wait3A_558 : memref<32x128xf32, #tpu.memory_space<hbm>>)
    %dma_wait3A_563 = arith.constant 0 : i32
    %dma_wait3A_564 = arith.constant 4 : i32
    %dma_wait3A_565 = arith.constant 0 : i32
    %dma_wait3A_566 = arith.constant 0 : i32
    %dma_wait3A_567 = arith.constant 512 : i32
    %dma_wait3A_568 = tpu.memref_slice %arg5[%dma_wait3A_563, %dma_wait3A_566, %dma_wait3A_567] : memref<2x32x1024xf32, #tpu.memory_space<vmem>> -> memref<1x32x128xf32, #tpu.memory_space<vmem>>
    %dma_wait3A_569 = tpu.memref_squeeze %dma_wait3A_568 : memref<1x32x128xf32, #tpu.memory_space<vmem>> -> memref<32x128xf32, #tpu.memory_space<vmem>>
    %dma_wait3A_570 = arith.constant 0 : i32
    %dma_wait3A_571 = tpu.memref_slice %arg3[%dma_wait3A_564, %mul3A_86, %dma_wait3A_570] : memref<8x4096x128xf32, #tpu.memory_space<hbm>> -> memref<1x32x128xf32, #tpu.memory_space<hbm>>
    %dma_wait3A_572 = tpu.memref_squeeze %dma_wait3A_571 : memref<1x32x128xf32, #tpu.memory_space<hbm>> -> memref<32x128xf32, #tpu.memory_space<hbm>>
    %dma_wait3A_573 = tpu.memref_slice %arg7[%dma_wait3A_565] : memref<2x!tpu.dma_semaphore, #tpu.memory_space<semaphore_mem>> -> memref<1x!tpu.dma_semaphore, #tpu.memory_space<semaphore_mem>>
    %dma_wait3A_574 = tpu.memref_squeeze %dma_wait3A_573 : memref<1x!tpu.dma_semaphore, #tpu.memory_space<semaphore_mem>> -> memref<!tpu.dma_semaphore, #tpu.memory_space<semaphore_mem>>
    %dma_wait3A_575 = arith.constant 0 : i32
    %dma_wait3A_576 = tpu.memref_slice %arg3[%dma_wait3A_564, %mul3A_86, %dma_wait3A_575] : memref<8x4096x128xf32, #tpu.memory_space<hbm>> -> memref<1x32x128xf32, #tpu.memory_space<hbm>>
    %dma_wait3A_577 = tpu.memref_squeeze %dma_wait3A_576 : memref<1x32x128xf32, #tpu.memory_space<hbm>> -> memref<32x128xf32, #tpu.memory_space<hbm>>
    %dma_wait3A_578 = arith.constant 0 : i32
    %dma_wait3A_579 = arith.constant 512 : i32
    %dma_wait3A_580 = tpu.memref_slice %arg5[%dma_wait3A_563, %dma_wait3A_578, %dma_wait3A_579] : memref<2x32x1024xf32, #tpu.memory_space<vmem>> -> memref<1x32x128xf32, #tpu.memory_space<vmem>>
    %dma_wait3A_581 = tpu.memref_squeeze %dma_wait3A_580 : memref<1x32x128xf32, #tpu.memory_space<vmem>> -> memref<32x128xf32, #tpu.memory_space<vmem>>
    tpu.wait_dma2 semaphore(%dma_wait3A_574 : memref<!tpu.dma_semaphore, #tpu.memory_space<semaphore_mem>>) src(%dma_wait3A_581 : memref<32x128xf32, #tpu.memory_space<vmem>>) dst(%dma_wait3A_577 : memref<32x128xf32, #tpu.memory_space<hbm>>)
    %dma_wait3A_582 = arith.constant 0 : i32
    %dma_wait3A_583 = arith.constant 5 : i32
    %dma_wait3A_584 = arith.constant 0 : i32
    %dma_wait3A_585 = arith.constant 0 : i32
    %dma_wait3A_586 = arith.constant 640 : i32
    %dma_wait3A_587 = tpu.memref_slice %arg5[%dma_wait3A_582, %dma_wait3A_585, %dma_wait3A_586] : memref<2x32x1024xf32, #tpu.memory_space<vmem>> -> memref<1x32x128xf32, #tpu.memory_space<vmem>>
    %dma_wait3A_588 = tpu.memref_squeeze %dma_wait3A_587 : memref<1x32x128xf32, #tpu.memory_space<vmem>> -> memref<32x128xf32, #tpu.memory_space<vmem>>
    %dma_wait3A_589 = arith.constant 0 : i32
    %dma_wait3A_590 = tpu.memref_slice %arg3[%dma_wait3A_583, %mul3A_86, %dma_wait3A_589] : memref<8x4096x128xf32, #tpu.memory_space<hbm>> -> memref<1x32x128xf32, #tpu.memory_space<hbm>>
    %dma_wait3A_591 = tpu.memref_squeeze %dma_wait3A_590 : memref<1x32x128xf32, #tpu.memory_space<hbm>> -> memref<32x128xf32, #tpu.memory_space<hbm>>
    %dma_wait3A_592 = tpu.memref_slice %arg7[%dma_wait3A_584] : memref<2x!tpu.dma_semaphore, #tpu.memory_space<semaphore_mem>> -> memref<1x!tpu.dma_semaphore, #tpu.memory_space<semaphore_mem>>
    %dma_wait3A_593 = tpu.memref_squeeze %dma_wait3A_592 : memref<1x!tpu.dma_semaphore, #tpu.memory_space<semaphore_mem>> -> memref<!tpu.dma_semaphore, #tpu.memory_space<semaphore_mem>>
    %dma_wait3A_594 = arith.constant 0 : i32
    %dma_wait3A_595 = tpu.memref_slice %arg3[%dma_wait3A_583, %mul3A_86, %dma_wait3A_594] : memref<8x4096x128xf32, #tpu.memory_space<hbm>> -> memref<1x32x128xf32, #tpu.memory_space<hbm>>
    %dma_wait3A_596 = tpu.memref_squeeze %dma_wait3A_595 : memref<1x32x128xf32, #tpu.memory_space<hbm>> -> memref<32x128xf32, #tpu.memory_space<hbm>>
    %dma_wait3A_597 = arith.constant 0 : i32
    %dma_wait3A_598 = arith.constant 640 : i32
    %dma_wait3A_599 = tpu.memref_slice %arg5[%dma_wait3A_582, %dma_wait3A_597, %dma_wait3A_598] : memref<2x32x1024xf32, #tpu.memory_space<vmem>> -> memref<1x32x128xf32, #tpu.memory_space<vmem>>
    %dma_wait3A_600 = tpu.memref_squeeze %dma_wait3A_599 : memref<1x32x128xf32, #tpu.memory_space<vmem>> -> memref<32x128xf32, #tpu.memory_space<vmem>>
    tpu.wait_dma2 semaphore(%dma_wait3A_593 : memref<!tpu.dma_semaphore, #tpu.memory_space<semaphore_mem>>) src(%dma_wait3A_600 : memref<32x128xf32, #tpu.memory_space<vmem>>) dst(%dma_wait3A_596 : memref<32x128xf32, #tpu.memory_space<hbm>>)
    %dma_wait3A_601 = arith.constant 0 : i32
    %dma_wait3A_602 = arith.constant 6 : i32
    %dma_wait3A_603 = arith.constant 0 : i32
    %dma_wait3A_604 = arith.constant 0 : i32
    %dma_wait3A_605 = arith.constant 768 : i32
    %dma_wait3A_606 = tpu.memref_slice %arg5[%dma_wait3A_601, %dma_wait3A_604, %dma_wait3A_605] : memref<2x32x1024xf32, #tpu.memory_space<vmem>> -> memref<1x32x128xf32, #tpu.memory_space<vmem>>
    %dma_wait3A_607 = tpu.memref_squeeze %dma_wait3A_606 : memref<1x32x128xf32, #tpu.memory_space<vmem>> -> memref<32x128xf32, #tpu.memory_space<vmem>>
    %dma_wait3A_608 = arith.constant 0 : i32
    %dma_wait3A_609 = tpu.memref_slice %arg3[%dma_wait3A_602, %mul3A_86, %dma_wait3A_608] : memref<8x4096x128xf32, #tpu.memory_space<hbm>> -> memref<1x32x128xf32, #tpu.memory_space<hbm>>
    %dma_wait3A_610 = tpu.memref_squeeze %dma_wait3A_609 : memref<1x32x128xf32, #tpu.memory_space<hbm>> -> memref<32x128xf32, #tpu.memory_space<hbm>>
    %dma_wait3A_611 = tpu.memref_slice %arg7[%dma_wait3A_603] : memref<2x!tpu.dma_semaphore, #tpu.memory_space<semaphore_mem>> -> memref<1x!tpu.dma_semaphore, #tpu.memory_space<semaphore_mem>>
    %dma_wait3A_612 = tpu.memref_squeeze %dma_wait3A_611 : memref<1x!tpu.dma_semaphore, #tpu.memory_space<semaphore_mem>> -> memref<!tpu.dma_semaphore, #tpu.memory_space<semaphore_mem>>
    %dma_wait3A_613 = arith.constant 0 : i32
    %dma_wait3A_614 = tpu.memref_slice %arg3[%dma_wait3A_602, %mul3A_86, %dma_wait3A_613] : memref<8x4096x128xf32, #tpu.memory_space<hbm>> -> memref<1x32x128xf32, #tpu.memory_space<hbm>>
    %dma_wait3A_615 = tpu.memref_squeeze %dma_wait3A_614 : memref<1x32x128xf32, #tpu.memory_space<hbm>> -> memref<32x128xf32, #tpu.memory_space<hbm>>
    %dma_wait3A_616 = arith.constant 0 : i32
    %dma_wait3A_617 = arith.constant 768 : i32
    %dma_wait3A_618 = tpu.memref_slice %arg5[%dma_wait3A_601, %dma_wait3A_616, %dma_wait3A_617] : memref<2x32x1024xf32, #tpu.memory_space<vmem>> -> memref<1x32x128xf32, #tpu.memory_space<vmem>>
    %dma_wait3A_619 = tpu.memref_squeeze %dma_wait3A_618 : memref<1x32x128xf32, #tpu.memory_space<vmem>> -> memref<32x128xf32, #tpu.memory_space<vmem>>
    tpu.wait_dma2 semaphore(%dma_wait3A_612 : memref<!tpu.dma_semaphore, #tpu.memory_space<semaphore_mem>>) src(%dma_wait3A_619 : memref<32x128xf32, #tpu.memory_space<vmem>>) dst(%dma_wait3A_615 : memref<32x128xf32, #tpu.memory_space<hbm>>)
    %dma_wait3A_620 = arith.constant 0 : i32
    %dma_wait3A_621 = arith.constant 7 : i32
    %dma_wait3A_622 = arith.constant 0 : i32
    %dma_wait3A_623 = arith.constant 0 : i32
    %dma_wait3A_624 = arith.constant 896 : i32
    %dma_wait3A_625 = tpu.memref_slice %arg5[%dma_wait3A_620, %dma_wait3A_623, %dma_wait3A_624] : memref<2x32x1024xf32, #tpu.memory_space<vmem>> -> memref<1x32x128xf32, #tpu.memory_space<vmem>>
    %dma_wait3A_626 = tpu.memref_squeeze %dma_wait3A_625 : memref<1x32x128xf32, #tpu.memory_space<vmem>> -> memref<32x128xf32, #tpu.memory_space<vmem>>
    %dma_wait3A_627 = arith.constant 0 : i32
    %dma_wait3A_628 = tpu.memref_slice %arg3[%dma_wait3A_621, %mul3A_86, %dma_wait3A_627] : memref<8x4096x128xf32, #tpu.memory_space<hbm>> -> memref<1x32x128xf32, #tpu.memory_space<hbm>>
    %dma_wait3A_629 = tpu.memref_squeeze %dma_wait3A_628 : memref<1x32x128xf32, #tpu.memory_space<hbm>> -> memref<32x128xf32, #tpu.memory_space<hbm>>
    %dma_wait3A_630 = tpu.memref_slice %arg7[%dma_wait3A_622] : memref<2x!tpu.dma_semaphore, #tpu.memory_space<semaphore_mem>> -> memref<1x!tpu.dma_semaphore, #tpu.memory_space<semaphore_mem>>
    %dma_wait3A_631 = tpu.memref_squeeze %dma_wait3A_630 : memref<1x!tpu.dma_semaphore, #tpu.memory_space<semaphore_mem>> -> memref<!tpu.dma_semaphore, #tpu.memory_space<semaphore_mem>>
    %dma_wait3A_632 = arith.constant 0 : i32
    %dma_wait3A_633 = tpu.memref_slice %arg3[%dma_wait3A_621, %mul3A_86, %dma_wait3A_632] : memref<8x4096x128xf32, #tpu.memory_space<hbm>> -> memref<1x32x128xf32, #tpu.memory_space<hbm>>
    %dma_wait3A_634 = tpu.memref_squeeze %dma_wait3A_633 : memref<1x32x128xf32, #tpu.memory_space<hbm>> -> memref<32x128xf32, #tpu.memory_space<hbm>>
    %dma_wait3A_635 = arith.constant 0 : i32
    %dma_wait3A_636 = arith.constant 896 : i32
    %dma_wait3A_637 = tpu.memref_slice %arg5[%dma_wait3A_620, %dma_wait3A_635, %dma_wait3A_636] : memref<2x32x1024xf32, #tpu.memory_space<vmem>> -> memref<1x32x128xf32, #tpu.memory_space<vmem>>
    %dma_wait3A_638 = tpu.memref_squeeze %dma_wait3A_637 : memref<1x32x128xf32, #tpu.memory_space<vmem>> -> memref<32x128xf32, #tpu.memory_space<vmem>>
    tpu.wait_dma2 semaphore(%dma_wait3A_631 : memref<!tpu.dma_semaphore, #tpu.memory_space<semaphore_mem>>) src(%dma_wait3A_638 : memref<32x128xf32, #tpu.memory_space<vmem>>) dst(%dma_wait3A_634 : memref<32x128xf32, #tpu.memory_space<hbm>>)
    %scan3A_639 = arith.constant 0 : i32
    %scan3A_640 = arith.constant 0 : i32
    %scan3A_641 = arith.constant 32 : i32
    %scan3A_642 = arith.addi %scan3A_640, %scan3A_641 : i32
    %scan3A_643 = arith.constant 1 : i32
    scf.for %scan3A_1455 = %scan3A_640 to %scan3A_642 step %scan3A_643  : i32 {
      %swap3A = arith.constant 0 : i32
      %swap3A_1456 = arith.index_cast %swap3A : i32 to index
      %swap3A_1457 = arith.index_cast %scan3A_1455 : i32 to index
      %swap3A_1458 = arith.constant 0 : index
      %swap3A_1459 = tpu.vector_load %arg5[%swap3A_1456, %swap3A_1457, %swap3A_1458] {strides = array<i32>} : memref<2x32x1024xf32, #tpu.memory_space<vmem>>, vector<16xf32>,
      tpu.vector_store %arg5[%swap3A_1456, %swap3A_1457, %swap3A_1458], %broadcast_in_dim3A_3 {strides = array<i32>} : memref<2x32x1024xf32, #tpu.memory_space<vmem>>, vector<16xf32>,
      %swap3A_1460 = arith.constant 0 : i32
      %swap3A_1461 = arith.index_cast %swap3A_1460 : i32 to index
      %swap3A_1462 = arith.index_cast %scan3A_1455 : i32 to index
      %swap3A_1463 = arith.constant 16 : index
      %swap3A_1464 = tpu.vector_load %arg5[%swap3A_1461, %swap3A_1462, %swap3A_1463] {strides = array<i32>} : memref<2x32x1024xf32, #tpu.memory_space<vmem>>, vector<16xf32>,
      tpu.vector_store %arg5[%swap3A_1461, %swap3A_1462, %swap3A_1463], %broadcast_in_dim3A_3 {strides = array<i32>} : memref<2x32x1024xf32, #tpu.memory_space<vmem>>, vector<16xf32>,
      %swap3A_1465 = arith.constant 0 : i32
      %swap3A_1466 = arith.index_cast %swap3A_1465 : i32 to index
      %swap3A_1467 = arith.index_cast %scan3A_1455 : i32 to index
      %swap3A_1468 = arith.constant 32 : index
      %swap3A_1469 = tpu.vector_load %arg5[%swap3A_1466, %swap3A_1467, %swap3A_1468] {strides = array<i32>} : memref<2x32x1024xf32, #tpu.memory_space<vmem>>, vector<16xf32>,
      tpu.vector_store %arg5[%swap3A_1466, %swap3A_1467, %swap3A_1468], %broadcast_in_dim3A_3 {strides = array<i32>} : memref<2x32x1024xf32, #tpu.memory_space<vmem>>, vector<16xf32>,
      %swap3A_1470 = arith.constant 0 : i32
      %swap3A_1471 = arith.index_cast %swap3A_1470 : i32 to index
      %swap3A_1472 = arith.index_cast %scan3A_1455 : i32 to index
      %swap3A_1473 = arith.constant 48 : index
      %swap3A_1474 = tpu.vector_load %arg5[%swap3A_1471, %swap3A_1472, %swap3A_1473] {strides = array<i32>} : memref<2x32x1024xf32, #tpu.memory_space<vmem>>, vector<16xf32>,
      tpu.vector_store %arg5[%swap3A_1471, %swap3A_1472, %swap3A_1473], %broadcast_in_dim3A_3 {strides = array<i32>} : memref<2x32x1024xf32, #tpu.memory_space<vmem>>, vector<16xf32>,
      %swap3A_1475 = arith.constant 0 : i32
      %swap3A_1476 = arith.index_cast %swap3A_1475 : i32 to index
      %swap3A_1477 = arith.index_cast %scan3A_1455 : i32 to index
      %swap3A_1478 = arith.constant 64 : index
      %swap3A_1479 = tpu.vector_load %arg5[%swap3A_1476, %swap3A_1477, %swap3A_1478] {strides = array<i32>} : memref<2x32x1024xf32, #tpu.memory_space<vmem>>, vector<16xf32>,
      tpu.vector_store %arg5[%swap3A_1476, %swap3A_1477, %swap3A_1478], %broadcast_in_dim3A_3 {strides = array<i32>} : memref<2x32x1024xf32, #tpu.memory_space<vmem>>, vector<16xf32>,
      %swap3A_1480 = arith.constant 0 : i32
      %swap3A_1481 = arith.index_cast %swap3A_1480 : i32 to index
      %swap3A_1482 = arith.index_cast %scan3A_1455 : i32 to index
      %swap3A_1483 = arith.constant 80 : index
      %swap3A_1484 = tpu.vector_load %arg5[%swap3A_1481, %swap3A_1482, %swap3A_1483] {strides = array<i32>} : memref<2x32x1024xf32, #tpu.memory_space<vmem>>, vector<16xf32>,
      tpu.vector_store %arg5[%swap3A_1481, %swap3A_1482, %swap3A_1483], %broadcast_in_dim3A_3 {strides = array<i32>} : memref<2x32x1024xf32, #tpu.memory_space<vmem>>, vector<16xf32>,
      %swap3A_1485 = arith.constant 0 : i32
      %swap3A_1486 = arith.index_cast %swap3A_1485 : i32 to index
      %swap3A_1487 = arith.index_cast %scan3A_1455 : i32 to index
      %swap3A_1488 = arith.constant 96 : index
      %swap3A_1489 = tpu.vector_load %arg5[%swap3A_1486, %swap3A_1487, %swap3A_1488] {strides = array<i32>} : memref<2x32x1024xf32, #tpu.memory_space<vmem>>, vector<16xf32>,
      tpu.vector_store %arg5[%swap3A_1486, %swap3A_1487, %swap3A_1488], %broadcast_in_dim3A_3 {strides = array<i32>} : memref<2x32x1024xf32, #tpu.memory_space<vmem>>, vector<16xf32>,
      %swap3A_1490 = arith.constant 0 : i32
      %swap3A_1491 = arith.index_cast %swap3A_1490 : i32 to index
      %swap3A_1492 = arith.index_cast %scan3A_1455 : i32 to index
      %swap3A_1493 = arith.constant 112 : index
      %swap3A_1494 = tpu.vector_load %arg5[%swap3A_1491, %swap3A_1492, %swap3A_1493] {strides = array<i32>} : memref<2x32x1024xf32, #tpu.memory_space<vmem>>, vector<16xf32>,
      tpu.vector_store %arg5[%swap3A_1491, %swap3A_1492, %swap3A_1493], %broadcast_in_dim3A_3 {strides = array<i32>} : memref<2x32x1024xf32, #tpu.memory_space<vmem>>, vector<16xf32>,
      %swap3A_1495 = arith.constant 0 : i32
      %swap3A_1496 = arith.index_cast %swap3A_1495 : i32 to index
      %swap3A_1497 = arith.index_cast %scan3A_1455 : i32 to index
      %swap3A_1498 = arith.constant 128 : index
      %swap3A_1499 = tpu.vector_load %arg5[%swap3A_1496, %swap3A_1497, %swap3A_1498] {strides = array<i32>} : memref<2x32x1024xf32, #tpu.memory_space<vmem>>, vector<16xf32>,
      tpu.vector_store %arg5[%swap3A_1496, %swap3A_1497, %swap3A_1498], %broadcast_in_dim3A_3 {strides = array<i32>} : memref<2x32x1024xf32, #tpu.memory_space<vmem>>, vector<16xf32>,
      %swap3A_1500 = arith.constant 0 : i32
      %swap3A_1501 = arith.index_cast %swap3A_1500 : i32 to index
      %swap3A_1502 = arith.index_cast %scan3A_1455 : i32 to index
      %swap3A_1503 = arith.constant 144 : index
      %swap3A_1504 = tpu.vector_load %arg5[%swap3A_1501, %swap3A_1502, %swap3A_1503] {strides = array<i32>} : memref<2x32x1024xf32, #tpu.memory_space<vmem>>, vector<16xf32>,
      tpu.vector_store %arg5[%swap3A_1501, %swap3A_1502, %swap3A_1503], %broadcast_in_dim3A_3 {strides = array<i32>} : memref<2x32x1024xf32, #tpu.memory_space<vmem>>, vector<16xf32>,
      %swap3A_1505 = arith.constant 0 : i32
      %swap3A_1506 = arith.index_cast %swap3A_1505 : i32 to index
      %swap3A_1507 = arith.index_cast %scan3A_1455 : i32 to index
      %swap3A_1508 = arith.constant 160 : index
      %swap3A_1509 = tpu.vector_load %arg5[%swap3A_1506, %swap3A_1507, %swap3A_1508] {strides = array<i32>} : memref<2x32x1024xf32, #tpu.memory_space<vmem>>, vector<16xf32>,
      tpu.vector_store %arg5[%swap3A_1506, %swap3A_1507, %swap3A_1508], %broadcast_in_dim3A_3 {strides = array<i32>} : memref<2x32x1024xf32, #tpu.memory_space<vmem>>, vector<16xf32>,
      %swap3A_1510 = arith.constant 0 : i32
      %swap3A_1511 = arith.index_cast %swap3A_1510 : i32 to index
      %swap3A_1512 = arith.index_cast %scan3A_1455 : i32 to index
      %swap3A_1513 = arith.constant 176 : index
      %swap3A_1514 = tpu.vector_load %arg5[%swap3A_1511, %swap3A_1512, %swap3A_1513] {strides = array<i32>} : memref<2x32x1024xf32, #tpu.memory_space<vmem>>, vector<16xf32>,
      tpu.vector_store %arg5[%swap3A_1511, %swap3A_1512, %swap3A_1513], %broadcast_in_dim3A_3 {strides = array<i32>} : memref<2x32x1024xf32, #tpu.memory_space<vmem>>, vector<16xf32>,
      %swap3A_1515 = arith.constant 0 : i32
      %swap3A_1516 = arith.index_cast %swap3A_1515 : i32 to index
      %swap3A_1517 = arith.index_cast %scan3A_1455 : i32 to index
      %swap3A_1518 = arith.constant 192 : index
      %swap3A_1519 = tpu.vector_load %arg5[%swap3A_1516, %swap3A_1517, %swap3A_1518] {strides = array<i32>} : memref<2x32x1024xf32, #tpu.memory_space<vmem>>, vector<16xf32>,
      tpu.vector_store %arg5[%swap3A_1516, %swap3A_1517, %swap3A_1518], %broadcast_in_dim3A_3 {strides = array<i32>} : memref<2x32x1024xf32, #tpu.memory_space<vmem>>, vector<16xf32>,
      %swap3A_1520 = arith.constant 0 : i32
      %swap3A_1521 = arith.index_cast %swap3A_1520 : i32 to index
      %swap3A_1522 = arith.index_cast %scan3A_1455 : i32 to index
      %swap3A_1523 = arith.constant 208 : index
      %swap3A_1524 = tpu.vector_load %arg5[%swap3A_1521, %swap3A_1522, %swap3A_1523] {strides = array<i32>} : memref<2x32x1024xf32, #tpu.memory_space<vmem>>, vector<16xf32>,
      tpu.vector_store %arg5[%swap3A_1521, %swap3A_1522, %swap3A_1523], %broadcast_in_dim3A_3 {strides = array<i32>} : memref<2x32x1024xf32, #tpu.memory_space<vmem>>, vector<16xf32>,
      %swap3A_1525 = arith.constant 0 : i32
      %swap3A_1526 = arith.index_cast %swap3A_1525 : i32 to index
      %swap3A_1527 = arith.index_cast %scan3A_1455 : i32 to index
      %swap3A_1528 = arith.constant 224 : index
      %swap3A_1529 = tpu.vector_load %arg5[%swap3A_1526, %swap3A_1527, %swap3A_1528] {strides = array<i32>} : memref<2x32x1024xf32, #tpu.memory_space<vmem>>, vector<16xf32>,
      tpu.vector_store %arg5[%swap3A_1526, %swap3A_1527, %swap3A_1528], %broadcast_in_dim3A_3 {strides = array<i32>} : memref<2x32x1024xf32, #tpu.memory_space<vmem>>, vector<16xf32>,
      %swap3A_1530 = arith.constant 0 : i32
      %swap3A_1531 = arith.index_cast %swap3A_1530 : i32 to index
      %swap3A_1532 = arith.index_cast %scan3A_1455 : i32 to index
      %swap3A_1533 = arith.constant 240 : index
      %swap3A_1534 = tpu.vector_load %arg5[%swap3A_1531, %swap3A_1532, %swap3A_1533] {strides = array<i32>} : memref<2x32x1024xf32, #tpu.memory_space<vmem>>, vector<16xf32>,
      tpu.vector_store %arg5[%swap3A_1531, %swap3A_1532, %swap3A_1533], %broadcast_in_dim3A_3 {strides = array<i32>} : memref<2x32x1024xf32, #tpu.memory_space<vmem>>, vector<16xf32>,
      %swap3A_1535 = arith.constant 0 : i32
      %swap3A_1536 = arith.index_cast %swap3A_1535 : i32 to index
      %swap3A_1537 = arith.index_cast %scan3A_1455 : i32 to index
      %swap3A_1538 = arith.constant 256 : index
      %swap3A_1539 = tpu.vector_load %arg5[%swap3A_1536, %swap3A_1537, %swap3A_1538] {strides = array<i32>} : memref<2x32x1024xf32, #tpu.memory_space<vmem>>, vector<16xf32>,
      tpu.vector_store %arg5[%swap3A_1536, %swap3A_1537, %swap3A_1538], %broadcast_in_dim3A_3 {strides = array<i32>} : memref<2x32x1024xf32, #tpu.memory_space<vmem>>, vector<16xf32>,
      %swap3A_1540 = arith.constant 0 : i32
      %swap3A_1541 = arith.index_cast %swap3A_1540 : i32 to index
      %swap3A_1542 = arith.index_cast %scan3A_1455 : i32 to index
      %swap3A_1543 = arith.constant 272 : index
      %swap3A_1544 = tpu.vector_load %arg5[%swap3A_1541, %swap3A_1542, %swap3A_1543] {strides = array<i32>} : memref<2x32x1024xf32, #tpu.memory_space<vmem>>, vector<16xf32>,
      tpu.vector_store %arg5[%swap3A_1541, %swap3A_1542, %swap3A_1543], %broadcast_in_dim3A_3 {strides = array<i32>} : memref<2x32x1024xf32, #tpu.memory_space<vmem>>, vector<16xf32>,
      %swap3A_1545 = arith.constant 0 : i32
      %swap3A_1546 = arith.index_cast %swap3A_1545 : i32 to index
      %swap3A_1547 = arith.index_cast %scan3A_1455 : i32 to index
      %swap3A_1548 = arith.constant 288 : index
      %swap3A_1549 = tpu.vector_load %arg5[%swap3A_1546, %swap3A_1547, %swap3A_1548] {strides = array<i32>} : memref<2x32x1024xf32, #tpu.memory_space<vmem>>, vector<16xf32>,
      tpu.vector_store %arg5[%swap3A_1546, %swap3A_1547, %swap3A_1548], %broadcast_in_dim3A_3 {strides = array<i32>} : memref<2x32x1024xf32, #tpu.memory_space<vmem>>, vector<16xf32>,
      %swap3A_1550 = arith.constant 0 : i32
      %swap3A_1551 = arith.index_cast %swap3A_1550 : i32 to index
      %swap3A_1552 = arith.index_cast %scan3A_1455 : i32 to index
      %swap3A_1553 = arith.constant 304 : index
      %swap3A_1554 = tpu.vector_load %arg5[%swap3A_1551, %swap3A_1552, %swap3A_1553] {strides = array<i32>} : memref<2x32x1024xf32, #tpu.memory_space<vmem>>, vector<16xf32>,
      tpu.vector_store %arg5[%swap3A_1551, %swap3A_1552, %swap3A_1553], %broadcast_in_dim3A_3 {strides = array<i32>} : memref<2x32x1024xf32, #tpu.memory_space<vmem>>, vector<16xf32>,
      %swap3A_1555 = arith.constant 0 : i32
      %swap3A_1556 = arith.index_cast %swap3A_1555 : i32 to index
      %swap3A_1557 = arith.index_cast %scan3A_1455 : i32 to index
      %swap3A_1558 = arith.constant 320 : index
      %swap3A_1559 = tpu.vector_load %arg5[%swap3A_1556, %swap3A_1557, %swap3A_1558] {strides = array<i32>} : memref<2x32x1024xf32, #tpu.memory_space<vmem>>, vector<16xf32>,
      tpu.vector_store %arg5[%swap3A_1556, %swap3A_1557, %swap3A_1558], %broadcast_in_dim3A_3 {strides = array<i32>} : memref<2x32x1024xf32, #tpu.memory_space<vmem>>, vector<16xf32>,
      %swap3A_1560 = arith.constant 0 : i32
      %swap3A_1561 = arith.index_cast %swap3A_1560 : i32 to index
      %swap3A_1562 = arith.index_cast %scan3A_1455 : i32 to index
      %swap3A_1563 = arith.constant 336 : index
      %swap3A_1564 = tpu.vector_load %arg5[%swap3A_1561, %swap3A_1562, %swap3A_1563] {strides = array<i32>} : memref<2x32x1024xf32, #tpu.memory_space<vmem>>, vector<16xf32>,
      tpu.vector_store %arg5[%swap3A_1561, %swap3A_1562, %swap3A_1563], %broadcast_in_dim3A_3 {strides = array<i32>} : memref<2x32x1024xf32, #tpu.memory_space<vmem>>, vector<16xf32>,
      %swap3A_1565 = arith.constant 0 : i32
      %swap3A_1566 = arith.index_cast %swap3A_1565 : i32 to index
      %swap3A_1567 = arith.index_cast %scan3A_1455 : i32 to index
      %swap3A_1568 = arith.constant 352 : index
      %swap3A_1569 = tpu.vector_load %arg5[%swap3A_1566, %swap3A_1567, %swap3A_1568] {strides = array<i32>} : memref<2x32x1024xf32, #tpu.memory_space<vmem>>, vector<16xf32>,
      tpu.vector_store %arg5[%swap3A_1566, %swap3A_1567, %swap3A_1568], %broadcast_in_dim3A_3 {strides = array<i32>} : memref<2x32x1024xf32, #tpu.memory_space<vmem>>, vector<16xf32>,
      %swap3A_1570 = arith.constant 0 : i32
      %swap3A_1571 = arith.index_cast %swap3A_1570 : i32 to index
      %swap3A_1572 = arith.index_cast %scan3A_1455 : i32 to index
      %swap3A_1573 = arith.constant 368 : index
      %swap3A_1574 = tpu.vector_load %arg5[%swap3A_1571, %swap3A_1572, %swap3A_1573] {strides = array<i32>} : memref<2x32x1024xf32, #tpu.memory_space<vmem>>, vector<16xf32>,
      tpu.vector_store %arg5[%swap3A_1571, %swap3A_1572, %swap3A_1573], %broadcast_in_dim3A_3 {strides = array<i32>} : memref<2x32x1024xf32, #tpu.memory_space<vmem>>, vector<16xf32>,
      %swap3A_1575 = arith.constant 0 : i32
      %swap3A_1576 = arith.index_cast %swap3A_1575 : i32 to index
      %swap3A_1577 = arith.index_cast %scan3A_1455 : i32 to index
      %swap3A_1578 = arith.constant 384 : index
      %swap3A_1579 = tpu.vector_load %arg5[%swap3A_1576, %swap3A_1577, %swap3A_1578] {strides = array<i32>} : memref<2x32x1024xf32, #tpu.memory_space<vmem>>, vector<16xf32>,
      tpu.vector_store %arg5[%swap3A_1576, %swap3A_1577, %swap3A_1578], %broadcast_in_dim3A_3 {strides = array<i32>} : memref<2x32x1024xf32, #tpu.memory_space<vmem>>, vector<16xf32>,
      %swap3A_1580 = arith.constant 0 : i32
      %swap3A_1581 = arith.index_cast %swap3A_1580 : i32 to index
      %swap3A_1582 = arith.index_cast %scan3A_1455 : i32 to index
      %swap3A_1583 = arith.constant 400 : index
      %swap3A_1584 = tpu.vector_load %arg5[%swap3A_1581, %swap3A_1582, %swap3A_1583] {strides = array<i32>} : memref<2x32x1024xf32, #tpu.memory_space<vmem>>, vector<16xf32>,
      tpu.vector_store %arg5[%swap3A_1581, %swap3A_1582, %swap3A_1583], %broadcast_in_dim3A_3 {strides = array<i32>} : memref<2x32x1024xf32, #tpu.memory_space<vmem>>, vector<16xf32>,
      %swap3A_1585 = arith.constant 0 : i32
      %swap3A_1586 = arith.index_cast %swap3A_1585 : i32 to index
      %swap3A_1587 = arith.index_cast %scan3A_1455 : i32 to index
      %swap3A_1588 = arith.constant 416 : index
      %swap3A_1589 = tpu.vector_load %arg5[%swap3A_1586, %swap3A_1587, %swap3A_1588] {strides = array<i32>} : memref<2x32x1024xf32, #tpu.memory_space<vmem>>, vector<16xf32>,
      tpu.vector_store %arg5[%swap3A_1586, %swap3A_1587, %swap3A_1588], %broadcast_in_dim3A_3 {strides = array<i32>} : memref<2x32x1024xf32, #tpu.memory_space<vmem>>, vector<16xf32>,
      %swap3A_1590 = arith.constant 0 : i32
      %swap3A_1591 = arith.index_cast %swap3A_1590 : i32 to index
      %swap3A_1592 = arith.index_cast %scan3A_1455 : i32 to index
      %swap3A_1593 = arith.constant 432 : index
      %swap3A_1594 = tpu.vector_load %arg5[%swap3A_1591, %swap3A_1592, %swap3A_1593] {strides = array<i32>} : memref<2x32x1024xf32, #tpu.memory_space<vmem>>, vector<16xf32>,
      tpu.vector_store %arg5[%swap3A_1591, %swap3A_1592, %swap3A_1593], %broadcast_in_dim3A_3 {strides = array<i32>} : memref<2x32x1024xf32, #tpu.memory_space<vmem>>, vector<16xf32>,
      %swap3A_1595 = arith.constant 0 : i32
      %swap3A_1596 = arith.index_cast %swap3A_1595 : i32 to index
      %swap3A_1597 = arith.index_cast %scan3A_1455 : i32 to index
      %swap3A_1598 = arith.constant 448 : index
      %swap3A_1599 = tpu.vector_load %arg5[%swap3A_1596, %swap3A_1597, %swap3A_1598] {strides = array<i32>} : memref<2x32x1024xf32, #tpu.memory_space<vmem>>, vector<16xf32>,
      tpu.vector_store %arg5[%swap3A_1596, %swap3A_1597, %swap3A_1598], %broadcast_in_dim3A_3 {strides = array<i32>} : memref<2x32x1024xf32, #tpu.memory_space<vmem>>, vector<16xf32>,
      %swap3A_1600 = arith.constant 0 : i32
      %swap3A_1601 = arith.index_cast %swap3A_1600 : i32 to index
      %swap3A_1602 = arith.index_cast %scan3A_1455 : i32 to index
      %swap3A_1603 = arith.constant 464 : index
      %swap3A_1604 = tpu.vector_load %arg5[%swap3A_1601, %swap3A_1602, %swap3A_1603] {strides = array<i32>} : memref<2x32x1024xf32, #tpu.memory_space<vmem>>, vector<16xf32>,
      tpu.vector_store %arg5[%swap3A_1601, %swap3A_1602, %swap3A_1603], %broadcast_in_dim3A_3 {strides = array<i32>} : memref<2x32x1024xf32, #tpu.memory_space<vmem>>, vector<16xf32>,
      %swap3A_1605 = arith.constant 0 : i32
      %swap3A_1606 = arith.index_cast %swap3A_1605 : i32 to index
      %swap3A_1607 = arith.index_cast %scan3A_1455 : i32 to index
      %swap3A_1608 = arith.constant 480 : index
      %swap3A_1609 = tpu.vector_load %arg5[%swap3A_1606, %swap3A_1607, %swap3A_1608] {strides = array<i32>} : memref<2x32x1024xf32, #tpu.memory_space<vmem>>, vector<16xf32>,
      tpu.vector_store %arg5[%swap3A_1606, %swap3A_1607, %swap3A_1608], %broadcast_in_dim3A_3 {strides = array<i32>} : memref<2x32x1024xf32, #tpu.memory_space<vmem>>, vector<16xf32>,
      %swap3A_1610 = arith.constant 0 : i32
      %swap3A_1611 = arith.index_cast %swap3A_1610 : i32 to index
      %swap3A_1612 = arith.index_cast %scan3A_1455 : i32 to index
      %swap3A_1613 = arith.constant 496 : index
      %swap3A_1614 = tpu.vector_load %arg5[%swap3A_1611, %swap3A_1612, %swap3A_1613] {strides = array<i32>} : memref<2x32x1024xf32, #tpu.memory_space<vmem>>, vector<16xf32>,
      tpu.vector_store %arg5[%swap3A_1611, %swap3A_1612, %swap3A_1613], %broadcast_in_dim3A_3 {strides = array<i32>} : memref<2x32x1024xf32, #tpu.memory_space<vmem>>, vector<16xf32>,
      %swap3A_1615 = arith.constant 0 : i32
      %swap3A_1616 = arith.index_cast %swap3A_1615 : i32 to index
      %swap3A_1617 = arith.index_cast %scan3A_1455 : i32 to index
      %swap3A_1618 = arith.constant 512 : index
      %swap3A_1619 = tpu.vector_load %arg5[%swap3A_1616, %swap3A_1617, %swap3A_1618] {strides = array<i32>} : memref<2x32x1024xf32, #tpu.memory_space<vmem>>, vector<16xf32>,
      tpu.vector_store %arg5[%swap3A_1616, %swap3A_1617, %swap3A_1618], %broadcast_in_dim3A_3 {strides = array<i32>} : memref<2x32x1024xf32, #tpu.memory_space<vmem>>, vector<16xf32>,
      %swap3A_1620 = arith.constant 0 : i32
      %swap3A_1621 = arith.index_cast %swap3A_1620 : i32 to index
      %swap3A_1622 = arith.index_cast %scan3A_1455 : i32 to index
      %swap3A_1623 = arith.constant 528 : index
      %swap3A_1624 = tpu.vector_load %arg5[%swap3A_1621, %swap3A_1622, %swap3A_1623] {strides = array<i32>} : memref<2x32x1024xf32, #tpu.memory_space<vmem>>, vector<16xf32>,
      tpu.vector_store %arg5[%swap3A_1621, %swap3A_1622, %swap3A_1623], %broadcast_in_dim3A_3 {strides = array<i32>} : memref<2x32x1024xf32, #tpu.memory_space<vmem>>, vector<16xf32>,
      %swap3A_1625 = arith.constant 0 : i32
      %swap3A_1626 = arith.index_cast %swap3A_1625 : i32 to index
      %swap3A_1627 = arith.index_cast %scan3A_1455 : i32 to index
      %swap3A_1628 = arith.constant 544 : index
      %swap3A_1629 = tpu.vector_load %arg5[%swap3A_1626, %swap3A_1627, %swap3A_1628] {strides = array<i32>} : memref<2x32x1024xf32, #tpu.memory_space<vmem>>, vector<16xf32>,
      tpu.vector_store %arg5[%swap3A_1626, %swap3A_1627, %swap3A_1628], %broadcast_in_dim3A_3 {strides = array<i32>} : memref<2x32x1024xf32, #tpu.memory_space<vmem>>, vector<16xf32>,
      %swap3A_1630 = arith.constant 0 : i32
      %swap3A_1631 = arith.index_cast %swap3A_1630 : i32 to index
      %swap3A_1632 = arith.index_cast %scan3A_1455 : i32 to index
      %swap3A_1633 = arith.constant 560 : index
      %swap3A_1634 = tpu.vector_load %arg5[%swap3A_1631, %swap3A_1632, %swap3A_1633] {strides = array<i32>} : memref<2x32x1024xf32, #tpu.memory_space<vmem>>, vector<16xf32>,
      tpu.vector_store %arg5[%swap3A_1631, %swap3A_1632, %swap3A_1633], %broadcast_in_dim3A_3 {strides = array<i32>} : memref<2x32x1024xf32, #tpu.memory_space<vmem>>, vector<16xf32>,
      %swap3A_1635 = arith.constant 0 : i32
      %swap3A_1636 = arith.index_cast %swap3A_1635 : i32 to index
      %swap3A_1637 = arith.index_cast %scan3A_1455 : i32 to index
      %swap3A_1638 = arith.constant 576 : index
      %swap3A_1639 = tpu.vector_load %arg5[%swap3A_1636, %swap3A_1637, %swap3A_1638] {strides = array<i32>} : memref<2x32x1024xf32, #tpu.memory_space<vmem>>, vector<16xf32>,
      tpu.vector_store %arg5[%swap3A_1636, %swap3A_1637, %swap3A_1638], %broadcast_in_dim3A_3 {strides = array<i32>} : memref<2x32x1024xf32, #tpu.memory_space<vmem>>, vector<16xf32>,
      %swap3A_1640 = arith.constant 0 : i32
      %swap3A_1641 = arith.index_cast %swap3A_1640 : i32 to index
      %swap3A_1642 = arith.index_cast %scan3A_1455 : i32 to index
      %swap3A_1643 = arith.constant 592 : index
      %swap3A_1644 = tpu.vector_load %arg5[%swap3A_1641, %swap3A_1642, %swap3A_1643] {strides = array<i32>} : memref<2x32x1024xf32, #tpu.memory_space<vmem>>, vector<16xf32>,
      tpu.vector_store %arg5[%swap3A_1641, %swap3A_1642, %swap3A_1643], %broadcast_in_dim3A_3 {strides = array<i32>} : memref<2x32x1024xf32, #tpu.memory_space<vmem>>, vector<16xf32>,
      %swap3A_1645 = arith.constant 0 : i32
      %swap3A_1646 = arith.index_cast %swap3A_1645 : i32 to index
      %swap3A_1647 = arith.index_cast %scan3A_1455 : i32 to index
      %swap3A_1648 = arith.constant 608 : index
      %swap3A_1649 = tpu.vector_load %arg5[%swap3A_1646, %swap3A_1647, %swap3A_1648] {strides = array<i32>} : memref<2x32x1024xf32, #tpu.memory_space<vmem>>, vector<16xf32>,
      tpu.vector_store %arg5[%swap3A_1646, %swap3A_1647, %swap3A_1648], %broadcast_in_dim3A_3 {strides = array<i32>} : memref<2x32x1024xf32, #tpu.memory_space<vmem>>, vector<16xf32>,
      %swap3A_1650 = arith.constant 0 : i32
      %swap3A_1651 = arith.index_cast %swap3A_1650 : i32 to index
      %swap3A_1652 = arith.index_cast %scan3A_1455 : i32 to index
      %swap3A_1653 = arith.constant 624 : index
      %swap3A_1654 = tpu.vector_load %arg5[%swap3A_1651, %swap3A_1652, %swap3A_1653] {strides = array<i32>} : memref<2x32x1024xf32, #tpu.memory_space<vmem>>, vector<16xf32>,
      tpu.vector_store %arg5[%swap3A_1651, %swap3A_1652, %swap3A_1653], %broadcast_in_dim3A_3 {strides = array<i32>} : memref<2x32x1024xf32, #tpu.memory_space<vmem>>, vector<16xf32>,
      %swap3A_1655 = arith.constant 0 : i32
      %swap3A_1656 = arith.index_cast %swap3A_1655 : i32 to index
      %swap3A_1657 = arith.index_cast %scan3A_1455 : i32 to index
      %swap3A_1658 = arith.constant 640 : index
      %swap3A_1659 = tpu.vector_load %arg5[%swap3A_1656, %swap3A_1657, %swap3A_1658] {strides = array<i32>} : memref<2x32x1024xf32, #tpu.memory_space<vmem>>, vector<16xf32>,
      tpu.vector_store %arg5[%swap3A_1656, %swap3A_1657, %swap3A_1658], %broadcast_in_dim3A_3 {strides = array<i32>} : memref<2x32x1024xf32, #tpu.memory_space<vmem>>, vector<16xf32>,
      %swap3A_1660 = arith.constant 0 : i32
      %swap3A_1661 = arith.index_cast %swap3A_1660 : i32 to index
      %swap3A_1662 = arith.index_cast %scan3A_1455 : i32 to index
      %swap3A_1663 = arith.constant 656 : index
      %swap3A_1664 = tpu.vector_load %arg5[%swap3A_1661, %swap3A_1662, %swap3A_1663] {strides = array<i32>} : memref<2x32x1024xf32, #tpu.memory_space<vmem>>, vector<16xf32>,
      tpu.vector_store %arg5[%swap3A_1661, %swap3A_1662, %swap3A_1663], %broadcast_in_dim3A_3 {strides = array<i32>} : memref<2x32x1024xf32, #tpu.memory_space<vmem>>, vector<16xf32>,
      %swap3A_1665 = arith.constant 0 : i32
      %swap3A_1666 = arith.index_cast %swap3A_1665 : i32 to index
      %swap3A_1667 = arith.index_cast %scan3A_1455 : i32 to index
      %swap3A_1668 = arith.constant 672 : index
      %swap3A_1669 = tpu.vector_load %arg5[%swap3A_1666, %swap3A_1667, %swap3A_1668] {strides = array<i32>} : memref<2x32x1024xf32, #tpu.memory_space<vmem>>, vector<16xf32>,
      tpu.vector_store %arg5[%swap3A_1666, %swap3A_1667, %swap3A_1668], %broadcast_in_dim3A_3 {strides = array<i32>} : memref<2x32x1024xf32, #tpu.memory_space<vmem>>, vector<16xf32>,
      %swap3A_1670 = arith.constant 0 : i32
      %swap3A_1671 = arith.index_cast %swap3A_1670 : i32 to index
      %swap3A_1672 = arith.index_cast %scan3A_1455 : i32 to index
      %swap3A_1673 = arith.constant 688 : index
      %swap3A_1674 = tpu.vector_load %arg5[%swap3A_1671, %swap3A_1672, %swap3A_1673] {strides = array<i32>} : memref<2x32x1024xf32, #tpu.memory_space<vmem>>, vector<16xf32>,
      tpu.vector_store %arg5[%swap3A_1671, %swap3A_1672, %swap3A_1673], %broadcast_in_dim3A_3 {strides = array<i32>} : memref<2x32x1024xf32, #tpu.memory_space<vmem>>, vector<16xf32>,
      %swap3A_1675 = arith.constant 0 : i32
      %swap3A_1676 = arith.index_cast %swap3A_1675 : i32 to index
      %swap3A_1677 = arith.index_cast %scan3A_1455 : i32 to index
      %swap3A_1678 = arith.constant 704 : index
      %swap3A_1679 = tpu.vector_load %arg5[%swap3A_1676, %swap3A_1677, %swap3A_1678] {strides = array<i32>} : memref<2x32x1024xf32, #tpu.memory_space<vmem>>, vector<16xf32>,
      tpu.vector_store %arg5[%swap3A_1676, %swap3A_1677, %swap3A_1678], %broadcast_in_dim3A_3 {strides = array<i32>} : memref<2x32x1024xf32, #tpu.memory_space<vmem>>, vector<16xf32>,
      %swap3A_1680 = arith.constant 0 : i32
      %swap3A_1681 = arith.index_cast %swap3A_1680 : i32 to index
      %swap3A_1682 = arith.index_cast %scan3A_1455 : i32 to index
      %swap3A_1683 = arith.constant 720 : index
      %swap3A_1684 = tpu.vector_load %arg5[%swap3A_1681, %swap3A_1682, %swap3A_1683] {strides = array<i32>} : memref<2x32x1024xf32, #tpu.memory_space<vmem>>, vector<16xf32>,
      tpu.vector_store %arg5[%swap3A_1681, %swap3A_1682, %swap3A_1683], %broadcast_in_dim3A_3 {strides = array<i32>} : memref<2x32x1024xf32, #tpu.memory_space<vmem>>, vector<16xf32>,
      %swap3A_1685 = arith.constant 0 : i32
      %swap3A_1686 = arith.index_cast %swap3A_1685 : i32 to index
      %swap3A_1687 = arith.index_cast %scan3A_1455 : i32 to index
      %swap3A_1688 = arith.constant 736 : index
      %swap3A_1689 = tpu.vector_load %arg5[%swap3A_1686, %swap3A_1687, %swap3A_1688] {strides = array<i32>} : memref<2x32x1024xf32, #tpu.memory_space<vmem>>, vector<16xf32>,
      tpu.vector_store %arg5[%swap3A_1686, %swap3A_1687, %swap3A_1688], %broadcast_in_dim3A_3 {strides = array<i32>} : memref<2x32x1024xf32, #tpu.memory_space<vmem>>, vector<16xf32>,
      %swap3A_1690 = arith.constant 0 : i32
      %swap3A_1691 = arith.index_cast %swap3A_1690 : i32 to index
      %swap3A_1692 = arith.index_cast %scan3A_1455 : i32 to index
      %swap3A_1693 = arith.constant 752 : index
      %swap3A_1694 = tpu.vector_load %arg5[%swap3A_1691, %swap3A_1692, %swap3A_1693] {strides = array<i32>} : memref<2x32x1024xf32, #tpu.memory_space<vmem>>, vector<16xf32>,
      tpu.vector_store %arg5[%swap3A_1691, %swap3A_1692, %swap3A_1693], %broadcast_in_dim3A_3 {strides = array<i32>} : memref<2x32x1024xf32, #tpu.memory_space<vmem>>, vector<16xf32>,
      %swap3A_1695 = arith.constant 0 : i32
      %swap3A_1696 = arith.index_cast %swap3A_1695 : i32 to index
      %swap3A_1697 = arith.index_cast %scan3A_1455 : i32 to index
      %swap3A_1698 = arith.constant 768 : index
      %swap3A_1699 = tpu.vector_load %arg5[%swap3A_1696, %swap3A_1697, %swap3A_1698] {strides = array<i32>} : memref<2x32x1024xf32, #tpu.memory_space<vmem>>, vector<16xf32>,
      tpu.vector_store %arg5[%swap3A_1696, %swap3A_1697, %swap3A_1698], %broadcast_in_dim3A_3 {strides = array<i32>} : memref<2x32x1024xf32, #tpu.memory_space<vmem>>, vector<16xf32>,
      %swap3A_1700 = arith.constant 0 : i32
      %swap3A_1701 = arith.index_cast %swap3A_1700 : i32 to index
      %swap3A_1702 = arith.index_cast %scan3A_1455 : i32 to index
      %swap3A_1703 = arith.constant 784 : index
      %swap3A_1704 = tpu.vector_load %arg5[%swap3A_1701, %swap3A_1702, %swap3A_1703] {strides = array<i32>} : memref<2x32x1024xf32, #tpu.memory_space<vmem>>, vector<16xf32>,
      tpu.vector_store %arg5[%swap3A_1701, %swap3A_1702, %swap3A_1703], %broadcast_in_dim3A_3 {strides = array<i32>} : memref<2x32x1024xf32, #tpu.memory_space<vmem>>, vector<16xf32>,
      %swap3A_1705 = arith.constant 0 : i32
      %swap3A_1706 = arith.index_cast %swap3A_1705 : i32 to index
      %swap3A_1707 = arith.index_cast %scan3A_1455 : i32 to index
      %swap3A_1708 = arith.constant 800 : index
      %swap3A_1709 = tpu.vector_load %arg5[%swap3A_1706, %swap3A_1707, %swap3A_1708] {strides = array<i32>} : memref<2x32x1024xf32, #tpu.memory_space<vmem>>, vector<16xf32>,
      tpu.vector_store %arg5[%swap3A_1706, %swap3A_1707, %swap3A_1708], %broadcast_in_dim3A_3 {strides = array<i32>} : memref<2x32x1024xf32, #tpu.memory_space<vmem>>, vector<16xf32>,
      %swap3A_1710 = arith.constant 0 : i32
      %swap3A_1711 = arith.index_cast %swap3A_1710 : i32 to index
      %swap3A_1712 = arith.index_cast %scan3A_1455 : i32 to index
      %swap3A_1713 = arith.constant 816 : index
      %swap3A_1714 = tpu.vector_load %arg5[%swap3A_1711, %swap3A_1712, %swap3A_1713] {strides = array<i32>} : memref<2x32x1024xf32, #tpu.memory_space<vmem>>, vector<16xf32>,
      tpu.vector_store %arg5[%swap3A_1711, %swap3A_1712, %swap3A_1713], %broadcast_in_dim3A_3 {strides = array<i32>} : memref<2x32x1024xf32, #tpu.memory_space<vmem>>, vector<16xf32>,
      %swap3A_1715 = arith.constant 0 : i32
      %swap3A_1716 = arith.index_cast %swap3A_1715 : i32 to index
      %swap3A_1717 = arith.index_cast %scan3A_1455 : i32 to index
      %swap3A_1718 = arith.constant 832 : index
      %swap3A_1719 = tpu.vector_load %arg5[%swap3A_1716, %swap3A_1717, %swap3A_1718] {strides = array<i32>} : memref<2x32x1024xf32, #tpu.memory_space<vmem>>, vector<16xf32>,
      tpu.vector_store %arg5[%swap3A_1716, %swap3A_1717, %swap3A_1718], %broadcast_in_dim3A_3 {strides = array<i32>} : memref<2x32x1024xf32, #tpu.memory_space<vmem>>, vector<16xf32>,
      %swap3A_1720 = arith.constant 0 : i32
      %swap3A_1721 = arith.index_cast %swap3A_1720 : i32 to index
      %swap3A_1722 = arith.index_cast %scan3A_1455 : i32 to index
      %swap3A_1723 = arith.constant 848 : index
      %swap3A_1724 = tpu.vector_load %arg5[%swap3A_1721, %swap3A_1722, %swap3A_1723] {strides = array<i32>} : memref<2x32x1024xf32, #tpu.memory_space<vmem>>, vector<16xf32>,
      tpu.vector_store %arg5[%swap3A_1721, %swap3A_1722, %swap3A_1723], %broadcast_in_dim3A_3 {strides = array<i32>} : memref<2x32x1024xf32, #tpu.memory_space<vmem>>, vector<16xf32>,
      %swap3A_1725 = arith.constant 0 : i32
      %swap3A_1726 = arith.index_cast %swap3A_1725 : i32 to index
      %swap3A_1727 = arith.index_cast %scan3A_1455 : i32 to index
      %swap3A_1728 = arith.constant 864 : index
      %swap3A_1729 = tpu.vector_load %arg5[%swap3A_1726, %swap3A_1727, %swap3A_1728] {strides = array<i32>} : memref<2x32x1024xf32, #tpu.memory_space<vmem>>, vector<16xf32>,
      tpu.vector_store %arg5[%swap3A_1726, %swap3A_1727, %swap3A_1728], %broadcast_in_dim3A_3 {strides = array<i32>} : memref<2x32x1024xf32, #tpu.memory_space<vmem>>, vector<16xf32>,
      %swap3A_1730 = arith.constant 0 : i32
      %swap3A_1731 = arith.index_cast %swap3A_1730 : i32 to index
      %swap3A_1732 = arith.index_cast %scan3A_1455 : i32 to index
      %swap3A_1733 = arith.constant 880 : index
      %swap3A_1734 = tpu.vector_load %arg5[%swap3A_1731, %swap3A_1732, %swap3A_1733] {strides = array<i32>} : memref<2x32x1024xf32, #tpu.memory_space<vmem>>, vector<16xf32>,
      tpu.vector_store %arg5[%swap3A_1731, %swap3A_1732, %swap3A_1733], %broadcast_in_dim3A_3 {strides = array<i32>} : memref<2x32x1024xf32, #tpu.memory_space<vmem>>, vector<16xf32>,
      %swap3A_1735 = arith.constant 0 : i32
      %swap3A_1736 = arith.index_cast %swap3A_1735 : i32 to index
      %swap3A_1737 = arith.index_cast %scan3A_1455 : i32 to index
      %swap3A_1738 = arith.constant 896 : index
      %swap3A_1739 = tpu.vector_load %arg5[%swap3A_1736, %swap3A_1737, %swap3A_1738] {strides = array<i32>} : memref<2x32x1024xf32, #tpu.memory_space<vmem>>, vector<16xf32>,
      tpu.vector_store %arg5[%swap3A_1736, %swap3A_1737, %swap3A_1738], %broadcast_in_dim3A_3 {strides = array<i32>} : memref<2x32x1024xf32, #tpu.memory_space<vmem>>, vector<16xf32>,
      %swap3A_1740 = arith.constant 0 : i32
      %swap3A_1741 = arith.index_cast %swap3A_1740 : i32 to index
      %swap3A_1742 = arith.index_cast %scan3A_1455 : i32 to index
      %swap3A_1743 = arith.constant 912 : index
      %swap3A_1744 = tpu.vector_load %arg5[%swap3A_1741, %swap3A_1742, %swap3A_1743] {strides = array<i32>} : memref<2x32x1024xf32, #tpu.memory_space<vmem>>, vector<16xf32>,
      tpu.vector_store %arg5[%swap3A_1741, %swap3A_1742, %swap3A_1743], %broadcast_in_dim3A_3 {strides = array<i32>} : memref<2x32x1024xf32, #tpu.memory_space<vmem>>, vector<16xf32>,
      %swap3A_1745 = arith.constant 0 : i32
      %swap3A_1746 = arith.index_cast %swap3A_1745 : i32 to index
      %swap3A_1747 = arith.index_cast %scan3A_1455 : i32 to index
      %swap3A_1748 = arith.constant 928 : index
      %swap3A_1749 = tpu.vector_load %arg5[%swap3A_1746, %swap3A_1747, %swap3A_1748] {strides = array<i32>} : memref<2x32x1024xf32, #tpu.memory_space<vmem>>, vector<16xf32>,
      tpu.vector_store %arg5[%swap3A_1746, %swap3A_1747, %swap3A_1748], %broadcast_in_dim3A_3 {strides = array<i32>} : memref<2x32x1024xf32, #tpu.memory_space<vmem>>, vector<16xf32>,
      %swap3A_1750 = arith.constant 0 : i32
      %swap3A_1751 = arith.index_cast %swap3A_1750 : i32 to index
      %swap3A_1752 = arith.index_cast %scan3A_1455 : i32 to index
      %swap3A_1753 = arith.constant 944 : index
      %swap3A_1754 = tpu.vector_load %arg5[%swap3A_1751, %swap3A_1752, %swap3A_1753] {strides = array<i32>} : memref<2x32x1024xf32, #tpu.memory_space<vmem>>, vector<16xf32>,
      tpu.vector_store %arg5[%swap3A_1751, %swap3A_1752, %swap3A_1753], %broadcast_in_dim3A_3 {strides = array<i32>} : memref<2x32x1024xf32, #tpu.memory_space<vmem>>, vector<16xf32>,
      %swap3A_1755 = arith.constant 0 : i32
      %swap3A_1756 = arith.index_cast %swap3A_1755 : i32 to index
      %swap3A_1757 = arith.index_cast %scan3A_1455 : i32 to index
      %swap3A_1758 = arith.constant 960 : index
      %swap3A_1759 = tpu.vector_load %arg5[%swap3A_1756, %swap3A_1757, %swap3A_1758] {strides = array<i32>} : memref<2x32x1024xf32, #tpu.memory_space<vmem>>, vector<16xf32>,
      tpu.vector_store %arg5[%swap3A_1756, %swap3A_1757, %swap3A_1758], %broadcast_in_dim3A_3 {strides = array<i32>} : memref<2x32x1024xf32, #tpu.memory_space<vmem>>, vector<16xf32>,
      %swap3A_1760 = arith.constant 0 : i32
      %swap3A_1761 = arith.index_cast %swap3A_1760 : i32 to index
      %swap3A_1762 = arith.index_cast %scan3A_1455 : i32 to index
      %swap3A_1763 = arith.constant 976 : index
      %swap3A_1764 = tpu.vector_load %arg5[%swap3A_1761, %swap3A_1762, %swap3A_1763] {strides = array<i32>} : memref<2x32x1024xf32, #tpu.memory_space<vmem>>, vector<16xf32>,
      tpu.vector_store %arg5[%swap3A_1761, %swap3A_1762, %swap3A_1763], %broadcast_in_dim3A_3 {strides = array<i32>} : memref<2x32x1024xf32, #tpu.memory_space<vmem>>, vector<16xf32>,
      %swap3A_1765 = arith.constant 0 : i32
      %swap3A_1766 = arith.index_cast %swap3A_1765 : i32 to index
      %swap3A_1767 = arith.index_cast %scan3A_1455 : i32 to index
      %swap3A_1768 = arith.constant 992 : index
      %swap3A_1769 = tpu.vector_load %arg5[%swap3A_1766, %swap3A_1767, %swap3A_1768] {strides = array<i32>} : memref<2x32x1024xf32, #tpu.memory_space<vmem>>, vector<16xf32>,
      tpu.vector_store %arg5[%swap3A_1766, %swap3A_1767, %swap3A_1768], %broadcast_in_dim3A_3 {strides = array<i32>} : memref<2x32x1024xf32, #tpu.memory_space<vmem>>, vector<16xf32>,
      %swap3A_1770 = arith.constant 0 : i32
      %swap3A_1771 = arith.index_cast %swap3A_1770 : i32 to index
      %swap3A_1772 = arith.index_cast %scan3A_1455 : i32 to index
      %swap3A_1773 = arith.constant 1008 : index
      %swap3A_1774 = tpu.vector_load %arg5[%swap3A_1771, %swap3A_1772, %swap3A_1773] {strides = array<i32>} : memref<2x32x1024xf32, #tpu.memory_space<vmem>>, vector<16xf32>,
      tpu.vector_store %arg5[%swap3A_1771, %swap3A_1772, %swap3A_1773], %broadcast_in_dim3A_3 {strides = array<i32>} : memref<2x32x1024xf32, #tpu.memory_space<vmem>>, vector<16xf32>,
    }
    %scan3A_644 = arith.constant 32 : i32
    %broadcast_in_dim3A_645 = arith.constant 0 : i32
    %broadcast_in_dim3A_646 = vector.broadcast %broadcast_in_dim3A_645 : i32 to vector<16xi32>
    %scan3A_647 = arith.constant 0 : i32
    %scan3A_648 = arith.constant 50 : i32
    %scan3A_649 = arith.addi %scan3A_647, %scan3A_648 : i32
    %scan3A_650 = arith.constant 1 : i32
    %scan3A_651 = scf.for %scan3A_1455 = %scan3A_647 to %scan3A_649 step %scan3A_650 iter_args(%scan3A_1456 = %broadcast_in_dim3A_646) -> (vector<16xi32>)  : i32 {
      %gather3A = arith.constant 0 : i32
      %gather3A_1457 = arith.constant 0 : i32
      %gather3A_1458 = arith.constant 0 : i32
      %gather3A_1459 = tpu.memref_slice %arg4[%gather3A, %gather3A_1457, %gather3A_1458] : memref<2x32x211xi32, #tpu.memory_space<vmem>> -> memref<1x32x211xi32, #tpu.memory_space<vmem>>
      %gather3A_1460 = tpu.memref_squeeze %gather3A_1459 : memref<1x32x211xi32, #tpu.memory_space<vmem>> -> memref<32x211xi32, #tpu.memory_space<vmem>>
      %gather3A_1461 = tpu.vector_load_idx %gather3A_1460[%add3A_6, %scan3A_1456] : memref<32x211xi32, #tpu.memory_space<vmem>>[vector<16xi32>, vector<16xi32>], vector<16xi32>,
      %scatter3A = arith.constant 0 : i32
      %scatter3A_1462 = arith.constant 0 : i32
      %scatter3A_1463 = arith.constant 0 : i32
      %scatter3A_1464 = tpu.memref_slice %arg5[%scatter3A, %scatter3A_1462, %scatter3A_1463] : memref<2x32x1024xf32, #tpu.memory_space<vmem>> -> memref<1x32x1024xf32, #tpu.memory_space<vmem>>
      %scatter3A_1465 = tpu.memref_squeeze %scatter3A_1464 : memref<1x32x1024xf32, #tpu.memory_space<vmem>> -> memref<32x1024xf32, #tpu.memory_space<vmem>>
      tpu.vector_store_idx %scatter3A_1465[%add3A_6, %gather3A_1461], %broadcast_in_dim3A_1 {add = true} : memref<32x1024xf32, #tpu.memory_space<vmem>>[vector<16xi32>, vector<16xi32>], vector<16xf32>,
      %gather3A_1466 = arith.constant 0 : i32
      %gather3A_1467 = arith.constant 0 : i32
      %gather3A_1468 = arith.constant 0 : i32
      %gather3A_1469 = tpu.memref_slice %arg4[%gather3A_1466, %gather3A_1467, %gather3A_1468] : memref<2x32x211xi32, #tpu.memory_space<vmem>> -> memref<1x32x211xi32, #tpu.memory_space<vmem>>
      %gather3A_1470 = tpu.memref_squeeze %gather3A_1469 : memref<1x32x211xi32, #tpu.memory_space<vmem>> -> memref<32x211xi32, #tpu.memory_space<vmem>>
      %gather3A_1471 = tpu.vector_load_idx %gather3A_1470[%add3A_9, %scan3A_1456] : memref<32x211xi32, #tpu.memory_space<vmem>>[vector<16xi32>, vector<16xi32>], vector<16xi32>,
      %scatter3A_1472 = arith.constant 0 : i32
      %scatter3A_1473 = arith.constant 0 : i32
      %scatter3A_1474 = arith.constant 0 : i32
      %scatter3A_1475 = tpu.memref_slice %arg5[%scatter3A_1472, %scatter3A_1473, %scatter3A_1474] : memref<2x32x1024xf32, #tpu.memory_space<vmem>> -> memref<1x32x1024xf32, #tpu.memory_space<vmem>>
      %scatter3A_1476 = tpu.memref_squeeze %scatter3A_1475 : memref<1x32x1024xf32, #tpu.memory_space<vmem>> -> memref<32x1024xf32, #tpu.memory_space<vmem>>
      tpu.vector_store_idx %scatter3A_1476[%add3A_9, %gather3A_1471], %broadcast_in_dim3A_1 {add = true} : memref<32x1024xf32, #tpu.memory_space<vmem>>[vector<16xi32>, vector<16xi32>], vector<16xf32>,
      %add3A_1477 = arith.constant 1 : i32
      %add3A_1478 = vector.broadcast %add3A_1477 : i32 to vector<16xi32>
      %add3A_1479 = arith.addi %scan3A_1456, %add3A_1478 : vector<16xi32>
      %gather3A_1480 = arith.constant 0 : i32
      %gather3A_1481 = arith.constant 0 : i32
      %gather3A_1482 = arith.constant 0 : i32
      %gather3A_1483 = tpu.memref_slice %arg4[%gather3A_1480, %gather3A_1481, %gather3A_1482] : memref<2x32x211xi32, #tpu.memory_space<vmem>> -> memref<1x32x211xi32, #tpu.memory_space<vmem>>
      %gather3A_1484 = tpu.memref_squeeze %gather3A_1483 : memref<1x32x211xi32, #tpu.memory_space<vmem>> -> memref<32x211xi32, #tpu.memory_space<vmem>>
      %gather3A_1485 = tpu.vector_load_idx %gather3A_1484[%add3A_6, %add3A_1479] : memref<32x211xi32, #tpu.memory_space<vmem>>[vector<16xi32>, vector<16xi32>], vector<16xi32>,
      %scatter3A_1486 = arith.constant 0 : i32
      %scatter3A_1487 = arith.constant 0 : i32
      %scatter3A_1488 = arith.constant 0 : i32
      %scatter3A_1489 = tpu.memref_slice %arg5[%scatter3A_1486, %scatter3A_1487, %scatter3A_1488] : memref<2x32x1024xf32, #tpu.memory_space<vmem>> -> memref<1x32x1024xf32, #tpu.memory_space<vmem>>
      %scatter3A_1490 = tpu.memref_squeeze %scatter3A_1489 : memref<1x32x1024xf32, #tpu.memory_space<vmem>> -> memref<32x1024xf32, #tpu.memory_space<vmem>>
      tpu.vector_store_idx %scatter3A_1490[%add3A_6, %gather3A_1485], %broadcast_in_dim3A_1 {add = true} : memref<32x1024xf32, #tpu.memory_space<vmem>>[vector<16xi32>, vector<16xi32>], vector<16xf32>,
      %gather3A_1491 = arith.constant 0 : i32
      %gather3A_1492 = arith.constant 0 : i32
      %gather3A_1493 = arith.constant 0 : i32
      %gather3A_1494 = tpu.memref_slice %arg4[%gather3A_1491, %gather3A_1492, %gather3A_1493] : memref<2x32x211xi32, #tpu.memory_space<vmem>> -> memref<1x32x211xi32, #tpu.memory_space<vmem>>
      %gather3A_1495 = tpu.memref_squeeze %gather3A_1494 : memref<1x32x211xi32, #tpu.memory_space<vmem>> -> memref<32x211xi32, #tpu.memory_space<vmem>>
      %gather3A_1496 = tpu.vector_load_idx %gather3A_1495[%add3A_9, %add3A_1479] : memref<32x211xi32, #tpu.memory_space<vmem>>[vector<16xi32>, vector<16xi32>], vector<16xi32>,
      %scatter3A_1497 = arith.constant 0 : i32
      %scatter3A_1498 = arith.constant 0 : i32
      %scatter3A_1499 = arith.constant 0 : i32
      %scatter3A_1500 = tpu.memref_slice %arg5[%scatter3A_1497, %scatter3A_1498, %scatter3A_1499] : memref<2x32x1024xf32, #tpu.memory_space<vmem>> -> memref<1x32x1024xf32, #tpu.memory_space<vmem>>
      %scatter3A_1501 = tpu.memref_squeeze %scatter3A_1500 : memref<1x32x1024xf32, #tpu.memory_space<vmem>> -> memref<32x1024xf32, #tpu.memory_space<vmem>>
      tpu.vector_store_idx %scatter3A_1501[%add3A_9, %gather3A_1496], %broadcast_in_dim3A_1 {add = true} : memref<32x1024xf32, #tpu.memory_space<vmem>>[vector<16xi32>, vector<16xi32>], vector<16xf32>,
      %add3A_1502 = arith.constant 1 : i32
      %add3A_1503 = vector.broadcast %add3A_1502 : i32 to vector<16xi32>
      %add3A_1504 = arith.addi %add3A_1479, %add3A_1503 : vector<16xi32>
      %gather3A_1505 = arith.constant 0 : i32
      %gather3A_1506 = arith.constant 0 : i32
      %gather3A_1507 = arith.constant 0 : i32
      %gather3A_1508 = tpu.memref_slice %arg4[%gather3A_1505, %gather3A_1506, %gather3A_1507] : memref<2x32x211xi32, #tpu.memory_space<vmem>> -> memref<1x32x211xi32, #tpu.memory_space<vmem>>
      %gather3A_1509 = tpu.memref_squeeze %gather3A_1508 : memref<1x32x211xi32, #tpu.memory_space<vmem>> -> memref<32x211xi32, #tpu.memory_space<vmem>>
      %gather3A_1510 = tpu.vector_load_idx %gather3A_1509[%add3A_6, %add3A_1504] : memref<32x211xi32, #tpu.memory_space<vmem>>[vector<16xi32>, vector<16xi32>], vector<16xi32>,
      %scatter3A_1511 = arith.constant 0 : i32
      %scatter3A_1512 = arith.constant 0 : i32
      %scatter3A_1513 = arith.constant 0 : i32
      %scatter3A_1514 = tpu.memref_slice %arg5[%scatter3A_1511, %scatter3A_1512, %scatter3A_1513] : memref<2x32x1024xf32, #tpu.memory_space<vmem>> -> memref<1x32x1024xf32, #tpu.memory_space<vmem>>
      %scatter3A_1515 = tpu.memref_squeeze %scatter3A_1514 : memref<1x32x1024xf32, #tpu.memory_space<vmem>> -> memref<32x1024xf32, #tpu.memory_space<vmem>>
      tpu.vector_store_idx %scatter3A_1515[%add3A_6, %gather3A_1510], %broadcast_in_dim3A_1 {add = true} : memref<32x1024xf32, #tpu.memory_space<vmem>>[vector<16xi32>, vector<16xi32>], vector<16xf32>,
      %gather3A_1516 = arith.constant 0 : i32
      %gather3A_1517 = arith.constant 0 : i32
      %gather3A_1518 = arith.constant 0 : i32
      %gather3A_1519 = tpu.memref_slice %arg4[%gather3A_1516, %gather3A_1517, %gather3A_1518] : memref<2x32x211xi32, #tpu.memory_space<vmem>> -> memref<1x32x211xi32, #tpu.memory_space<vmem>>
      %gather3A_1520 = tpu.memref_squeeze %gather3A_1519 : memref<1x32x211xi32, #tpu.memory_space<vmem>> -> memref<32x211xi32, #tpu.memory_space<vmem>>
      %gather3A_1521 = tpu.vector_load_idx %gather3A_1520[%add3A_9, %add3A_1504] : memref<32x211xi32, #tpu.memory_space<vmem>>[vector<16xi32>, vector<16xi32>], vector<16xi32>,
      %scatter3A_1522 = arith.constant 0 : i32
      %scatter3A_1523 = arith.constant 0 : i32
      %scatter3A_1524 = arith.constant 0 : i32
      %scatter3A_1525 = tpu.memref_slice %arg5[%scatter3A_1522, %scatter3A_1523, %scatter3A_1524] : memref<2x32x1024xf32, #tpu.memory_space<vmem>> -> memref<1x32x1024xf32, #tpu.memory_space<vmem>>
      %scatter3A_1526 = tpu.memref_squeeze %scatter3A_1525 : memref<1x32x1024xf32, #tpu.memory_space<vmem>> -> memref<32x1024xf32, #tpu.memory_space<vmem>>
      tpu.vector_store_idx %scatter3A_1526[%add3A_9, %gather3A_1521], %broadcast_in_dim3A_1 {add = true} : memref<32x1024xf32, #tpu.memory_space<vmem>>[vector<16xi32>, vector<16xi32>], vector<16xf32>,
      %add3A_1527 = arith.constant 1 : i32
      %add3A_1528 = vector.broadcast %add3A_1527 : i32 to vector<16xi32>
      %add3A_1529 = arith.addi %add3A_1504, %add3A_1528 : vector<16xi32>
      %gather3A_1530 = arith.constant 0 : i32
      %gather3A_1531 = arith.constant 0 : i32
      %gather3A_1532 = arith.constant 0 : i32
      %gather3A_1533 = tpu.memref_slice %arg4[%gather3A_1530, %gather3A_1531, %gather3A_1532] : memref<2x32x211xi32, #tpu.memory_space<vmem>> -> memref<1x32x211xi32, #tpu.memory_space<vmem>>
      %gather3A_1534 = tpu.memref_squeeze %gather3A_1533 : memref<1x32x211xi32, #tpu.memory_space<vmem>> -> memref<32x211xi32, #tpu.memory_space<vmem>>
      %gather3A_1535 = tpu.vector_load_idx %gather3A_1534[%add3A_6, %add3A_1529] : memref<32x211xi32, #tpu.memory_space<vmem>>[vector<16xi32>, vector<16xi32>], vector<16xi32>,
      %scatter3A_1536 = arith.constant 0 : i32
      %scatter3A_1537 = arith.constant 0 : i32
      %scatter3A_1538 = arith.constant 0 : i32
      %scatter3A_1539 = tpu.memref_slice %arg5[%scatter3A_1536, %scatter3A_1537, %scatter3A_1538] : memref<2x32x1024xf32, #tpu.memory_space<vmem>> -> memref<1x32x1024xf32, #tpu.memory_space<vmem>>
      %scatter3A_1540 = tpu.memref_squeeze %scatter3A_1539 : memref<1x32x1024xf32, #tpu.memory_space<vmem>> -> memref<32x1024xf32, #tpu.memory_space<vmem>>
      tpu.vector_store_idx %scatter3A_1540[%add3A_6, %gather3A_1535], %broadcast_in_dim3A_1 {add = true} : memref<32x1024xf32, #tpu.memory_space<vmem>>[vector<16xi32>, vector<16xi32>], vector<16xf32>,
      %gather3A_1541 = arith.constant 0 : i32
      %gather3A_1542 = arith.constant 0 : i32
      %gather3A_1543 = arith.constant 0 : i32
      %gather3A_1544 = tpu.memref_slice %arg4[%gather3A_1541, %gather3A_1542, %gather3A_1543] : memref<2x32x211xi32, #tpu.memory_space<vmem>> -> memref<1x32x211xi32, #tpu.memory_space<vmem>>
      %gather3A_1545 = tpu.memref_squeeze %gather3A_1544 : memref<1x32x211xi32, #tpu.memory_space<vmem>> -> memref<32x211xi32, #tpu.memory_space<vmem>>
      %gather3A_1546 = tpu.vector_load_idx %gather3A_1545[%add3A_9, %add3A_1529] : memref<32x211xi32, #tpu.memory_space<vmem>>[vector<16xi32>, vector<16xi32>], vector<16xi32>,
      %scatter3A_1547 = arith.constant 0 : i32
      %scatter3A_1548 = arith.constant 0 : i32
      %scatter3A_1549 = arith.constant 0 : i32
      %scatter3A_1550 = tpu.memref_slice %arg5[%scatter3A_1547, %scatter3A_1548, %scatter3A_1549] : memref<2x32x1024xf32, #tpu.memory_space<vmem>> -> memref<1x32x1024xf32, #tpu.memory_space<vmem>>
      %scatter3A_1551 = tpu.memref_squeeze %scatter3A_1550 : memref<1x32x1024xf32, #tpu.memory_space<vmem>> -> memref<32x1024xf32, #tpu.memory_space<vmem>>
      tpu.vector_store_idx %scatter3A_1551[%add3A_9, %gather3A_1546], %broadcast_in_dim3A_1 {add = true} : memref<32x1024xf32, #tpu.memory_space<vmem>>[vector<16xi32>, vector<16xi32>], vector<16xf32>,
      %add3A_1552 = arith.constant 1 : i32
      %add3A_1553 = vector.broadcast %add3A_1552 : i32 to vector<16xi32>
      %add3A_1554 = arith.addi %add3A_1529, %add3A_1553 : vector<16xi32>
      scf.yield %add3A_1554 : vector<16xi32>
    }
    %scan3A_652 = arith.constant 50 : i32
    %mul3A_653 = arith.constant 4 : i32
    %mul3A_654 = arith.muli %add3A, %mul3A_653 : i32
    %add3A_655 = arith.constant 2 : i32
    %add3A_656 = arith.addi %mul3A_654, %add3A_655 : i32
    %mul3A_657 = arith.constant 32 : i32
    %mul3A_658 = arith.muli %add3A_656, %mul3A_657 : i32
    %dma_start3A_659 = arith.constant 0 : i32
    %dma_start3A_660 = arith.constant 0 : i32
    %dma_start3A_661 = arith.constant 0 : i32
    %dma_start3A_662 = arith.constant 0 : i32
    %dma_start3A_663 = arith.constant 0 : i32
    %dma_start3A_664 = tpu.memref_slice %arg5[%dma_start3A_659, %dma_start3A_662, %dma_start3A_663] : memref<2x32x1024xf32, #tpu.memory_space<vmem>> -> memref<1x32x128xf32, #tpu.memory_space<vmem>>
    %dma_start3A_665 = tpu.memref_squeeze %dma_start3A_664 : memref<1x32x128xf32, #tpu.memory_space<vmem>> -> memref<32x128xf32, #tpu.memory_space<vmem>>
    %dma_start3A_666 = arith.constant 0 : i32
    %dma_start3A_667 = tpu.memref_slice %arg3[%dma_start3A_660, %mul3A_658, %dma_start3A_666] : memref<8x4096x128xf32, #tpu.memory_space<hbm>> -> memref<1x32x128xf32, #tpu.memory_space<hbm>>
    %dma_start3A_668 = tpu.memref_squeeze %dma_start3A_667 : memref<1x32x128xf32, #tpu.memory_space<hbm>> -> memref<32x128xf32, #tpu.memory_space<hbm>>
    %dma_start3A_669 = tpu.memref_slice %arg7[%dma_start3A_661] : memref<2x!tpu.dma_semaphore, #tpu.memory_space<semaphore_mem>> -> memref<1x!tpu.dma_semaphore, #tpu.memory_space<semaphore_mem>>
    %dma_start3A_670 = tpu.memref_squeeze %dma_start3A_669 : memref<1x!tpu.dma_semaphore, #tpu.memory_space<semaphore_mem>> -> memref<!tpu.dma_semaphore, #tpu.memory_space<semaphore_mem>>
    %dma_start3A_671 = arith.constant 0 : i32
    %dma_start3A_672 = tpu.memref_slice %arg3[%dma_start3A_660, %mul3A_658, %dma_start3A_671] : memref<8x4096x128xf32, #tpu.memory_space<hbm>> -> memref<1x32x128xf32, #tpu.memory_space<hbm>>
    %dma_start3A_673 = tpu.memref_squeeze %dma_start3A_672 : memref<1x32x128xf32, #tpu.memory_space<hbm>> -> memref<32x128xf32, #tpu.memory_space<hbm>>
    %dma_start3A_674 = arith.constant 0 : i32
    %dma_start3A_675 = arith.constant 0 : i32
    %dma_start3A_676 = tpu.memref_slice %arg5[%dma_start3A_659, %dma_start3A_674, %dma_start3A_675] : memref<2x32x1024xf32, #tpu.memory_space<vmem>> -> memref<1x32x128xf32, #tpu.memory_space<vmem>>
    %dma_start3A_677 = tpu.memref_squeeze %dma_start3A_676 : memref<1x32x128xf32, #tpu.memory_space<vmem>> -> memref<32x128xf32, #tpu.memory_space<vmem>>
    tpu.enqueue_dma source(%dma_start3A_677 : memref<32x128xf32, #tpu.memory_space<vmem>>) target(%dma_start3A_673 : memref<32x128xf32, #tpu.memory_space<hbm>>) target_semaphore(%dma_start3A_670 : memref<!tpu.dma_semaphore, #tpu.memory_space<semaphore_mem>>)
    %dma_start3A_678 = arith.constant 0 : i32
    %dma_start3A_679 = arith.constant 1 : i32
    %dma_start3A_680 = arith.constant 0 : i32
    %dma_start3A_681 = arith.constant 0 : i32
    %dma_start3A_682 = arith.constant 128 : i32
    %dma_start3A_683 = tpu.memref_slice %arg5[%dma_start3A_678, %dma_start3A_681, %dma_start3A_682] : memref<2x32x1024xf32, #tpu.memory_space<vmem>> -> memref<1x32x128xf32, #tpu.memory_space<vmem>>
    %dma_start3A_684 = tpu.memref_squeeze %dma_start3A_683 : memref<1x32x128xf32, #tpu.memory_space<vmem>> -> memref<32x128xf32, #tpu.memory_space<vmem>>
    %dma_start3A_685 = arith.constant 0 : i32
    %dma_start3A_686 = tpu.memref_slice %arg3[%dma_start3A_679, %mul3A_658, %dma_start3A_685] : memref<8x4096x128xf32, #tpu.memory_space<hbm>> -> memref<1x32x128xf32, #tpu.memory_space<hbm>>
    %dma_start3A_687 = tpu.memref_squeeze %dma_start3A_686 : memref<1x32x128xf32, #tpu.memory_space<hbm>> -> memref<32x128xf32, #tpu.memory_space<hbm>>
    %dma_start3A_688 = tpu.memref_slice %arg7[%dma_start3A_680] : memref<2x!tpu.dma_semaphore, #tpu.memory_space<semaphore_mem>> -> memref<1x!tpu.dma_semaphore, #tpu.memory_space<semaphore_mem>>
    %dma_start3A_689 = tpu.memref_squeeze %dma_start3A_688 : memref<1x!tpu.dma_semaphore, #tpu.memory_space<semaphore_mem>> -> memref<!tpu.dma_semaphore, #tpu.memory_space<semaphore_mem>>
    %dma_start3A_690 = arith.constant 0 : i32
    %dma_start3A_691 = tpu.memref_slice %arg3[%dma_start3A_679, %mul3A_658, %dma_start3A_690] : memref<8x4096x128xf32, #tpu.memory_space<hbm>> -> memref<1x32x128xf32, #tpu.memory_space<hbm>>
    %dma_start3A_692 = tpu.memref_squeeze %dma_start3A_691 : memref<1x32x128xf32, #tpu.memory_space<hbm>> -> memref<32x128xf32, #tpu.memory_space<hbm>>
    %dma_start3A_693 = arith.constant 0 : i32
    %dma_start3A_694 = arith.constant 128 : i32
    %dma_start3A_695 = tpu.memref_slice %arg5[%dma_start3A_678, %dma_start3A_693, %dma_start3A_694] : memref<2x32x1024xf32, #tpu.memory_space<vmem>> -> memref<1x32x128xf32, #tpu.memory_space<vmem>>
    %dma_start3A_696 = tpu.memref_squeeze %dma_start3A_695 : memref<1x32x128xf32, #tpu.memory_space<vmem>> -> memref<32x128xf32, #tpu.memory_space<vmem>>
    tpu.enqueue_dma source(%dma_start3A_696 : memref<32x128xf32, #tpu.memory_space<vmem>>) target(%dma_start3A_692 : memref<32x128xf32, #tpu.memory_space<hbm>>) target_semaphore(%dma_start3A_689 : memref<!tpu.dma_semaphore, #tpu.memory_space<semaphore_mem>>)
    %dma_start3A_697 = arith.constant 0 : i32
    %dma_start3A_698 = arith.constant 2 : i32
    %dma_start3A_699 = arith.constant 0 : i32
    %dma_start3A_700 = arith.constant 0 : i32
    %dma_start3A_701 = arith.constant 256 : i32
    %dma_start3A_702 = tpu.memref_slice %arg5[%dma_start3A_697, %dma_start3A_700, %dma_start3A_701] : memref<2x32x1024xf32, #tpu.memory_space<vmem>> -> memref<1x32x128xf32, #tpu.memory_space<vmem>>
    %dma_start3A_703 = tpu.memref_squeeze %dma_start3A_702 : memref<1x32x128xf32, #tpu.memory_space<vmem>> -> memref<32x128xf32, #tpu.memory_space<vmem>>
    %dma_start3A_704 = arith.constant 0 : i32
    %dma_start3A_705 = tpu.memref_slice %arg3[%dma_start3A_698, %mul3A_658, %dma_start3A_704] : memref<8x4096x128xf32, #tpu.memory_space<hbm>> -> memref<1x32x128xf32, #tpu.memory_space<hbm>>
    %dma_start3A_706 = tpu.memref_squeeze %dma_start3A_705 : memref<1x32x128xf32, #tpu.memory_space<hbm>> -> memref<32x128xf32, #tpu.memory_space<hbm>>
    %dma_start3A_707 = tpu.memref_slice %arg7[%dma_start3A_699] : memref<2x!tpu.dma_semaphore, #tpu.memory_space<semaphore_mem>> -> memref<1x!tpu.dma_semaphore, #tpu.memory_space<semaphore_mem>>
    %dma_start3A_708 = tpu.memref_squeeze %dma_start3A_707 : memref<1x!tpu.dma_semaphore, #tpu.memory_space<semaphore_mem>> -> memref<!tpu.dma_semaphore, #tpu.memory_space<semaphore_mem>>
    %dma_start3A_709 = arith.constant 0 : i32
    %dma_start3A_710 = tpu.memref_slice %arg3[%dma_start3A_698, %mul3A_658, %dma_start3A_709] : memref<8x4096x128xf32, #tpu.memory_space<hbm>> -> memref<1x32x128xf32, #tpu.memory_space<hbm>>
    %dma_start3A_711 = tpu.memref_squeeze %dma_start3A_710 : memref<1x32x128xf32, #tpu.memory_space<hbm>> -> memref<32x128xf32, #tpu.memory_space<hbm>>
    %dma_start3A_712 = arith.constant 0 : i32
    %dma_start3A_713 = arith.constant 256 : i32
    %dma_start3A_714 = tpu.memref_slice %arg5[%dma_start3A_697, %dma_start3A_712, %dma_start3A_713] : memref<2x32x1024xf32, #tpu.memory_space<vmem>> -> memref<1x32x128xf32, #tpu.memory_space<vmem>>
    %dma_start3A_715 = tpu.memref_squeeze %dma_start3A_714 : memref<1x32x128xf32, #tpu.memory_space<vmem>> -> memref<32x128xf32, #tpu.memory_space<vmem>>
    tpu.enqueue_dma source(%dma_start3A_715 : memref<32x128xf32, #tpu.memory_space<vmem>>) target(%dma_start3A_711 : memref<32x128xf32, #tpu.memory_space<hbm>>) target_semaphore(%dma_start3A_708 : memref<!tpu.dma_semaphore, #tpu.memory_space<semaphore_mem>>)
    %dma_start3A_716 = arith.constant 0 : i32
    %dma_start3A_717 = arith.constant 3 : i32
    %dma_start3A_718 = arith.constant 0 : i32
    %dma_start3A_719 = arith.constant 0 : i32
    %dma_start3A_720 = arith.constant 384 : i32
    %dma_start3A_721 = tpu.memref_slice %arg5[%dma_start3A_716, %dma_start3A_719, %dma_start3A_720] : memref<2x32x1024xf32, #tpu.memory_space<vmem>> -> memref<1x32x128xf32, #tpu.memory_space<vmem>>
    %dma_start3A_722 = tpu.memref_squeeze %dma_start3A_721 : memref<1x32x128xf32, #tpu.memory_space<vmem>> -> memref<32x128xf32, #tpu.memory_space<vmem>>
    %dma_start3A_723 = arith.constant 0 : i32
    %dma_start3A_724 = tpu.memref_slice %arg3[%dma_start3A_717, %mul3A_658, %dma_start3A_723] : memref<8x4096x128xf32, #tpu.memory_space<hbm>> -> memref<1x32x128xf32, #tpu.memory_space<hbm>>
    %dma_start3A_725 = tpu.memref_squeeze %dma_start3A_724 : memref<1x32x128xf32, #tpu.memory_space<hbm>> -> memref<32x128xf32, #tpu.memory_space<hbm>>
    %dma_start3A_726 = tpu.memref_slice %arg7[%dma_start3A_718] : memref<2x!tpu.dma_semaphore, #tpu.memory_space<semaphore_mem>> -> memref<1x!tpu.dma_semaphore, #tpu.memory_space<semaphore_mem>>
    %dma_start3A_727 = tpu.memref_squeeze %dma_start3A_726 : memref<1x!tpu.dma_semaphore, #tpu.memory_space<semaphore_mem>> -> memref<!tpu.dma_semaphore, #tpu.memory_space<semaphore_mem>>
    %dma_start3A_728 = arith.constant 0 : i32
    %dma_start3A_729 = tpu.memref_slice %arg3[%dma_start3A_717, %mul3A_658, %dma_start3A_728] : memref<8x4096x128xf32, #tpu.memory_space<hbm>> -> memref<1x32x128xf32, #tpu.memory_space<hbm>>
    %dma_start3A_730 = tpu.memref_squeeze %dma_start3A_729 : memref<1x32x128xf32, #tpu.memory_space<hbm>> -> memref<32x128xf32, #tpu.memory_space<hbm>>
    %dma_start3A_731 = arith.constant 0 : i32
    %dma_start3A_732 = arith.constant 384 : i32
    %dma_start3A_733 = tpu.memref_slice %arg5[%dma_start3A_716, %dma_start3A_731, %dma_start3A_732] : memref<2x32x1024xf32, #tpu.memory_space<vmem>> -> memref<1x32x128xf32, #tpu.memory_space<vmem>>
    %dma_start3A_734 = tpu.memref_squeeze %dma_start3A_733 : memref<1x32x128xf32, #tpu.memory_space<vmem>> -> memref<32x128xf32, #tpu.memory_space<vmem>>
    tpu.enqueue_dma source(%dma_start3A_734 : memref<32x128xf32, #tpu.memory_space<vmem>>) target(%dma_start3A_730 : memref<32x128xf32, #tpu.memory_space<hbm>>) target_semaphore(%dma_start3A_727 : memref<!tpu.dma_semaphore, #tpu.memory_space<semaphore_mem>>)
    %dma_start3A_735 = arith.constant 0 : i32
    %dma_start3A_736 = arith.constant 4 : i32
    %dma_start3A_737 = arith.constant 0 : i32
    %dma_start3A_738 = arith.constant 0 : i32
    %dma_start3A_739 = arith.constant 512 : i32
    %dma_start3A_740 = tpu.memref_slice %arg5[%dma_start3A_735, %dma_start3A_738, %dma_start3A_739] : memref<2x32x1024xf32, #tpu.memory_space<vmem>> -> memref<1x32x128xf32, #tpu.memory_space<vmem>>
    %dma_start3A_741 = tpu.memref_squeeze %dma_start3A_740 : memref<1x32x128xf32, #tpu.memory_space<vmem>> -> memref<32x128xf32, #tpu.memory_space<vmem>>
    %dma_start3A_742 = arith.constant 0 : i32
    %dma_start3A_743 = tpu.memref_slice %arg3[%dma_start3A_736, %mul3A_658, %dma_start3A_742] : memref<8x4096x128xf32, #tpu.memory_space<hbm>> -> memref<1x32x128xf32, #tpu.memory_space<hbm>>
    %dma_start3A_744 = tpu.memref_squeeze %dma_start3A_743 : memref<1x32x128xf32, #tpu.memory_space<hbm>> -> memref<32x128xf32, #tpu.memory_space<hbm>>
    %dma_start3A_745 = tpu.memref_slice %arg7[%dma_start3A_737] : memref<2x!tpu.dma_semaphore, #tpu.memory_space<semaphore_mem>> -> memref<1x!tpu.dma_semaphore, #tpu.memory_space<semaphore_mem>>
    %dma_start3A_746 = tpu.memref_squeeze %dma_start3A_745 : memref<1x!tpu.dma_semaphore, #tpu.memory_space<semaphore_mem>> -> memref<!tpu.dma_semaphore, #tpu.memory_space<semaphore_mem>>
    %dma_start3A_747 = arith.constant 0 : i32
    %dma_start3A_748 = tpu.memref_slice %arg3[%dma_start3A_736, %mul3A_658, %dma_start3A_747] : memref<8x4096x128xf32, #tpu.memory_space<hbm>> -> memref<1x32x128xf32, #tpu.memory_space<hbm>>
    %dma_start3A_749 = tpu.memref_squeeze %dma_start3A_748 : memref<1x32x128xf32, #tpu.memory_space<hbm>> -> memref<32x128xf32, #tpu.memory_space<hbm>>
    %dma_start3A_750 = arith.constant 0 : i32
    %dma_start3A_751 = arith.constant 512 : i32
    %dma_start3A_752 = tpu.memref_slice %arg5[%dma_start3A_735, %dma_start3A_750, %dma_start3A_751] : memref<2x32x1024xf32, #tpu.memory_space<vmem>> -> memref<1x32x128xf32, #tpu.memory_space<vmem>>
    %dma_start3A_753 = tpu.memref_squeeze %dma_start3A_752 : memref<1x32x128xf32, #tpu.memory_space<vmem>> -> memref<32x128xf32, #tpu.memory_space<vmem>>
    tpu.enqueue_dma source(%dma_start3A_753 : memref<32x128xf32, #tpu.memory_space<vmem>>) target(%dma_start3A_749 : memref<32x128xf32, #tpu.memory_space<hbm>>) target_semaphore(%dma_start3A_746 : memref<!tpu.dma_semaphore, #tpu.memory_space<semaphore_mem>>)
    %dma_start3A_754 = arith.constant 0 : i32
    %dma_start3A_755 = arith.constant 5 : i32
    %dma_start3A_756 = arith.constant 0 : i32
    %dma_start3A_757 = arith.constant 0 : i32
    %dma_start3A_758 = arith.constant 640 : i32
    %dma_start3A_759 = tpu.memref_slice %arg5[%dma_start3A_754, %dma_start3A_757, %dma_start3A_758] : memref<2x32x1024xf32, #tpu.memory_space<vmem>> -> memref<1x32x128xf32, #tpu.memory_space<vmem>>
    %dma_start3A_760 = tpu.memref_squeeze %dma_start3A_759 : memref<1x32x128xf32, #tpu.memory_space<vmem>> -> memref<32x128xf32, #tpu.memory_space<vmem>>
    %dma_start3A_761 = arith.constant 0 : i32
    %dma_start3A_762 = tpu.memref_slice %arg3[%dma_start3A_755, %mul3A_658, %dma_start3A_761] : memref<8x4096x128xf32, #tpu.memory_space<hbm>> -> memref<1x32x128xf32, #tpu.memory_space<hbm>>
    %dma_start3A_763 = tpu.memref_squeeze %dma_start3A_762 : memref<1x32x128xf32, #tpu.memory_space<hbm>> -> memref<32x128xf32, #tpu.memory_space<hbm>>
    %dma_start3A_764 = tpu.memref_slice %arg7[%dma_start3A_756] : memref<2x!tpu.dma_semaphore, #tpu.memory_space<semaphore_mem>> -> memref<1x!tpu.dma_semaphore, #tpu.memory_space<semaphore_mem>>
    %dma_start3A_765 = tpu.memref_squeeze %dma_start3A_764 : memref<1x!tpu.dma_semaphore, #tpu.memory_space<semaphore_mem>> -> memref<!tpu.dma_semaphore, #tpu.memory_space<semaphore_mem>>
    %dma_start3A_766 = arith.constant 0 : i32
    %dma_start3A_767 = tpu.memref_slice %arg3[%dma_start3A_755, %mul3A_658, %dma_start3A_766] : memref<8x4096x128xf32, #tpu.memory_space<hbm>> -> memref<1x32x128xf32, #tpu.memory_space<hbm>>
    %dma_start3A_768 = tpu.memref_squeeze %dma_start3A_767 : memref<1x32x128xf32, #tpu.memory_space<hbm>> -> memref<32x128xf32, #tpu.memory_space<hbm>>
    %dma_start3A_769 = arith.constant 0 : i32
    %dma_start3A_770 = arith.constant 640 : i32
    %dma_start3A_771 = tpu.memref_slice %arg5[%dma_start3A_754, %dma_start3A_769, %dma_start3A_770] : memref<2x32x1024xf32, #tpu.memory_space<vmem>> -> memref<1x32x128xf32, #tpu.memory_space<vmem>>
    %dma_start3A_772 = tpu.memref_squeeze %dma_start3A_771 : memref<1x32x128xf32, #tpu.memory_space<vmem>> -> memref<32x128xf32, #tpu.memory_space<vmem>>
    tpu.enqueue_dma source(%dma_start3A_772 : memref<32x128xf32, #tpu.memory_space<vmem>>) target(%dma_start3A_768 : memref<32x128xf32, #tpu.memory_space<hbm>>) target_semaphore(%dma_start3A_765 : memref<!tpu.dma_semaphore, #tpu.memory_space<semaphore_mem>>)
    %dma_start3A_773 = arith.constant 0 : i32
    %dma_start3A_774 = arith.constant 6 : i32
    %dma_start3A_775 = arith.constant 0 : i32
    %dma_start3A_776 = arith.constant 0 : i32
    %dma_start3A_777 = arith.constant 768 : i32
    %dma_start3A_778 = tpu.memref_slice %arg5[%dma_start3A_773, %dma_start3A_776, %dma_start3A_777] : memref<2x32x1024xf32, #tpu.memory_space<vmem>> -> memref<1x32x128xf32, #tpu.memory_space<vmem>>
    %dma_start3A_779 = tpu.memref_squeeze %dma_start3A_778 : memref<1x32x128xf32, #tpu.memory_space<vmem>> -> memref<32x128xf32, #tpu.memory_space<vmem>>
    %dma_start3A_780 = arith.constant 0 : i32
    %dma_start3A_781 = tpu.memref_slice %arg3[%dma_start3A_774, %mul3A_658, %dma_start3A_780] : memref<8x4096x128xf32, #tpu.memory_space<hbm>> -> memref<1x32x128xf32, #tpu.memory_space<hbm>>
    %dma_start3A_782 = tpu.memref_squeeze %dma_start3A_781 : memref<1x32x128xf32, #tpu.memory_space<hbm>> -> memref<32x128xf32, #tpu.memory_space<hbm>>
    %dma_start3A_783 = tpu.memref_slice %arg7[%dma_start3A_775] : memref<2x!tpu.dma_semaphore, #tpu.memory_space<semaphore_mem>> -> memref<1x!tpu.dma_semaphore, #tpu.memory_space<semaphore_mem>>
    %dma_start3A_784 = tpu.memref_squeeze %dma_start3A_783 : memref<1x!tpu.dma_semaphore, #tpu.memory_space<semaphore_mem>> -> memref<!tpu.dma_semaphore, #tpu.memory_space<semaphore_mem>>
    %dma_start3A_785 = arith.constant 0 : i32
    %dma_start3A_786 = tpu.memref_slice %arg3[%dma_start3A_774, %mul3A_658, %dma_start3A_785] : memref<8x4096x128xf32, #tpu.memory_space<hbm>> -> memref<1x32x128xf32, #tpu.memory_space<hbm>>
    %dma_start3A_787 = tpu.memref_squeeze %dma_start3A_786 : memref<1x32x128xf32, #tpu.memory_space<hbm>> -> memref<32x128xf32, #tpu.memory_space<hbm>>
    %dma_start3A_788 = arith.constant 0 : i32
    %dma_start3A_789 = arith.constant 768 : i32
    %dma_start3A_790 = tpu.memref_slice %arg5[%dma_start3A_773, %dma_start3A_788, %dma_start3A_789] : memref<2x32x1024xf32, #tpu.memory_space<vmem>> -> memref<1x32x128xf32, #tpu.memory_space<vmem>>
    %dma_start3A_791 = tpu.memref_squeeze %dma_start3A_790 : memref<1x32x128xf32, #tpu.memory_space<vmem>> -> memref<32x128xf32, #tpu.memory_space<vmem>>
    tpu.enqueue_dma source(%dma_start3A_791 : memref<32x128xf32, #tpu.memory_space<vmem>>) target(%dma_start3A_787 : memref<32x128xf32, #tpu.memory_space<hbm>>) target_semaphore(%dma_start3A_784 : memref<!tpu.dma_semaphore, #tpu.memory_space<semaphore_mem>>)
    %dma_start3A_792 = arith.constant 0 : i32
    %dma_start3A_793 = arith.constant 7 : i32
    %dma_start3A_794 = arith.constant 0 : i32
    %dma_start3A_795 = arith.constant 0 : i32
    %dma_start3A_796 = arith.constant 896 : i32
    %dma_start3A_797 = tpu.memref_slice %arg5[%dma_start3A_792, %dma_start3A_795, %dma_start3A_796] : memref<2x32x1024xf32, #tpu.memory_space<vmem>> -> memref<1x32x128xf32, #tpu.memory_space<vmem>>
    %dma_start3A_798 = tpu.memref_squeeze %dma_start3A_797 : memref<1x32x128xf32, #tpu.memory_space<vmem>> -> memref<32x128xf32, #tpu.memory_space<vmem>>
    %dma_start3A_799 = arith.constant 0 : i32
    %dma_start3A_800 = tpu.memref_slice %arg3[%dma_start3A_793, %mul3A_658, %dma_start3A_799] : memref<8x4096x128xf32, #tpu.memory_space<hbm>> -> memref<1x32x128xf32, #tpu.memory_space<hbm>>
    %dma_start3A_801 = tpu.memref_squeeze %dma_start3A_800 : memref<1x32x128xf32, #tpu.memory_space<hbm>> -> memref<32x128xf32, #tpu.memory_space<hbm>>
    %dma_start3A_802 = tpu.memref_slice %arg7[%dma_start3A_794] : memref<2x!tpu.dma_semaphore, #tpu.memory_space<semaphore_mem>> -> memref<1x!tpu.dma_semaphore, #tpu.memory_space<semaphore_mem>>
    %dma_start3A_803 = tpu.memref_squeeze %dma_start3A_802 : memref<1x!tpu.dma_semaphore, #tpu.memory_space<semaphore_mem>> -> memref<!tpu.dma_semaphore, #tpu.memory_space<semaphore_mem>>
    %dma_start3A_804 = arith.constant 0 : i32
    %dma_start3A_805 = tpu.memref_slice %arg3[%dma_start3A_793, %mul3A_658, %dma_start3A_804] : memref<8x4096x128xf32, #tpu.memory_space<hbm>> -> memref<1x32x128xf32, #tpu.memory_space<hbm>>
    %dma_start3A_806 = tpu.memref_squeeze %dma_start3A_805 : memref<1x32x128xf32, #tpu.memory_space<hbm>> -> memref<32x128xf32, #tpu.memory_space<hbm>>
    %dma_start3A_807 = arith.constant 0 : i32
    %dma_start3A_808 = arith.constant 896 : i32
    %dma_start3A_809 = tpu.memref_slice %arg5[%dma_start3A_792, %dma_start3A_807, %dma_start3A_808] : memref<2x32x1024xf32, #tpu.memory_space<vmem>> -> memref<1x32x128xf32, #tpu.memory_space<vmem>>
    %dma_start3A_810 = tpu.memref_squeeze %dma_start3A_809 : memref<1x32x128xf32, #tpu.memory_space<vmem>> -> memref<32x128xf32, #tpu.memory_space<vmem>>
    tpu.enqueue_dma source(%dma_start3A_810 : memref<32x128xf32, #tpu.memory_space<vmem>>) target(%dma_start3A_806 : memref<32x128xf32, #tpu.memory_space<hbm>>) target_semaphore(%dma_start3A_803 : memref<!tpu.dma_semaphore, #tpu.memory_space<semaphore_mem>>)
    %dma_wait3A_811 = arith.constant 1 : i32
    %dma_wait3A_812 = arith.constant 1 : i32
    %dma_wait3A_813 = arith.constant 0 : i32
    %dma_wait3A_814 = arith.constant 0 : i32
    %dma_wait3A_815 = tpu.memref_slice %arg4[%dma_wait3A_811, %dma_wait3A_813, %dma_wait3A_814] : memref<2x32x211xi32, #tpu.memory_space<vmem>> -> memref<1x32x200xi32, #tpu.memory_space<vmem>>
    %dma_wait3A_816 = tpu.memref_squeeze %dma_wait3A_815 : memref<1x32x200xi32, #tpu.memory_space<vmem>> -> memref<32x200xi32, #tpu.memory_space<vmem>>
    %dma_wait3A_817 = arith.constant 0 : i32
    %dma_wait3A_818 = tpu.memref_slice %arg2[%mul3A_454, %dma_wait3A_817] : memref<4096x200xi32, #tpu.memory_space<hbm>> -> memref<32x200xi32, #tpu.memory_space<hbm>>
    %dma_wait3A_819 = tpu.memref_slice %arg6[%dma_wait3A_812] : memref<2x!tpu.dma_semaphore, #tpu.memory_space<semaphore_mem>> -> memref<1x!tpu.dma_semaphore, #tpu.memory_space<semaphore_mem>>
    %dma_wait3A_820 = tpu.memref_squeeze %dma_wait3A_819 : memref<1x!tpu.dma_semaphore, #tpu.memory_space<semaphore_mem>> -> memref<!tpu.dma_semaphore, #tpu.memory_space<semaphore_mem>>
    %dma_wait3A_821 = arith.constant 0 : i32
    %dma_wait3A_822 = arith.constant 0 : i32
    %dma_wait3A_823 = tpu.memref_slice %arg4[%dma_wait3A_811, %dma_wait3A_821, %dma_wait3A_822] : memref<2x32x211xi32, #tpu.memory_space<vmem>> -> memref<1x32x200xi32, #tpu.memory_space<vmem>>
    %dma_wait3A_824 = tpu.memref_squeeze %dma_wait3A_823 : memref<1x32x200xi32, #tpu.memory_space<vmem>> -> memref<32x200xi32, #tpu.memory_space<vmem>>
    %dma_wait3A_825 = arith.constant 0 : i32
    %dma_wait3A_826 = tpu.memref_slice %arg2[%mul3A_454, %dma_wait3A_825] : memref<4096x200xi32, #tpu.memory_space<hbm>> -> memref<32x200xi32, #tpu.memory_space<hbm>>
    tpu.wait_dma2 semaphore(%dma_wait3A_820 : memref<!tpu.dma_semaphore, #tpu.memory_space<semaphore_mem>>) src(%dma_wait3A_826 : memref<32x200xi32, #tpu.memory_space<hbm>>) dst(%dma_wait3A_824 : memref<32x200xi32, #tpu.memory_space<vmem>>)
    %dma_wait3A_827 = arith.constant 1 : i32
    %dma_wait3A_828 = arith.constant 0 : i32
    %dma_wait3A_829 = arith.constant 1 : i32
    %dma_wait3A_830 = arith.constant 0 : i32
    %dma_wait3A_831 = arith.constant 0 : i32
    %dma_wait3A_832 = tpu.memref_slice %arg5[%dma_wait3A_827, %dma_wait3A_830, %dma_wait3A_831] : memref<2x32x1024xf32, #tpu.memory_space<vmem>> -> memref<1x32x128xf32, #tpu.memory_space<vmem>>
    %dma_wait3A_833 = tpu.memref_squeeze %dma_wait3A_832 : memref<1x32x128xf32, #tpu.memory_space<vmem>> -> memref<32x128xf32, #tpu.memory_space<vmem>>
    %dma_wait3A_834 = arith.constant 0 : i32
    %dma_wait3A_835 = tpu.memref_slice %arg3[%dma_wait3A_828, %mul3A_296, %dma_wait3A_834] : memref<8x4096x128xf32, #tpu.memory_space<hbm>> -> memref<1x32x128xf32, #tpu.memory_space<hbm>>
    %dma_wait3A_836 = tpu.memref_squeeze %dma_wait3A_835 : memref<1x32x128xf32, #tpu.memory_space<hbm>> -> memref<32x128xf32, #tpu.memory_space<hbm>>
    %dma_wait3A_837 = tpu.memref_slice %arg7[%dma_wait3A_829] : memref<2x!tpu.dma_semaphore, #tpu.memory_space<semaphore_mem>> -> memref<1x!tpu.dma_semaphore, #tpu.memory_space<semaphore_mem>>
    %dma_wait3A_838 = tpu.memref_squeeze %dma_wait3A_837 : memref<1x!tpu.dma_semaphore, #tpu.memory_space<semaphore_mem>> -> memref<!tpu.dma_semaphore, #tpu.memory_space<semaphore_mem>>
    %dma_wait3A_839 = arith.constant 0 : i32
    %dma_wait3A_840 = tpu.memref_slice %arg3[%dma_wait3A_828, %mul3A_296, %dma_wait3A_839] : memref<8x4096x128xf32, #tpu.memory_space<hbm>> -> memref<1x32x128xf32, #tpu.memory_space<hbm>>
    %dma_wait3A_841 = tpu.memref_squeeze %dma_wait3A_840 : memref<1x32x128xf32, #tpu.memory_space<hbm>> -> memref<32x128xf32, #tpu.memory_space<hbm>>
    %dma_wait3A_842 = arith.constant 0 : i32
    %dma_wait3A_843 = arith.constant 0 : i32
    %dma_wait3A_844 = tpu.memref_slice %arg5[%dma_wait3A_827, %dma_wait3A_842, %dma_wait3A_843] : memref<2x32x1024xf32, #tpu.memory_space<vmem>> -> memref<1x32x128xf32, #tpu.memory_space<vmem>>
    %dma_wait3A_845 = tpu.memref_squeeze %dma_wait3A_844 : memref<1x32x128xf32, #tpu.memory_space<vmem>> -> memref<32x128xf32, #tpu.memory_space<vmem>>
    tpu.wait_dma2 semaphore(%dma_wait3A_838 : memref<!tpu.dma_semaphore, #tpu.memory_space<semaphore_mem>>) src(%dma_wait3A_845 : memref<32x128xf32, #tpu.memory_space<vmem>>) dst(%dma_wait3A_841 : memref<32x128xf32, #tpu.memory_space<hbm>>)
    %dma_wait3A_846 = arith.constant 1 : i32
    %dma_wait3A_847 = arith.constant 1 : i32
    %dma_wait3A_848 = arith.constant 1 : i32
    %dma_wait3A_849 = arith.constant 0 : i32
    %dma_wait3A_850 = arith.constant 128 : i32
    %dma_wait3A_851 = tpu.memref_slice %arg5[%dma_wait3A_846, %dma_wait3A_849, %dma_wait3A_850] : memref<2x32x1024xf32, #tpu.memory_space<vmem>> -> memref<1x32x128xf32, #tpu.memory_space<vmem>>
    %dma_wait3A_852 = tpu.memref_squeeze %dma_wait3A_851 : memref<1x32x128xf32, #tpu.memory_space<vmem>> -> memref<32x128xf32, #tpu.memory_space<vmem>>
    %dma_wait3A_853 = arith.constant 0 : i32
    %dma_wait3A_854 = tpu.memref_slice %arg3[%dma_wait3A_847, %mul3A_296, %dma_wait3A_853] : memref<8x4096x128xf32, #tpu.memory_space<hbm>> -> memref<1x32x128xf32, #tpu.memory_space<hbm>>
    %dma_wait3A_855 = tpu.memref_squeeze %dma_wait3A_854 : memref<1x32x128xf32, #tpu.memory_space<hbm>> -> memref<32x128xf32, #tpu.memory_space<hbm>>
    %dma_wait3A_856 = tpu.memref_slice %arg7[%dma_wait3A_848] : memref<2x!tpu.dma_semaphore, #tpu.memory_space<semaphore_mem>> -> memref<1x!tpu.dma_semaphore, #tpu.memory_space<semaphore_mem>>
    %dma_wait3A_857 = tpu.memref_squeeze %dma_wait3A_856 : memref<1x!tpu.dma_semaphore, #tpu.memory_space<semaphore_mem>> -> memref<!tpu.dma_semaphore, #tpu.memory_space<semaphore_mem>>
    %dma_wait3A_858 = arith.constant 0 : i32
    %dma_wait3A_859 = tpu.memref_slice %arg3[%dma_wait3A_847, %mul3A_296, %dma_wait3A_858] : memref<8x4096x128xf32, #tpu.memory_space<hbm>> -> memref<1x32x128xf32, #tpu.memory_space<hbm>>
    %dma_wait3A_860 = tpu.memref_squeeze %dma_wait3A_859 : memref<1x32x128xf32, #tpu.memory_space<hbm>> -> memref<32x128xf32, #tpu.memory_space<hbm>>
    %dma_wait3A_861 = arith.constant 0 : i32
    %dma_wait3A_862 = arith.constant 128 : i32
    %dma_wait3A_863 = tpu.memref_slice %arg5[%dma_wait3A_846, %dma_wait3A_861, %dma_wait3A_862] : memref<2x32x1024xf32, #tpu.memory_space<vmem>> -> memref<1x32x128xf32, #tpu.memory_space<vmem>>
    %dma_wait3A_864 = tpu.memref_squeeze %dma_wait3A_863 : memref<1x32x128xf32, #tpu.memory_space<vmem>> -> memref<32x128xf32, #tpu.memory_space<vmem>>
    tpu.wait_dma2 semaphore(%dma_wait3A_857 : memref<!tpu.dma_semaphore, #tpu.memory_space<semaphore_mem>>) src(%dma_wait3A_864 : memref<32x128xf32, #tpu.memory_space<vmem>>) dst(%dma_wait3A_860 : memref<32x128xf32, #tpu.memory_space<hbm>>)
    %dma_wait3A_865 = arith.constant 1 : i32
    %dma_wait3A_866 = arith.constant 2 : i32
    %dma_wait3A_867 = arith.constant 1 : i32
    %dma_wait3A_868 = arith.constant 0 : i32
    %dma_wait3A_869 = arith.constant 256 : i32
    %dma_wait3A_870 = tpu.memref_slice %arg5[%dma_wait3A_865, %dma_wait3A_868, %dma_wait3A_869] : memref<2x32x1024xf32, #tpu.memory_space<vmem>> -> memref<1x32x128xf32, #tpu.memory_space<vmem>>
    %dma_wait3A_871 = tpu.memref_squeeze %dma_wait3A_870 : memref<1x32x128xf32, #tpu.memory_space<vmem>> -> memref<32x128xf32, #tpu.memory_space<vmem>>
    %dma_wait3A_872 = arith.constant 0 : i32
    %dma_wait3A_873 = tpu.memref_slice %arg3[%dma_wait3A_866, %mul3A_296, %dma_wait3A_872] : memref<8x4096x128xf32, #tpu.memory_space<hbm>> -> memref<1x32x128xf32, #tpu.memory_space<hbm>>
    %dma_wait3A_874 = tpu.memref_squeeze %dma_wait3A_873 : memref<1x32x128xf32, #tpu.memory_space<hbm>> -> memref<32x128xf32, #tpu.memory_space<hbm>>
    %dma_wait3A_875 = tpu.memref_slice %arg7[%dma_wait3A_867] : memref<2x!tpu.dma_semaphore, #tpu.memory_space<semaphore_mem>> -> memref<1x!tpu.dma_semaphore, #tpu.memory_space<semaphore_mem>>
    %dma_wait3A_876 = tpu.memref_squeeze %dma_wait3A_875 : memref<1x!tpu.dma_semaphore, #tpu.memory_space<semaphore_mem>> -> memref<!tpu.dma_semaphore, #tpu.memory_space<semaphore_mem>>
    %dma_wait3A_877 = arith.constant 0 : i32
    %dma_wait3A_878 = tpu.memref_slice %arg3[%dma_wait3A_866, %mul3A_296, %dma_wait3A_877] : memref<8x4096x128xf32, #tpu.memory_space<hbm>> -> memref<1x32x128xf32, #tpu.memory_space<hbm>>
    %dma_wait3A_879 = tpu.memref_squeeze %dma_wait3A_878 : memref<1x32x128xf32, #tpu.memory_space<hbm>> -> memref<32x128xf32, #tpu.memory_space<hbm>>
    %dma_wait3A_880 = arith.constant 0 : i32
    %dma_wait3A_881 = arith.constant 256 : i32
    %dma_wait3A_882 = tpu.memref_slice %arg5[%dma_wait3A_865, %dma_wait3A_880, %dma_wait3A_881] : memref<2x32x1024xf32, #tpu.memory_space<vmem>> -> memref<1x32x128xf32, #tpu.memory_space<vmem>>
    %dma_wait3A_883 = tpu.memref_squeeze %dma_wait3A_882 : memref<1x32x128xf32, #tpu.memory_space<vmem>> -> memref<32x128xf32, #tpu.memory_space<vmem>>
    tpu.wait_dma2 semaphore(%dma_wait3A_876 : memref<!tpu.dma_semaphore, #tpu.memory_space<semaphore_mem>>) src(%dma_wait3A_883 : memref<32x128xf32, #tpu.memory_space<vmem>>) dst(%dma_wait3A_879 : memref<32x128xf32, #tpu.memory_space<hbm>>)
    %dma_wait3A_884 = arith.constant 1 : i32
    %dma_wait3A_885 = arith.constant 3 : i32
    %dma_wait3A_886 = arith.constant 1 : i32
    %dma_wait3A_887 = arith.constant 0 : i32
    %dma_wait3A_888 = arith.constant 384 : i32
    %dma_wait3A_889 = tpu.memref_slice %arg5[%dma_wait3A_884, %dma_wait3A_887, %dma_wait3A_888] : memref<2x32x1024xf32, #tpu.memory_space<vmem>> -> memref<1x32x128xf32, #tpu.memory_space<vmem>>
    %dma_wait3A_890 = tpu.memref_squeeze %dma_wait3A_889 : memref<1x32x128xf32, #tpu.memory_space<vmem>> -> memref<32x128xf32, #tpu.memory_space<vmem>>
    %dma_wait3A_891 = arith.constant 0 : i32
    %dma_wait3A_892 = tpu.memref_slice %arg3[%dma_wait3A_885, %mul3A_296, %dma_wait3A_891] : memref<8x4096x128xf32, #tpu.memory_space<hbm>> -> memref<1x32x128xf32, #tpu.memory_space<hbm>>
    %dma_wait3A_893 = tpu.memref_squeeze %dma_wait3A_892 : memref<1x32x128xf32, #tpu.memory_space<hbm>> -> memref<32x128xf32, #tpu.memory_space<hbm>>
    %dma_wait3A_894 = tpu.memref_slice %arg7[%dma_wait3A_886] : memref<2x!tpu.dma_semaphore, #tpu.memory_space<semaphore_mem>> -> memref<1x!tpu.dma_semaphore, #tpu.memory_space<semaphore_mem>>
    %dma_wait3A_895 = tpu.memref_squeeze %dma_wait3A_894 : memref<1x!tpu.dma_semaphore, #tpu.memory_space<semaphore_mem>> -> memref<!tpu.dma_semaphore, #tpu.memory_space<semaphore_mem>>
    %dma_wait3A_896 = arith.constant 0 : i32
    %dma_wait3A_897 = tpu.memref_slice %arg3[%dma_wait3A_885, %mul3A_296, %dma_wait3A_896] : memref<8x4096x128xf32, #tpu.memory_space<hbm>> -> memref<1x32x128xf32, #tpu.memory_space<hbm>>
    %dma_wait3A_898 = tpu.memref_squeeze %dma_wait3A_897 : memref<1x32x128xf32, #tpu.memory_space<hbm>> -> memref<32x128xf32, #tpu.memory_space<hbm>>
    %dma_wait3A_899 = arith.constant 0 : i32
    %dma_wait3A_900 = arith.constant 384 : i32
    %dma_wait3A_901 = tpu.memref_slice %arg5[%dma_wait3A_884, %dma_wait3A_899, %dma_wait3A_900] : memref<2x32x1024xf32, #tpu.memory_space<vmem>> -> memref<1x32x128xf32, #tpu.memory_space<vmem>>
    %dma_wait3A_902 = tpu.memref_squeeze %dma_wait3A_901 : memref<1x32x128xf32, #tpu.memory_space<vmem>> -> memref<32x128xf32, #tpu.memory_space<vmem>>
    tpu.wait_dma2 semaphore(%dma_wait3A_895 : memref<!tpu.dma_semaphore, #tpu.memory_space<semaphore_mem>>) src(%dma_wait3A_902 : memref<32x128xf32, #tpu.memory_space<vmem>>) dst(%dma_wait3A_898 : memref<32x128xf32, #tpu.memory_space<hbm>>)
    %dma_wait3A_903 = arith.constant 1 : i32
    %dma_wait3A_904 = arith.constant 4 : i32
    %dma_wait3A_905 = arith.constant 1 : i32
    %dma_wait3A_906 = arith.constant 0 : i32
    %dma_wait3A_907 = arith.constant 512 : i32
    %dma_wait3A_908 = tpu.memref_slice %arg5[%dma_wait3A_903, %dma_wait3A_906, %dma_wait3A_907] : memref<2x32x1024xf32, #tpu.memory_space<vmem>> -> memref<1x32x128xf32, #tpu.memory_space<vmem>>
    %dma_wait3A_909 = tpu.memref_squeeze %dma_wait3A_908 : memref<1x32x128xf32, #tpu.memory_space<vmem>> -> memref<32x128xf32, #tpu.memory_space<vmem>>
    %dma_wait3A_910 = arith.constant 0 : i32
    %dma_wait3A_911 = tpu.memref_slice %arg3[%dma_wait3A_904, %mul3A_296, %dma_wait3A_910] : memref<8x4096x128xf32, #tpu.memory_space<hbm>> -> memref<1x32x128xf32, #tpu.memory_space<hbm>>
    %dma_wait3A_912 = tpu.memref_squeeze %dma_wait3A_911 : memref<1x32x128xf32, #tpu.memory_space<hbm>> -> memref<32x128xf32, #tpu.memory_space<hbm>>
    %dma_wait3A_913 = tpu.memref_slice %arg7[%dma_wait3A_905] : memref<2x!tpu.dma_semaphore, #tpu.memory_space<semaphore_mem>> -> memref<1x!tpu.dma_semaphore, #tpu.memory_space<semaphore_mem>>
    %dma_wait3A_914 = tpu.memref_squeeze %dma_wait3A_913 : memref<1x!tpu.dma_semaphore, #tpu.memory_space<semaphore_mem>> -> memref<!tpu.dma_semaphore, #tpu.memory_space<semaphore_mem>>
    %dma_wait3A_915 = arith.constant 0 : i32
    %dma_wait3A_916 = tpu.memref_slice %arg3[%dma_wait3A_904, %mul3A_296, %dma_wait3A_915] : memref<8x4096x128xf32, #tpu.memory_space<hbm>> -> memref<1x32x128xf32, #tpu.memory_space<hbm>>
    %dma_wait3A_917 = tpu.memref_squeeze %dma_wait3A_916 : memref<1x32x128xf32, #tpu.memory_space<hbm>> -> memref<32x128xf32, #tpu.memory_space<hbm>>
    %dma_wait3A_918 = arith.constant 0 : i32
    %dma_wait3A_919 = arith.constant 512 : i32
    %dma_wait3A_920 = tpu.memref_slice %arg5[%dma_wait3A_903, %dma_wait3A_918, %dma_wait3A_919] : memref<2x32x1024xf32, #tpu.memory_space<vmem>> -> memref<1x32x128xf32, #tpu.memory_space<vmem>>
    %dma_wait3A_921 = tpu.memref_squeeze %dma_wait3A_920 : memref<1x32x128xf32, #tpu.memory_space<vmem>> -> memref<32x128xf32, #tpu.memory_space<vmem>>
    tpu.wait_dma2 semaphore(%dma_wait3A_914 : memref<!tpu.dma_semaphore, #tpu.memory_space<semaphore_mem>>) src(%dma_wait3A_921 : memref<32x128xf32, #tpu.memory_space<vmem>>) dst(%dma_wait3A_917 : memref<32x128xf32, #tpu.memory_space<hbm>>)
    %dma_wait3A_922 = arith.constant 1 : i32
    %dma_wait3A_923 = arith.constant 5 : i32
    %dma_wait3A_924 = arith.constant 1 : i32
    %dma_wait3A_925 = arith.constant 0 : i32
    %dma_wait3A_926 = arith.constant 640 : i32
    %dma_wait3A_927 = tpu.memref_slice %arg5[%dma_wait3A_922, %dma_wait3A_925, %dma_wait3A_926] : memref<2x32x1024xf32, #tpu.memory_space<vmem>> -> memref<1x32x128xf32, #tpu.memory_space<vmem>>
    %dma_wait3A_928 = tpu.memref_squeeze %dma_wait3A_927 : memref<1x32x128xf32, #tpu.memory_space<vmem>> -> memref<32x128xf32, #tpu.memory_space<vmem>>
    %dma_wait3A_929 = arith.constant 0 : i32
    %dma_wait3A_930 = tpu.memref_slice %arg3[%dma_wait3A_923, %mul3A_296, %dma_wait3A_929] : memref<8x4096x128xf32, #tpu.memory_space<hbm>> -> memref<1x32x128xf32, #tpu.memory_space<hbm>>
    %dma_wait3A_931 = tpu.memref_squeeze %dma_wait3A_930 : memref<1x32x128xf32, #tpu.memory_space<hbm>> -> memref<32x128xf32, #tpu.memory_space<hbm>>
    %dma_wait3A_932 = tpu.memref_slice %arg7[%dma_wait3A_924] : memref<2x!tpu.dma_semaphore, #tpu.memory_space<semaphore_mem>> -> memref<1x!tpu.dma_semaphore, #tpu.memory_space<semaphore_mem>>
    %dma_wait3A_933 = tpu.memref_squeeze %dma_wait3A_932 : memref<1x!tpu.dma_semaphore, #tpu.memory_space<semaphore_mem>> -> memref<!tpu.dma_semaphore, #tpu.memory_space<semaphore_mem>>
    %dma_wait3A_934 = arith.constant 0 : i32
    %dma_wait3A_935 = tpu.memref_slice %arg3[%dma_wait3A_923, %mul3A_296, %dma_wait3A_934] : memref<8x4096x128xf32, #tpu.memory_space<hbm>> -> memref<1x32x128xf32, #tpu.memory_space<hbm>>
    %dma_wait3A_936 = tpu.memref_squeeze %dma_wait3A_935 : memref<1x32x128xf32, #tpu.memory_space<hbm>> -> memref<32x128xf32, #tpu.memory_space<hbm>>
    %dma_wait3A_937 = arith.constant 0 : i32
    %dma_wait3A_938 = arith.constant 640 : i32
    %dma_wait3A_939 = tpu.memref_slice %arg5[%dma_wait3A_922, %dma_wait3A_937, %dma_wait3A_938] : memref<2x32x1024xf32, #tpu.memory_space<vmem>> -> memref<1x32x128xf32, #tpu.memory_space<vmem>>
    %dma_wait3A_940 = tpu.memref_squeeze %dma_wait3A_939 : memref<1x32x128xf32, #tpu.memory_space<vmem>> -> memref<32x128xf32, #tpu.memory_space<vmem>>
    tpu.wait_dma2 semaphore(%dma_wait3A_933 : memref<!tpu.dma_semaphore, #tpu.memory_space<semaphore_mem>>) src(%dma_wait3A_940 : memref<32x128xf32, #tpu.memory_space<vmem>>) dst(%dma_wait3A_936 : memref<32x128xf32, #tpu.memory_space<hbm>>)
    %dma_wait3A_941 = arith.constant 1 : i32
    %dma_wait3A_942 = arith.constant 6 : i32
    %dma_wait3A_943 = arith.constant 1 : i32
    %dma_wait3A_944 = arith.constant 0 : i32
    %dma_wait3A_945 = arith.constant 768 : i32
    %dma_wait3A_946 = tpu.memref_slice %arg5[%dma_wait3A_941, %dma_wait3A_944, %dma_wait3A_945] : memref<2x32x1024xf32, #tpu.memory_space<vmem>> -> memref<1x32x128xf32, #tpu.memory_space<vmem>>
    %dma_wait3A_947 = tpu.memref_squeeze %dma_wait3A_946 : memref<1x32x128xf32, #tpu.memory_space<vmem>> -> memref<32x128xf32, #tpu.memory_space<vmem>>
    %dma_wait3A_948 = arith.constant 0 : i32
    %dma_wait3A_949 = tpu.memref_slice %arg3[%dma_wait3A_942, %mul3A_296, %dma_wait3A_948] : memref<8x4096x128xf32, #tpu.memory_space<hbm>> -> memref<1x32x128xf32, #tpu.memory_space<hbm>>
    %dma_wait3A_950 = tpu.memref_squeeze %dma_wait3A_949 : memref<1x32x128xf32, #tpu.memory_space<hbm>> -> memref<32x128xf32, #tpu.memory_space<hbm>>
    %dma_wait3A_951 = tpu.memref_slice %arg7[%dma_wait3A_943] : memref<2x!tpu.dma_semaphore, #tpu.memory_space<semaphore_mem>> -> memref<1x!tpu.dma_semaphore, #tpu.memory_space<semaphore_mem>>
    %dma_wait3A_952 = tpu.memref_squeeze %dma_wait3A_951 : memref<1x!tpu.dma_semaphore, #tpu.memory_space<semaphore_mem>> -> memref<!tpu.dma_semaphore, #tpu.memory_space<semaphore_mem>>
    %dma_wait3A_953 = arith.constant 0 : i32
    %dma_wait3A_954 = tpu.memref_slice %arg3[%dma_wait3A_942, %mul3A_296, %dma_wait3A_953] : memref<8x4096x128xf32, #tpu.memory_space<hbm>> -> memref<1x32x128xf32, #tpu.memory_space<hbm>>
    %dma_wait3A_955 = tpu.memref_squeeze %dma_wait3A_954 : memref<1x32x128xf32, #tpu.memory_space<hbm>> -> memref<32x128xf32, #tpu.memory_space<hbm>>
    %dma_wait3A_956 = arith.constant 0 : i32
    %dma_wait3A_957 = arith.constant 768 : i32
    %dma_wait3A_958 = tpu.memref_slice %arg5[%dma_wait3A_941, %dma_wait3A_956, %dma_wait3A_957] : memref<2x32x1024xf32, #tpu.memory_space<vmem>> -> memref<1x32x128xf32, #tpu.memory_space<vmem>>
    %dma_wait3A_959 = tpu.memref_squeeze %dma_wait3A_958 : memref<1x32x128xf32, #tpu.memory_space<vmem>> -> memref<32x128xf32, #tpu.memory_space<vmem>>
    tpu.wait_dma2 semaphore(%dma_wait3A_952 : memref<!tpu.dma_semaphore, #tpu.memory_space<semaphore_mem>>) src(%dma_wait3A_959 : memref<32x128xf32, #tpu.memory_space<vmem>>) dst(%dma_wait3A_955 : memref<32x128xf32, #tpu.memory_space<hbm>>)
    %dma_wait3A_960 = arith.constant 1 : i32
    %dma_wait3A_961 = arith.constant 7 : i32
    %dma_wait3A_962 = arith.constant 1 : i32
    %dma_wait3A_963 = arith.constant 0 : i32
    %dma_wait3A_964 = arith.constant 896 : i32
    %dma_wait3A_965 = tpu.memref_slice %arg5[%dma_wait3A_960, %dma_wait3A_963, %dma_wait3A_964] : memref<2x32x1024xf32, #tpu.memory_space<vmem>> -> memref<1x32x128xf32, #tpu.memory_space<vmem>>
    %dma_wait3A_966 = tpu.memref_squeeze %dma_wait3A_965 : memref<1x32x128xf32, #tpu.memory_space<vmem>> -> memref<32x128xf32, #tpu.memory_space<vmem>>
    %dma_wait3A_967 = arith.constant 0 : i32
    %dma_wait3A_968 = tpu.memref_slice %arg3[%dma_wait3A_961, %mul3A_296, %dma_wait3A_967] : memref<8x4096x128xf32, #tpu.memory_space<hbm>> -> memref<1x32x128xf32, #tpu.memory_space<hbm>>
    %dma_wait3A_969 = tpu.memref_squeeze %dma_wait3A_968 : memref<1x32x128xf32, #tpu.memory_space<hbm>> -> memref<32x128xf32, #tpu.memory_space<hbm>>
    %dma_wait3A_970 = tpu.memref_slice %arg7[%dma_wait3A_962] : memref<2x!tpu.dma_semaphore, #tpu.memory_space<semaphore_mem>> -> memref<1x!tpu.dma_semaphore, #tpu.memory_space<semaphore_mem>>
    %dma_wait3A_971 = tpu.memref_squeeze %dma_wait3A_970 : memref<1x!tpu.dma_semaphore, #tpu.memory_space<semaphore_mem>> -> memref<!tpu.dma_semaphore, #tpu.memory_space<semaphore_mem>>
    %dma_wait3A_972 = arith.constant 0 : i32
    %dma_wait3A_973 = tpu.memref_slice %arg3[%dma_wait3A_961, %mul3A_296, %dma_wait3A_972] : memref<8x4096x128xf32, #tpu.memory_space<hbm>> -> memref<1x32x128xf32, #tpu.memory_space<hbm>>
    %dma_wait3A_974 = tpu.memref_squeeze %dma_wait3A_973 : memref<1x32x128xf32, #tpu.memory_space<hbm>> -> memref<32x128xf32, #tpu.memory_space<hbm>>
    %dma_wait3A_975 = arith.constant 0 : i32
    %dma_wait3A_976 = arith.constant 896 : i32
    %dma_wait3A_977 = tpu.memref_slice %arg5[%dma_wait3A_960, %dma_wait3A_975, %dma_wait3A_976] : memref<2x32x1024xf32, #tpu.memory_space<vmem>> -> memref<1x32x128xf32, #tpu.memory_space<vmem>>
    %dma_wait3A_978 = tpu.memref_squeeze %dma_wait3A_977 : memref<1x32x128xf32, #tpu.memory_space<vmem>> -> memref<32x128xf32, #tpu.memory_space<vmem>>
    tpu.wait_dma2 semaphore(%dma_wait3A_971 : memref<!tpu.dma_semaphore, #tpu.memory_space<semaphore_mem>>) src(%dma_wait3A_978 : memref<32x128xf32, #tpu.memory_space<vmem>>) dst(%dma_wait3A_974 : memref<32x128xf32, #tpu.memory_space<hbm>>)
    %scan3A_979 = arith.constant 0 : i32
    %scan3A_980 = arith.constant 0 : i32
    %scan3A_981 = arith.constant 32 : i32
    %scan3A_982 = arith.addi %scan3A_980, %scan3A_981 : i32
    %scan3A_983 = arith.constant 1 : i32
    scf.for %scan3A_1455 = %scan3A_980 to %scan3A_982 step %scan3A_983  : i32 {
      %swap3A = arith.constant 1 : i32
      %swap3A_1456 = arith.index_cast %swap3A : i32 to index
      %swap3A_1457 = arith.index_cast %scan3A_1455 : i32 to index
      %swap3A_1458 = arith.constant 0 : index
      %swap3A_1459 = tpu.vector_load %arg5[%swap3A_1456, %swap3A_1457, %swap3A_1458] {strides = array<i32>} : memref<2x32x1024xf32, #tpu.memory_space<vmem>>, vector<16xf32>,
      tpu.vector_store %arg5[%swap3A_1456, %swap3A_1457, %swap3A_1458], %broadcast_in_dim3A_3 {strides = array<i32>} : memref<2x32x1024xf32, #tpu.memory_space<vmem>>, vector<16xf32>,
      %swap3A_1460 = arith.constant 1 : i32
      %swap3A_1461 = arith.index_cast %swap3A_1460 : i32 to index
      %swap3A_1462 = arith.index_cast %scan3A_1455 : i32 to index
      %swap3A_1463 = arith.constant 16 : index
      %swap3A_1464 = tpu.vector_load %arg5[%swap3A_1461, %swap3A_1462, %swap3A_1463] {strides = array<i32>} : memref<2x32x1024xf32, #tpu.memory_space<vmem>>, vector<16xf32>,
      tpu.vector_store %arg5[%swap3A_1461, %swap3A_1462, %swap3A_1463], %broadcast_in_dim3A_3 {strides = array<i32>} : memref<2x32x1024xf32, #tpu.memory_space<vmem>>, vector<16xf32>,
      %swap3A_1465 = arith.constant 1 : i32
      %swap3A_1466 = arith.index_cast %swap3A_1465 : i32 to index
      %swap3A_1467 = arith.index_cast %scan3A_1455 : i32 to index
      %swap3A_1468 = arith.constant 32 : index
      %swap3A_1469 = tpu.vector_load %arg5[%swap3A_1466, %swap3A_1467, %swap3A_1468] {strides = array<i32>} : memref<2x32x1024xf32, #tpu.memory_space<vmem>>, vector<16xf32>,
      tpu.vector_store %arg5[%swap3A_1466, %swap3A_1467, %swap3A_1468], %broadcast_in_dim3A_3 {strides = array<i32>} : memref<2x32x1024xf32, #tpu.memory_space<vmem>>, vector<16xf32>,
      %swap3A_1470 = arith.constant 1 : i32
      %swap3A_1471 = arith.index_cast %swap3A_1470 : i32 to index
      %swap3A_1472 = arith.index_cast %scan3A_1455 : i32 to index
      %swap3A_1473 = arith.constant 48 : index
      %swap3A_1474 = tpu.vector_load %arg5[%swap3A_1471, %swap3A_1472, %swap3A_1473] {strides = array<i32>} : memref<2x32x1024xf32, #tpu.memory_space<vmem>>, vector<16xf32>,
      tpu.vector_store %arg5[%swap3A_1471, %swap3A_1472, %swap3A_1473], %broadcast_in_dim3A_3 {strides = array<i32>} : memref<2x32x1024xf32, #tpu.memory_space<vmem>>, vector<16xf32>,
      %swap3A_1475 = arith.constant 1 : i32
      %swap3A_1476 = arith.index_cast %swap3A_1475 : i32 to index
      %swap3A_1477 = arith.index_cast %scan3A_1455 : i32 to index
      %swap3A_1478 = arith.constant 64 : index
      %swap3A_1479 = tpu.vector_load %arg5[%swap3A_1476, %swap3A_1477, %swap3A_1478] {strides = array<i32>} : memref<2x32x1024xf32, #tpu.memory_space<vmem>>, vector<16xf32>,
      tpu.vector_store %arg5[%swap3A_1476, %swap3A_1477, %swap3A_1478], %broadcast_in_dim3A_3 {strides = array<i32>} : memref<2x32x1024xf32, #tpu.memory_space<vmem>>, vector<16xf32>,
      %swap3A_1480 = arith.constant 1 : i32
      %swap3A_1481 = arith.index_cast %swap3A_1480 : i32 to index
      %swap3A_1482 = arith.index_cast %scan3A_1455 : i32 to index
      %swap3A_1483 = arith.constant 80 : index
      %swap3A_1484 = tpu.vector_load %arg5[%swap3A_1481, %swap3A_1482, %swap3A_1483] {strides = array<i32>} : memref<2x32x1024xf32, #tpu.memory_space<vmem>>, vector<16xf32>,
      tpu.vector_store %arg5[%swap3A_1481, %swap3A_1482, %swap3A_1483], %broadcast_in_dim3A_3 {strides = array<i32>} : memref<2x32x1024xf32, #tpu.memory_space<vmem>>, vector<16xf32>,
      %swap3A_1485 = arith.constant 1 : i32
      %swap3A_1486 = arith.index_cast %swap3A_1485 : i32 to index
      %swap3A_1487 = arith.index_cast %scan3A_1455 : i32 to index
      %swap3A_1488 = arith.constant 96 : index
      %swap3A_1489 = tpu.vector_load %arg5[%swap3A_1486, %swap3A_1487, %swap3A_1488] {strides = array<i32>} : memref<2x32x1024xf32, #tpu.memory_space<vmem>>, vector<16xf32>,
      tpu.vector_store %arg5[%swap3A_1486, %swap3A_1487, %swap3A_1488], %broadcast_in_dim3A_3 {strides = array<i32>} : memref<2x32x1024xf32, #tpu.memory_space<vmem>>, vector<16xf32>,
      %swap3A_1490 = arith.constant 1 : i32
      %swap3A_1491 = arith.index_cast %swap3A_1490 : i32 to index
      %swap3A_1492 = arith.index_cast %scan3A_1455 : i32 to index
      %swap3A_1493 = arith.constant 112 : index
      %swap3A_1494 = tpu.vector_load %arg5[%swap3A_1491, %swap3A_1492, %swap3A_1493] {strides = array<i32>} : memref<2x32x1024xf32, #tpu.memory_space<vmem>>, vector<16xf32>,
      tpu.vector_store %arg5[%swap3A_1491, %swap3A_1492, %swap3A_1493], %broadcast_in_dim3A_3 {strides = array<i32>} : memref<2x32x1024xf32, #tpu.memory_space<vmem>>, vector<16xf32>,
      %swap3A_1495 = arith.constant 1 : i32
      %swap3A_1496 = arith.index_cast %swap3A_1495 : i32 to index
      %swap3A_1497 = arith.index_cast %scan3A_1455 : i32 to index
      %swap3A_1498 = arith.constant 128 : index
      %swap3A_1499 = tpu.vector_load %arg5[%swap3A_1496, %swap3A_1497, %swap3A_1498] {strides = array<i32>} : memref<2x32x1024xf32, #tpu.memory_space<vmem>>, vector<16xf32>,
      tpu.vector_store %arg5[%swap3A_1496, %swap3A_1497, %swap3A_1498], %broadcast_in_dim3A_3 {strides = array<i32>} : memref<2x32x1024xf32, #tpu.memory_space<vmem>>, vector<16xf32>,
      %swap3A_1500 = arith.constant 1 : i32
      %swap3A_1501 = arith.index_cast %swap3A_1500 : i32 to index
      %swap3A_1502 = arith.index_cast %scan3A_1455 : i32 to index
      %swap3A_1503 = arith.constant 144 : index
      %swap3A_1504 = tpu.vector_load %arg5[%swap3A_1501, %swap3A_1502, %swap3A_1503] {strides = array<i32>} : memref<2x32x1024xf32, #tpu.memory_space<vmem>>, vector<16xf32>,
      tpu.vector_store %arg5[%swap3A_1501, %swap3A_1502, %swap3A_1503], %broadcast_in_dim3A_3 {strides = array<i32>} : memref<2x32x1024xf32, #tpu.memory_space<vmem>>, vector<16xf32>,
      %swap3A_1505 = arith.constant 1 : i32
      %swap3A_1506 = arith.index_cast %swap3A_1505 : i32 to index
      %swap3A_1507 = arith.index_cast %scan3A_1455 : i32 to index
      %swap3A_1508 = arith.constant 160 : index
      %swap3A_1509 = tpu.vector_load %arg5[%swap3A_1506, %swap3A_1507, %swap3A_1508] {strides = array<i32>} : memref<2x32x1024xf32, #tpu.memory_space<vmem>>, vector<16xf32>,
      tpu.vector_store %arg5[%swap3A_1506, %swap3A_1507, %swap3A_1508], %broadcast_in_dim3A_3 {strides = array<i32>} : memref<2x32x1024xf32, #tpu.memory_space<vmem>>, vector<16xf32>,
      %swap3A_1510 = arith.constant 1 : i32
      %swap3A_1511 = arith.index_cast %swap3A_1510 : i32 to index
      %swap3A_1512 = arith.index_cast %scan3A_1455 : i32 to index
      %swap3A_1513 = arith.constant 176 : index
      %swap3A_1514 = tpu.vector_load %arg5[%swap3A_1511, %swap3A_1512, %swap3A_1513] {strides = array<i32>} : memref<2x32x1024xf32, #tpu.memory_space<vmem>>, vector<16xf32>,
      tpu.vector_store %arg5[%swap3A_1511, %swap3A_1512, %swap3A_1513], %broadcast_in_dim3A_3 {strides = array<i32>} : memref<2x32x1024xf32, #tpu.memory_space<vmem>>, vector<16xf32>,
      %swap3A_1515 = arith.constant 1 : i32
      %swap3A_1516 = arith.index_cast %swap3A_1515 : i32 to index
      %swap3A_1517 = arith.index_cast %scan3A_1455 : i32 to index
      %swap3A_1518 = arith.constant 192 : index
      %swap3A_1519 = tpu.vector_load %arg5[%swap3A_1516, %swap3A_1517, %swap3A_1518] {strides = array<i32>} : memref<2x32x1024xf32, #tpu.memory_space<vmem>>, vector<16xf32>,
      tpu.vector_store %arg5[%swap3A_1516, %swap3A_1517, %swap3A_1518], %broadcast_in_dim3A_3 {strides = array<i32>} : memref<2x32x1024xf32, #tpu.memory_space<vmem>>, vector<16xf32>,
      %swap3A_1520 = arith.constant 1 : i32
      %swap3A_1521 = arith.index_cast %swap3A_1520 : i32 to index
      %swap3A_1522 = arith.index_cast %scan3A_1455 : i32 to index
      %swap3A_1523 = arith.constant 208 : index
      %swap3A_1524 = tpu.vector_load %arg5[%swap3A_1521, %swap3A_1522, %swap3A_1523] {strides = array<i32>} : memref<2x32x1024xf32, #tpu.memory_space<vmem>>, vector<16xf32>,
      tpu.vector_store %arg5[%swap3A_1521, %swap3A_1522, %swap3A_1523], %broadcast_in_dim3A_3 {strides = array<i32>} : memref<2x32x1024xf32, #tpu.memory_space<vmem>>, vector<16xf32>,
      %swap3A_1525 = arith.constant 1 : i32
      %swap3A_1526 = arith.index_cast %swap3A_1525 : i32 to index
      %swap3A_1527 = arith.index_cast %scan3A_1455 : i32 to index
      %swap3A_1528 = arith.constant 224 : index
      %swap3A_1529 = tpu.vector_load %arg5[%swap3A_1526, %swap3A_1527, %swap3A_1528] {strides = array<i32>} : memref<2x32x1024xf32, #tpu.memory_space<vmem>>, vector<16xf32>,
      tpu.vector_store %arg5[%swap3A_1526, %swap3A_1527, %swap3A_1528], %broadcast_in_dim3A_3 {strides = array<i32>} : memref<2x32x1024xf32, #tpu.memory_space<vmem>>, vector<16xf32>,
      %swap3A_1530 = arith.constant 1 : i32
      %swap3A_1531 = arith.index_cast %swap3A_1530 : i32 to index
      %swap3A_1532 = arith.index_cast %scan3A_1455 : i32 to index
      %swap3A_1533 = arith.constant 240 : index
      %swap3A_1534 = tpu.vector_load %arg5[%swap3A_1531, %swap3A_1532, %swap3A_1533] {strides = array<i32>} : memref<2x32x1024xf32, #tpu.memory_space<vmem>>, vector<16xf32>,
      tpu.vector_store %arg5[%swap3A_1531, %swap3A_1532, %swap3A_1533], %broadcast_in_dim3A_3 {strides = array<i32>} : memref<2x32x1024xf32, #tpu.memory_space<vmem>>, vector<16xf32>,
      %swap3A_1535 = arith.constant 1 : i32
      %swap3A_1536 = arith.index_cast %swap3A_1535 : i32 to index
      %swap3A_1537 = arith.index_cast %scan3A_1455 : i32 to index
      %swap3A_1538 = arith.constant 256 : index
      %swap3A_1539 = tpu.vector_load %arg5[%swap3A_1536, %swap3A_1537, %swap3A_1538] {strides = array<i32>} : memref<2x32x1024xf32, #tpu.memory_space<vmem>>, vector<16xf32>,
      tpu.vector_store %arg5[%swap3A_1536, %swap3A_1537, %swap3A_1538], %broadcast_in_dim3A_3 {strides = array<i32>} : memref<2x32x1024xf32, #tpu.memory_space<vmem>>, vector<16xf32>,
      %swap3A_1540 = arith.constant 1 : i32
      %swap3A_1541 = arith.index_cast %swap3A_1540 : i32 to index
      %swap3A_1542 = arith.index_cast %scan3A_1455 : i32 to index
      %swap3A_1543 = arith.constant 272 : index
      %swap3A_1544 = tpu.vector_load %arg5[%swap3A_1541, %swap3A_1542, %swap3A_1543] {strides = array<i32>} : memref<2x32x1024xf32, #tpu.memory_space<vmem>>, vector<16xf32>,
      tpu.vector_store %arg5[%swap3A_1541, %swap3A_1542, %swap3A_1543], %broadcast_in_dim3A_3 {strides = array<i32>} : memref<2x32x1024xf32, #tpu.memory_space<vmem>>, vector<16xf32>,
      %swap3A_1545 = arith.constant 1 : i32
      %swap3A_1546 = arith.index_cast %swap3A_1545 : i32 to index
      %swap3A_1547 = arith.index_cast %scan3A_1455 : i32 to index
      %swap3A_1548 = arith.constant 288 : index
      %swap3A_1549 = tpu.vector_load %arg5[%swap3A_1546, %swap3A_1547, %swap3A_1548] {strides = array<i32>} : memref<2x32x1024xf32, #tpu.memory_space<vmem>>, vector<16xf32>,
      tpu.vector_store %arg5[%swap3A_1546, %swap3A_1547, %swap3A_1548], %broadcast_in_dim3A_3 {strides = array<i32>} : memref<2x32x1024xf32, #tpu.memory_space<vmem>>, vector<16xf32>,
      %swap3A_1550 = arith.constant 1 : i32
      %swap3A_1551 = arith.index_cast %swap3A_1550 : i32 to index
      %swap3A_1552 = arith.index_cast %scan3A_1455 : i32 to index
      %swap3A_1553 = arith.constant 304 : index
      %swap3A_1554 = tpu.vector_load %arg5[%swap3A_1551, %swap3A_1552, %swap3A_1553] {strides = array<i32>} : memref<2x32x1024xf32, #tpu.memory_space<vmem>>, vector<16xf32>,
      tpu.vector_store %arg5[%swap3A_1551, %swap3A_1552, %swap3A_1553], %broadcast_in_dim3A_3 {strides = array<i32>} : memref<2x32x1024xf32, #tpu.memory_space<vmem>>, vector<16xf32>,
      %swap3A_1555 = arith.constant 1 : i32
      %swap3A_1556 = arith.index_cast %swap3A_1555 : i32 to index
      %swap3A_1557 = arith.index_cast %scan3A_1455 : i32 to index
      %swap3A_1558 = arith.constant 320 : index
      %swap3A_1559 = tpu.vector_load %arg5[%swap3A_1556, %swap3A_1557, %swap3A_1558] {strides = array<i32>} : memref<2x32x1024xf32, #tpu.memory_space<vmem>>, vector<16xf32>,
      tpu.vector_store %arg5[%swap3A_1556, %swap3A_1557, %swap3A_1558], %broadcast_in_dim3A_3 {strides = array<i32>} : memref<2x32x1024xf32, #tpu.memory_space<vmem>>, vector<16xf32>,
      %swap3A_1560 = arith.constant 1 : i32
      %swap3A_1561 = arith.index_cast %swap3A_1560 : i32 to index
      %swap3A_1562 = arith.index_cast %scan3A_1455 : i32 to index
      %swap3A_1563 = arith.constant 336 : index
      %swap3A_1564 = tpu.vector_load %arg5[%swap3A_1561, %swap3A_1562, %swap3A_1563] {strides = array<i32>} : memref<2x32x1024xf32, #tpu.memory_space<vmem>>, vector<16xf32>,
      tpu.vector_store %arg5[%swap3A_1561, %swap3A_1562, %swap3A_1563], %broadcast_in_dim3A_3 {strides = array<i32>} : memref<2x32x1024xf32, #tpu.memory_space<vmem>>, vector<16xf32>,
      %swap3A_1565 = arith.constant 1 : i32
      %swap3A_1566 = arith.index_cast %swap3A_1565 : i32 to index
      %swap3A_1567 = arith.index_cast %scan3A_1455 : i32 to index
      %swap3A_1568 = arith.constant 352 : index
      %swap3A_1569 = tpu.vector_load %arg5[%swap3A_1566, %swap3A_1567, %swap3A_1568] {strides = array<i32>} : memref<2x32x1024xf32, #tpu.memory_space<vmem>>, vector<16xf32>,
      tpu.vector_store %arg5[%swap3A_1566, %swap3A_1567, %swap3A_1568], %broadcast_in_dim3A_3 {strides = array<i32>} : memref<2x32x1024xf32, #tpu.memory_space<vmem>>, vector<16xf32>,
      %swap3A_1570 = arith.constant 1 : i32
      %swap3A_1571 = arith.index_cast %swap3A_1570 : i32 to index
      %swap3A_1572 = arith.index_cast %scan3A_1455 : i32 to index
      %swap3A_1573 = arith.constant 368 : index
      %swap3A_1574 = tpu.vector_load %arg5[%swap3A_1571, %swap3A_1572, %swap3A_1573] {strides = array<i32>} : memref<2x32x1024xf32, #tpu.memory_space<vmem>>, vector<16xf32>,
      tpu.vector_store %arg5[%swap3A_1571, %swap3A_1572, %swap3A_1573], %broadcast_in_dim3A_3 {strides = array<i32>} : memref<2x32x1024xf32, #tpu.memory_space<vmem>>, vector<16xf32>,
      %swap3A_1575 = arith.constant 1 : i32
      %swap3A_1576 = arith.index_cast %swap3A_1575 : i32 to index
      %swap3A_1577 = arith.index_cast %scan3A_1455 : i32 to index
      %swap3A_1578 = arith.constant 384 : index
      %swap3A_1579 = tpu.vector_load %arg5[%swap3A_1576, %swap3A_1577, %swap3A_1578] {strides = array<i32>} : memref<2x32x1024xf32, #tpu.memory_space<vmem>>, vector<16xf32>,
      tpu.vector_store %arg5[%swap3A_1576, %swap3A_1577, %swap3A_1578], %broadcast_in_dim3A_3 {strides = array<i32>} : memref<2x32x1024xf32, #tpu.memory_space<vmem>>, vector<16xf32>,
      %swap3A_1580 = arith.constant 1 : i32
      %swap3A_1581 = arith.index_cast %swap3A_1580 : i32 to index
      %swap3A_1582 = arith.index_cast %scan3A_1455 : i32 to index
      %swap3A_1583 = arith.constant 400 : index
      %swap3A_1584 = tpu.vector_load %arg5[%swap3A_1581, %swap3A_1582, %swap3A_1583] {strides = array<i32>} : memref<2x32x1024xf32, #tpu.memory_space<vmem>>, vector<16xf32>,
      tpu.vector_store %arg5[%swap3A_1581, %swap3A_1582, %swap3A_1583], %broadcast_in_dim3A_3 {strides = array<i32>} : memref<2x32x1024xf32, #tpu.memory_space<vmem>>, vector<16xf32>,
      %swap3A_1585 = arith.constant 1 : i32
      %swap3A_1586 = arith.index_cast %swap3A_1585 : i32 to index
      %swap3A_1587 = arith.index_cast %scan3A_1455 : i32 to index
      %swap3A_1588 = arith.constant 416 : index
      %swap3A_1589 = tpu.vector_load %arg5[%swap3A_1586, %swap3A_1587, %swap3A_1588] {strides = array<i32>} : memref<2x32x1024xf32, #tpu.memory_space<vmem>>, vector<16xf32>,
      tpu.vector_store %arg5[%swap3A_1586, %swap3A_1587, %swap3A_1588], %broadcast_in_dim3A_3 {strides = array<i32>} : memref<2x32x1024xf32, #tpu.memory_space<vmem>>, vector<16xf32>,
      %swap3A_1590 = arith.constant 1 : i32
      %swap3A_1591 = arith.index_cast %swap3A_1590 : i32 to index
      %swap3A_1592 = arith.index_cast %scan3A_1455 : i32 to index
      %swap3A_1593 = arith.constant 432 : index
      %swap3A_1594 = tpu.vector_load %arg5[%swap3A_1591, %swap3A_1592, %swap3A_1593] {strides = array<i32>} : memref<2x32x1024xf32, #tpu.memory_space<vmem>>, vector<16xf32>,
      tpu.vector_store %arg5[%swap3A_1591, %swap3A_1592, %swap3A_1593], %broadcast_in_dim3A_3 {strides = array<i32>} : memref<2x32x1024xf32, #tpu.memory_space<vmem>>, vector<16xf32>,
      %swap3A_1595 = arith.constant 1 : i32
      %swap3A_1596 = arith.index_cast %swap3A_1595 : i32 to index
      %swap3A_1597 = arith.index_cast %scan3A_1455 : i32 to index
      %swap3A_1598 = arith.constant 448 : index
      %swap3A_1599 = tpu.vector_load %arg5[%swap3A_1596, %swap3A_1597, %swap3A_1598] {strides = array<i32>} : memref<2x32x1024xf32, #tpu.memory_space<vmem>>, vector<16xf32>,
      tpu.vector_store %arg5[%swap3A_1596, %swap3A_1597, %swap3A_1598], %broadcast_in_dim3A_3 {strides = array<i32>} : memref<2x32x1024xf32, #tpu.memory_space<vmem>>, vector<16xf32>,
      %swap3A_1600 = arith.constant 1 : i32
      %swap3A_1601 = arith.index_cast %swap3A_1600 : i32 to index
      %swap3A_1602 = arith.index_cast %scan3A_1455 : i32 to index
      %swap3A_1603 = arith.constant 464 : index
      %swap3A_1604 = tpu.vector_load %arg5[%swap3A_1601, %swap3A_1602, %swap3A_1603] {strides = array<i32>} : memref<2x32x1024xf32, #tpu.memory_space<vmem>>, vector<16xf32>,
      tpu.vector_store %arg5[%swap3A_1601, %swap3A_1602, %swap3A_1603], %broadcast_in_dim3A_3 {strides = array<i32>} : memref<2x32x1024xf32, #tpu.memory_space<vmem>>, vector<16xf32>,
      %swap3A_1605 = arith.constant 1 : i32
      %swap3A_1606 = arith.index_cast %swap3A_1605 : i32 to index
      %swap3A_1607 = arith.index_cast %scan3A_1455 : i32 to index
      %swap3A_1608 = arith.constant 480 : index
      %swap3A_1609 = tpu.vector_load %arg5[%swap3A_1606, %swap3A_1607, %swap3A_1608] {strides = array<i32>} : memref<2x32x1024xf32, #tpu.memory_space<vmem>>, vector<16xf32>,
      tpu.vector_store %arg5[%swap3A_1606, %swap3A_1607, %swap3A_1608], %broadcast_in_dim3A_3 {strides = array<i32>} : memref<2x32x1024xf32, #tpu.memory_space<vmem>>, vector<16xf32>,
      %swap3A_1610 = arith.constant 1 : i32
      %swap3A_1611 = arith.index_cast %swap3A_1610 : i32 to index
      %swap3A_1612 = arith.index_cast %scan3A_1455 : i32 to index
      %swap3A_1613 = arith.constant 496 : index
      %swap3A_1614 = tpu.vector_load %arg5[%swap3A_1611, %swap3A_1612, %swap3A_1613] {strides = array<i32>} : memref<2x32x1024xf32, #tpu.memory_space<vmem>>, vector<16xf32>,
      tpu.vector_store %arg5[%swap3A_1611, %swap3A_1612, %swap3A_1613], %broadcast_in_dim3A_3 {strides = array<i32>} : memref<2x32x1024xf32, #tpu.memory_space<vmem>>, vector<16xf32>,
      %swap3A_1615 = arith.constant 1 : i32
      %swap3A_1616 = arith.index_cast %swap3A_1615 : i32 to index
      %swap3A_1617 = arith.index_cast %scan3A_1455 : i32 to index
      %swap3A_1618 = arith.constant 512 : index
      %swap3A_1619 = tpu.vector_load %arg5[%swap3A_1616, %swap3A_1617, %swap3A_1618] {strides = array<i32>} : memref<2x32x1024xf32, #tpu.memory_space<vmem>>, vector<16xf32>,
      tpu.vector_store %arg5[%swap3A_1616, %swap3A_1617, %swap3A_1618], %broadcast_in_dim3A_3 {strides = array<i32>} : memref<2x32x1024xf32, #tpu.memory_space<vmem>>, vector<16xf32>,
      %swap3A_1620 = arith.constant 1 : i32
      %swap3A_1621 = arith.index_cast %swap3A_1620 : i32 to index
      %swap3A_1622 = arith.index_cast %scan3A_1455 : i32 to index
      %swap3A_1623 = arith.constant 528 : index
      %swap3A_1624 = tpu.vector_load %arg5[%swap3A_1621, %swap3A_1622, %swap3A_1623] {strides = array<i32>} : memref<2x32x1024xf32, #tpu.memory_space<vmem>>, vector<16xf32>,
      tpu.vector_store %arg5[%swap3A_1621, %swap3A_1622, %swap3A_1623], %broadcast_in_dim3A_3 {strides = array<i32>} : memref<2x32x1024xf32, #tpu.memory_space<vmem>>, vector<16xf32>,
      %swap3A_1625 = arith.constant 1 : i32
      %swap3A_1626 = arith.index_cast %swap3A_1625 : i32 to index
      %swap3A_1627 = arith.index_cast %scan3A_1455 : i32 to index
      %swap3A_1628 = arith.constant 544 : index
      %swap3A_1629 = tpu.vector_load %arg5[%swap3A_1626, %swap3A_1627, %swap3A_1628] {strides = array<i32>} : memref<2x32x1024xf32, #tpu.memory_space<vmem>>, vector<16xf32>,
      tpu.vector_store %arg5[%swap3A_1626, %swap3A_1627, %swap3A_1628], %broadcast_in_dim3A_3 {strides = array<i32>} : memref<2x32x1024xf32, #tpu.memory_space<vmem>>, vector<16xf32>,
      %swap3A_1630 = arith.constant 1 : i32
      %swap3A_1631 = arith.index_cast %swap3A_1630 : i32 to index
      %swap3A_1632 = arith.index_cast %scan3A_1455 : i32 to index
      %swap3A_1633 = arith.constant 560 : index
      %swap3A_1634 = tpu.vector_load %arg5[%swap3A_1631, %swap3A_1632, %swap3A_1633] {strides = array<i32>} : memref<2x32x1024xf32, #tpu.memory_space<vmem>>, vector<16xf32>,
      tpu.vector_store %arg5[%swap3A_1631, %swap3A_1632, %swap3A_1633], %broadcast_in_dim3A_3 {strides = array<i32>} : memref<2x32x1024xf32, #tpu.memory_space<vmem>>, vector<16xf32>,
      %swap3A_1635 = arith.constant 1 : i32
      %swap3A_1636 = arith.index_cast %swap3A_1635 : i32 to index
      %swap3A_1637 = arith.index_cast %scan3A_1455 : i32 to index
      %swap3A_1638 = arith.constant 576 : index
      %swap3A_1639 = tpu.vector_load %arg5[%swap3A_1636, %swap3A_1637, %swap3A_1638] {strides = array<i32>} : memref<2x32x1024xf32, #tpu.memory_space<vmem>>, vector<16xf32>,
      tpu.vector_store %arg5[%swap3A_1636, %swap3A_1637, %swap3A_1638], %broadcast_in_dim3A_3 {strides = array<i32>} : memref<2x32x1024xf32, #tpu.memory_space<vmem>>, vector<16xf32>,
      %swap3A_1640 = arith.constant 1 : i32
      %swap3A_1641 = arith.index_cast %swap3A_1640 : i32 to index
      %swap3A_1642 = arith.index_cast %scan3A_1455 : i32 to index
      %swap3A_1643 = arith.constant 592 : index
      %swap3A_1644 = tpu.vector_load %arg5[%swap3A_1641, %swap3A_1642, %swap3A_1643] {strides = array<i32>} : memref<2x32x1024xf32, #tpu.memory_space<vmem>>, vector<16xf32>,
      tpu.vector_store %arg5[%swap3A_1641, %swap3A_1642, %swap3A_1643], %broadcast_in_dim3A_3 {strides = array<i32>} : memref<2x32x1024xf32, #tpu.memory_space<vmem>>, vector<16xf32>,
      %swap3A_1645 = arith.constant 1 : i32
      %swap3A_1646 = arith.index_cast %swap3A_1645 : i32 to index
      %swap3A_1647 = arith.index_cast %scan3A_1455 : i32 to index
      %swap3A_1648 = arith.constant 608 : index
      %swap3A_1649 = tpu.vector_load %arg5[%swap3A_1646, %swap3A_1647, %swap3A_1648] {strides = array<i32>} : memref<2x32x1024xf32, #tpu.memory_space<vmem>>, vector<16xf32>,
      tpu.vector_store %arg5[%swap3A_1646, %swap3A_1647, %swap3A_1648], %broadcast_in_dim3A_3 {strides = array<i32>} : memref<2x32x1024xf32, #tpu.memory_space<vmem>>, vector<16xf32>,
      %swap3A_1650 = arith.constant 1 : i32
      %swap3A_1651 = arith.index_cast %swap3A_1650 : i32 to index
      %swap3A_1652 = arith.index_cast %scan3A_1455 : i32 to index
      %swap3A_1653 = arith.constant 624 : index
      %swap3A_1654 = tpu.vector_load %arg5[%swap3A_1651, %swap3A_1652, %swap3A_1653] {strides = array<i32>} : memref<2x32x1024xf32, #tpu.memory_space<vmem>>, vector<16xf32>,
      tpu.vector_store %arg5[%swap3A_1651, %swap3A_1652, %swap3A_1653], %broadcast_in_dim3A_3 {strides = array<i32>} : memref<2x32x1024xf32, #tpu.memory_space<vmem>>, vector<16xf32>,
      %swap3A_1655 = arith.constant 1 : i32
      %swap3A_1656 = arith.index_cast %swap3A_1655 : i32 to index
      %swap3A_1657 = arith.index_cast %scan3A_1455 : i32 to index
      %swap3A_1658 = arith.constant 640 : index
      %swap3A_1659 = tpu.vector_load %arg5[%swap3A_1656, %swap3A_1657, %swap3A_1658] {strides = array<i32>} : memref<2x32x1024xf32, #tpu.memory_space<vmem>>, vector<16xf32>,
      tpu.vector_store %arg5[%swap3A_1656, %swap3A_1657, %swap3A_1658], %broadcast_in_dim3A_3 {strides = array<i32>} : memref<2x32x1024xf32, #tpu.memory_space<vmem>>, vector<16xf32>,
      %swap3A_1660 = arith.constant 1 : i32
      %swap3A_1661 = arith.index_cast %swap3A_1660 : i32 to index
      %swap3A_1662 = arith.index_cast %scan3A_1455 : i32 to index
      %swap3A_1663 = arith.constant 656 : index
      %swap3A_1664 = tpu.vector_load %arg5[%swap3A_1661, %swap3A_1662, %swap3A_1663] {strides = array<i32>} : memref<2x32x1024xf32, #tpu.memory_space<vmem>>, vector<16xf32>,
      tpu.vector_store %arg5[%swap3A_1661, %swap3A_1662, %swap3A_1663], %broadcast_in_dim3A_3 {strides = array<i32>} : memref<2x32x1024xf32, #tpu.memory_space<vmem>>, vector<16xf32>,
      %swap3A_1665 = arith.constant 1 : i32
      %swap3A_1666 = arith.index_cast %swap3A_1665 : i32 to index
      %swap3A_1667 = arith.index_cast %scan3A_1455 : i32 to index
      %swap3A_1668 = arith.constant 672 : index
      %swap3A_1669 = tpu.vector_load %arg5[%swap3A_1666, %swap3A_1667, %swap3A_1668] {strides = array<i32>} : memref<2x32x1024xf32, #tpu.memory_space<vmem>>, vector<16xf32>,
      tpu.vector_store %arg5[%swap3A_1666, %swap3A_1667, %swap3A_1668], %broadcast_in_dim3A_3 {strides = array<i32>} : memref<2x32x1024xf32, #tpu.memory_space<vmem>>, vector<16xf32>,
      %swap3A_1670 = arith.constant 1 : i32
      %swap3A_1671 = arith.index_cast %swap3A_1670 : i32 to index
      %swap3A_1672 = arith.index_cast %scan3A_1455 : i32 to index
      %swap3A_1673 = arith.constant 688 : index
      %swap3A_1674 = tpu.vector_load %arg5[%swap3A_1671, %swap3A_1672, %swap3A_1673] {strides = array<i32>} : memref<2x32x1024xf32, #tpu.memory_space<vmem>>, vector<16xf32>,
      tpu.vector_store %arg5[%swap3A_1671, %swap3A_1672, %swap3A_1673], %broadcast_in_dim3A_3 {strides = array<i32>} : memref<2x32x1024xf32, #tpu.memory_space<vmem>>, vector<16xf32>,
      %swap3A_1675 = arith.constant 1 : i32
      %swap3A_1676 = arith.index_cast %swap3A_1675 : i32 to index
      %swap3A_1677 = arith.index_cast %scan3A_1455 : i32 to index
      %swap3A_1678 = arith.constant 704 : index
      %swap3A_1679 = tpu.vector_load %arg5[%swap3A_1676, %swap3A_1677, %swap3A_1678] {strides = array<i32>} : memref<2x32x1024xf32, #tpu.memory_space<vmem>>, vector<16xf32>,
      tpu.vector_store %arg5[%swap3A_1676, %swap3A_1677, %swap3A_1678], %broadcast_in_dim3A_3 {strides = array<i32>} : memref<2x32x1024xf32, #tpu.memory_space<vmem>>, vector<16xf32>,
      %swap3A_1680 = arith.constant 1 : i32
      %swap3A_1681 = arith.index_cast %swap3A_1680 : i32 to index
      %swap3A_1682 = arith.index_cast %scan3A_1455 : i32 to index
      %swap3A_1683 = arith.constant 720 : index
      %swap3A_1684 = tpu.vector_load %arg5[%swap3A_1681, %swap3A_1682, %swap3A_1683] {strides = array<i32>} : memref<2x32x1024xf32, #tpu.memory_space<vmem>>, vector<16xf32>,
      tpu.vector_store %arg5[%swap3A_1681, %swap3A_1682, %swap3A_1683], %broadcast_in_dim3A_3 {strides = array<i32>} : memref<2x32x1024xf32, #tpu.memory_space<vmem>>, vector<16xf32>,
      %swap3A_1685 = arith.constant 1 : i32
      %swap3A_1686 = arith.index_cast %swap3A_1685 : i32 to index
      %swap3A_1687 = arith.index_cast %scan3A_1455 : i32 to index
      %swap3A_1688 = arith.constant 736 : index
      %swap3A_1689 = tpu.vector_load %arg5[%swap3A_1686, %swap3A_1687, %swap3A_1688] {strides = array<i32>} : memref<2x32x1024xf32, #tpu.memory_space<vmem>>, vector<16xf32>,
      tpu.vector_store %arg5[%swap3A_1686, %swap3A_1687, %swap3A_1688], %broadcast_in_dim3A_3 {strides = array<i32>} : memref<2x32x1024xf32, #tpu.memory_space<vmem>>, vector<16xf32>,
      %swap3A_1690 = arith.constant 1 : i32
      %swap3A_1691 = arith.index_cast %swap3A_1690 : i32 to index
      %swap3A_1692 = arith.index_cast %scan3A_1455 : i32 to index
      %swap3A_1693 = arith.constant 752 : index
      %swap3A_1694 = tpu.vector_load %arg5[%swap3A_1691, %swap3A_1692, %swap3A_1693] {strides = array<i32>} : memref<2x32x1024xf32, #tpu.memory_space<vmem>>, vector<16xf32>,
      tpu.vector_store %arg5[%swap3A_1691, %swap3A_1692, %swap3A_1693], %broadcast_in_dim3A_3 {strides = array<i32>} : memref<2x32x1024xf32, #tpu.memory_space<vmem>>, vector<16xf32>,
      %swap3A_1695 = arith.constant 1 : i32
      %swap3A_1696 = arith.index_cast %swap3A_1695 : i32 to index
      %swap3A_1697 = arith.index_cast %scan3A_1455 : i32 to index
      %swap3A_1698 = arith.constant 768 : index
      %swap3A_1699 = tpu.vector_load %arg5[%swap3A_1696, %swap3A_1697, %swap3A_1698] {strides = array<i32>} : memref<2x32x1024xf32, #tpu.memory_space<vmem>>, vector<16xf32>,
      tpu.vector_store %arg5[%swap3A_1696, %swap3A_1697, %swap3A_1698], %broadcast_in_dim3A_3 {strides = array<i32>} : memref<2x32x1024xf32, #tpu.memory_space<vmem>>, vector<16xf32>,
      %swap3A_1700 = arith.constant 1 : i32
      %swap3A_1701 = arith.index_cast %swap3A_1700 : i32 to index
      %swap3A_1702 = arith.index_cast %scan3A_1455 : i32 to index
      %swap3A_1703 = arith.constant 784 : index
      %swap3A_1704 = tpu.vector_load %arg5[%swap3A_1701, %swap3A_1702, %swap3A_1703] {strides = array<i32>} : memref<2x32x1024xf32, #tpu.memory_space<vmem>>, vector<16xf32>,
      tpu.vector_store %arg5[%swap3A_1701, %swap3A_1702, %swap3A_1703], %broadcast_in_dim3A_3 {strides = array<i32>} : memref<2x32x1024xf32, #tpu.memory_space<vmem>>, vector<16xf32>,
      %swap3A_1705 = arith.constant 1 : i32
      %swap3A_1706 = arith.index_cast %swap3A_1705 : i32 to index
      %swap3A_1707 = arith.index_cast %scan3A_1455 : i32 to index
      %swap3A_1708 = arith.constant 800 : index
      %swap3A_1709 = tpu.vector_load %arg5[%swap3A_1706, %swap3A_1707, %swap3A_1708] {strides = array<i32>} : memref<2x32x1024xf32, #tpu.memory_space<vmem>>, vector<16xf32>,
      tpu.vector_store %arg5[%swap3A_1706, %swap3A_1707, %swap3A_1708], %broadcast_in_dim3A_3 {strides = array<i32>} : memref<2x32x1024xf32, #tpu.memory_space<vmem>>, vector<16xf32>,
      %swap3A_1710 = arith.constant 1 : i32
      %swap3A_1711 = arith.index_cast %swap3A_1710 : i32 to index
      %swap3A_1712 = arith.index_cast %scan3A_1455 : i32 to index
      %swap3A_1713 = arith.constant 816 : index
      %swap3A_1714 = tpu.vector_load %arg5[%swap3A_1711, %swap3A_1712, %swap3A_1713] {strides = array<i32>} : memref<2x32x1024xf32, #tpu.memory_space<vmem>>, vector<16xf32>,
      tpu.vector_store %arg5[%swap3A_1711, %swap3A_1712, %swap3A_1713], %broadcast_in_dim3A_3 {strides = array<i32>} : memref<2x32x1024xf32, #tpu.memory_space<vmem>>, vector<16xf32>,
      %swap3A_1715 = arith.constant 1 : i32
      %swap3A_1716 = arith.index_cast %swap3A_1715 : i32 to index
      %swap3A_1717 = arith.index_cast %scan3A_1455 : i32 to index
      %swap3A_1718 = arith.constant 832 : index
      %swap3A_1719 = tpu.vector_load %arg5[%swap3A_1716, %swap3A_1717, %swap3A_1718] {strides = array<i32>} : memref<2x32x1024xf32, #tpu.memory_space<vmem>>, vector<16xf32>,
      tpu.vector_store %arg5[%swap3A_1716, %swap3A_1717, %swap3A_1718], %broadcast_in_dim3A_3 {strides = array<i32>} : memref<2x32x1024xf32, #tpu.memory_space<vmem>>, vector<16xf32>,
      %swap3A_1720 = arith.constant 1 : i32
      %swap3A_1721 = arith.index_cast %swap3A_1720 : i32 to index
      %swap3A_1722 = arith.index_cast %scan3A_1455 : i32 to index
      %swap3A_1723 = arith.constant 848 : index
      %swap3A_1724 = tpu.vector_load %arg5[%swap3A_1721, %swap3A_1722, %swap3A_1723] {strides = array<i32>} : memref<2x32x1024xf32, #tpu.memory_space<vmem>>, vector<16xf32>,
      tpu.vector_store %arg5[%swap3A_1721, %swap3A_1722, %swap3A_1723], %broadcast_in_dim3A_3 {strides = array<i32>} : memref<2x32x1024xf32, #tpu.memory_space<vmem>>, vector<16xf32>,
      %swap3A_1725 = arith.constant 1 : i32
      %swap3A_1726 = arith.index_cast %swap3A_1725 : i32 to index
      %swap3A_1727 = arith.index_cast %scan3A_1455 : i32 to index
      %swap3A_1728 = arith.constant 864 : index
      %swap3A_1729 = tpu.vector_load %arg5[%swap3A_1726, %swap3A_1727, %swap3A_1728] {strides = array<i32>} : memref<2x32x1024xf32, #tpu.memory_space<vmem>>, vector<16xf32>,
      tpu.vector_store %arg5[%swap3A_1726, %swap3A_1727, %swap3A_1728], %broadcast_in_dim3A_3 {strides = array<i32>} : memref<2x32x1024xf32, #tpu.memory_space<vmem>>, vector<16xf32>,
      %swap3A_1730 = arith.constant 1 : i32
      %swap3A_1731 = arith.index_cast %swap3A_1730 : i32 to index
      %swap3A_1732 = arith.index_cast %scan3A_1455 : i32 to index
      %swap3A_1733 = arith.constant 880 : index
      %swap3A_1734 = tpu.vector_load %arg5[%swap3A_1731, %swap3A_1732, %swap3A_1733] {strides = array<i32>} : memref<2x32x1024xf32, #tpu.memory_space<vmem>>, vector<16xf32>,
      tpu.vector_store %arg5[%swap3A_1731, %swap3A_1732, %swap3A_1733], %broadcast_in_dim3A_3 {strides = array<i32>} : memref<2x32x1024xf32, #tpu.memory_space<vmem>>, vector<16xf32>,
      %swap3A_1735 = arith.constant 1 : i32
      %swap3A_1736 = arith.index_cast %swap3A_1735 : i32 to index
      %swap3A_1737 = arith.index_cast %scan3A_1455 : i32 to index
      %swap3A_1738 = arith.constant 896 : index
      %swap3A_1739 = tpu.vector_load %arg5[%swap3A_1736, %swap3A_1737, %swap3A_1738] {strides = array<i32>} : memref<2x32x1024xf32, #tpu.memory_space<vmem>>, vector<16xf32>,
      tpu.vector_store %arg5[%swap3A_1736, %swap3A_1737, %swap3A_1738], %broadcast_in_dim3A_3 {strides = array<i32>} : memref<2x32x1024xf32, #tpu.memory_space<vmem>>, vector<16xf32>,
      %swap3A_1740 = arith.constant 1 : i32
      %swap3A_1741 = arith.index_cast %swap3A_1740 : i32 to index
      %swap3A_1742 = arith.index_cast %scan3A_1455 : i32 to index
      %swap3A_1743 = arith.constant 912 : index
      %swap3A_1744 = tpu.vector_load %arg5[%swap3A_1741, %swap3A_1742, %swap3A_1743] {strides = array<i32>} : memref<2x32x1024xf32, #tpu.memory_space<vmem>>, vector<16xf32>,
      tpu.vector_store %arg5[%swap3A_1741, %swap3A_1742, %swap3A_1743], %broadcast_in_dim3A_3 {strides = array<i32>} : memref<2x32x1024xf32, #tpu.memory_space<vmem>>, vector<16xf32>,
      %swap3A_1745 = arith.constant 1 : i32
      %swap3A_1746 = arith.index_cast %swap3A_1745 : i32 to index
      %swap3A_1747 = arith.index_cast %scan3A_1455 : i32 to index
      %swap3A_1748 = arith.constant 928 : index
      %swap3A_1749 = tpu.vector_load %arg5[%swap3A_1746, %swap3A_1747, %swap3A_1748] {strides = array<i32>} : memref<2x32x1024xf32, #tpu.memory_space<vmem>>, vector<16xf32>,
      tpu.vector_store %arg5[%swap3A_1746, %swap3A_1747, %swap3A_1748], %broadcast_in_dim3A_3 {strides = array<i32>} : memref<2x32x1024xf32, #tpu.memory_space<vmem>>, vector<16xf32>,
      %swap3A_1750 = arith.constant 1 : i32
      %swap3A_1751 = arith.index_cast %swap3A_1750 : i32 to index
      %swap3A_1752 = arith.index_cast %scan3A_1455 : i32 to index
      %swap3A_1753 = arith.constant 944 : index
      %swap3A_1754 = tpu.vector_load %arg5[%swap3A_1751, %swap3A_1752, %swap3A_1753] {strides = array<i32>} : memref<2x32x1024xf32, #tpu.memory_space<vmem>>, vector<16xf32>,
      tpu.vector_store %arg5[%swap3A_1751, %swap3A_1752, %swap3A_1753], %broadcast_in_dim3A_3 {strides = array<i32>} : memref<2x32x1024xf32, #tpu.memory_space<vmem>>, vector<16xf32>,
      %swap3A_1755 = arith.constant 1 : i32
      %swap3A_1756 = arith.index_cast %swap3A_1755 : i32 to index
      %swap3A_1757 = arith.index_cast %scan3A_1455 : i32 to index
      %swap3A_1758 = arith.constant 960 : index
      %swap3A_1759 = tpu.vector_load %arg5[%swap3A_1756, %swap3A_1757, %swap3A_1758] {strides = array<i32>} : memref<2x32x1024xf32, #tpu.memory_space<vmem>>, vector<16xf32>,
      tpu.vector_store %arg5[%swap3A_1756, %swap3A_1757, %swap3A_1758], %broadcast_in_dim3A_3 {strides = array<i32>} : memref<2x32x1024xf32, #tpu.memory_space<vmem>>, vector<16xf32>,
      %swap3A_1760 = arith.constant 1 : i32
      %swap3A_1761 = arith.index_cast %swap3A_1760 : i32 to index
      %swap3A_1762 = arith.index_cast %scan3A_1455 : i32 to index
      %swap3A_1763 = arith.constant 976 : index
      %swap3A_1764 = tpu.vector_load %arg5[%swap3A_1761, %swap3A_1762, %swap3A_1763] {strides = array<i32>} : memref<2x32x1024xf32, #tpu.memory_space<vmem>>, vector<16xf32>,
      tpu.vector_store %arg5[%swap3A_1761, %swap3A_1762, %swap3A_1763], %broadcast_in_dim3A_3 {strides = array<i32>} : memref<2x32x1024xf32, #tpu.memory_space<vmem>>, vector<16xf32>,
      %swap3A_1765 = arith.constant 1 : i32
      %swap3A_1766 = arith.index_cast %swap3A_1765 : i32 to index
      %swap3A_1767 = arith.index_cast %scan3A_1455 : i32 to index
      %swap3A_1768 = arith.constant 992 : index
      %swap3A_1769 = tpu.vector_load %arg5[%swap3A_1766, %swap3A_1767, %swap3A_1768] {strides = array<i32>} : memref<2x32x1024xf32, #tpu.memory_space<vmem>>, vector<16xf32>,
      tpu.vector_store %arg5[%swap3A_1766, %swap3A_1767, %swap3A_1768], %broadcast_in_dim3A_3 {strides = array<i32>} : memref<2x32x1024xf32, #tpu.memory_space<vmem>>, vector<16xf32>,
      %swap3A_1770 = arith.constant 1 : i32
      %swap3A_1771 = arith.index_cast %swap3A_1770 : i32 to index
      %swap3A_1772 = arith.index_cast %scan3A_1455 : i32 to index
      %swap3A_1773 = arith.constant 1008 : index
      %swap3A_1774 = tpu.vector_load %arg5[%swap3A_1771, %swap3A_1772, %swap3A_1773] {strides = array<i32>} : memref<2x32x1024xf32, #tpu.memory_space<vmem>>, vector<16xf32>,
      tpu.vector_store %arg5[%swap3A_1771, %swap3A_1772, %swap3A_1773], %broadcast_in_dim3A_3 {strides = array<i32>} : memref<2x32x1024xf32, #tpu.memory_space<vmem>>, vector<16xf32>,
    }
    %scan3A_984 = arith.constant 32 : i32
    %broadcast_in_dim3A_985 = arith.constant 0 : i32
    %broadcast_in_dim3A_986 = vector.broadcast %broadcast_in_dim3A_985 : i32 to vector<16xi32>
    %scan3A_987 = arith.constant 0 : i32
    %scan3A_988 = arith.constant 50 : i32
    %scan3A_989 = arith.addi %scan3A_987, %scan3A_988 : i32
    %scan3A_990 = arith.constant 1 : i32
    %scan3A_991 = scf.for %scan3A_1455 = %scan3A_987 to %scan3A_989 step %scan3A_990 iter_args(%scan3A_1456 = %broadcast_in_dim3A_986) -> (vector<16xi32>)  : i32 {
      %gather3A = arith.constant 1 : i32
      %gather3A_1457 = arith.constant 0 : i32
      %gather3A_1458 = arith.constant 0 : i32
      %gather3A_1459 = tpu.memref_slice %arg4[%gather3A, %gather3A_1457, %gather3A_1458] : memref<2x32x211xi32, #tpu.memory_space<vmem>> -> memref<1x32x211xi32, #tpu.memory_space<vmem>>
      %gather3A_1460 = tpu.memref_squeeze %gather3A_1459 : memref<1x32x211xi32, #tpu.memory_space<vmem>> -> memref<32x211xi32, #tpu.memory_space<vmem>>
      %gather3A_1461 = tpu.vector_load_idx %gather3A_1460[%add3A_6, %scan3A_1456] : memref<32x211xi32, #tpu.memory_space<vmem>>[vector<16xi32>, vector<16xi32>], vector<16xi32>,
      %scatter3A = arith.constant 1 : i32
      %scatter3A_1462 = arith.constant 0 : i32
      %scatter3A_1463 = arith.constant 0 : i32
      %scatter3A_1464 = tpu.memref_slice %arg5[%scatter3A, %scatter3A_1462, %scatter3A_1463] : memref<2x32x1024xf32, #tpu.memory_space<vmem>> -> memref<1x32x1024xf32, #tpu.memory_space<vmem>>
      %scatter3A_1465 = tpu.memref_squeeze %scatter3A_1464 : memref<1x32x1024xf32, #tpu.memory_space<vmem>> -> memref<32x1024xf32, #tpu.memory_space<vmem>>
      tpu.vector_store_idx %scatter3A_1465[%add3A_6, %gather3A_1461], %broadcast_in_dim3A_1 {add = true} : memref<32x1024xf32, #tpu.memory_space<vmem>>[vector<16xi32>, vector<16xi32>], vector<16xf32>,
      %gather3A_1466 = arith.constant 1 : i32
      %gather3A_1467 = arith.constant 0 : i32
      %gather3A_1468 = arith.constant 0 : i32
      %gather3A_1469 = tpu.memref_slice %arg4[%gather3A_1466, %gather3A_1467, %gather3A_1468] : memref<2x32x211xi32, #tpu.memory_space<vmem>> -> memref<1x32x211xi32, #tpu.memory_space<vmem>>
      %gather3A_1470 = tpu.memref_squeeze %gather3A_1469 : memref<1x32x211xi32, #tpu.memory_space<vmem>> -> memref<32x211xi32, #tpu.memory_space<vmem>>
      %gather3A_1471 = tpu.vector_load_idx %gather3A_1470[%add3A_9, %scan3A_1456] : memref<32x211xi32, #tpu.memory_space<vmem>>[vector<16xi32>, vector<16xi32>], vector<16xi32>,
      %scatter3A_1472 = arith.constant 1 : i32
      %scatter3A_1473 = arith.constant 0 : i32
      %scatter3A_1474 = arith.constant 0 : i32
      %scatter3A_1475 = tpu.memref_slice %arg5[%scatter3A_1472, %scatter3A_1473, %scatter3A_1474] : memref<2x32x1024xf32, #tpu.memory_space<vmem>> -> memref<1x32x1024xf32, #tpu.memory_space<vmem>>
      %scatter3A_1476 = tpu.memref_squeeze %scatter3A_1475 : memref<1x32x1024xf32, #tpu.memory_space<vmem>> -> memref<32x1024xf32, #tpu.memory_space<vmem>>
      tpu.vector_store_idx %scatter3A_1476[%add3A_9, %gather3A_1471], %broadcast_in_dim3A_1 {add = true} : memref<32x1024xf32, #tpu.memory_space<vmem>>[vector<16xi32>, vector<16xi32>], vector<16xf32>,
      %add3A_1477 = arith.constant 1 : i32
      %add3A_1478 = vector.broadcast %add3A_1477 : i32 to vector<16xi32>
      %add3A_1479 = arith.addi %scan3A_1456, %add3A_1478 : vector<16xi32>
      %gather3A_1480 = arith.constant 1 : i32
      %gather3A_1481 = arith.constant 0 : i32
      %gather3A_1482 = arith.constant 0 : i32
      %gather3A_1483 = tpu.memref_slice %arg4[%gather3A_1480, %gather3A_1481, %gather3A_1482] : memref<2x32x211xi32, #tpu.memory_space<vmem>> -> memref<1x32x211xi32, #tpu.memory_space<vmem>>
      %gather3A_1484 = tpu.memref_squeeze %gather3A_1483 : memref<1x32x211xi32, #tpu.memory_space<vmem>> -> memref<32x211xi32, #tpu.memory_space<vmem>>
      %gather3A_1485 = tpu.vector_load_idx %gather3A_1484[%add3A_6, %add3A_1479] : memref<32x211xi32, #tpu.memory_space<vmem>>[vector<16xi32>, vector<16xi32>], vector<16xi32>,
      %scatter3A_1486 = arith.constant 1 : i32
      %scatter3A_1487 = arith.constant 0 : i32
      %scatter3A_1488 = arith.constant 0 : i32
      %scatter3A_1489 = tpu.memref_slice %arg5[%scatter3A_1486, %scatter3A_1487, %scatter3A_1488] : memref<2x32x1024xf32, #tpu.memory_space<vmem>> -> memref<1x32x1024xf32, #tpu.memory_space<vmem>>
      %scatter3A_1490 = tpu.memref_squeeze %scatter3A_1489 : memref<1x32x1024xf32, #tpu.memory_space<vmem>> -> memref<32x1024xf32, #tpu.memory_space<vmem>>
      tpu.vector_store_idx %scatter3A_1490[%add3A_6, %gather3A_1485], %broadcast_in_dim3A_1 {add = true} : memref<32x1024xf32, #tpu.memory_space<vmem>>[vector<16xi32>, vector<16xi32>], vector<16xf32>,
      %gather3A_1491 = arith.constant 1 : i32
      %gather3A_1492 = arith.constant 0 : i32
      %gather3A_1493 = arith.constant 0 : i32
      %gather3A_1494 = tpu.memref_slice %arg4[%gather3A_1491, %gather3A_1492, %gather3A_1493] : memref<2x32x211xi32, #tpu.memory_space<vmem>> -> memref<1x32x211xi32, #tpu.memory_space<vmem>>
      %gather3A_1495 = tpu.memref_squeeze %gather3A_1494 : memref<1x32x211xi32, #tpu.memory_space<vmem>> -> memref<32x211xi32, #tpu.memory_space<vmem>>
      %gather3A_1496 = tpu.vector_load_idx %gather3A_1495[%add3A_9, %add3A_1479] : memref<32x211xi32, #tpu.memory_space<vmem>>[vector<16xi32>, vector<16xi32>], vector<16xi32>,
      %scatter3A_1497 = arith.constant 1 : i32
      %scatter3A_1498 = arith.constant 0 : i32
      %scatter3A_1499 = arith.constant 0 : i32
      %scatter3A_1500 = tpu.memref_slice %arg5[%scatter3A_1497, %scatter3A_1498, %scatter3A_1499] : memref<2x32x1024xf32, #tpu.memory_space<vmem>> -> memref<1x32x1024xf32, #tpu.memory_space<vmem>>
      %scatter3A_1501 = tpu.memref_squeeze %scatter3A_1500 : memref<1x32x1024xf32, #tpu.memory_space<vmem>> -> memref<32x1024xf32, #tpu.memory_space<vmem>>
      tpu.vector_store_idx %scatter3A_1501[%add3A_9, %gather3A_1496], %broadcast_in_dim3A_1 {add = true} : memref<32x1024xf32, #tpu.memory_space<vmem>>[vector<16xi32>, vector<16xi32>], vector<16xf32>,
      %add3A_1502 = arith.constant 1 : i32
      %add3A_1503 = vector.broadcast %add3A_1502 : i32 to vector<16xi32>
      %add3A_1504 = arith.addi %add3A_1479, %add3A_1503 : vector<16xi32>
      %gather3A_1505 = arith.constant 1 : i32
      %gather3A_1506 = arith.constant 0 : i32
      %gather3A_1507 = arith.constant 0 : i32
      %gather3A_1508 = tpu.memref_slice %arg4[%gather3A_1505, %gather3A_1506, %gather3A_1507] : memref<2x32x211xi32, #tpu.memory_space<vmem>> -> memref<1x32x211xi32, #tpu.memory_space<vmem>>
      %gather3A_1509 = tpu.memref_squeeze %gather3A_1508 : memref<1x32x211xi32, #tpu.memory_space<vmem>> -> memref<32x211xi32, #tpu.memory_space<vmem>>
      %gather3A_1510 = tpu.vector_load_idx %gather3A_1509[%add3A_6, %add3A_1504] : memref<32x211xi32, #tpu.memory_space<vmem>>[vector<16xi32>, vector<16xi32>], vector<16xi32>,
      %scatter3A_1511 = arith.constant 1 : i32
      %scatter3A_1512 = arith.constant 0 : i32
      %scatter3A_1513 = arith.constant 0 : i32
      %scatter3A_1514 = tpu.memref_slice %arg5[%scatter3A_1511, %scatter3A_1512, %scatter3A_1513] : memref<2x32x1024xf32, #tpu.memory_space<vmem>> -> memref<1x32x1024xf32, #tpu.memory_space<vmem>>
      %scatter3A_1515 = tpu.memref_squeeze %scatter3A_1514 : memref<1x32x1024xf32, #tpu.memory_space<vmem>> -> memref<32x1024xf32, #tpu.memory_space<vmem>>
      tpu.vector_store_idx %scatter3A_1515[%add3A_6, %gather3A_1510], %broadcast_in_dim3A_1 {add = true} : memref<32x1024xf32, #tpu.memory_space<vmem>>[vector<16xi32>, vector<16xi32>], vector<16xf32>,
      %gather3A_1516 = arith.constant 1 : i32
      %gather3A_1517 = arith.constant 0 : i32
      %gather3A_1518 = arith.constant 0 : i32
      %gather3A_1519 = tpu.memref_slice %arg4[%gather3A_1516, %gather3A_1517, %gather3A_1518] : memref<2x32x211xi32, #tpu.memory_space<vmem>> -> memref<1x32x211xi32, #tpu.memory_space<vmem>>
      %gather3A_1520 = tpu.memref_squeeze %gather3A_1519 : memref<1x32x211xi32, #tpu.memory_space<vmem>> -> memref<32x211xi32, #tpu.memory_space<vmem>>
      %gather3A_1521 = tpu.vector_load_idx %gather3A_1520[%add3A_9, %add3A_1504] : memref<32x211xi32, #tpu.memory_space<vmem>>[vector<16xi32>, vector<16xi32>], vector<16xi32>,
      %scatter3A_1522 = arith.constant 1 : i32
      %scatter3A_1523 = arith.constant 0 : i32
      %scatter3A_1524 = arith.constant 0 : i32
      %scatter3A_1525 = tpu.memref_slice %arg5[%scatter3A_1522, %scatter3A_1523, %scatter3A_1524] : memref<2x32x1024xf32, #tpu.memory_space<vmem>> -> memref<1x32x1024xf32, #tpu.memory_space<vmem>>
      %scatter3A_1526 = tpu.memref_squeeze %scatter3A_1525 : memref<1x32x1024xf32, #tpu.memory_space<vmem>> -> memref<32x1024xf32, #tpu.memory_space<vmem>>
      tpu.vector_store_idx %scatter3A_1526[%add3A_9, %gather3A_1521], %broadcast_in_dim3A_1 {add = true} : memref<32x1024xf32, #tpu.memory_space<vmem>>[vector<16xi32>, vector<16xi32>], vector<16xf32>,
      %add3A_1527 = arith.constant 1 : i32
      %add3A_1528 = vector.broadcast %add3A_1527 : i32 to vector<16xi32>
      %add3A_1529 = arith.addi %add3A_1504, %add3A_1528 : vector<16xi32>
      %gather3A_1530 = arith.constant 1 : i32
      %gather3A_1531 = arith.constant 0 : i32
      %gather3A_1532 = arith.constant 0 : i32
      %gather3A_1533 = tpu.memref_slice %arg4[%gather3A_1530, %gather3A_1531, %gather3A_1532] : memref<2x32x211xi32, #tpu.memory_space<vmem>> -> memref<1x32x211xi32, #tpu.memory_space<vmem>>
      %gather3A_1534 = tpu.memref_squeeze %gather3A_1533 : memref<1x32x211xi32, #tpu.memory_space<vmem>> -> memref<32x211xi32, #tpu.memory_space<vmem>>
      %gather3A_1535 = tpu.vector_load_idx %gather3A_1534[%add3A_6, %add3A_1529] : memref<32x211xi32, #tpu.memory_space<vmem>>[vector<16xi32>, vector<16xi32>], vector<16xi32>,
      %scatter3A_1536 = arith.constant 1 : i32
      %scatter3A_1537 = arith.constant 0 : i32
      %scatter3A_1538 = arith.constant 0 : i32
      %scatter3A_1539 = tpu.memref_slice %arg5[%scatter3A_1536, %scatter3A_1537, %scatter3A_1538] : memref<2x32x1024xf32, #tpu.memory_space<vmem>> -> memref<1x32x1024xf32, #tpu.memory_space<vmem>>
      %scatter3A_1540 = tpu.memref_squeeze %scatter3A_1539 : memref<1x32x1024xf32, #tpu.memory_space<vmem>> -> memref<32x1024xf32, #tpu.memory_space<vmem>>
      tpu.vector_store_idx %scatter3A_1540[%add3A_6, %gather3A_1535], %broadcast_in_dim3A_1 {add = true} : memref<32x1024xf32, #tpu.memory_space<vmem>>[vector<16xi32>, vector<16xi32>], vector<16xf32>,
      %gather3A_1541 = arith.constant 1 : i32
      %gather3A_1542 = arith.constant 0 : i32
      %gather3A_1543 = arith.constant 0 : i32
      %gather3A_1544 = tpu.memref_slice %arg4[%gather3A_1541, %gather3A_1542, %gather3A_1543] : memref<2x32x211xi32, #tpu.memory_space<vmem>> -> memref<1x32x211xi32, #tpu.memory_space<vmem>>
      %gather3A_1545 = tpu.memref_squeeze %gather3A_1544 : memref<1x32x211xi32, #tpu.memory_space<vmem>> -> memref<32x211xi32, #tpu.memory_space<vmem>>
      %gather3A_1546 = tpu.vector_load_idx %gather3A_1545[%add3A_9, %add3A_1529] : memref<32x211xi32, #tpu.memory_space<vmem>>[vector<16xi32>, vector<16xi32>], vector<16xi32>,
      %scatter3A_1547 = arith.constant 1 : i32
      %scatter3A_1548 = arith.constant 0 : i32
      %scatter3A_1549 = arith.constant 0 : i32
      %scatter3A_1550 = tpu.memref_slice %arg5[%scatter3A_1547, %scatter3A_1548, %scatter3A_1549] : memref<2x32x1024xf32, #tpu.memory_space<vmem>> -> memref<1x32x1024xf32, #tpu.memory_space<vmem>>
      %scatter3A_1551 = tpu.memref_squeeze %scatter3A_1550 : memref<1x32x1024xf32, #tpu.memory_space<vmem>> -> memref<32x1024xf32, #tpu.memory_space<vmem>>
      tpu.vector_store_idx %scatter3A_1551[%add3A_9, %gather3A_1546], %broadcast_in_dim3A_1 {add = true} : memref<32x1024xf32, #tpu.memory_space<vmem>>[vector<16xi32>, vector<16xi32>], vector<16xf32>,
      %add3A_1552 = arith.constant 1 : i32
      %add3A_1553 = vector.broadcast %add3A_1552 : i32 to vector<16xi32>
      %add3A_1554 = arith.addi %add3A_1529, %add3A_1553 : vector<16xi32>
      scf.yield %add3A_1554 : vector<16xi32>
    }
    %scan3A_992 = arith.constant 50 : i32
    %mul3A_993 = arith.constant 4 : i32
    %mul3A_994 = arith.muli %add3A, %mul3A_993 : i32
    %add3A_995 = arith.constant 3 : i32
    %add3A_996 = arith.addi %mul3A_994, %add3A_995 : i32
    %mul3A_997 = arith.constant 32 : i32
    %mul3A_998 = arith.muli %add3A_996, %mul3A_997 : i32
    %dma_start3A_999 = arith.constant 1 : i32
    %dma_start3A_1000 = arith.constant 0 : i32
    %dma_start3A_1001 = arith.constant 1 : i32
    %dma_start3A_1002 = arith.constant 0 : i32
    %dma_start3A_1003 = arith.constant 0 : i32
    %dma_start3A_1004 = tpu.memref_slice %arg5[%dma_start3A_999, %dma_start3A_1002, %dma_start3A_1003] : memref<2x32x1024xf32, #tpu.memory_space<vmem>> -> memref<1x32x128xf32, #tpu.memory_space<vmem>>
    %dma_start3A_1005 = tpu.memref_squeeze %dma_start3A_1004 : memref<1x32x128xf32, #tpu.memory_space<vmem>> -> memref<32x128xf32, #tpu.memory_space<vmem>>
    %dma_start3A_1006 = arith.constant 0 : i32
    %dma_start3A_1007 = tpu.memref_slice %arg3[%dma_start3A_1000, %mul3A_998, %dma_start3A_1006] : memref<8x4096x128xf32, #tpu.memory_space<hbm>> -> memref<1x32x128xf32, #tpu.memory_space<hbm>>
    %dma_start3A_1008 = tpu.memref_squeeze %dma_start3A_1007 : memref<1x32x128xf32, #tpu.memory_space<hbm>> -> memref<32x128xf32, #tpu.memory_space<hbm>>
    %dma_start3A_1009 = tpu.memref_slice %arg7[%dma_start3A_1001] : memref<2x!tpu.dma_semaphore, #tpu.memory_space<semaphore_mem>> -> memref<1x!tpu.dma_semaphore, #tpu.memory_space<semaphore_mem>>
    %dma_start3A_1010 = tpu.memref_squeeze %dma_start3A_1009 : memref<1x!tpu.dma_semaphore, #tpu.memory_space<semaphore_mem>> -> memref<!tpu.dma_semaphore, #tpu.memory_space<semaphore_mem>>
    %dma_start3A_1011 = arith.constant 0 : i32
    %dma_start3A_1012 = tpu.memref_slice %arg3[%dma_start3A_1000, %mul3A_998, %dma_start3A_1011] : memref<8x4096x128xf32, #tpu.memory_space<hbm>> -> memref<1x32x128xf32, #tpu.memory_space<hbm>>
    %dma_start3A_1013 = tpu.memref_squeeze %dma_start3A_1012 : memref<1x32x128xf32, #tpu.memory_space<hbm>> -> memref<32x128xf32, #tpu.memory_space<hbm>>
    %dma_start3A_1014 = arith.constant 0 : i32
    %dma_start3A_1015 = arith.constant 0 : i32
    %dma_start3A_1016 = tpu.memref_slice %arg5[%dma_start3A_999, %dma_start3A_1014, %dma_start3A_1015] : memref<2x32x1024xf32, #tpu.memory_space<vmem>> -> memref<1x32x128xf32, #tpu.memory_space<vmem>>
    %dma_start3A_1017 = tpu.memref_squeeze %dma_start3A_1016 : memref<1x32x128xf32, #tpu.memory_space<vmem>> -> memref<32x128xf32, #tpu.memory_space<vmem>>
    tpu.enqueue_dma source(%dma_start3A_1017 : memref<32x128xf32, #tpu.memory_space<vmem>>) target(%dma_start3A_1013 : memref<32x128xf32, #tpu.memory_space<hbm>>) target_semaphore(%dma_start3A_1010 : memref<!tpu.dma_semaphore, #tpu.memory_space<semaphore_mem>>)
    %dma_start3A_1018 = arith.constant 1 : i32
    %dma_start3A_1019 = arith.constant 1 : i32
    %dma_start3A_1020 = arith.constant 1 : i32
    %dma_start3A_1021 = arith.constant 0 : i32
    %dma_start3A_1022 = arith.constant 128 : i32
    %dma_start3A_1023 = tpu.memref_slice %arg5[%dma_start3A_1018, %dma_start3A_1021, %dma_start3A_1022] : memref<2x32x1024xf32, #tpu.memory_space<vmem>> -> memref<1x32x128xf32, #tpu.memory_space<vmem>>
    %dma_start3A_1024 = tpu.memref_squeeze %dma_start3A_1023 : memref<1x32x128xf32, #tpu.memory_space<vmem>> -> memref<32x128xf32, #tpu.memory_space<vmem>>
    %dma_start3A_1025 = arith.constant 0 : i32
    %dma_start3A_1026 = tpu.memref_slice %arg3[%dma_start3A_1019, %mul3A_998, %dma_start3A_1025] : memref<8x4096x128xf32, #tpu.memory_space<hbm>> -> memref<1x32x128xf32, #tpu.memory_space<hbm>>
    %dma_start3A_1027 = tpu.memref_squeeze %dma_start3A_1026 : memref<1x32x128xf32, #tpu.memory_space<hbm>> -> memref<32x128xf32, #tpu.memory_space<hbm>>
    %dma_start3A_1028 = tpu.memref_slice %arg7[%dma_start3A_1020] : memref<2x!tpu.dma_semaphore, #tpu.memory_space<semaphore_mem>> -> memref<1x!tpu.dma_semaphore, #tpu.memory_space<semaphore_mem>>
    %dma_start3A_1029 = tpu.memref_squeeze %dma_start3A_1028 : memref<1x!tpu.dma_semaphore, #tpu.memory_space<semaphore_mem>> -> memref<!tpu.dma_semaphore, #tpu.memory_space<semaphore_mem>>
    %dma_start3A_1030 = arith.constant 0 : i32
    %dma_start3A_1031 = tpu.memref_slice %arg3[%dma_start3A_1019, %mul3A_998, %dma_start3A_1030] : memref<8x4096x128xf32, #tpu.memory_space<hbm>> -> memref<1x32x128xf32, #tpu.memory_space<hbm>>
    %dma_start3A_1032 = tpu.memref_squeeze %dma_start3A_1031 : memref<1x32x128xf32, #tpu.memory_space<hbm>> -> memref<32x128xf32, #tpu.memory_space<hbm>>
    %dma_start3A_1033 = arith.constant 0 : i32
    %dma_start3A_1034 = arith.constant 128 : i32
    %dma_start3A_1035 = tpu.memref_slice %arg5[%dma_start3A_1018, %dma_start3A_1033, %dma_start3A_1034] : memref<2x32x1024xf32, #tpu.memory_space<vmem>> -> memref<1x32x128xf32, #tpu.memory_space<vmem>>
    %dma_start3A_1036 = tpu.memref_squeeze %dma_start3A_1035 : memref<1x32x128xf32, #tpu.memory_space<vmem>> -> memref<32x128xf32, #tpu.memory_space<vmem>>
    tpu.enqueue_dma source(%dma_start3A_1036 : memref<32x128xf32, #tpu.memory_space<vmem>>) target(%dma_start3A_1032 : memref<32x128xf32, #tpu.memory_space<hbm>>) target_semaphore(%dma_start3A_1029 : memref<!tpu.dma_semaphore, #tpu.memory_space<semaphore_mem>>)
    %dma_start3A_1037 = arith.constant 1 : i32
    %dma_start3A_1038 = arith.constant 2 : i32
    %dma_start3A_1039 = arith.constant 1 : i32
    %dma_start3A_1040 = arith.constant 0 : i32
    %dma_start3A_1041 = arith.constant 256 : i32
    %dma_start3A_1042 = tpu.memref_slice %arg5[%dma_start3A_1037, %dma_start3A_1040, %dma_start3A_1041] : memref<2x32x1024xf32, #tpu.memory_space<vmem>> -> memref<1x32x128xf32, #tpu.memory_space<vmem>>
    %dma_start3A_1043 = tpu.memref_squeeze %dma_start3A_1042 : memref<1x32x128xf32, #tpu.memory_space<vmem>> -> memref<32x128xf32, #tpu.memory_space<vmem>>
    %dma_start3A_1044 = arith.constant 0 : i32
    %dma_start3A_1045 = tpu.memref_slice %arg3[%dma_start3A_1038, %mul3A_998, %dma_start3A_1044] : memref<8x4096x128xf32, #tpu.memory_space<hbm>> -> memref<1x32x128xf32, #tpu.memory_space<hbm>>
    %dma_start3A_1046 = tpu.memref_squeeze %dma_start3A_1045 : memref<1x32x128xf32, #tpu.memory_space<hbm>> -> memref<32x128xf32, #tpu.memory_space<hbm>>
    %dma_start3A_1047 = tpu.memref_slice %arg7[%dma_start3A_1039] : memref<2x!tpu.dma_semaphore, #tpu.memory_space<semaphore_mem>> -> memref<1x!tpu.dma_semaphore, #tpu.memory_space<semaphore_mem>>
    %dma_start3A_1048 = tpu.memref_squeeze %dma_start3A_1047 : memref<1x!tpu.dma_semaphore, #tpu.memory_space<semaphore_mem>> -> memref<!tpu.dma_semaphore, #tpu.memory_space<semaphore_mem>>
    %dma_start3A_1049 = arith.constant 0 : i32
    %dma_start3A_1050 = tpu.memref_slice %arg3[%dma_start3A_1038, %mul3A_998, %dma_start3A_1049] : memref<8x4096x128xf32, #tpu.memory_space<hbm>> -> memref<1x32x128xf32, #tpu.memory_space<hbm>>
    %dma_start3A_1051 = tpu.memref_squeeze %dma_start3A_1050 : memref<1x32x128xf32, #tpu.memory_space<hbm>> -> memref<32x128xf32, #tpu.memory_space<hbm>>
    %dma_start3A_1052 = arith.constant 0 : i32
    %dma_start3A_1053 = arith.constant 256 : i32
    %dma_start3A_1054 = tpu.memref_slice %arg5[%dma_start3A_1037, %dma_start3A_1052, %dma_start3A_1053] : memref<2x32x1024xf32, #tpu.memory_space<vmem>> -> memref<1x32x128xf32, #tpu.memory_space<vmem>>
    %dma_start3A_1055 = tpu.memref_squeeze %dma_start3A_1054 : memref<1x32x128xf32, #tpu.memory_space<vmem>> -> memref<32x128xf32, #tpu.memory_space<vmem>>
    tpu.enqueue_dma source(%dma_start3A_1055 : memref<32x128xf32, #tpu.memory_space<vmem>>) target(%dma_start3A_1051 : memref<32x128xf32, #tpu.memory_space<hbm>>) target_semaphore(%dma_start3A_1048 : memref<!tpu.dma_semaphore, #tpu.memory_space<semaphore_mem>>)
    %dma_start3A_1056 = arith.constant 1 : i32
    %dma_start3A_1057 = arith.constant 3 : i32
    %dma_start3A_1058 = arith.constant 1 : i32
    %dma_start3A_1059 = arith.constant 0 : i32
    %dma_start3A_1060 = arith.constant 384 : i32
    %dma_start3A_1061 = tpu.memref_slice %arg5[%dma_start3A_1056, %dma_start3A_1059, %dma_start3A_1060] : memref<2x32x1024xf32, #tpu.memory_space<vmem>> -> memref<1x32x128xf32, #tpu.memory_space<vmem>>
    %dma_start3A_1062 = tpu.memref_squeeze %dma_start3A_1061 : memref<1x32x128xf32, #tpu.memory_space<vmem>> -> memref<32x128xf32, #tpu.memory_space<vmem>>
    %dma_start3A_1063 = arith.constant 0 : i32
    %dma_start3A_1064 = tpu.memref_slice %arg3[%dma_start3A_1057, %mul3A_998, %dma_start3A_1063] : memref<8x4096x128xf32, #tpu.memory_space<hbm>> -> memref<1x32x128xf32, #tpu.memory_space<hbm>>
    %dma_start3A_1065 = tpu.memref_squeeze %dma_start3A_1064 : memref<1x32x128xf32, #tpu.memory_space<hbm>> -> memref<32x128xf32, #tpu.memory_space<hbm>>
    %dma_start3A_1066 = tpu.memref_slice %arg7[%dma_start3A_1058] : memref<2x!tpu.dma_semaphore, #tpu.memory_space<semaphore_mem>> -> memref<1x!tpu.dma_semaphore, #tpu.memory_space<semaphore_mem>>
    %dma_start3A_1067 = tpu.memref_squeeze %dma_start3A_1066 : memref<1x!tpu.dma_semaphore, #tpu.memory_space<semaphore_mem>> -> memref<!tpu.dma_semaphore, #tpu.memory_space<semaphore_mem>>
    %dma_start3A_1068 = arith.constant 0 : i32
    %dma_start3A_1069 = tpu.memref_slice %arg3[%dma_start3A_1057, %mul3A_998, %dma_start3A_1068] : memref<8x4096x128xf32, #tpu.memory_space<hbm>> -> memref<1x32x128xf32, #tpu.memory_space<hbm>>
    %dma_start3A_1070 = tpu.memref_squeeze %dma_start3A_1069 : memref<1x32x128xf32, #tpu.memory_space<hbm>> -> memref<32x128xf32, #tpu.memory_space<hbm>>
    %dma_start3A_1071 = arith.constant 0 : i32
    %dma_start3A_1072 = arith.constant 384 : i32
    %dma_start3A_1073 = tpu.memref_slice %arg5[%dma_start3A_1056, %dma_start3A_1071, %dma_start3A_1072] : memref<2x32x1024xf32, #tpu.memory_space<vmem>> -> memref<1x32x128xf32, #tpu.memory_space<vmem>>
    %dma_start3A_1074 = tpu.memref_squeeze %dma_start3A_1073 : memref<1x32x128xf32, #tpu.memory_space<vmem>> -> memref<32x128xf32, #tpu.memory_space<vmem>>
    tpu.enqueue_dma source(%dma_start3A_1074 : memref<32x128xf32, #tpu.memory_space<vmem>>) target(%dma_start3A_1070 : memref<32x128xf32, #tpu.memory_space<hbm>>) target_semaphore(%dma_start3A_1067 : memref<!tpu.dma_semaphore, #tpu.memory_space<semaphore_mem>>)
    %dma_start3A_1075 = arith.constant 1 : i32
    %dma_start3A_1076 = arith.constant 4 : i32
    %dma_start3A_1077 = arith.constant 1 : i32
    %dma_start3A_1078 = arith.constant 0 : i32
    %dma_start3A_1079 = arith.constant 512 : i32
    %dma_start3A_1080 = tpu.memref_slice %arg5[%dma_start3A_1075, %dma_start3A_1078, %dma_start3A_1079] : memref<2x32x1024xf32, #tpu.memory_space<vmem>> -> memref<1x32x128xf32, #tpu.memory_space<vmem>>
    %dma_start3A_1081 = tpu.memref_squeeze %dma_start3A_1080 : memref<1x32x128xf32, #tpu.memory_space<vmem>> -> memref<32x128xf32, #tpu.memory_space<vmem>>
    %dma_start3A_1082 = arith.constant 0 : i32
    %dma_start3A_1083 = tpu.memref_slice %arg3[%dma_start3A_1076, %mul3A_998, %dma_start3A_1082] : memref<8x4096x128xf32, #tpu.memory_space<hbm>> -> memref<1x32x128xf32, #tpu.memory_space<hbm>>
    %dma_start3A_1084 = tpu.memref_squeeze %dma_start3A_1083 : memref<1x32x128xf32, #tpu.memory_space<hbm>> -> memref<32x128xf32, #tpu.memory_space<hbm>>
    %dma_start3A_1085 = tpu.memref_slice %arg7[%dma_start3A_1077] : memref<2x!tpu.dma_semaphore, #tpu.memory_space<semaphore_mem>> -> memref<1x!tpu.dma_semaphore, #tpu.memory_space<semaphore_mem>>
    %dma_start3A_1086 = tpu.memref_squeeze %dma_start3A_1085 : memref<1x!tpu.dma_semaphore, #tpu.memory_space<semaphore_mem>> -> memref<!tpu.dma_semaphore, #tpu.memory_space<semaphore_mem>>
    %dma_start3A_1087 = arith.constant 0 : i32
    %dma_start3A_1088 = tpu.memref_slice %arg3[%dma_start3A_1076, %mul3A_998, %dma_start3A_1087] : memref<8x4096x128xf32, #tpu.memory_space<hbm>> -> memref<1x32x128xf32, #tpu.memory_space<hbm>>
    %dma_start3A_1089 = tpu.memref_squeeze %dma_start3A_1088 : memref<1x32x128xf32, #tpu.memory_space<hbm>> -> memref<32x128xf32, #tpu.memory_space<hbm>>
    %dma_start3A_1090 = arith.constant 0 : i32
    %dma_start3A_1091 = arith.constant 512 : i32
    %dma_start3A_1092 = tpu.memref_slice %arg5[%dma_start3A_1075, %dma_start3A_1090, %dma_start3A_1091] : memref<2x32x1024xf32, #tpu.memory_space<vmem>> -> memref<1x32x128xf32, #tpu.memory_space<vmem>>
    %dma_start3A_1093 = tpu.memref_squeeze %dma_start3A_1092 : memref<1x32x128xf32, #tpu.memory_space<vmem>> -> memref<32x128xf32, #tpu.memory_space<vmem>>
    tpu.enqueue_dma source(%dma_start3A_1093 : memref<32x128xf32, #tpu.memory_space<vmem>>) target(%dma_start3A_1089 : memref<32x128xf32, #tpu.memory_space<hbm>>) target_semaphore(%dma_start3A_1086 : memref<!tpu.dma_semaphore, #tpu.memory_space<semaphore_mem>>)
    %dma_start3A_1094 = arith.constant 1 : i32
    %dma_start3A_1095 = arith.constant 5 : i32
    %dma_start3A_1096 = arith.constant 1 : i32
    %dma_start3A_1097 = arith.constant 0 : i32
    %dma_start3A_1098 = arith.constant 640 : i32
    %dma_start3A_1099 = tpu.memref_slice %arg5[%dma_start3A_1094, %dma_start3A_1097, %dma_start3A_1098] : memref<2x32x1024xf32, #tpu.memory_space<vmem>> -> memref<1x32x128xf32, #tpu.memory_space<vmem>>
    %dma_start3A_1100 = tpu.memref_squeeze %dma_start3A_1099 : memref<1x32x128xf32, #tpu.memory_space<vmem>> -> memref<32x128xf32, #tpu.memory_space<vmem>>
    %dma_start3A_1101 = arith.constant 0 : i32
    %dma_start3A_1102 = tpu.memref_slice %arg3[%dma_start3A_1095, %mul3A_998, %dma_start3A_1101] : memref<8x4096x128xf32, #tpu.memory_space<hbm>> -> memref<1x32x128xf32, #tpu.memory_space<hbm>>
    %dma_start3A_1103 = tpu.memref_squeeze %dma_start3A_1102 : memref<1x32x128xf32, #tpu.memory_space<hbm>> -> memref<32x128xf32, #tpu.memory_space<hbm>>
    %dma_start3A_1104 = tpu.memref_slice %arg7[%dma_start3A_1096] : memref<2x!tpu.dma_semaphore, #tpu.memory_space<semaphore_mem>> -> memref<1x!tpu.dma_semaphore, #tpu.memory_space<semaphore_mem>>
    %dma_start3A_1105 = tpu.memref_squeeze %dma_start3A_1104 : memref<1x!tpu.dma_semaphore, #tpu.memory_space<semaphore_mem>> -> memref<!tpu.dma_semaphore, #tpu.memory_space<semaphore_mem>>
    %dma_start3A_1106 = arith.constant 0 : i32
    %dma_start3A_1107 = tpu.memref_slice %arg3[%dma_start3A_1095, %mul3A_998, %dma_start3A_1106] : memref<8x4096x128xf32, #tpu.memory_space<hbm>> -> memref<1x32x128xf32, #tpu.memory_space<hbm>>
    %dma_start3A_1108 = tpu.memref_squeeze %dma_start3A_1107 : memref<1x32x128xf32, #tpu.memory_space<hbm>> -> memref<32x128xf32, #tpu.memory_space<hbm>>
    %dma_start3A_1109 = arith.constant 0 : i32
    %dma_start3A_1110 = arith.constant 640 : i32
    %dma_start3A_1111 = tpu.memref_slice %arg5[%dma_start3A_1094, %dma_start3A_1109, %dma_start3A_1110] : memref<2x32x1024xf32, #tpu.memory_space<vmem>> -> memref<1x32x128xf32, #tpu.memory_space<vmem>>
    %dma_start3A_1112 = tpu.memref_squeeze %dma_start3A_1111 : memref<1x32x128xf32, #tpu.memory_space<vmem>> -> memref<32x128xf32, #tpu.memory_space<vmem>>
    tpu.enqueue_dma source(%dma_start3A_1112 : memref<32x128xf32, #tpu.memory_space<vmem>>) target(%dma_start3A_1108 : memref<32x128xf32, #tpu.memory_space<hbm>>) target_semaphore(%dma_start3A_1105 : memref<!tpu.dma_semaphore, #tpu.memory_space<semaphore_mem>>)
    %dma_start3A_1113 = arith.constant 1 : i32
    %dma_start3A_1114 = arith.constant 6 : i32
    %dma_start3A_1115 = arith.constant 1 : i32
    %dma_start3A_1116 = arith.constant 0 : i32
    %dma_start3A_1117 = arith.constant 768 : i32
    %dma_start3A_1118 = tpu.memref_slice %arg5[%dma_start3A_1113, %dma_start3A_1116, %dma_start3A_1117] : memref<2x32x1024xf32, #tpu.memory_space<vmem>> -> memref<1x32x128xf32, #tpu.memory_space<vmem>>
    %dma_start3A_1119 = tpu.memref_squeeze %dma_start3A_1118 : memref<1x32x128xf32, #tpu.memory_space<vmem>> -> memref<32x128xf32, #tpu.memory_space<vmem>>
    %dma_start3A_1120 = arith.constant 0 : i32
    %dma_start3A_1121 = tpu.memref_slice %arg3[%dma_start3A_1114, %mul3A_998, %dma_start3A_1120] : memref<8x4096x128xf32, #tpu.memory_space<hbm>> -> memref<1x32x128xf32, #tpu.memory_space<hbm>>
    %dma_start3A_1122 = tpu.memref_squeeze %dma_start3A_1121 : memref<1x32x128xf32, #tpu.memory_space<hbm>> -> memref<32x128xf32, #tpu.memory_space<hbm>>
    %dma_start3A_1123 = tpu.memref_slice %arg7[%dma_start3A_1115] : memref<2x!tpu.dma_semaphore, #tpu.memory_space<semaphore_mem>> -> memref<1x!tpu.dma_semaphore, #tpu.memory_space<semaphore_mem>>
    %dma_start3A_1124 = tpu.memref_squeeze %dma_start3A_1123 : memref<1x!tpu.dma_semaphore, #tpu.memory_space<semaphore_mem>> -> memref<!tpu.dma_semaphore, #tpu.memory_space<semaphore_mem>>
    %dma_start3A_1125 = arith.constant 0 : i32
    %dma_start3A_1126 = tpu.memref_slice %arg3[%dma_start3A_1114, %mul3A_998, %dma_start3A_1125] : memref<8x4096x128xf32, #tpu.memory_space<hbm>> -> memref<1x32x128xf32, #tpu.memory_space<hbm>>
    %dma_start3A_1127 = tpu.memref_squeeze %dma_start3A_1126 : memref<1x32x128xf32, #tpu.memory_space<hbm>> -> memref<32x128xf32, #tpu.memory_space<hbm>>
    %dma_start3A_1128 = arith.constant 0 : i32
    %dma_start3A_1129 = arith.constant 768 : i32
    %dma_start3A_1130 = tpu.memref_slice %arg5[%dma_start3A_1113, %dma_start3A_1128, %dma_start3A_1129] : memref<2x32x1024xf32, #tpu.memory_space<vmem>> -> memref<1x32x128xf32, #tpu.memory_space<vmem>>
    %dma_start3A_1131 = tpu.memref_squeeze %dma_start3A_1130 : memref<1x32x128xf32, #tpu.memory_space<vmem>> -> memref<32x128xf32, #tpu.memory_space<vmem>>
    tpu.enqueue_dma source(%dma_start3A_1131 : memref<32x128xf32, #tpu.memory_space<vmem>>) target(%dma_start3A_1127 : memref<32x128xf32, #tpu.memory_space<hbm>>) target_semaphore(%dma_start3A_1124 : memref<!tpu.dma_semaphore, #tpu.memory_space<semaphore_mem>>)
    %dma_start3A_1132 = arith.constant 1 : i32
    %dma_start3A_1133 = arith.constant 7 : i32
    %dma_start3A_1134 = arith.constant 1 : i32
    %dma_start3A_1135 = arith.constant 0 : i32
    %dma_start3A_1136 = arith.constant 896 : i32
    %dma_start3A_1137 = tpu.memref_slice %arg5[%dma_start3A_1132, %dma_start3A_1135, %dma_start3A_1136] : memref<2x32x1024xf32, #tpu.memory_space<vmem>> -> memref<1x32x128xf32, #tpu.memory_space<vmem>>
    %dma_start3A_1138 = tpu.memref_squeeze %dma_start3A_1137 : memref<1x32x128xf32, #tpu.memory_space<vmem>> -> memref<32x128xf32, #tpu.memory_space<vmem>>
    %dma_start3A_1139 = arith.constant 0 : i32
    %dma_start3A_1140 = tpu.memref_slice %arg3[%dma_start3A_1133, %mul3A_998, %dma_start3A_1139] : memref<8x4096x128xf32, #tpu.memory_space<hbm>> -> memref<1x32x128xf32, #tpu.memory_space<hbm>>
    %dma_start3A_1141 = tpu.memref_squeeze %dma_start3A_1140 : memref<1x32x128xf32, #tpu.memory_space<hbm>> -> memref<32x128xf32, #tpu.memory_space<hbm>>
    %dma_start3A_1142 = tpu.memref_slice %arg7[%dma_start3A_1134] : memref<2x!tpu.dma_semaphore, #tpu.memory_space<semaphore_mem>> -> memref<1x!tpu.dma_semaphore, #tpu.memory_space<semaphore_mem>>
    %dma_start3A_1143 = tpu.memref_squeeze %dma_start3A_1142 : memref<1x!tpu.dma_semaphore, #tpu.memory_space<semaphore_mem>> -> memref<!tpu.dma_semaphore, #tpu.memory_space<semaphore_mem>>
    %dma_start3A_1144 = arith.constant 0 : i32
    %dma_start3A_1145 = tpu.memref_slice %arg3[%dma_start3A_1133, %mul3A_998, %dma_start3A_1144] : memref<8x4096x128xf32, #tpu.memory_space<hbm>> -> memref<1x32x128xf32, #tpu.memory_space<hbm>>
    %dma_start3A_1146 = tpu.memref_squeeze %dma_start3A_1145 : memref<1x32x128xf32, #tpu.memory_space<hbm>> -> memref<32x128xf32, #tpu.memory_space<hbm>>
    %dma_start3A_1147 = arith.constant 0 : i32
    %dma_start3A_1148 = arith.constant 896 : i32
    %dma_start3A_1149 = tpu.memref_slice %arg5[%dma_start3A_1132, %dma_start3A_1147, %dma_start3A_1148] : memref<2x32x1024xf32, #tpu.memory_space<vmem>> -> memref<1x32x128xf32, #tpu.memory_space<vmem>>
    %dma_start3A_1150 = tpu.memref_squeeze %dma_start3A_1149 : memref<1x32x128xf32, #tpu.memory_space<vmem>> -> memref<32x128xf32, #tpu.memory_space<vmem>>
    tpu.enqueue_dma source(%dma_start3A_1150 : memref<32x128xf32, #tpu.memory_space<vmem>>) target(%dma_start3A_1146 : memref<32x128xf32, #tpu.memory_space<hbm>>) target_semaphore(%dma_start3A_1143 : memref<!tpu.dma_semaphore, #tpu.memory_space<semaphore_mem>>)
    %dma_wait3A_1151 = arith.constant 0 : i32
    %dma_wait3A_1152 = arith.constant 0 : i32
    %dma_wait3A_1153 = arith.constant 0 : i32
    %dma_wait3A_1154 = arith.constant 0 : i32
    %dma_wait3A_1155 = arith.constant 0 : i32
    %dma_wait3A_1156 = tpu.memref_slice %arg5[%dma_wait3A_1151, %dma_wait3A_1154, %dma_wait3A_1155] : memref<2x32x1024xf32, #tpu.memory_space<vmem>> -> memref<1x32x128xf32, #tpu.memory_space<vmem>>
    %dma_wait3A_1157 = tpu.memref_squeeze %dma_wait3A_1156 : memref<1x32x128xf32, #tpu.memory_space<vmem>> -> memref<32x128xf32, #tpu.memory_space<vmem>>
    %dma_wait3A_1158 = arith.constant 0 : i32
    %dma_wait3A_1159 = tpu.memref_slice %arg3[%dma_wait3A_1152, %mul3A_658, %dma_wait3A_1158] : memref<8x4096x128xf32, #tpu.memory_space<hbm>> -> memref<1x32x128xf32, #tpu.memory_space<hbm>>
    %dma_wait3A_1160 = tpu.memref_squeeze %dma_wait3A_1159 : memref<1x32x128xf32, #tpu.memory_space<hbm>> -> memref<32x128xf32, #tpu.memory_space<hbm>>
    %dma_wait3A_1161 = tpu.memref_slice %arg7[%dma_wait3A_1153] : memref<2x!tpu.dma_semaphore, #tpu.memory_space<semaphore_mem>> -> memref<1x!tpu.dma_semaphore, #tpu.memory_space<semaphore_mem>>
    %dma_wait3A_1162 = tpu.memref_squeeze %dma_wait3A_1161 : memref<1x!tpu.dma_semaphore, #tpu.memory_space<semaphore_mem>> -> memref<!tpu.dma_semaphore, #tpu.memory_space<semaphore_mem>>
    %dma_wait3A_1163 = arith.constant 0 : i32
    %dma_wait3A_1164 = tpu.memref_slice %arg3[%dma_wait3A_1152, %mul3A_658, %dma_wait3A_1163] : memref<8x4096x128xf32, #tpu.memory_space<hbm>> -> memref<1x32x128xf32, #tpu.memory_space<hbm>>
    %dma_wait3A_1165 = tpu.memref_squeeze %dma_wait3A_1164 : memref<1x32x128xf32, #tpu.memory_space<hbm>> -> memref<32x128xf32, #tpu.memory_space<hbm>>
    %dma_wait3A_1166 = arith.constant 0 : i32
    %dma_wait3A_1167 = arith.constant 0 : i32
    %dma_wait3A_1168 = tpu.memref_slice %arg5[%dma_wait3A_1151, %dma_wait3A_1166, %dma_wait3A_1167] : memref<2x32x1024xf32, #tpu.memory_space<vmem>> -> memref<1x32x128xf32, #tpu.memory_space<vmem>>
    %dma_wait3A_1169 = tpu.memref_squeeze %dma_wait3A_1168 : memref<1x32x128xf32, #tpu.memory_space<vmem>> -> memref<32x128xf32, #tpu.memory_space<vmem>>
    tpu.wait_dma2 semaphore(%dma_wait3A_1162 : memref<!tpu.dma_semaphore, #tpu.memory_space<semaphore_mem>>) src(%dma_wait3A_1169 : memref<32x128xf32, #tpu.memory_space<vmem>>) dst(%dma_wait3A_1165 : memref<32x128xf32, #tpu.memory_space<hbm>>)
    %dma_wait3A_1170 = arith.constant 0 : i32
    %dma_wait3A_1171 = arith.constant 1 : i32
    %dma_wait3A_1172 = arith.constant 0 : i32
    %dma_wait3A_1173 = arith.constant 0 : i32
    %dma_wait3A_1174 = arith.constant 128 : i32
    %dma_wait3A_1175 = tpu.memref_slice %arg5[%dma_wait3A_1170, %dma_wait3A_1173, %dma_wait3A_1174] : memref<2x32x1024xf32, #tpu.memory_space<vmem>> -> memref<1x32x128xf32, #tpu.memory_space<vmem>>
    %dma_wait3A_1176 = tpu.memref_squeeze %dma_wait3A_1175 : memref<1x32x128xf32, #tpu.memory_space<vmem>> -> memref<32x128xf32, #tpu.memory_space<vmem>>
    %dma_wait3A_1177 = arith.constant 0 : i32
    %dma_wait3A_1178 = tpu.memref_slice %arg3[%dma_wait3A_1171, %mul3A_658, %dma_wait3A_1177] : memref<8x4096x128xf32, #tpu.memory_space<hbm>> -> memref<1x32x128xf32, #tpu.memory_space<hbm>>
    %dma_wait3A_1179 = tpu.memref_squeeze %dma_wait3A_1178 : memref<1x32x128xf32, #tpu.memory_space<hbm>> -> memref<32x128xf32, #tpu.memory_space<hbm>>
    %dma_wait3A_1180 = tpu.memref_slice %arg7[%dma_wait3A_1172] : memref<2x!tpu.dma_semaphore, #tpu.memory_space<semaphore_mem>> -> memref<1x!tpu.dma_semaphore, #tpu.memory_space<semaphore_mem>>
    %dma_wait3A_1181 = tpu.memref_squeeze %dma_wait3A_1180 : memref<1x!tpu.dma_semaphore, #tpu.memory_space<semaphore_mem>> -> memref<!tpu.dma_semaphore, #tpu.memory_space<semaphore_mem>>
    %dma_wait3A_1182 = arith.constant 0 : i32
    %dma_wait3A_1183 = tpu.memref_slice %arg3[%dma_wait3A_1171, %mul3A_658, %dma_wait3A_1182] : memref<8x4096x128xf32, #tpu.memory_space<hbm>> -> memref<1x32x128xf32, #tpu.memory_space<hbm>>
    %dma_wait3A_1184 = tpu.memref_squeeze %dma_wait3A_1183 : memref<1x32x128xf32, #tpu.memory_space<hbm>> -> memref<32x128xf32, #tpu.memory_space<hbm>>
    %dma_wait3A_1185 = arith.constant 0 : i32
    %dma_wait3A_1186 = arith.constant 128 : i32
    %dma_wait3A_1187 = tpu.memref_slice %arg5[%dma_wait3A_1170, %dma_wait3A_1185, %dma_wait3A_1186] : memref<2x32x1024xf32, #tpu.memory_space<vmem>> -> memref<1x32x128xf32, #tpu.memory_space<vmem>>
    %dma_wait3A_1188 = tpu.memref_squeeze %dma_wait3A_1187 : memref<1x32x128xf32, #tpu.memory_space<vmem>> -> memref<32x128xf32, #tpu.memory_space<vmem>>
    tpu.wait_dma2 semaphore(%dma_wait3A_1181 : memref<!tpu.dma_semaphore, #tpu.memory_space<semaphore_mem>>) src(%dma_wait3A_1188 : memref<32x128xf32, #tpu.memory_space<vmem>>) dst(%dma_wait3A_1184 : memref<32x128xf32, #tpu.memory_space<hbm>>)
    %dma_wait3A_1189 = arith.constant 0 : i32
    %dma_wait3A_1190 = arith.constant 2 : i32
    %dma_wait3A_1191 = arith.constant 0 : i32
    %dma_wait3A_1192 = arith.constant 0 : i32
    %dma_wait3A_1193 = arith.constant 256 : i32
    %dma_wait3A_1194 = tpu.memref_slice %arg5[%dma_wait3A_1189, %dma_wait3A_1192, %dma_wait3A_1193] : memref<2x32x1024xf32, #tpu.memory_space<vmem>> -> memref<1x32x128xf32, #tpu.memory_space<vmem>>
    %dma_wait3A_1195 = tpu.memref_squeeze %dma_wait3A_1194 : memref<1x32x128xf32, #tpu.memory_space<vmem>> -> memref<32x128xf32, #tpu.memory_space<vmem>>
    %dma_wait3A_1196 = arith.constant 0 : i32
    %dma_wait3A_1197 = tpu.memref_slice %arg3[%dma_wait3A_1190, %mul3A_658, %dma_wait3A_1196] : memref<8x4096x128xf32, #tpu.memory_space<hbm>> -> memref<1x32x128xf32, #tpu.memory_space<hbm>>
    %dma_wait3A_1198 = tpu.memref_squeeze %dma_wait3A_1197 : memref<1x32x128xf32, #tpu.memory_space<hbm>> -> memref<32x128xf32, #tpu.memory_space<hbm>>
    %dma_wait3A_1199 = tpu.memref_slice %arg7[%dma_wait3A_1191] : memref<2x!tpu.dma_semaphore, #tpu.memory_space<semaphore_mem>> -> memref<1x!tpu.dma_semaphore, #tpu.memory_space<semaphore_mem>>
    %dma_wait3A_1200 = tpu.memref_squeeze %dma_wait3A_1199 : memref<1x!tpu.dma_semaphore, #tpu.memory_space<semaphore_mem>> -> memref<!tpu.dma_semaphore, #tpu.memory_space<semaphore_mem>>
    %dma_wait3A_1201 = arith.constant 0 : i32
    %dma_wait3A_1202 = tpu.memref_slice %arg3[%dma_wait3A_1190, %mul3A_658, %dma_wait3A_1201] : memref<8x4096x128xf32, #tpu.memory_space<hbm>> -> memref<1x32x128xf32, #tpu.memory_space<hbm>>
    %dma_wait3A_1203 = tpu.memref_squeeze %dma_wait3A_1202 : memref<1x32x128xf32, #tpu.memory_space<hbm>> -> memref<32x128xf32, #tpu.memory_space<hbm>>
    %dma_wait3A_1204 = arith.constant 0 : i32
    %dma_wait3A_1205 = arith.constant 256 : i32
    %dma_wait3A_1206 = tpu.memref_slice %arg5[%dma_wait3A_1189, %dma_wait3A_1204, %dma_wait3A_1205] : memref<2x32x1024xf32, #tpu.memory_space<vmem>> -> memref<1x32x128xf32, #tpu.memory_space<vmem>>
    %dma_wait3A_1207 = tpu.memref_squeeze %dma_wait3A_1206 : memref<1x32x128xf32, #tpu.memory_space<vmem>> -> memref<32x128xf32, #tpu.memory_space<vmem>>
    tpu.wait_dma2 semaphore(%dma_wait3A_1200 : memref<!tpu.dma_semaphore, #tpu.memory_space<semaphore_mem>>) src(%dma_wait3A_1207 : memref<32x128xf32, #tpu.memory_space<vmem>>) dst(%dma_wait3A_1203 : memref<32x128xf32, #tpu.memory_space<hbm>>)
    %dma_wait3A_1208 = arith.constant 0 : i32
    %dma_wait3A_1209 = arith.constant 3 : i32
    %dma_wait3A_1210 = arith.constant 0 : i32
    %dma_wait3A_1211 = arith.constant 0 : i32
    %dma_wait3A_1212 = arith.constant 384 : i32
    %dma_wait3A_1213 = tpu.memref_slice %arg5[%dma_wait3A_1208, %dma_wait3A_1211, %dma_wait3A_1212] : memref<2x32x1024xf32, #tpu.memory_space<vmem>> -> memref<1x32x128xf32, #tpu.memory_space<vmem>>
    %dma_wait3A_1214 = tpu.memref_squeeze %dma_wait3A_1213 : memref<1x32x128xf32, #tpu.memory_space<vmem>> -> memref<32x128xf32, #tpu.memory_space<vmem>>
    %dma_wait3A_1215 = arith.constant 0 : i32
    %dma_wait3A_1216 = tpu.memref_slice %arg3[%dma_wait3A_1209, %mul3A_658, %dma_wait3A_1215] : memref<8x4096x128xf32, #tpu.memory_space<hbm>> -> memref<1x32x128xf32, #tpu.memory_space<hbm>>
    %dma_wait3A_1217 = tpu.memref_squeeze %dma_wait3A_1216 : memref<1x32x128xf32, #tpu.memory_space<hbm>> -> memref<32x128xf32, #tpu.memory_space<hbm>>
    %dma_wait3A_1218 = tpu.memref_slice %arg7[%dma_wait3A_1210] : memref<2x!tpu.dma_semaphore, #tpu.memory_space<semaphore_mem>> -> memref<1x!tpu.dma_semaphore, #tpu.memory_space<semaphore_mem>>
    %dma_wait3A_1219 = tpu.memref_squeeze %dma_wait3A_1218 : memref<1x!tpu.dma_semaphore, #tpu.memory_space<semaphore_mem>> -> memref<!tpu.dma_semaphore, #tpu.memory_space<semaphore_mem>>
    %dma_wait3A_1220 = arith.constant 0 : i32
    %dma_wait3A_1221 = tpu.memref_slice %arg3[%dma_wait3A_1209, %mul3A_658, %dma_wait3A_1220] : memref<8x4096x128xf32, #tpu.memory_space<hbm>> -> memref<1x32x128xf32, #tpu.memory_space<hbm>>
    %dma_wait3A_1222 = tpu.memref_squeeze %dma_wait3A_1221 : memref<1x32x128xf32, #tpu.memory_space<hbm>> -> memref<32x128xf32, #tpu.memory_space<hbm>>
    %dma_wait3A_1223 = arith.constant 0 : i32
    %dma_wait3A_1224 = arith.constant 384 : i32
    %dma_wait3A_1225 = tpu.memref_slice %arg5[%dma_wait3A_1208, %dma_wait3A_1223, %dma_wait3A_1224] : memref<2x32x1024xf32, #tpu.memory_space<vmem>> -> memref<1x32x128xf32, #tpu.memory_space<vmem>>
    %dma_wait3A_1226 = tpu.memref_squeeze %dma_wait3A_1225 : memref<1x32x128xf32, #tpu.memory_space<vmem>> -> memref<32x128xf32, #tpu.memory_space<vmem>>
    tpu.wait_dma2 semaphore(%dma_wait3A_1219 : memref<!tpu.dma_semaphore, #tpu.memory_space<semaphore_mem>>) src(%dma_wait3A_1226 : memref<32x128xf32, #tpu.memory_space<vmem>>) dst(%dma_wait3A_1222 : memref<32x128xf32, #tpu.memory_space<hbm>>)
    %dma_wait3A_1227 = arith.constant 0 : i32
    %dma_wait3A_1228 = arith.constant 4 : i32
    %dma_wait3A_1229 = arith.constant 0 : i32
    %dma_wait3A_1230 = arith.constant 0 : i32
    %dma_wait3A_1231 = arith.constant 512 : i32
    %dma_wait3A_1232 = tpu.memref_slice %arg5[%dma_wait3A_1227, %dma_wait3A_1230, %dma_wait3A_1231] : memref<2x32x1024xf32, #tpu.memory_space<vmem>> -> memref<1x32x128xf32, #tpu.memory_space<vmem>>
    %dma_wait3A_1233 = tpu.memref_squeeze %dma_wait3A_1232 : memref<1x32x128xf32, #tpu.memory_space<vmem>> -> memref<32x128xf32, #tpu.memory_space<vmem>>
    %dma_wait3A_1234 = arith.constant 0 : i32
    %dma_wait3A_1235 = tpu.memref_slice %arg3[%dma_wait3A_1228, %mul3A_658, %dma_wait3A_1234] : memref<8x4096x128xf32, #tpu.memory_space<hbm>> -> memref<1x32x128xf32, #tpu.memory_space<hbm>>
    %dma_wait3A_1236 = tpu.memref_squeeze %dma_wait3A_1235 : memref<1x32x128xf32, #tpu.memory_space<hbm>> -> memref<32x128xf32, #tpu.memory_space<hbm>>
    %dma_wait3A_1237 = tpu.memref_slice %arg7[%dma_wait3A_1229] : memref<2x!tpu.dma_semaphore, #tpu.memory_space<semaphore_mem>> -> memref<1x!tpu.dma_semaphore, #tpu.memory_space<semaphore_mem>>
    %dma_wait3A_1238 = tpu.memref_squeeze %dma_wait3A_1237 : memref<1x!tpu.dma_semaphore, #tpu.memory_space<semaphore_mem>> -> memref<!tpu.dma_semaphore, #tpu.memory_space<semaphore_mem>>
    %dma_wait3A_1239 = arith.constant 0 : i32
    %dma_wait3A_1240 = tpu.memref_slice %arg3[%dma_wait3A_1228, %mul3A_658, %dma_wait3A_1239] : memref<8x4096x128xf32, #tpu.memory_space<hbm>> -> memref<1x32x128xf32, #tpu.memory_space<hbm>>
    %dma_wait3A_1241 = tpu.memref_squeeze %dma_wait3A_1240 : memref<1x32x128xf32, #tpu.memory_space<hbm>> -> memref<32x128xf32, #tpu.memory_space<hbm>>
    %dma_wait3A_1242 = arith.constant 0 : i32
    %dma_wait3A_1243 = arith.constant 512 : i32
    %dma_wait3A_1244 = tpu.memref_slice %arg5[%dma_wait3A_1227, %dma_wait3A_1242, %dma_wait3A_1243] : memref<2x32x1024xf32, #tpu.memory_space<vmem>> -> memref<1x32x128xf32, #tpu.memory_space<vmem>>
    %dma_wait3A_1245 = tpu.memref_squeeze %dma_wait3A_1244 : memref<1x32x128xf32, #tpu.memory_space<vmem>> -> memref<32x128xf32, #tpu.memory_space<vmem>>
    tpu.wait_dma2 semaphore(%dma_wait3A_1238 : memref<!tpu.dma_semaphore, #tpu.memory_space<semaphore_mem>>) src(%dma_wait3A_1245 : memref<32x128xf32, #tpu.memory_space<vmem>>) dst(%dma_wait3A_1241 : memref<32x128xf32, #tpu.memory_space<hbm>>)
    %dma_wait3A_1246 = arith.constant 0 : i32
    %dma_wait3A_1247 = arith.constant 5 : i32
    %dma_wait3A_1248 = arith.constant 0 : i32
    %dma_wait3A_1249 = arith.constant 0 : i32
    %dma_wait3A_1250 = arith.constant 640 : i32
    %dma_wait3A_1251 = tpu.memref_slice %arg5[%dma_wait3A_1246, %dma_wait3A_1249, %dma_wait3A_1250] : memref<2x32x1024xf32, #tpu.memory_space<vmem>> -> memref<1x32x128xf32, #tpu.memory_space<vmem>>
    %dma_wait3A_1252 = tpu.memref_squeeze %dma_wait3A_1251 : memref<1x32x128xf32, #tpu.memory_space<vmem>> -> memref<32x128xf32, #tpu.memory_space<vmem>>
    %dma_wait3A_1253 = arith.constant 0 : i32
    %dma_wait3A_1254 = tpu.memref_slice %arg3[%dma_wait3A_1247, %mul3A_658, %dma_wait3A_1253] : memref<8x4096x128xf32, #tpu.memory_space<hbm>> -> memref<1x32x128xf32, #tpu.memory_space<hbm>>
    %dma_wait3A_1255 = tpu.memref_squeeze %dma_wait3A_1254 : memref<1x32x128xf32, #tpu.memory_space<hbm>> -> memref<32x128xf32, #tpu.memory_space<hbm>>
    %dma_wait3A_1256 = tpu.memref_slice %arg7[%dma_wait3A_1248] : memref<2x!tpu.dma_semaphore, #tpu.memory_space<semaphore_mem>> -> memref<1x!tpu.dma_semaphore, #tpu.memory_space<semaphore_mem>>
    %dma_wait3A_1257 = tpu.memref_squeeze %dma_wait3A_1256 : memref<1x!tpu.dma_semaphore, #tpu.memory_space<semaphore_mem>> -> memref<!tpu.dma_semaphore, #tpu.memory_space<semaphore_mem>>
    %dma_wait3A_1258 = arith.constant 0 : i32
    %dma_wait3A_1259 = tpu.memref_slice %arg3[%dma_wait3A_1247, %mul3A_658, %dma_wait3A_1258] : memref<8x4096x128xf32, #tpu.memory_space<hbm>> -> memref<1x32x128xf32, #tpu.memory_space<hbm>>
    %dma_wait3A_1260 = tpu.memref_squeeze %dma_wait3A_1259 : memref<1x32x128xf32, #tpu.memory_space<hbm>> -> memref<32x128xf32, #tpu.memory_space<hbm>>
    %dma_wait3A_1261 = arith.constant 0 : i32
    %dma_wait3A_1262 = arith.constant 640 : i32
    %dma_wait3A_1263 = tpu.memref_slice %arg5[%dma_wait3A_1246, %dma_wait3A_1261, %dma_wait3A_1262] : memref<2x32x1024xf32, #tpu.memory_space<vmem>> -> memref<1x32x128xf32, #tpu.memory_space<vmem>>
    %dma_wait3A_1264 = tpu.memref_squeeze %dma_wait3A_1263 : memref<1x32x128xf32, #tpu.memory_space<vmem>> -> memref<32x128xf32, #tpu.memory_space<vmem>>
    tpu.wait_dma2 semaphore(%dma_wait3A_1257 : memref<!tpu.dma_semaphore, #tpu.memory_space<semaphore_mem>>) src(%dma_wait3A_1264 : memref<32x128xf32, #tpu.memory_space<vmem>>) dst(%dma_wait3A_1260 : memref<32x128xf32, #tpu.memory_space<hbm>>)
    %dma_wait3A_1265 = arith.constant 0 : i32
    %dma_wait3A_1266 = arith.constant 6 : i32
    %dma_wait3A_1267 = arith.constant 0 : i32
    %dma_wait3A_1268 = arith.constant 0 : i32
    %dma_wait3A_1269 = arith.constant 768 : i32
    %dma_wait3A_1270 = tpu.memref_slice %arg5[%dma_wait3A_1265, %dma_wait3A_1268, %dma_wait3A_1269] : memref<2x32x1024xf32, #tpu.memory_space<vmem>> -> memref<1x32x128xf32, #tpu.memory_space<vmem>>
    %dma_wait3A_1271 = tpu.memref_squeeze %dma_wait3A_1270 : memref<1x32x128xf32, #tpu.memory_space<vmem>> -> memref<32x128xf32, #tpu.memory_space<vmem>>
    %dma_wait3A_1272 = arith.constant 0 : i32
    %dma_wait3A_1273 = tpu.memref_slice %arg3[%dma_wait3A_1266, %mul3A_658, %dma_wait3A_1272] : memref<8x4096x128xf32, #tpu.memory_space<hbm>> -> memref<1x32x128xf32, #tpu.memory_space<hbm>>
    %dma_wait3A_1274 = tpu.memref_squeeze %dma_wait3A_1273 : memref<1x32x128xf32, #tpu.memory_space<hbm>> -> memref<32x128xf32, #tpu.memory_space<hbm>>
    %dma_wait3A_1275 = tpu.memref_slice %arg7[%dma_wait3A_1267] : memref<2x!tpu.dma_semaphore, #tpu.memory_space<semaphore_mem>> -> memref<1x!tpu.dma_semaphore, #tpu.memory_space<semaphore_mem>>
    %dma_wait3A_1276 = tpu.memref_squeeze %dma_wait3A_1275 : memref<1x!tpu.dma_semaphore, #tpu.memory_space<semaphore_mem>> -> memref<!tpu.dma_semaphore, #tpu.memory_space<semaphore_mem>>
    %dma_wait3A_1277 = arith.constant 0 : i32
    %dma_wait3A_1278 = tpu.memref_slice %arg3[%dma_wait3A_1266, %mul3A_658, %dma_wait3A_1277] : memref<8x4096x128xf32, #tpu.memory_space<hbm>> -> memref<1x32x128xf32, #tpu.memory_space<hbm>>
    %dma_wait3A_1279 = tpu.memref_squeeze %dma_wait3A_1278 : memref<1x32x128xf32, #tpu.memory_space<hbm>> -> memref<32x128xf32, #tpu.memory_space<hbm>>
    %dma_wait3A_1280 = arith.constant 0 : i32
    %dma_wait3A_1281 = arith.constant 768 : i32
    %dma_wait3A_1282 = tpu.memref_slice %arg5[%dma_wait3A_1265, %dma_wait3A_1280, %dma_wait3A_1281] : memref<2x32x1024xf32, #tpu.memory_space<vmem>> -> memref<1x32x128xf32, #tpu.memory_space<vmem>>
    %dma_wait3A_1283 = tpu.memref_squeeze %dma_wait3A_1282 : memref<1x32x128xf32, #tpu.memory_space<vmem>> -> memref<32x128xf32, #tpu.memory_space<vmem>>
    tpu.wait_dma2 semaphore(%dma_wait3A_1276 : memref<!tpu.dma_semaphore, #tpu.memory_space<semaphore_mem>>) src(%dma_wait3A_1283 : memref<32x128xf32, #tpu.memory_space<vmem>>) dst(%dma_wait3A_1279 : memref<32x128xf32, #tpu.memory_space<hbm>>)
    %dma_wait3A_1284 = arith.constant 0 : i32
    %dma_wait3A_1285 = arith.constant 7 : i32
    %dma_wait3A_1286 = arith.constant 0 : i32
    %dma_wait3A_1287 = arith.constant 0 : i32
    %dma_wait3A_1288 = arith.constant 896 : i32
    %dma_wait3A_1289 = tpu.memref_slice %arg5[%dma_wait3A_1284, %dma_wait3A_1287, %dma_wait3A_1288] : memref<2x32x1024xf32, #tpu.memory_space<vmem>> -> memref<1x32x128xf32, #tpu.memory_space<vmem>>
    %dma_wait3A_1290 = tpu.memref_squeeze %dma_wait3A_1289 : memref<1x32x128xf32, #tpu.memory_space<vmem>> -> memref<32x128xf32, #tpu.memory_space<vmem>>
    %dma_wait3A_1291 = arith.constant 0 : i32
    %dma_wait3A_1292 = tpu.memref_slice %arg3[%dma_wait3A_1285, %mul3A_658, %dma_wait3A_1291] : memref<8x4096x128xf32, #tpu.memory_space<hbm>> -> memref<1x32x128xf32, #tpu.memory_space<hbm>>
    %dma_wait3A_1293 = tpu.memref_squeeze %dma_wait3A_1292 : memref<1x32x128xf32, #tpu.memory_space<hbm>> -> memref<32x128xf32, #tpu.memory_space<hbm>>
    %dma_wait3A_1294 = tpu.memref_slice %arg7[%dma_wait3A_1286] : memref<2x!tpu.dma_semaphore, #tpu.memory_space<semaphore_mem>> -> memref<1x!tpu.dma_semaphore, #tpu.memory_space<semaphore_mem>>
    %dma_wait3A_1295 = tpu.memref_squeeze %dma_wait3A_1294 : memref<1x!tpu.dma_semaphore, #tpu.memory_space<semaphore_mem>> -> memref<!tpu.dma_semaphore, #tpu.memory_space<semaphore_mem>>
    %dma_wait3A_1296 = arith.constant 0 : i32
    %dma_wait3A_1297 = tpu.memref_slice %arg3[%dma_wait3A_1285, %mul3A_658, %dma_wait3A_1296] : memref<8x4096x128xf32, #tpu.memory_space<hbm>> -> memref<1x32x128xf32, #tpu.memory_space<hbm>>
    %dma_wait3A_1298 = tpu.memref_squeeze %dma_wait3A_1297 : memref<1x32x128xf32, #tpu.memory_space<hbm>> -> memref<32x128xf32, #tpu.memory_space<hbm>>
    %dma_wait3A_1299 = arith.constant 0 : i32
    %dma_wait3A_1300 = arith.constant 896 : i32
    %dma_wait3A_1301 = tpu.memref_slice %arg5[%dma_wait3A_1284, %dma_wait3A_1299, %dma_wait3A_1300] : memref<2x32x1024xf32, #tpu.memory_space<vmem>> -> memref<1x32x128xf32, #tpu.memory_space<vmem>>
    %dma_wait3A_1302 = tpu.memref_squeeze %dma_wait3A_1301 : memref<1x32x128xf32, #tpu.memory_space<vmem>> -> memref<32x128xf32, #tpu.memory_space<vmem>>
    tpu.wait_dma2 semaphore(%dma_wait3A_1295 : memref<!tpu.dma_semaphore, #tpu.memory_space<semaphore_mem>>) src(%dma_wait3A_1302 : memref<32x128xf32, #tpu.memory_space<vmem>>) dst(%dma_wait3A_1298 : memref<32x128xf32, #tpu.memory_space<hbm>>)
    %dma_wait3A_1303 = arith.constant 1 : i32
    %dma_wait3A_1304 = arith.constant 0 : i32
    %dma_wait3A_1305 = arith.constant 1 : i32
    %dma_wait3A_1306 = arith.constant 0 : i32
    %dma_wait3A_1307 = arith.constant 0 : i32
    %dma_wait3A_1308 = tpu.memref_slice %arg5[%dma_wait3A_1303, %dma_wait3A_1306, %dma_wait3A_1307] : memref<2x32x1024xf32, #tpu.memory_space<vmem>> -> memref<1x32x128xf32, #tpu.memory_space<vmem>>
    %dma_wait3A_1309 = tpu.memref_squeeze %dma_wait3A_1308 : memref<1x32x128xf32, #tpu.memory_space<vmem>> -> memref<32x128xf32, #tpu.memory_space<vmem>>
    %dma_wait3A_1310 = arith.constant 0 : i32
    %dma_wait3A_1311 = tpu.memref_slice %arg3[%dma_wait3A_1304, %mul3A_998, %dma_wait3A_1310] : memref<8x4096x128xf32, #tpu.memory_space<hbm>> -> memref<1x32x128xf32, #tpu.memory_space<hbm>>
    %dma_wait3A_1312 = tpu.memref_squeeze %dma_wait3A_1311 : memref<1x32x128xf32, #tpu.memory_space<hbm>> -> memref<32x128xf32, #tpu.memory_space<hbm>>
    %dma_wait3A_1313 = tpu.memref_slice %arg7[%dma_wait3A_1305] : memref<2x!tpu.dma_semaphore, #tpu.memory_space<semaphore_mem>> -> memref<1x!tpu.dma_semaphore, #tpu.memory_space<semaphore_mem>>
    %dma_wait3A_1314 = tpu.memref_squeeze %dma_wait3A_1313 : memref<1x!tpu.dma_semaphore, #tpu.memory_space<semaphore_mem>> -> memref<!tpu.dma_semaphore, #tpu.memory_space<semaphore_mem>>
    %dma_wait3A_1315 = arith.constant 0 : i32
    %dma_wait3A_1316 = tpu.memref_slice %arg3[%dma_wait3A_1304, %mul3A_998, %dma_wait3A_1315] : memref<8x4096x128xf32, #tpu.memory_space<hbm>> -> memref<1x32x128xf32, #tpu.memory_space<hbm>>
    %dma_wait3A_1317 = tpu.memref_squeeze %dma_wait3A_1316 : memref<1x32x128xf32, #tpu.memory_space<hbm>> -> memref<32x128xf32, #tpu.memory_space<hbm>>
    %dma_wait3A_1318 = arith.constant 0 : i32
    %dma_wait3A_1319 = arith.constant 0 : i32
    %dma_wait3A_1320 = tpu.memref_slice %arg5[%dma_wait3A_1303, %dma_wait3A_1318, %dma_wait3A_1319] : memref<2x32x1024xf32, #tpu.memory_space<vmem>> -> memref<1x32x128xf32, #tpu.memory_space<vmem>>
    %dma_wait3A_1321 = tpu.memref_squeeze %dma_wait3A_1320 : memref<1x32x128xf32, #tpu.memory_space<vmem>> -> memref<32x128xf32, #tpu.memory_space<vmem>>
    tpu.wait_dma2 semaphore(%dma_wait3A_1314 : memref<!tpu.dma_semaphore, #tpu.memory_space<semaphore_mem>>) src(%dma_wait3A_1321 : memref<32x128xf32, #tpu.memory_space<vmem>>) dst(%dma_wait3A_1317 : memref<32x128xf32, #tpu.memory_space<hbm>>)
    %dma_wait3A_1322 = arith.constant 1 : i32
    %dma_wait3A_1323 = arith.constant 1 : i32
    %dma_wait3A_1324 = arith.constant 1 : i32
    %dma_wait3A_1325 = arith.constant 0 : i32
    %dma_wait3A_1326 = arith.constant 128 : i32
    %dma_wait3A_1327 = tpu.memref_slice %arg5[%dma_wait3A_1322, %dma_wait3A_1325, %dma_wait3A_1326] : memref<2x32x1024xf32, #tpu.memory_space<vmem>> -> memref<1x32x128xf32, #tpu.memory_space<vmem>>
    %dma_wait3A_1328 = tpu.memref_squeeze %dma_wait3A_1327 : memref<1x32x128xf32, #tpu.memory_space<vmem>> -> memref<32x128xf32, #tpu.memory_space<vmem>>
    %dma_wait3A_1329 = arith.constant 0 : i32
    %dma_wait3A_1330 = tpu.memref_slice %arg3[%dma_wait3A_1323, %mul3A_998, %dma_wait3A_1329] : memref<8x4096x128xf32, #tpu.memory_space<hbm>> -> memref<1x32x128xf32, #tpu.memory_space<hbm>>
    %dma_wait3A_1331 = tpu.memref_squeeze %dma_wait3A_1330 : memref<1x32x128xf32, #tpu.memory_space<hbm>> -> memref<32x128xf32, #tpu.memory_space<hbm>>
    %dma_wait3A_1332 = tpu.memref_slice %arg7[%dma_wait3A_1324] : memref<2x!tpu.dma_semaphore, #tpu.memory_space<semaphore_mem>> -> memref<1x!tpu.dma_semaphore, #tpu.memory_space<semaphore_mem>>
    %dma_wait3A_1333 = tpu.memref_squeeze %dma_wait3A_1332 : memref<1x!tpu.dma_semaphore, #tpu.memory_space<semaphore_mem>> -> memref<!tpu.dma_semaphore, #tpu.memory_space<semaphore_mem>>
    %dma_wait3A_1334 = arith.constant 0 : i32
    %dma_wait3A_1335 = tpu.memref_slice %arg3[%dma_wait3A_1323, %mul3A_998, %dma_wait3A_1334] : memref<8x4096x128xf32, #tpu.memory_space<hbm>> -> memref<1x32x128xf32, #tpu.memory_space<hbm>>
    %dma_wait3A_1336 = tpu.memref_squeeze %dma_wait3A_1335 : memref<1x32x128xf32, #tpu.memory_space<hbm>> -> memref<32x128xf32, #tpu.memory_space<hbm>>
    %dma_wait3A_1337 = arith.constant 0 : i32
    %dma_wait3A_1338 = arith.constant 128 : i32
    %dma_wait3A_1339 = tpu.memref_slice %arg5[%dma_wait3A_1322, %dma_wait3A_1337, %dma_wait3A_1338] : memref<2x32x1024xf32, #tpu.memory_space<vmem>> -> memref<1x32x128xf32, #tpu.memory_space<vmem>>
    %dma_wait3A_1340 = tpu.memref_squeeze %dma_wait3A_1339 : memref<1x32x128xf32, #tpu.memory_space<vmem>> -> memref<32x128xf32, #tpu.memory_space<vmem>>
    tpu.wait_dma2 semaphore(%dma_wait3A_1333 : memref<!tpu.dma_semaphore, #tpu.memory_space<semaphore_mem>>) src(%dma_wait3A_1340 : memref<32x128xf32, #tpu.memory_space<vmem>>) dst(%dma_wait3A_1336 : memref<32x128xf32, #tpu.memory_space<hbm>>)
    %dma_wait3A_1341 = arith.constant 1 : i32
    %dma_wait3A_1342 = arith.constant 2 : i32
    %dma_wait3A_1343 = arith.constant 1 : i32
    %dma_wait3A_1344 = arith.constant 0 : i32
    %dma_wait3A_1345 = arith.constant 256 : i32
    %dma_wait3A_1346 = tpu.memref_slice %arg5[%dma_wait3A_1341, %dma_wait3A_1344, %dma_wait3A_1345] : memref<2x32x1024xf32, #tpu.memory_space<vmem>> -> memref<1x32x128xf32, #tpu.memory_space<vmem>>
    %dma_wait3A_1347 = tpu.memref_squeeze %dma_wait3A_1346 : memref<1x32x128xf32, #tpu.memory_space<vmem>> -> memref<32x128xf32, #tpu.memory_space<vmem>>
    %dma_wait3A_1348 = arith.constant 0 : i32
    %dma_wait3A_1349 = tpu.memref_slice %arg3[%dma_wait3A_1342, %mul3A_998, %dma_wait3A_1348] : memref<8x4096x128xf32, #tpu.memory_space<hbm>> -> memref<1x32x128xf32, #tpu.memory_space<hbm>>
    %dma_wait3A_1350 = tpu.memref_squeeze %dma_wait3A_1349 : memref<1x32x128xf32, #tpu.memory_space<hbm>> -> memref<32x128xf32, #tpu.memory_space<hbm>>
    %dma_wait3A_1351 = tpu.memref_slice %arg7[%dma_wait3A_1343] : memref<2x!tpu.dma_semaphore, #tpu.memory_space<semaphore_mem>> -> memref<1x!tpu.dma_semaphore, #tpu.memory_space<semaphore_mem>>
    %dma_wait3A_1352 = tpu.memref_squeeze %dma_wait3A_1351 : memref<1x!tpu.dma_semaphore, #tpu.memory_space<semaphore_mem>> -> memref<!tpu.dma_semaphore, #tpu.memory_space<semaphore_mem>>
    %dma_wait3A_1353 = arith.constant 0 : i32
    %dma_wait3A_1354 = tpu.memref_slice %arg3[%dma_wait3A_1342, %mul3A_998, %dma_wait3A_1353] : memref<8x4096x128xf32, #tpu.memory_space<hbm>> -> memref<1x32x128xf32, #tpu.memory_space<hbm>>
    %dma_wait3A_1355 = tpu.memref_squeeze %dma_wait3A_1354 : memref<1x32x128xf32, #tpu.memory_space<hbm>> -> memref<32x128xf32, #tpu.memory_space<hbm>>
    %dma_wait3A_1356 = arith.constant 0 : i32
    %dma_wait3A_1357 = arith.constant 256 : i32
    %dma_wait3A_1358 = tpu.memref_slice %arg5[%dma_wait3A_1341, %dma_wait3A_1356, %dma_wait3A_1357] : memref<2x32x1024xf32, #tpu.memory_space<vmem>> -> memref<1x32x128xf32, #tpu.memory_space<vmem>>
    %dma_wait3A_1359 = tpu.memref_squeeze %dma_wait3A_1358 : memref<1x32x128xf32, #tpu.memory_space<vmem>> -> memref<32x128xf32, #tpu.memory_space<vmem>>
    tpu.wait_dma2 semaphore(%dma_wait3A_1352 : memref<!tpu.dma_semaphore, #tpu.memory_space<semaphore_mem>>) src(%dma_wait3A_1359 : memref<32x128xf32, #tpu.memory_space<vmem>>) dst(%dma_wait3A_1355 : memref<32x128xf32, #tpu.memory_space<hbm>>)
    %dma_wait3A_1360 = arith.constant 1 : i32
    %dma_wait3A_1361 = arith.constant 3 : i32
    %dma_wait3A_1362 = arith.constant 1 : i32
    %dma_wait3A_1363 = arith.constant 0 : i32
    %dma_wait3A_1364 = arith.constant 384 : i32
    %dma_wait3A_1365 = tpu.memref_slice %arg5[%dma_wait3A_1360, %dma_wait3A_1363, %dma_wait3A_1364] : memref<2x32x1024xf32, #tpu.memory_space<vmem>> -> memref<1x32x128xf32, #tpu.memory_space<vmem>>
    %dma_wait3A_1366 = tpu.memref_squeeze %dma_wait3A_1365 : memref<1x32x128xf32, #tpu.memory_space<vmem>> -> memref<32x128xf32, #tpu.memory_space<vmem>>
    %dma_wait3A_1367 = arith.constant 0 : i32
    %dma_wait3A_1368 = tpu.memref_slice %arg3[%dma_wait3A_1361, %mul3A_998, %dma_wait3A_1367] : memref<8x4096x128xf32, #tpu.memory_space<hbm>> -> memref<1x32x128xf32, #tpu.memory_space<hbm>>
    %dma_wait3A_1369 = tpu.memref_squeeze %dma_wait3A_1368 : memref<1x32x128xf32, #tpu.memory_space<hbm>> -> memref<32x128xf32, #tpu.memory_space<hbm>>
    %dma_wait3A_1370 = tpu.memref_slice %arg7[%dma_wait3A_1362] : memref<2x!tpu.dma_semaphore, #tpu.memory_space<semaphore_mem>> -> memref<1x!tpu.dma_semaphore, #tpu.memory_space<semaphore_mem>>
    %dma_wait3A_1371 = tpu.memref_squeeze %dma_wait3A_1370 : memref<1x!tpu.dma_semaphore, #tpu.memory_space<semaphore_mem>> -> memref<!tpu.dma_semaphore, #tpu.memory_space<semaphore_mem>>
    %dma_wait3A_1372 = arith.constant 0 : i32
    %dma_wait3A_1373 = tpu.memref_slice %arg3[%dma_wait3A_1361, %mul3A_998, %dma_wait3A_1372] : memref<8x4096x128xf32, #tpu.memory_space<hbm>> -> memref<1x32x128xf32, #tpu.memory_space<hbm>>
    %dma_wait3A_1374 = tpu.memref_squeeze %dma_wait3A_1373 : memref<1x32x128xf32, #tpu.memory_space<hbm>> -> memref<32x128xf32, #tpu.memory_space<hbm>>
    %dma_wait3A_1375 = arith.constant 0 : i32
    %dma_wait3A_1376 = arith.constant 384 : i32
    %dma_wait3A_1377 = tpu.memref_slice %arg5[%dma_wait3A_1360, %dma_wait3A_1375, %dma_wait3A_1376] : memref<2x32x1024xf32, #tpu.memory_space<vmem>> -> memref<1x32x128xf32, #tpu.memory_space<vmem>>
    %dma_wait3A_1378 = tpu.memref_squeeze %dma_wait3A_1377 : memref<1x32x128xf32, #tpu.memory_space<vmem>> -> memref<32x128xf32, #tpu.memory_space<vmem>>
    tpu.wait_dma2 semaphore(%dma_wait3A_1371 : memref<!tpu.dma_semaphore, #tpu.memory_space<semaphore_mem>>) src(%dma_wait3A_1378 : memref<32x128xf32, #tpu.memory_space<vmem>>) dst(%dma_wait3A_1374 : memref<32x128xf32, #tpu.memory_space<hbm>>)
    %dma_wait3A_1379 = arith.constant 1 : i32
    %dma_wait3A_1380 = arith.constant 4 : i32
    %dma_wait3A_1381 = arith.constant 1 : i32
    %dma_wait3A_1382 = arith.constant 0 : i32
    %dma_wait3A_1383 = arith.constant 512 : i32
    %dma_wait3A_1384 = tpu.memref_slice %arg5[%dma_wait3A_1379, %dma_wait3A_1382, %dma_wait3A_1383] : memref<2x32x1024xf32, #tpu.memory_space<vmem>> -> memref<1x32x128xf32, #tpu.memory_space<vmem>>
    %dma_wait3A_1385 = tpu.memref_squeeze %dma_wait3A_1384 : memref<1x32x128xf32, #tpu.memory_space<vmem>> -> memref<32x128xf32, #tpu.memory_space<vmem>>
    %dma_wait3A_1386 = arith.constant 0 : i32
    %dma_wait3A_1387 = tpu.memref_slice %arg3[%dma_wait3A_1380, %mul3A_998, %dma_wait3A_1386] : memref<8x4096x128xf32, #tpu.memory_space<hbm>> -> memref<1x32x128xf32, #tpu.memory_space<hbm>>
    %dma_wait3A_1388 = tpu.memref_squeeze %dma_wait3A_1387 : memref<1x32x128xf32, #tpu.memory_space<hbm>> -> memref<32x128xf32, #tpu.memory_space<hbm>>
    %dma_wait3A_1389 = tpu.memref_slice %arg7[%dma_wait3A_1381] : memref<2x!tpu.dma_semaphore, #tpu.memory_space<semaphore_mem>> -> memref<1x!tpu.dma_semaphore, #tpu.memory_space<semaphore_mem>>
    %dma_wait3A_1390 = tpu.memref_squeeze %dma_wait3A_1389 : memref<1x!tpu.dma_semaphore, #tpu.memory_space<semaphore_mem>> -> memref<!tpu.dma_semaphore, #tpu.memory_space<semaphore_mem>>
    %dma_wait3A_1391 = arith.constant 0 : i32
    %dma_wait3A_1392 = tpu.memref_slice %arg3[%dma_wait3A_1380, %mul3A_998, %dma_wait3A_1391] : memref<8x4096x128xf32, #tpu.memory_space<hbm>> -> memref<1x32x128xf32, #tpu.memory_space<hbm>>
    %dma_wait3A_1393 = tpu.memref_squeeze %dma_wait3A_1392 : memref<1x32x128xf32, #tpu.memory_space<hbm>> -> memref<32x128xf32, #tpu.memory_space<hbm>>
    %dma_wait3A_1394 = arith.constant 0 : i32
    %dma_wait3A_1395 = arith.constant 512 : i32
    %dma_wait3A_1396 = tpu.memref_slice %arg5[%dma_wait3A_1379, %dma_wait3A_1394, %dma_wait3A_1395] : memref<2x32x1024xf32, #tpu.memory_space<vmem>> -> memref<1x32x128xf32, #tpu.memory_space<vmem>>
    %dma_wait3A_1397 = tpu.memref_squeeze %dma_wait3A_1396 : memref<1x32x128xf32, #tpu.memory_space<vmem>> -> memref<32x128xf32, #tpu.memory_space<vmem>>
    tpu.wait_dma2 semaphore(%dma_wait3A_1390 : memref<!tpu.dma_semaphore, #tpu.memory_space<semaphore_mem>>) src(%dma_wait3A_1397 : memref<32x128xf32, #tpu.memory_space<vmem>>) dst(%dma_wait3A_1393 : memref<32x128xf32, #tpu.memory_space<hbm>>)
    %dma_wait3A_1398 = arith.constant 1 : i32
    %dma_wait3A_1399 = arith.constant 5 : i32
    %dma_wait3A_1400 = arith.constant 1 : i32
    %dma_wait3A_1401 = arith.constant 0 : i32
    %dma_wait3A_1402 = arith.constant 640 : i32
    %dma_wait3A_1403 = tpu.memref_slice %arg5[%dma_wait3A_1398, %dma_wait3A_1401, %dma_wait3A_1402] : memref<2x32x1024xf32, #tpu.memory_space<vmem>> -> memref<1x32x128xf32, #tpu.memory_space<vmem>>
    %dma_wait3A_1404 = tpu.memref_squeeze %dma_wait3A_1403 : memref<1x32x128xf32, #tpu.memory_space<vmem>> -> memref<32x128xf32, #tpu.memory_space<vmem>>
    %dma_wait3A_1405 = arith.constant 0 : i32
    %dma_wait3A_1406 = tpu.memref_slice %arg3[%dma_wait3A_1399, %mul3A_998, %dma_wait3A_1405] : memref<8x4096x128xf32, #tpu.memory_space<hbm>> -> memref<1x32x128xf32, #tpu.memory_space<hbm>>
    %dma_wait3A_1407 = tpu.memref_squeeze %dma_wait3A_1406 : memref<1x32x128xf32, #tpu.memory_space<hbm>> -> memref<32x128xf32, #tpu.memory_space<hbm>>
    %dma_wait3A_1408 = tpu.memref_slice %arg7[%dma_wait3A_1400] : memref<2x!tpu.dma_semaphore, #tpu.memory_space<semaphore_mem>> -> memref<1x!tpu.dma_semaphore, #tpu.memory_space<semaphore_mem>>
    %dma_wait3A_1409 = tpu.memref_squeeze %dma_wait3A_1408 : memref<1x!tpu.dma_semaphore, #tpu.memory_space<semaphore_mem>> -> memref<!tpu.dma_semaphore, #tpu.memory_space<semaphore_mem>>
    %dma_wait3A_1410 = arith.constant 0 : i32
    %dma_wait3A_1411 = tpu.memref_slice %arg3[%dma_wait3A_1399, %mul3A_998, %dma_wait3A_1410] : memref<8x4096x128xf32, #tpu.memory_space<hbm>> -> memref<1x32x128xf32, #tpu.memory_space<hbm>>
    %dma_wait3A_1412 = tpu.memref_squeeze %dma_wait3A_1411 : memref<1x32x128xf32, #tpu.memory_space<hbm>> -> memref<32x128xf32, #tpu.memory_space<hbm>>
    %dma_wait3A_1413 = arith.constant 0 : i32
    %dma_wait3A_1414 = arith.constant 640 : i32
    %dma_wait3A_1415 = tpu.memref_slice %arg5[%dma_wait3A_1398, %dma_wait3A_1413, %dma_wait3A_1414] : memref<2x32x1024xf32, #tpu.memory_space<vmem>> -> memref<1x32x128xf32, #tpu.memory_space<vmem>>
    %dma_wait3A_1416 = tpu.memref_squeeze %dma_wait3A_1415 : memref<1x32x128xf32, #tpu.memory_space<vmem>> -> memref<32x128xf32, #tpu.memory_space<vmem>>
    tpu.wait_dma2 semaphore(%dma_wait3A_1409 : memref<!tpu.dma_semaphore, #tpu.memory_space<semaphore_mem>>) src(%dma_wait3A_1416 : memref<32x128xf32, #tpu.memory_space<vmem>>) dst(%dma_wait3A_1412 : memref<32x128xf32, #tpu.memory_space<hbm>>)
    %dma_wait3A_1417 = arith.constant 1 : i32
    %dma_wait3A_1418 = arith.constant 6 : i32
    %dma_wait3A_1419 = arith.constant 1 : i32
    %dma_wait3A_1420 = arith.constant 0 : i32
    %dma_wait3A_1421 = arith.constant 768 : i32
    %dma_wait3A_1422 = tpu.memref_slice %arg5[%dma_wait3A_1417, %dma_wait3A_1420, %dma_wait3A_1421] : memref<2x32x1024xf32, #tpu.memory_space<vmem>> -> memref<1x32x128xf32, #tpu.memory_space<vmem>>
    %dma_wait3A_1423 = tpu.memref_squeeze %dma_wait3A_1422 : memref<1x32x128xf32, #tpu.memory_space<vmem>> -> memref<32x128xf32, #tpu.memory_space<vmem>>
    %dma_wait3A_1424 = arith.constant 0 : i32
    %dma_wait3A_1425 = tpu.memref_slice %arg3[%dma_wait3A_1418, %mul3A_998, %dma_wait3A_1424] : memref<8x4096x128xf32, #tpu.memory_space<hbm>> -> memref<1x32x128xf32, #tpu.memory_space<hbm>>
    %dma_wait3A_1426 = tpu.memref_squeeze %dma_wait3A_1425 : memref<1x32x128xf32, #tpu.memory_space<hbm>> -> memref<32x128xf32, #tpu.memory_space<hbm>>
    %dma_wait3A_1427 = tpu.memref_slice %arg7[%dma_wait3A_1419] : memref<2x!tpu.dma_semaphore, #tpu.memory_space<semaphore_mem>> -> memref<1x!tpu.dma_semaphore, #tpu.memory_space<semaphore_mem>>
    %dma_wait3A_1428 = tpu.memref_squeeze %dma_wait3A_1427 : memref<1x!tpu.dma_semaphore, #tpu.memory_space<semaphore_mem>> -> memref<!tpu.dma_semaphore, #tpu.memory_space<semaphore_mem>>
    %dma_wait3A_1429 = arith.constant 0 : i32
    %dma_wait3A_1430 = tpu.memref_slice %arg3[%dma_wait3A_1418, %mul3A_998, %dma_wait3A_1429] : memref<8x4096x128xf32, #tpu.memory_space<hbm>> -> memref<1x32x128xf32, #tpu.memory_space<hbm>>
    %dma_wait3A_1431 = tpu.memref_squeeze %dma_wait3A_1430 : memref<1x32x128xf32, #tpu.memory_space<hbm>> -> memref<32x128xf32, #tpu.memory_space<hbm>>
    %dma_wait3A_1432 = arith.constant 0 : i32
    %dma_wait3A_1433 = arith.constant 768 : i32
    %dma_wait3A_1434 = tpu.memref_slice %arg5[%dma_wait3A_1417, %dma_wait3A_1432, %dma_wait3A_1433] : memref<2x32x1024xf32, #tpu.memory_space<vmem>> -> memref<1x32x128xf32, #tpu.memory_space<vmem>>
    %dma_wait3A_1435 = tpu.memref_squeeze %dma_wait3A_1434 : memref<1x32x128xf32, #tpu.memory_space<vmem>> -> memref<32x128xf32, #tpu.memory_space<vmem>>
    tpu.wait_dma2 semaphore(%dma_wait3A_1428 : memref<!tpu.dma_semaphore, #tpu.memory_space<semaphore_mem>>) src(%dma_wait3A_1435 : memref<32x128xf32, #tpu.memory_space<vmem>>) dst(%dma_wait3A_1431 : memref<32x128xf32, #tpu.memory_space<hbm>>)
    %dma_wait3A_1436 = arith.constant 1 : i32
    %dma_wait3A_1437 = arith.constant 7 : i32
    %dma_wait3A_1438 = arith.constant 1 : i32
    %dma_wait3A_1439 = arith.constant 0 : i32
    %dma_wait3A_1440 = arith.constant 896 : i32
    %dma_wait3A_1441 = tpu.memref_slice %arg5[%dma_wait3A_1436, %dma_wait3A_1439, %dma_wait3A_1440] : memref<2x32x1024xf32, #tpu.memory_space<vmem>> -> memref<1x32x128xf32, #tpu.memory_space<vmem>>
    %dma_wait3A_1442 = tpu.memref_squeeze %dma_wait3A_1441 : memref<1x32x128xf32, #tpu.memory_space<vmem>> -> memref<32x128xf32, #tpu.memory_space<vmem>>
    %dma_wait3A_1443 = arith.constant 0 : i32
    %dma_wait3A_1444 = tpu.memref_slice %arg3[%dma_wait3A_1437, %mul3A_998, %dma_wait3A_1443] : memref<8x4096x128xf32, #tpu.memory_space<hbm>> -> memref<1x32x128xf32, #tpu.memory_space<hbm>>
    %dma_wait3A_1445 = tpu.memref_squeeze %dma_wait3A_1444 : memref<1x32x128xf32, #tpu.memory_space<hbm>> -> memref<32x128xf32, #tpu.memory_space<hbm>>
    %dma_wait3A_1446 = tpu.memref_slice %arg7[%dma_wait3A_1438] : memref<2x!tpu.dma_semaphore, #tpu.memory_space<semaphore_mem>> -> memref<1x!tpu.dma_semaphore, #tpu.memory_space<semaphore_mem>>
    %dma_wait3A_1447 = tpu.memref_squeeze %dma_wait3A_1446 : memref<1x!tpu.dma_semaphore, #tpu.memory_space<semaphore_mem>> -> memref<!tpu.dma_semaphore, #tpu.memory_space<semaphore_mem>>
    %dma_wait3A_1448 = arith.constant 0 : i32
    %dma_wait3A_1449 = tpu.memref_slice %arg3[%dma_wait3A_1437, %mul3A_998, %dma_wait3A_1448] : memref<8x4096x128xf32, #tpu.memory_space<hbm>> -> memref<1x32x128xf32, #tpu.memory_space<hbm>>
    %dma_wait3A_1450 = tpu.memref_squeeze %dma_wait3A_1449 : memref<1x32x128xf32, #tpu.memory_space<hbm>> -> memref<32x128xf32, #tpu.memory_space<hbm>>
    %dma_wait3A_1451 = arith.constant 0 : i32
    %dma_wait3A_1452 = arith.constant 896 : i32
    %dma_wait3A_1453 = tpu.memref_slice %arg5[%dma_wait3A_1436, %dma_wait3A_1451, %dma_wait3A_1452] : memref<2x32x1024xf32, #tpu.memory_space<vmem>> -> memref<1x32x128xf32, #tpu.memory_space<vmem>>
    %dma_wait3A_1454 = tpu.memref_squeeze %dma_wait3A_1453 : memref<1x32x128xf32, #tpu.memory_space<vmem>> -> memref<32x128xf32, #tpu.memory_space<vmem>>
    tpu.wait_dma2 semaphore(%dma_wait3A_1447 : memref<!tpu.dma_semaphore, #tpu.memory_space<semaphore_mem>>) src(%dma_wait3A_1454 : memref<32x128xf32, #tpu.memory_space<vmem>>) dst(%dma_wait3A_1450 : memref<32x128xf32, #tpu.memory_space<hbm>>)
    return
  }
}

module attributes {stable_mosaic.version = 14 : i64} {
  func.func @_dense_body(%arg0: i32, %arg1: memref<8x512x128xf32, #tpu.memory_space<vmem>>, %arg2: memref<8x128x64xf32, #tpu.memory_space<vmem>>, %arg3: memref<64x64xf32, #tpu.memory_space<vmem>>, %arg4: memref<1x64xf32, #tpu.memory_space<vmem>>, %arg5: memref<64x20xf32, #tpu.memory_space<vmem>>, %arg6: memref<1x20xf32, #tpu.memory_space<vmem>>, %arg7: memref<64x1xf32, #tpu.memory_space<vmem>>, %arg8: memref<1x1xf32, #tpu.memory_space<vmem>>, %arg9: memref<512x64xf32, #tpu.memory_space<vmem>>, %arg10: memref<512x20xf32, #tpu.memory_space<vmem>>, %arg11: memref<512x1xf32, #tpu.memory_space<vmem>>) attributes {dimension_semantics = [#tpu.dimension_semantics<arbitrary>], iteration_bounds = array<i64: 8>, scalar_prefetch = 0 : i64, scratch_operands = 0 : i64, tpu.core_type = #tpu.core_type<tc>, window_params = [{transform_indices = @transform_0, window_bounds = array<i64: 8, 512, 128>}, {pipeline_mode = #tpu.pipeline_mode<synchronous>, transform_indices = @transform_1, window_bounds = array<i64: 8, 128, 64>}, {pipeline_mode = #tpu.pipeline_mode<synchronous>, transform_indices = @transform_2, window_bounds = array<i64: 64, 64>}, {pipeline_mode = #tpu.pipeline_mode<synchronous>, transform_indices = @transform_3, window_bounds = array<i64: 1, 64>}, {pipeline_mode = #tpu.pipeline_mode<synchronous>, transform_indices = @transform_4, window_bounds = array<i64: 64, 20>}, {pipeline_mode = #tpu.pipeline_mode<synchronous>, transform_indices = @transform_5, window_bounds = array<i64: 1, 20>}, {pipeline_mode = #tpu.pipeline_mode<synchronous>, transform_indices = @transform_6, window_bounds = array<i64: 64, 1>}, {pipeline_mode = #tpu.pipeline_mode<synchronous>, transform_indices = @transform_7, window_bounds = array<i64: 1, 1>}, {transform_indices = @transform_8, window_bounds = array<i64: 512, 64>}, {transform_indices = @transform_9, window_bounds = array<i64: 512, 20>}, {transform_indices = @transform_10, window_bounds = array<i64: 512, 1>}]} {
    %get3A = arith.constant 0 : index
    %get3A_0 = arith.constant 0 : index
    %get3A_1 = arith.constant 0 : index
    %get3A_2 = vector.load %arg1[%get3A, %get3A_0, %get3A_1] : memref<8x512x128xf32, #tpu.memory_space<vmem>>, vector<1x512x128xf32>
    %get3A_3 = vector.shape_cast %get3A_2 : vector<1x512x128xf32> to vector<512x128xf32>
    %get3A_4 = arith.constant 0 : index
    %get3A_5 = arith.constant 0 : index
    %get3A_6 = arith.constant 0 : index
    %get3A_7 = vector.load %arg2[%get3A_4, %get3A_5, %get3A_6] : memref<8x128x64xf32, #tpu.memory_space<vmem>>, vector<1x128x64xf32>
    %get3A_8 = vector.shape_cast %get3A_7 : vector<1x128x64xf32> to vector<128x64xf32>
    %dot_general3A = arith.constant dense<0.000000e+00> : vector<512x64xf32>
    %dot_general3A_9 = tpu.matmul %get3A_3, %get3A_8, %dot_general3A {dimension_numbers = #tpu.dot_dimension_numbers<[1], [0], [0], [1], [0, 0, 1, 1], [], []>, transpose_lhs_hint = false} : vector<512x128xf32>, vector<128x64xf32>, vector<512x64xf32> -> vector<512x64xf32>
    %get3A_10 = arith.constant 1 : index
    %get3A_11 = arith.constant 0 : index
    %get3A_12 = arith.constant 0 : index
    %get3A_13 = vector.load %arg1[%get3A_10, %get3A_11, %get3A_12] : memref<8x512x128xf32, #tpu.memory_space<vmem>>, vector<1x512x128xf32>
    %get3A_14 = vector.shape_cast %get3A_13 : vector<1x512x128xf32> to vector<512x128xf32>
    %get3A_15 = arith.constant 1 : index
    %get3A_16 = arith.constant 0 : index
    %get3A_17 = arith.constant 0 : index
    %get3A_18 = vector.load %arg2[%get3A_15, %get3A_16, %get3A_17] : memref<8x128x64xf32, #tpu.memory_space<vmem>>, vector<1x128x64xf32>
    %get3A_19 = vector.shape_cast %get3A_18 : vector<1x128x64xf32> to vector<128x64xf32>
    %dot_general3A_20 = arith.constant dense<0.000000e+00> : vector<512x64xf32>
    %dot_general3A_21 = tpu.matmul %get3A_14, %get3A_19, %dot_general3A_20 {dimension_numbers = #tpu.dot_dimension_numbers<[1], [0], [0], [1], [0, 0, 1, 1], [], []>, transpose_lhs_hint = false} : vector<512x128xf32>, vector<128x64xf32>, vector<512x64xf32> -> vector<512x64xf32>
    %add3A = arith.addf %dot_general3A_9, %dot_general3A_21 : vector<512x64xf32>
    %get3A_22 = arith.constant 2 : index
    %get3A_23 = arith.constant 0 : index
    %get3A_24 = arith.constant 0 : index
    %get3A_25 = vector.load %arg1[%get3A_22, %get3A_23, %get3A_24] : memref<8x512x128xf32, #tpu.memory_space<vmem>>, vector<1x512x128xf32>
    %get3A_26 = vector.shape_cast %get3A_25 : vector<1x512x128xf32> to vector<512x128xf32>
    %get3A_27 = arith.constant 2 : index
    %get3A_28 = arith.constant 0 : index
    %get3A_29 = arith.constant 0 : index
    %get3A_30 = vector.load %arg2[%get3A_27, %get3A_28, %get3A_29] : memref<8x128x64xf32, #tpu.memory_space<vmem>>, vector<1x128x64xf32>
    %get3A_31 = vector.shape_cast %get3A_30 : vector<1x128x64xf32> to vector<128x64xf32>
    %dot_general3A_32 = arith.constant dense<0.000000e+00> : vector<512x64xf32>
    %dot_general3A_33 = tpu.matmul %get3A_26, %get3A_31, %dot_general3A_32 {dimension_numbers = #tpu.dot_dimension_numbers<[1], [0], [0], [1], [0, 0, 1, 1], [], []>, transpose_lhs_hint = false} : vector<512x128xf32>, vector<128x64xf32>, vector<512x64xf32> -> vector<512x64xf32>
    %add3A_34 = arith.addf %add3A, %dot_general3A_33 : vector<512x64xf32>
    %get3A_35 = arith.constant 3 : index
    %get3A_36 = arith.constant 0 : index
    %get3A_37 = arith.constant 0 : index
    %get3A_38 = vector.load %arg1[%get3A_35, %get3A_36, %get3A_37] : memref<8x512x128xf32, #tpu.memory_space<vmem>>, vector<1x512x128xf32>
    %get3A_39 = vector.shape_cast %get3A_38 : vector<1x512x128xf32> to vector<512x128xf32>
    %get3A_40 = arith.constant 3 : index
    %get3A_41 = arith.constant 0 : index
    %get3A_42 = arith.constant 0 : index
    %get3A_43 = vector.load %arg2[%get3A_40, %get3A_41, %get3A_42] : memref<8x128x64xf32, #tpu.memory_space<vmem>>, vector<1x128x64xf32>
    %get3A_44 = vector.shape_cast %get3A_43 : vector<1x128x64xf32> to vector<128x64xf32>
    %dot_general3A_45 = arith.constant dense<0.000000e+00> : vector<512x64xf32>
    %dot_general3A_46 = tpu.matmul %get3A_39, %get3A_44, %dot_general3A_45 {dimension_numbers = #tpu.dot_dimension_numbers<[1], [0], [0], [1], [0, 0, 1, 1], [], []>, transpose_lhs_hint = false} : vector<512x128xf32>, vector<128x64xf32>, vector<512x64xf32> -> vector<512x64xf32>
    %add3A_47 = arith.addf %add3A_34, %dot_general3A_46 : vector<512x64xf32>
    %get3A_48 = arith.constant 4 : index
    %get3A_49 = arith.constant 0 : index
    %get3A_50 = arith.constant 0 : index
    %get3A_51 = vector.load %arg1[%get3A_48, %get3A_49, %get3A_50] : memref<8x512x128xf32, #tpu.memory_space<vmem>>, vector<1x512x128xf32>
    %get3A_52 = vector.shape_cast %get3A_51 : vector<1x512x128xf32> to vector<512x128xf32>
    %get3A_53 = arith.constant 4 : index
    %get3A_54 = arith.constant 0 : index
    %get3A_55 = arith.constant 0 : index
    %get3A_56 = vector.load %arg2[%get3A_53, %get3A_54, %get3A_55] : memref<8x128x64xf32, #tpu.memory_space<vmem>>, vector<1x128x64xf32>
    %get3A_57 = vector.shape_cast %get3A_56 : vector<1x128x64xf32> to vector<128x64xf32>
    %dot_general3A_58 = arith.constant dense<0.000000e+00> : vector<512x64xf32>
    %dot_general3A_59 = tpu.matmul %get3A_52, %get3A_57, %dot_general3A_58 {dimension_numbers = #tpu.dot_dimension_numbers<[1], [0], [0], [1], [0, 0, 1, 1], [], []>, transpose_lhs_hint = false} : vector<512x128xf32>, vector<128x64xf32>, vector<512x64xf32> -> vector<512x64xf32>
    %add3A_60 = arith.addf %add3A_47, %dot_general3A_59 : vector<512x64xf32>
    %get3A_61 = arith.constant 5 : index
    %get3A_62 = arith.constant 0 : index
    %get3A_63 = arith.constant 0 : index
    %get3A_64 = vector.load %arg1[%get3A_61, %get3A_62, %get3A_63] : memref<8x512x128xf32, #tpu.memory_space<vmem>>, vector<1x512x128xf32>
    %get3A_65 = vector.shape_cast %get3A_64 : vector<1x512x128xf32> to vector<512x128xf32>
    %get3A_66 = arith.constant 5 : index
    %get3A_67 = arith.constant 0 : index
    %get3A_68 = arith.constant 0 : index
    %get3A_69 = vector.load %arg2[%get3A_66, %get3A_67, %get3A_68] : memref<8x128x64xf32, #tpu.memory_space<vmem>>, vector<1x128x64xf32>
    %get3A_70 = vector.shape_cast %get3A_69 : vector<1x128x64xf32> to vector<128x64xf32>
    %dot_general3A_71 = arith.constant dense<0.000000e+00> : vector<512x64xf32>
    %dot_general3A_72 = tpu.matmul %get3A_65, %get3A_70, %dot_general3A_71 {dimension_numbers = #tpu.dot_dimension_numbers<[1], [0], [0], [1], [0, 0, 1, 1], [], []>, transpose_lhs_hint = false} : vector<512x128xf32>, vector<128x64xf32>, vector<512x64xf32> -> vector<512x64xf32>
    %add3A_73 = arith.addf %add3A_60, %dot_general3A_72 : vector<512x64xf32>
    %get3A_74 = arith.constant 6 : index
    %get3A_75 = arith.constant 0 : index
    %get3A_76 = arith.constant 0 : index
    %get3A_77 = vector.load %arg1[%get3A_74, %get3A_75, %get3A_76] : memref<8x512x128xf32, #tpu.memory_space<vmem>>, vector<1x512x128xf32>
    %get3A_78 = vector.shape_cast %get3A_77 : vector<1x512x128xf32> to vector<512x128xf32>
    %get3A_79 = arith.constant 6 : index
    %get3A_80 = arith.constant 0 : index
    %get3A_81 = arith.constant 0 : index
    %get3A_82 = vector.load %arg2[%get3A_79, %get3A_80, %get3A_81] : memref<8x128x64xf32, #tpu.memory_space<vmem>>, vector<1x128x64xf32>
    %get3A_83 = vector.shape_cast %get3A_82 : vector<1x128x64xf32> to vector<128x64xf32>
    %dot_general3A_84 = arith.constant dense<0.000000e+00> : vector<512x64xf32>
    %dot_general3A_85 = tpu.matmul %get3A_78, %get3A_83, %dot_general3A_84 {dimension_numbers = #tpu.dot_dimension_numbers<[1], [0], [0], [1], [0, 0, 1, 1], [], []>, transpose_lhs_hint = false} : vector<512x128xf32>, vector<128x64xf32>, vector<512x64xf32> -> vector<512x64xf32>
    %add3A_86 = arith.addf %add3A_73, %dot_general3A_85 : vector<512x64xf32>
    %get3A_87 = arith.constant 7 : index
    %get3A_88 = arith.constant 0 : index
    %get3A_89 = arith.constant 0 : index
    %get3A_90 = vector.load %arg1[%get3A_87, %get3A_88, %get3A_89] : memref<8x512x128xf32, #tpu.memory_space<vmem>>, vector<1x512x128xf32>
    %get3A_91 = vector.shape_cast %get3A_90 : vector<1x512x128xf32> to vector<512x128xf32>
    %get3A_92 = arith.constant 7 : index
    %get3A_93 = arith.constant 0 : index
    %get3A_94 = arith.constant 0 : index
    %get3A_95 = vector.load %arg2[%get3A_92, %get3A_93, %get3A_94] : memref<8x128x64xf32, #tpu.memory_space<vmem>>, vector<1x128x64xf32>
    %get3A_96 = vector.shape_cast %get3A_95 : vector<1x128x64xf32> to vector<128x64xf32>
    %dot_general3A_97 = arith.constant dense<0.000000e+00> : vector<512x64xf32>
    %dot_general3A_98 = tpu.matmul %get3A_91, %get3A_96, %dot_general3A_97 {dimension_numbers = #tpu.dot_dimension_numbers<[1], [0], [0], [1], [0, 0, 1, 1], [], []>, transpose_lhs_hint = false} : vector<512x128xf32>, vector<128x64xf32>, vector<512x64xf32> -> vector<512x64xf32>
    %add3A_99 = arith.addf %add3A_86, %dot_general3A_98 : vector<512x64xf32>
    %mul3A = arith.constant 5.000000e-03 : f32
    %mul3A_100 = vector.broadcast %mul3A : f32 to vector<512x64xf32>
    %mul3A_101 = arith.mulf %add3A_99, %mul3A_100 : vector<512x64xf32>
    %get3A_102 = arith.constant 0 : index
    %get3A_103 = arith.constant 0 : index
    %get3A_104 = vector.load %arg3[%get3A_102, %get3A_103] : memref<64x64xf32, #tpu.memory_space<vmem>>, vector<64x64xf32>
    %dot_general3A_105 = arith.constant dense<0.000000e+00> : vector<512x64xf32>
    %dot_general3A_106 = tpu.matmul %mul3A_101, %get3A_104, %dot_general3A_105 {dimension_numbers = #tpu.dot_dimension_numbers<[1], [0], [0], [1], [0, 0, 1, 1], [], []>, transpose_lhs_hint = false} : vector<512x64xf32>, vector<64x64xf32>, vector<512x64xf32> -> vector<512x64xf32>
    %get3A_107 = arith.constant 0 : index
    %get3A_108 = arith.constant 0 : index
    %get3A_109 = vector.load %arg4[%get3A_107, %get3A_108] : memref<1x64xf32, #tpu.memory_space<vmem>>, vector<1x64xf32>
    %add3A_110 = vector.broadcast %get3A_109 : vector<1x64xf32> to vector<512x64xf32>
    %add3A_111 = arith.addf %dot_general3A_106, %add3A_110 : vector<512x64xf32>
    %swap3A = arith.constant 0 : index
    %swap3A_112 = arith.constant 0 : index
    %swap3A_113 = vector.load %arg9[%swap3A, %swap3A_112] : memref<512x64xf32, #tpu.memory_space<vmem>>, vector<512x64xf32>
    tpu.vector_store %arg9[%swap3A, %swap3A_112], %add3A_111 {strides = array<i32>} : memref<512x64xf32, #tpu.memory_space<vmem>>, vector<512x64xf32>,
    %get3A_114 = arith.constant 0 : index
    %get3A_115 = arith.constant 0 : index
    %get3A_116 = vector.load %arg5[%get3A_114, %get3A_115] : memref<64x20xf32, #tpu.memory_space<vmem>>, vector<64x20xf32>
    %dot_general3A_117 = arith.constant dense<0.000000e+00> : vector<512x20xf32>
    %dot_general3A_118 = tpu.matmul %add3A_111, %get3A_116, %dot_general3A_117 {dimension_numbers = #tpu.dot_dimension_numbers<[1], [0], [0], [1], [0, 0, 1, 1], [], []>, transpose_lhs_hint = false} : vector<512x64xf32>, vector<64x20xf32>, vector<512x20xf32> -> vector<512x20xf32>
    %get3A_119 = arith.constant 0 : index
    %get3A_120 = arith.constant 0 : index
    %get3A_121 = vector.load %arg6[%get3A_119, %get3A_120] : memref<1x20xf32, #tpu.memory_space<vmem>>, vector<1x20xf32>
    %add3A_122 = vector.broadcast %get3A_121 : vector<1x20xf32> to vector<512x20xf32>
    %add3A_123 = arith.addf %dot_general3A_118, %add3A_122 : vector<512x20xf32>
    %swap3A_124 = arith.constant 0 : index
    %swap3A_125 = arith.constant 0 : index
    %swap3A_126 = vector.load %arg10[%swap3A_124, %swap3A_125] : memref<512x20xf32, #tpu.memory_space<vmem>>, vector<512x20xf32>
    tpu.vector_store %arg10[%swap3A_124, %swap3A_125], %add3A_123 {strides = array<i32>} : memref<512x20xf32, #tpu.memory_space<vmem>>, vector<512x20xf32>,
    %get3A_127 = arith.constant 0 : index
    %get3A_128 = arith.constant 0 : index
    %get3A_129 = vector.load %arg7[%get3A_127, %get3A_128] : memref<64x1xf32, #tpu.memory_space<vmem>>, vector<64x1xf32>
    %dot_general3A_130 = arith.constant dense<0.000000e+00> : vector<512x1xf32>
    %dot_general3A_131 = tpu.matmul %add3A_111, %get3A_129, %dot_general3A_130 {dimension_numbers = #tpu.dot_dimension_numbers<[1], [0], [0], [1], [0, 0, 1, 1], [], []>, transpose_lhs_hint = false} : vector<512x64xf32>, vector<64x1xf32>, vector<512x1xf32> -> vector<512x1xf32>
    %get3A_132 = arith.constant 0 : index
    %get3A_133 = arith.constant 0 : index
    %get3A_134 = vector.load %arg8[%get3A_132, %get3A_133] : memref<1x1xf32, #tpu.memory_space<vmem>>, vector<1x1xf32>
    %add3A_135 = vector.broadcast %get3A_134 : vector<1x1xf32> to vector<512x1xf32>
    %add3A_136 = arith.addf %dot_general3A_131, %add3A_135 : vector<512x1xf32>
    %swap3A_137 = arith.constant 0 : index
    %swap3A_138 = arith.constant 0 : index
    %swap3A_139 = vector.load %arg11[%swap3A_137, %swap3A_138] : memref<512x1xf32, #tpu.memory_space<vmem>>, vector<512x1xf32>
    tpu.vector_store %arg11[%swap3A_137, %swap3A_138], %add3A_136 {strides = array<i32>} : memref<512x1xf32, #tpu.memory_space<vmem>>, vector<512x1xf32>,
    return
  }
  func.func @transform_0(%arg0: i32) -> (i32, i32, i32) {
    %c0_i32 = arith.constant 0 : i32
    %c0_i32_0 = arith.constant 0 : i32
    %c0_i32_1 = arith.constant 0 : i32
    return %c0_i32, %arg0, %c0_i32_0 : i32, i32, i32
  }
  func.func @transform_1(%arg0: i32) -> (i32, i32, i32) {
    %c0_i32 = arith.constant 0 : i32
    %c0_i32_0 = arith.constant 0 : i32
    %c0_i32_1 = arith.constant 0 : i32
    %c0_i32_2 = arith.constant 0 : i32
    return %c0_i32, %c0_i32_0, %c0_i32_1 : i32, i32, i32
  }
  func.func @transform_2(%arg0: i32) -> (i32, i32) {
    %c0_i32 = arith.constant 0 : i32
    %c0_i32_0 = arith.constant 0 : i32
    %c0_i32_1 = arith.constant 0 : i32
    return %c0_i32, %c0_i32_0 : i32, i32
  }
  func.func @transform_3(%arg0: i32) -> (i32, i32) {
    %c0_i32 = arith.constant 0 : i32
    %c0_i32_0 = arith.constant 0 : i32
    %c0_i32_1 = arith.constant 0 : i32
    return %c0_i32, %c0_i32_0 : i32, i32
  }
  func.func @transform_4(%arg0: i32) -> (i32, i32) {
    %c0_i32 = arith.constant 0 : i32
    %c0_i32_0 = arith.constant 0 : i32
    %c0_i32_1 = arith.constant 0 : i32
    return %c0_i32, %c0_i32_0 : i32, i32
  }
  func.func @transform_5(%arg0: i32) -> (i32, i32) {
    %c0_i32 = arith.constant 0 : i32
    %c0_i32_0 = arith.constant 0 : i32
    %c0_i32_1 = arith.constant 0 : i32
    return %c0_i32, %c0_i32_0 : i32, i32
  }
  func.func @transform_6(%arg0: i32) -> (i32, i32) {
    %c0_i32 = arith.constant 0 : i32
    %c0_i32_0 = arith.constant 0 : i32
    %c0_i32_1 = arith.constant 0 : i32
    return %c0_i32, %c0_i32_0 : i32, i32
  }
  func.func @transform_7(%arg0: i32) -> (i32, i32) {
    %c0_i32 = arith.constant 0 : i32
    %c0_i32_0 = arith.constant 0 : i32
    %c0_i32_1 = arith.constant 0 : i32
    return %c0_i32, %c0_i32_0 : i32, i32
  }
  func.func @transform_8(%arg0: i32) -> (i32, i32) {
    %c0_i32 = arith.constant 0 : i32
    %c0_i32_0 = arith.constant 0 : i32
    return %arg0, %c0_i32 : i32, i32
  }
  func.func @transform_9(%arg0: i32) -> (i32, i32) {
    %c0_i32 = arith.constant 0 : i32
    %c0_i32_0 = arith.constant 0 : i32
    return %arg0, %c0_i32 : i32, i32
  }
  func.func @transform_10(%arg0: i32) -> (i32, i32) {
    %c0_i32 = arith.constant 0 : i32
    %c0_i32_0 = arith.constant 0 : i32
    return %arg0, %c0_i32 : i32, i32
  }
}

</mosaic_0001>

<sc_bundles>
// kernel: kernel.4.cloned.1.call-start
scs
__scs_entry_jumppad:
0x0: {  	(pc) =	sbr.rel $0x88, $3  }
0x1: {  	(tag) =	ssettag $0x0;
	lr =	simm.s32 $0x1  }
0x2: {  	[smem:$0x3F99] =	sst lr;
	_ =	strace $0xD0000000  }
0x3: {  	_ = 	snop  }
0x4: {  	_ = 	snop  }
0x5: {  	_ = 	snop  }
0x6: {  	_ = 	snop  }
0x7: {  	_ = 	snop  }
__scs_overlays_trampoline_lowered:
0x8: {  	[smem:$0x3FA8] =	sst s0  }
0x9: {  	[smem:$0x3FA9] =	sst s1  }
0xa: {  	[smem:$0x3FAA] =	sst s2  }
0xb: {  	[smem:$0x3FAB] =	sst s3  }
0xc: {  	[smem:$0x3FAC] =	sst s4  }
0xd: {  	[smem:$0x3FAD] =	sst s5  }
0xe: {  	[smem:$0x3FAE] =	sst s6  }
0xf: {  	[smem:$0x3FAF] =	sst s7  }
0x10: {  	[smem:$0x3FB0] =	sst s8  }
0x11: {  	[smem:$0x3FB1] =	sst s9;
	s0 =	simm.s32 @!p0 $0x0  }
0x12: {  	s1 =	sld [smem:$0x3F97];
	s0 =	simm.s32 @p0 $0x1  }
0x13: {  	[smem:$0x3FB2] =	sst s0;
	s0 =	simm.s32 @!p1 $0x0  }
0x14: {  	s2 =	sld [smem:$0x3F96];
	s0 =	simm.s32 @p1 $0x1  }
0x15: {  	[smem:$0x3FB3] =	sst s0;
	s0 =	simm.s32 @!p2 $0x0  }
0x16: {  	s3 =	sld [smem:$0x3FDB];
	s0 =	simm.s32 @p2 $0x1  }
0x17: {  	s4 =	simm.s32 $0x1BF5;
	[smem:$0x3FB5] =	sst s0  }
0x18: {  	s0 =	sld [smem:$0x3F98];
	_ =	swait.ge [sflag:s4], $0x0  }
0x19: {  	s7 =	sld [smem:$0x3F99]  }
0x1a: {  	s8 =	sadd.s32 $0xFFFFE003, lr  }
0x1b: {  	s9 =	sadd.s32 $0xFFFFFEF7, lr;
	s5 =	simm.s32 $0xFFFFFFFF;
	p2 =	slt.u32 s8, $0xFFFFF086  }
0x1c: {  	p1 =	slt.u32 s9, $0xF7A;
	s5 =	simm.s32 @!p2 $0x0  }
0x1d: {  	s5 =	simm.s32 @p1 $0x1;
	p0 =	seq.s32 s7, s2  }
0x1e: {  	s7 =	smul.u32 @!p0 $0xF7A, s2;
	p2 =	seq.s32 @!p0 s5, $0x0  }
0x1f: {  	s9 =	smul.u32 $0xF7A, s1;
	s8 =	simm.s32 @!p0 $0x1BF5;
	p2 =	por !p2, p0  }
0x20: {  	[sflag:s8] =	ssyncset.s32 @!p0 $0xFFFFF086;
	s6 =	sadd.s32 @!p0 s3, s7;
	s7 =	simm.s32 @!p0 $0x108  }
0x21: {  	s3 =	sadd.s32 s3, s9;
	s6 =	sadd.s32 @!p0 $0x88, s6;
	s7 =	simm.s32 @p2 $0x1082  }
0x22: {  	[simem:s7], [sflag:s8] =	dma.local @!p0 [hbm:s6], $0xF7A  }
0x23: {  	s9 =	sor.u32 $0xD0000000, s2;
	s6 =	simm.s32 $0x108;
	_ =	swait.ge @!p0 [sflag:s8], $0x0  }
0x24: {  	s3 =	sadd.s32 $0x88, s3;
	s6 =	simm.s32 @!p1 $0x1082;
	[sflag:s4] =	ssyncset.s32 $0xFFFFF086  }
0x25: {  	[simem:s6], [sflag:s4] =	dma.local [hbm:s3], $0xF7A  }
0x26: {  	[smem:$0x3F99] =	sst s1;
	(tag) =	ssettag s2;
	_ =	strace s9  }
0x27: {  	s1 =	sld [smem:$0x3FA9]  }
0x28: {  	s2 =	sld [smem:$0x3FAA]  }
0x29: {  	s4 =	sld [smem:$0x3FAC]  }
0x2a: {  	p0 =	seq.s32 s5, $0x0;
	s5 =	sld [smem:$0x3FAD]  }
0x2b: {  	s6 =	sld [smem:$0x3FAE]  }
0x2c: {  	s7 =	sld [smem:$0x3FAF]  }
0x2d: {  	s3 =	simm.s32 $0x108;
	s8 =	sld [smem:$0x3FB0]  }
0x2e: {  	s3 =	simm.s32 @!p0 $0x1082;
	s9 =	sld [smem:$0x3FB1]  }
0x2f: {  	lr =	sadd.s32 s0, s3;
	s0 =	sld [smem:$0x3FA8]  }
0x30: {  	s3 =	sld [smem:$0x3FAB]  }
0x31: {  	[smem:$0x3FB4] =	sst s10  }
0x32: {  	s10 =	sld [smem:$0x3FB2];
	_ =	sdelay $0x3  }
0x33: {  	p0 =	seq.s32 s10, $0x1;
	s10 =	sld [smem:$0x3FB4];
	_ =	sdelay $0x3  }
0x34: {  	[smem:$0x3FB4] =	sst s10  }
0x35: {  	s10 =	sld [smem:$0x3FB3];
	_ =	sdelay $0x3  }
0x36: {  	p1 =	seq.s32 s10, $0x1;
	s10 =	sld [smem:$0x3FB4];
	_ =	sdelay $0x3  }
0x37: {  	[smem:$0x3FB4] =	sst s10  }
0x38: {  	s10 =	sld [smem:$0x3FB5]  }
0x39: {  	_ = 	snop;
	(pc) =	sbr.ind lr, $3  }
0x3a: {  	_ = 	snop  }
0x3b: {  	_ = 	snop  }
0x3c: {  	p2 =	seq.s32 s10, $0x1;
	s10 =	sld [smem:$0x3FB4]  }
0x3d: {  	_ =	shalt  }
0x3e: {  	_ =	shalt  }
0x3f: {  	_ =	shalt  }
0x40: {  	_ =	shalt  }
0x41: {  	_ =	shalt  }
0x42: {  	_ =	shalt  }
0x43: {  	_ =	shalt  }
0x44: {  	_ =	shalt  }
0x45: {  	_ =	shalt  }
0x46: {  	_ =	shalt  }
0x47: {  	_ =	shalt  }
0x48: {  	_ =	shalt  }
0x49: {  	_ =	shalt  }
0x4a: {  	_ =	shalt  }
0x4b: {  	_ =	shalt  }
0x4c: {  	_ =	shalt  }
0x4d: {  	_ =	shalt  }
0x4e: {  	_ =	shalt  }
0x4f: {  	_ =	shalt  }
0x50: {  	_ =	shalt  }
0x51: {  	_ =	shalt  }
0x52: {  	_ =	shalt  }
0x53: {  	_ =	shalt  }
0x54: {  	_ =	shalt  }
0x55: {  	_ =	shalt  }
0x56: {  	_ =	shalt  }
0x57: {  	_ =	shalt  }
0x58: {  	_ =	shalt  }
0x59: {  	_ =	shalt  }
0x5a: {  	_ =	shalt  }
0x5b: {  	_ =	shalt  }
0x5c: {  	_ =	shalt  }
0x5d: {  	_ =	shalt  }
0x5e: {  	_ =	shalt  }
0x5f: {  	_ =	shalt  }
0x60: {  	_ =	shalt  }
0x61: {  	_ =	shalt  }
0x62: {  	_ =	shalt  }
0x63: {  	_ =	shalt  }
0x64: {  	_ =	shalt  }
0x65: {  	_ =	shalt  }
0x66: {  	_ =	shalt  }
0x67: {  	_ =	shalt  }
0x68: {  	_ =	shalt  }
0x69: {  	_ =	shalt  }
0x6a: {  	_ =	shalt  }
0x6b: {  	_ =	shalt  }
0x6c: {  	_ =	shalt  }
0x6d: {  	_ =	shalt  }
0x6e: {  	_ =	shalt  }
0x6f: {  	_ =	shalt  }
0x70: {  	_ =	shalt  }
0x71: {  	_ =	shalt  }
0x72: {  	_ =	shalt  }
0x73: {  	_ =	shalt  }
0x74: {  	_ =	shalt  }
0x75: {  	_ =	shalt  }
0x76: {  	_ =	shalt  }
0x77: {  	_ =	shalt  }
0x78: {  	_ =	shalt  }
0x79: {  	_ =	shalt  }
0x7a: {  	_ =	shalt  }
0x7b: {  	_ =	shalt  }
0x7c: {  	_ =	shalt  }
0x7d: {  	_ =	shalt  }
0x7e: {  	_ =	shalt  }
0x7f: {  	_ =	shalt  }
0x80: {  	_ =	shalt  }
0x81: {  	_ =	shalt  }
0x82: {  	_ =	shalt  }
0x83: {  	_ =	shalt  }
0x84: {  	_ =	shalt  }
0x85: {  	_ =	shalt  }
0x86: {  	_ =	shalt  }
0x87: {  	_ =	shalt  }
.Lfunc_end0:
.L_simem_size_0:
called_computation_lowered:
.L_overlay_start_0:
0x88: {  	s2 =	sld [smem:$0x3FD9]  }
0x89: {  	s3 =	sld [smem:$0x3FFE];
	_ =	sdelay $0x1  }
0x8a: {  	s1 =	srdreg.scid  }
0x8b: {  	s0 =	sand.u32 $0x1, s1  }
0x8c: {  	s14 =	sshll.u32 s0, $0xA;
	s2 =	sadd.s32 s3, s2  }
0x8d: {  	s2 =	sadd.s32 s2, s14  }
0x8e: {  	[smem:$0x3FC0] =	sst s2  }
0x8f: {  	_ = 	snop  }
0x90: {  	s2 =	sld [smem:$0x3FD0];
	_ =	sdelay $0x2  }
0x91: {  	s15 =	simm.s32 $0xA;
	s4 =	simm.s32 $0x10  }
0x92: {  	[smem:s4], [sflag:s15] =	dma.local [hbm:s2], $0x1  }
0x93: {  	_ =	swait.eq [sflag:s15], $0x1  }
0x94: {  	[sflag:s15] =	ssyncset.done $0x0  }
0x95: {  	[sflag:s15] =	ssyncadd.s32 $0xFFFFFFFF  }
0x96: {  	s16 =	sld [smem:$0x10];
	(tm) =	ssettm $0x1  }
0x97: {  	s17 =	sld [smem:$0x3FFB];
	_ =	sdelay $0x3  }
0x98: {  	_ =	strace s17  }
0x99: {  	s3 =	sld [smem:$0x3FFC];
	_ =	sdelay $0x3  }
0x9a: {  	_ =	strace s3  }
0x9b: {  	s3 =	sld [smem:$0x3FFD];
	_ =	sdelay $0x3  }
0x9c: {  	_ =	strace s3  }
0x9d: {  	_ =	strace $0x8FFFFFFF  }
0x9e: {  	s18 =	sld [smem:$0x3FDB];
	_ =	sdelay $0x1  }
0x9f: {  	s19 =	simm.s32 $_scs_section_size  }
0xa0: {  	s5 =	simm.s32 $_size__tile_overlayer_lowered;
	s6 =	simm.s32 $_tile_overlayer_lowered  }
0xa1: {  	s22 =	simm.s32 $0x1BFF;
	s21 =	sshll.u32 s6, $0x1;
	s3 =	sadd.s32 s19, s18  }
0xa2: {  	s7 =	simm.s32 $0x0;
	s20 =	sshll.u32 s5, $0x1;
	s5 =	sadd.s32 s21, s3  }
0xa3: {  	[timem:s7], [sflag:s22] =	dma.local [hbm:s5], s20  }
0xa4: {  	_ =	swait.ge [sflag:s22], s20  }
0xa5: {  	s4 =	ssub.s32 $0x0, s20;
	[sflag:s22] =	ssyncset.done $0x0  }
0xa6: {  	[sflag:s22] =	ssyncadd.s32 s4;
	_ =	sdelay $0x1  }
0xa7: {  	s23 =	simm.s32 $0x1B8B  }
0xa8: {  	_ =	swait.ge [sflag:s23], $0x1  }
0xa9: {  	[sflag:s23] =	ssyncset.done $0x0  }
0xaa: {  	s25 =	simm.s32 $0x1B8E;
	s24 =	sld [smem:$0x3FFE];
	[sflag:s23] =	ssyncadd.s32 $0xFFFFFFFF  }
0xab: {  	s26 =	simm.s32 $execute0_lowered;
	[smem:$0x3FD2] =	sst s25  }
0xac: {  	s5 =	sshll.u32 s26, $0x1;
	_ =	strace $0x80000046;
	[dreg:$0x1] =	wrdreg $0xFFFFFFFF  }
0xad: {  	s28 =	simm.s32 $_size_execute0_lowered;
	s3 =	sadd.s32 s3, s5;
	[dreg:$0x0] =	wrdreg $0x0  }
0xae: {  	s5 =	sshll.u32 s28, $0x1;
	[dreg:$0x2] =	wrdreg s3  }
0xaf: {  	[dreg:$0x3] =	wrdreg s5  }
0xb0: {  	[dreg:$0x4] =	wrdreg $0xC0  }
0xb1: {  	_ =	task [dreg:s7], $0x5FFFF  }
0xb2: {  	[dreg:$0x1] =	wrdreg $0xFFFFFFFF  }
0xb3: {  	[dreg:$0x0] =	wrdreg $0x60  }
0xb4: {  	[dreg:$0x2] =	wrdreg s24  }
0xb5: {  	[dreg:$0x3] =	wrdreg s16  }
0xb6: {  	[dreg:$0x4] =	wrdreg $0x9  }
0xb7: {  	_ =	task.clear_ibuf [dreg:s7], $0x5FFFF;
	_ =	strace $0x90000046  }
0xb8: {  	s29 =	simm.s32 $0x9;
	_ =	strace $0x80000048  }
0xb9: {  	_ =	swait.ge [sflag:s29], $0x1  }
0xba: {  	[sflag:s29] =	ssyncadd.s32 $0xFFFFFFFF  }
0xbb: {  	_ =	strace $0x90000048  }
0xbc: {  	_ =	sfence  }
0xbd: {  	s30 =	sld [smem:$0x0];
	_ =	sdelay $0x2  }
0xbe: {  	s31 =	sshll.u32 s1, $0xD;
	s1 =	sshrl.u32 s1, $0x2  }
0xbf: {  	s3 =	sand.u32 $0x4000, s31;
	s1 =	sadd.s32 s1, s30  }
0xc0: {  	s0 =	sor.u32 s3, s0;
	s1 =	sshll.u32 s1, $0x11  }
0xc1: {  	s0 =	sor.u32 s1, s0  }
0xc2: {  	s0 =	sadd.s32 $0x8F2B, s0  }
0xc3: {  	[sflag:s0] =	ssyncadd.remote.s32 $0x1  }
0xc4: {  	_ =	sfence.sel $0xFFFF  }
0xc5: {  	[dreg:$0x0] =	wrdreg $0xFFFFFFFF;
	(pc) =	sbr.abs _section_cstart, $3  }
0xc6: {  	[dreg:$0x1] =	wrdreg $0xFFFFFFFF  }
0xc7: {  	_ =	task.clear_ibuf [dreg:s7], $0x2FFFF;
	_ =	strace $0x9FFFFFFF  }
0xc8: {  	(tm) =	ssettm $0x7FFFFFFF  }
0xc9: {  	_ =	shalt  }
tec
execute0_lowered:
.L_overlay_start_1:
0x0: {  	(tag) =	ssettag $0x1  }
0x1: {  	s0 =	srdreg.scid;
	s2 =	rddreg [dreg:$0x0]  }
0x2: {  	s1 =	stileid.u32;
	s4 =	rddreg [dreg:$0x1]  }
0x3: {  	s0 =	sand.u32 $0x1, s0;
	s3 =	sshll.u32 s1, $0x1;
	s1 =	simm.s32 $0x0  }
0x4: {  	s2 =	sadd.s32 $0x1200, s2;
	s11 =	sadd.s32 $0x40000, s4;
	s10 =	sadd.s32 $0x60000, s4  }
0x5: {  	s3 =	sor.u32 s0, s3;
	[smem:$0x7FF] =	sst s1;
	s0 =	ssub.s32 $0x2, s0  }
0x6: {  	s5 =	sshll.u32 s3, $0x7;
	s6 =	smul.u32 $0xC80, s3;
	s8 =	sshrl.u32 s0, $0x1  }
0x7: {  	s20 =	sshll.u32 s3, $0xB;
	s3 =	sadd.s32 $0x10000, s4;
	s13 =	sor.u32 $0x20, s5  }
0x8: {  	s0 =	ssub.s32 s0, s8;
	s22 =	sadd.s32 s4, s20;
	s23 =	sadd.s32 s20, s3  }
0x9: {  	s25 =	sadd.s32 s20, s11;
	s8 =	sadd.s32 $0x70000, s4;
	[dreg:$0x12] =	wrdreg s0  }
0xa: {  	s9 =	smul.u32 $0x19, s13;
	s19 =	sadd.s32 s2, s6;
	[dreg:$0x5] =	wrdreg s22  }
0xb: {  	[dreg:$0x6] =	wrdreg s23;
	s6 =	sadd.s32 $0x20000, s4;
	s22 =	sor.u32 $0x40, s5  }
0xc: {  	s23 =	sor.u32 $0x60, s5;
	[dreg:$0x9] =	wrdreg s25;
	s5 =	sadd.s32 $0x50000, s4  }
0xd: {  	s0 =	sadd.s32 s20, s8;
	[dreg:$0x3] =	wrdreg s19;
	s12 =	smul.u32 $0x19, s22  }
0xe: {  	s7 =	sadd.s32 s20, s6;
	s14 =	smul.u32 $0x19, s23;
	[dreg:$0xe] =	wrdreg s0  }
0xf: {  	s26 =	sadd.s32 s20, s5;
	s21 =	sadd.s32 s2, s9;
	[dreg:$0x7] =	wrdreg s7  }
0x10: {  	s9 =	sadd.s32 $0x30000, s4;
	[dreg:$0xa] =	wrdreg s26;
	s7 =	sshll.u32 s23, $0x4  }
0x11: {  	[dreg:$0x4] =	wrdreg s21;
	s24 =	sadd.s32 s20, s9;
	s12 =	sadd.s32 s2, s12  }
0x12: {  	s21 =	sshll.u32 s13, $0x4;
	s2 =	sadd.s32 s2, s14;
	s13 =	sadd.s32 s20, s10  }
0x13: {  	s31 =	sadd.s32 s4, s7;
	s0 =	sadd.s32 s7, s3;
	[dreg:$0x8] =	wrdreg s24  }
0x14: {  	[dreg:$0xc] =	wrdreg s2;
	s14 =	sadd.s32 s4, s21;
	s15 =	sadd.s32 s21, s3  }
0x15: {  	s16 =	sadd.s32 s21, s6;
	s17 =	sadd.s32 s21, s9;
	s18 =	sadd.s32 s21, s11  }
0x16: {  	s19 =	sadd.s32 s21, s5;
	s20 =	sadd.s32 s21, s10;
	s2 =	sshll.u32 s22, $0x4  }
0x17: {  	s21 =	sadd.s32 s21, s8;
	s22 =	sadd.s32 s4, s2;
	s23 =	sadd.s32 s2, s3  }
0x18: {  	s24 =	sadd.s32 s2, s6;
	s25 =	sadd.s32 s2, s9;
	s26 =	sadd.s32 s2, s11  }
0x19: {  	s28 =	sadd.s32 s2, s5;
	s29 =	sadd.s32 s2, s10;
	s30 =	sadd.s32 s2, s8  }
0x1a: {  	s2 =	sadd.s32 s7, s6;
	_ =	strace $0x80000047;
	[dreg:$0xb] =	wrdreg s12  }
0x1b: {  	v1 =	vlaneseq.u32;
	s3 =	sadd.s32 s7, s9;
	s4 =	sadd.s32 s7, s11;
	[dreg:$0xd] =	wrdreg s13  }
0x1c: {  	v0 =	vmul.u32 $0xD8, v1;
	v1 =	vmul.u32 $0x400, v1;
	s5 =	sadd.s32 s7, s5;
	s6 =	sadd.s32 s7, s10;
	s11 =	rddreg [dreg:$0x12]  }
0x1d: {  	v2 =	vimm.f32 $0.0e+00;
	s7 =	sadd.s32 s7, s8;
	[dreg:$0xf] =	wrdreg s14;
	s8 =	smax.u32 s11, $0x1  }
0x1e: {  	v3 =	vimm.f32 $1.000000000e+00;
	v4 =	vadd.s32 $0xD80, v0;
	v5 =	vor.u32 $0x4000, v1;
	s10 =	simm.s32 $0x0;
	[dreg:$0x10] =	wrdreg s8  }
.LBB2_1:
0x1f: {  	[dreg:$0x11] =	wrdreg s10  }
0x20: {  	s8 =	simm.s32 $0x19;
	s12 =	rddreg [dreg:$0x3]  }
0x21: {  	s9 =	simm.s32 $0xD8;
	s10 =	simm.s32 $0x0;
	s11 =	sadd.s32 $0x0, s12  }
.LBB2_2:
0x22: {  	[tilespmem:s10], [sflag:$0x1] =	stream.linear.gather [hbm4b:s11+s1], $0xC8, $0x38;
	[tilespmem:$0x13600] =	vst v63  }
0x23: {  	s11 =	smov.u32 s8;
	s10 =	smov.u32 s9;
	p0 =	sne.s32 s8, $0x307  }
.Ltmp0:
0x24: {  	s8 =	sadd.s32 $0x19, s8;
	(pc) =	sbr.rel @p0 .LBB2_2-.Ltmp0, $2  }
0x25: {  	_ =	sdelay $0x2  }
0x26: {  	s9 =	sadd.s32 $0xD8, s9;
	s11 =	sadd.s32 s11, s12  }
0x27: {  	[tilespmem:s10], [sflag:$0x1] =	stream.linear.gather [hbm4b:s11+s1], $0xC8, $0x38;
	[tilespmem:$0x13600] =	vst v63  }
0x28: {  	s8 =	simm.s32 $0x1B00;
	s12 =	rddreg [dreg:$0x4]  }
0x29: {  	s9 =	simm.s32 $0x19;
	s10 =	simm.s32 $0x1BD8;
	s11 =	sadd.s32 $0x0, s12  }
.LBB2_4:
0x2a: {  	[tilespmem:s8], [sflag:$0x2] =	stream.linear.gather [hbm4b:s11+s1], $0xC8, $0x38;
	[tilespmem:$0x13600] =	vst v63  }
0x2b: {  	s11 =	smov.u32 s9;
	s8 =	smov.u32 s10;
	p0 =	sne.s32 s9, $0x307  }
.Ltmp1:
0x2c: {  	s9 =	sadd.s32 $0x19, s9;
	(pc) =	sbr.rel @p0 .LBB2_4-.Ltmp1, $2  }
0x2d: {  	_ =	sdelay $0x2  }
0x2e: {  	s10 =	sadd.s32 $0xD8, s10;
	s11 =	sadd.s32 s11, s12  }
0x2f: {  	[tilespmem:s8], [sflag:$0x2] =	stream.linear.gather [hbm4b:s11+s1], $0xC8, $0x38;
	[tilespmem:$0x13600] =	vst v63  }
0x30: {  	s14 =	simm.s32 $0x1  }
0x31: {  	_ =	swait.ge [sflag:s14], $0x1900  }
0x32: {  	[sflag:s14] =	ssyncset.done $0x0  }
0x33: {  	s8 =	simm.s32 $0x0;
	s9 =	simm.s32 $0x1000;
	[sflag:s14] =	ssyncadd.s32 $0xFFFFE700  }
.LBB2_6:
0x34: {  	p0 =	sne.s32 s9, $0x1F000;
	[tilespmem:s8+$0x39F0] =	vst v2  }
0x35: {  	[tilespmem:s8+$0x3600] =	vst v2  }
0x36: {  	[tilespmem:s8+$0x3610] =	vst v2  }
0x37: {  	[tilespmem:s8+$0x3620] =	vst v2  }
0x38: {  	[tilespmem:s8+$0x3630] =	vst v2  }
0x39: {  	[tilespmem:s8+$0x3640] =	vst v2  }
0x3a: {  	[tilespmem:s8+$0x3650] =	vst v2  }
0x3b: {  	[tilespmem:s8+$0x3660] =	vst v2  }
0x3c: {  	[tilespmem:s8+$0x3670] =	vst v2  }
0x3d: {  	[tilespmem:s8+$0x3680] =	vst v2  }
0x3e: {  	[tilespmem:s8+$0x3690] =	vst v2  }
0x3f: {  	[tilespmem:s8+$0x36A0] =	vst v2  }
0x40: {  	[tilespmem:s8+$0x36B0] =	vst v2  }
0x41: {  	[tilespmem:s8+$0x36C0] =	vst v2  }
0x42: {  	[tilespmem:s8+$0x36D0] =	vst v2  }
0x43: {  	[tilespmem:s8+$0x36E0] =	vst v2  }
0x44: {  	[tilespmem:s8+$0x36F0] =	vst v2  }
0x45: {  	[tilespmem:s8+$0x3700] =	vst v2  }
0x46: {  	[tilespmem:s8+$0x3710] =	vst v2  }
0x47: {  	[tilespmem:s8+$0x3720] =	vst v2  }
0x48: {  	[tilespmem:s8+$0x3730] =	vst v2  }
0x49: {  	[tilespmem:s8+$0x3740] =	vst v2  }
0x4a: {  	[tilespmem:s8+$0x3750] =	vst v2  }
0x4b: {  	[tilespmem:s8+$0x3760] =	vst v2  }
0x4c: {  	[tilespmem:s8+$0x3770] =	vst v2  }
0x4d: {  	[tilespmem:s8+$0x3780] =	vst v2  }
0x4e: {  	[tilespmem:s8+$0x3790] =	vst v2  }
0x4f: {  	[tilespmem:s8+$0x37A0] =	vst v2  }
0x50: {  	[tilespmem:s8+$0x37B0] =	vst v2  }
0x51: {  	[tilespmem:s8+$0x37C0] =	vst v2  }
0x52: {  	[tilespmem:s8+$0x37D0] =	vst v2  }
0x53: {  	[tilespmem:s8+$0x37E0] =	vst v2  }
0x54: {  	[tilespmem:s8+$0x37F0] =	vst v2  }
0x55: {  	[tilespmem:s8+$0x3800] =	vst v2  }
0x56: {  	[tilespmem:s8+$0x3810] =	vst v2  }
0x57: {  	[tilespmem:s8+$0x3820] =	vst v2  }
0x58: {  	[tilespmem:s8+$0x3830] =	vst v2  }
0x59: {  	[tilespmem:s8+$0x3840] =	vst v2  }
0x5a: {  	[tilespmem:s8+$0x3850] =	vst v2  }
0x5b: {  	[tilespmem:s8+$0x3860] =	vst v2  }
0x5c: {  	[tilespmem:s8+$0x3870] =	vst v2  }
0x5d: {  	[tilespmem:s8+$0x3880] =	vst v2  }
0x5e: {  	[tilespmem:s8+$0x3890] =	vst v2  }
0x5f: {  	[tilespmem:s8+$0x38A0] =	vst v2  }
0x60: {  	[tilespmem:s8+$0x38B0] =	vst v2  }
0x61: {  	[tilespmem:s8+$0x38C0] =	vst v2  }
0x62: {  	[tilespmem:s8+$0x38D0] =	vst v2  }
0x63: {  	[tilespmem:s8+$0x38E0] =	vst v2  }
0x64: {  	[tilespmem:s8+$0x38F0] =	vst v2  }
0x65: {  	[tilespmem:s8+$0x3900] =	vst v2  }
0x66: {  	[tilespmem:s8+$0x3910] =	vst v2  }
0x67: {  	[tilespmem:s8+$0x3920] =	vst v2  }
0x68: {  	[tilespmem:s8+$0x3930] =	vst v2  }
0x69: {  	[tilespmem:s8+$0x3940] =	vst v2  }
0x6a: {  	[tilespmem:s8+$0x3950] =	vst v2  }
0x6b: {  	[tilespmem:s8+$0x3960] =	vst v2  }
0x6c: {  	[tilespmem:s8+$0x3970] =	vst v2  }
0x6d: {  	[tilespmem:s8+$0x3980] =	vst v2  }
0x6e: {  	[tilespmem:s8+$0x3990] =	vst v2  }
.Ltmp2:
0x6f: {  	[tilespmem:s8+$0x39A0] =	vst v2;
	(pc) =	sbr.rel @p0 .LBB2_6-.Ltmp2, $4  }
0x70: {  	[tilespmem:s8+$0x39B0] =	vst v2  }
0x71: {  	[tilespmem:s8+$0x39C0] =	vst v2  }
0x72: {  	[tilespmem:s8+$0x39D0] =	vst v2  }
0x73: {  	[tilespmem:s8+$0x39E0] =	vst v2;
	s8 =	sshra.s32 s9, $0x2;
	s9 =	sadd.s32 $0x1000, s9  }
0x74: {  	[tilespmem:s8+$0x39F0] =	vst v2  }
0x75: {  	[tilespmem:s8+$0x3600] =	vst v2  }
0x76: {  	[tilespmem:s8+$0x3610] =	vst v2  }
0x77: {  	[tilespmem:s8+$0x3620] =	vst v2  }
0x78: {  	[tilespmem:s8+$0x3630] =	vst v2  }
0x79: {  	[tilespmem:s8+$0x3640] =	vst v2  }
0x7a: {  	[tilespmem:s8+$0x3650] =	vst v2  }
0x7b: {  	[tilespmem:s8+$0x3660] =	vst v2  }
0x7c: {  	[tilespmem:s8+$0x3670] =	vst v2  }
0x7d: {  	[tilespmem:s8+$0x3680] =	vst v2  }
0x7e: {  	[tilespmem:s8+$0x3690] =	vst v2  }
0x7f: {  	[tilespmem:s8+$0x36A0] =	vst v2  }
0x80: {  	[tilespmem:s8+$0x36B0] =	vst v2  }
0x81: {  	[tilespmem:s8+$0x36C0] =	vst v2  }
0x82: {  	[tilespmem:s8+$0x36D0] =	vst v2  }
0x83: {  	[tilespmem:s8+$0x36E0] =	vst v2  }
0x84: {  	[tilespmem:s8+$0x36F0] =	vst v2  }
0x85: {  	[tilespmem:s8+$0x3700] =	vst v2  }
0x86: {  	[tilespmem:s8+$0x3710] =	vst v2  }
0x87: {  	[tilespmem:s8+$0x3720] =	vst v2  }
0x88: {  	[tilespmem:s8+$0x3730] =	vst v2  }
0x89: {  	[tilespmem:s8+$0x3740] =	vst v2  }
0x8a: {  	[tilespmem:s8+$0x3750] =	vst v2  }
0x8b: {  	[tilespmem:s8+$0x3760] =	vst v2  }
0x8c: {  	[tilespmem:s8+$0x3770] =	vst v2  }
0x8d: {  	[tilespmem:s8+$0x3780] =	vst v2  }
0x8e: {  	[tilespmem:s8+$0x3790] =	vst v2  }
0x8f: {  	[tilespmem:s8+$0x37A0] =	vst v2  }
0x90: {  	[tilespmem:s8+$0x37B0] =	vst v2  }
0x91: {  	[tilespmem:s8+$0x37C0] =	vst v2  }
0x92: {  	[tilespmem:s8+$0x37D0] =	vst v2  }
0x93: {  	[tilespmem:s8+$0x37E0] =	vst v2  }
0x94: {  	[tilespmem:s8+$0x37F0] =	vst v2  }
0x95: {  	[tilespmem:s8+$0x3800] =	vst v2  }
0x96: {  	[tilespmem:s8+$0x3810] =	vst v2  }
0x97: {  	[tilespmem:s8+$0x3820] =	vst v2  }
0x98: {  	[tilespmem:s8+$0x3830] =	vst v2  }
0x99: {  	[tilespmem:s8+$0x3840] =	vst v2  }
0x9a: {  	[tilespmem:s8+$0x3850] =	vst v2  }
0x9b: {  	[tilespmem:s8+$0x3860] =	vst v2  }
0x9c: {  	[tilespmem:s8+$0x3870] =	vst v2  }
0x9d: {  	[tilespmem:s8+$0x3880] =	vst v2  }
0x9e: {  	[tilespmem:s8+$0x3890] =	vst v2  }
0x9f: {  	[tilespmem:s8+$0x38A0] =	vst v2  }
0xa0: {  	[tilespmem:s8+$0x38B0] =	vst v2  }
0xa1: {  	[tilespmem:s8+$0x38C0] =	vst v2  }
0xa2: {  	[tilespmem:s8+$0x38D0] =	vst v2  }
0xa3: {  	[tilespmem:s8+$0x38E0] =	vst v2  }
0xa4: {  	[tilespmem:s8+$0x38F0] =	vst v2  }
0xa5: {  	[tilespmem:s8+$0x3900] =	vst v2  }
0xa6: {  	[tilespmem:s8+$0x3910] =	vst v2  }
0xa7: {  	[tilespmem:s8+$0x3920] =	vst v2  }
0xa8: {  	[tilespmem:s8+$0x3930] =	vst v2  }
0xa9: {  	[tilespmem:s8+$0x3940] =	vst v2  }
0xaa: {  	[tilespmem:s8+$0x3950] =	vst v2  }
0xab: {  	[tilespmem:s8+$0x3960] =	vst v2  }
0xac: {  	[tilespmem:s8+$0x3970] =	vst v2  }
0xad: {  	[tilespmem:s8+$0x3980] =	vst v2  }
0xae: {  	[tilespmem:s8+$0x3990] =	vst v2  }
0xaf: {  	[tilespmem:s8+$0x39A0] =	vst v2  }
0xb0: {  	[tilespmem:s8+$0x39B0] =	vst v2  }
0xb1: {  	[tilespmem:s8+$0x39C0] =	vst v2  }
0xb2: {  	[tilespmem:s8+$0x39D0] =	vst v2  }
0xb3: {  	[tilespmem:s8+$0x39E0] =	vst v2;
	v6 =	vimm.s32 $0x0;
	s8 =	simm.s32 $0x32;
	s12 =	rddreg [dreg:$0x5];
	s9 =	simm.s32 $0x3600  }
.LBB2_8:
0xb4: {  	v7 =	vand.u32 $0xFFFFFFF8, v6  }
0xb5: {  	v8 =	vand.u32 $0x4, v6;
	v9 =	vadd.s32 v0, v7  }
0xb6: {  	v10 =	vor.u32 v8, v9;
	_ =	sdelay $0x4  }
0xb7: {  	v10 =	vld.idx.msk [tilespmem:v10+s1+$0x0], $0xffff;
	_ =	sdelay $0x4  }
0xb8: {  	v7 =	vadd.s32 v4, v7;
	v10 =	vadd.s32 v1, v10  }
0xb9: {  	v11 =	vor.u32 v8, v7;
	_ =	sdelay $0x3  }
0xba: {  	[tilespmem:v10+s9+$0x0] =	vst.idx.add.f32.msk $0xffff, v3  }
0xbb: {  	v10 =	vld.idx.msk [tilespmem:v11+s1+$0x0], $0xffff;
	_ =	sdelay $0x4  }
0xbc: {  	v61 =	vor.u32 $0x1, v8;
	v10 =	vadd.s32 v5, v10  }
0xbd: {  	v12 =	vor.u32 v61, v9;
	_ =	sdelay $0x3  }
0xbe: {  	[tilespmem:v10+s9+$0x0] =	vst.idx.add.f32.msk $0xffff, v3  }
0xbf: {  	v10 =	vld.idx.msk [tilespmem:v12+s1+$0x0], $0xffff;
	_ =	sdelay $0x4  }
0xc0: {  	v10 =	vadd.s32 v1, v10  }
0xc1: {  	v11 =	vor.u32 v61, v7;
	_ =	sdelay $0x3  }
0xc2: {  	[tilespmem:v10+s9+$0x0] =	vst.idx.add.f32.msk $0xffff, v3  }
0xc3: {  	v10 =	vld.idx.msk [tilespmem:v11+s1+$0x0], $0xffff;
	_ =	sdelay $0x4  }
0xc4: {  	v62 =	vor.u32 $0x2, v8;
	v10 =	vadd.s32 v5, v10  }
0xc5: {  	v63 =	vor.u32 v62, v9;
	_ =	sdelay $0x3  }
0xc6: {  	[tilespmem:v10+s9+$0x0] =	vst.idx.add.f32.msk $0xffff, v3  }
0xc7: {  	v10 =	vld.idx.msk [tilespmem:v63+s1+$0x0], $0xffff;
	_ =	sdelay $0x4  }
0xc8: {  	v10 =	vadd.s32 v1, v10  }
0xc9: {  	v11 =	vor.u32 v62, v7;
	_ =	sdelay $0x3  }
0xca: {  	[tilespmem:v10+s9+$0x0] =	vst.idx.add.f32.msk $0xffff, v3  }
0xcb: {  	v10 =	vld.idx.msk [tilespmem:v11+s1+$0x0], $0xffff;
	_ =	sdelay $0x4  }
0xcc: {  	v8 =	vor.u32 $0x3, v8;
	v10 =	vadd.s32 v5, v10  }
0xcd: {  	v9 =	vor.u32 v8, v9;
	_ =	sdelay $0x3  }
0xce: {  	[tilespmem:v10+s9+$0x0] =	vst.idx.add.f32.msk $0xffff, v3  }
0xcf: {  	v9 =	vld.idx.msk [tilespmem:v9+s1+$0x0], $0xffff;
	_ =	sdelay $0x4  }
0xd0: {  	v9 =	vadd.s32 v1, v9  }
0xd1: {  	v7 =	vor.u32 v8, v7;
	_ =	sdelay $0x3  }
0xd2: {  	[tilespmem:v9+s9+$0x0] =	vst.idx.add.f32.msk $0xffff, v3  }
0xd3: {  	v7 =	vld.idx.msk [tilespmem:v7+s1+$0x0], $0xffff;
	_ =	sdelay $0x4  }
0xd4: {  	p0 =	sne.s32 s8, $0x1;
	v7 =	vadd.s32 v5, v7  }
.Ltmp3:
0xd5: {  	_ = 	snop;
	(pc) =	sbr.rel @p0 .LBB2_8-.Ltmp3, $2  }
0xd6: {  	_ =	sdelay $0x2  }
0xd7: {  	v6 =	vadd.s32 $0x4, v6;
	s8 =	sadd.s32 $0xFFFFFFFF, s8;
	[tilespmem:v7+s9+$0x0] =	vst.idx.add.f32.msk $0xffff, v3  }
0xd8: {  	s8 =	simm.s32 $0x3600  }
0xd9: {  	s9 =	simm.s32 $0x10;
	s11 =	sadd.s32 $0x0, s12;
	s10 =	simm.s32 $0x3A00  }
.LBB2_10:
0xda: {  	[hbm4b:s11+s1] =	stream.linear.scatter [tilespmem:s8], [sflag:$0x3], $0x80, $0x38;
	[tilespmem:$0x13600] =	vst v63  }
0xdb: {  	s11 =	smov.u32 s9;
	s8 =	smov.u32 s10;
	p0 =	sne.s32 s9, $0x1F0  }
.Ltmp4:
0xdc: {  	s9 =	sadd.s32 $0x10, s9;
	(pc) =	sbr.rel @p0 .LBB2_10-.Ltmp4, $2  }
0xdd: {  	_ =	sdelay $0x2  }
0xde: {  	s10 =	sadd.s32 $0x400, s10;
	s11 =	sadd.s32 s11, s12  }
0xdf: {  	[hbm4b:s11+s1] =	stream.linear.scatter [tilespmem:s8], [sflag:$0x3], $0x80, $0x38;
	[tilespmem:$0x13600] =	vst v63  }
0xe0: {  	s8 =	simm.s32 $0x3680;
	s12 =	rddreg [dreg:$0x6]  }
0xe1: {  	s9 =	simm.s32 $0x10;
	s10 =	simm.s32 $0x3A80;
	s11 =	sadd.s32 $0x0, s12  }
.LBB2_12:
0xe2: {  	[hbm4b:s11+s1] =	stream.linear.scatter [tilespmem:s8], [sflag:$0x3], $0x80, $0x38;
	[tilespmem:$0x13600] =	vst v63  }
0xe3: {  	s11 =	smov.u32 s9;
	s8 =	smov.u32 s10;
	p0 =	sne.s32 s9, $0x1F0  }
.Ltmp5:
0xe4: {  	s9 =	sadd.s32 $0x10, s9;
	(pc) =	sbr.rel @p0 .LBB2_12-.Ltmp5, $2  }
0xe5: {  	_ =	sdelay $0x2  }
0xe6: {  	s10 =	sadd.s32 $0x400, s10;
	s11 =	sadd.s32 s11, s12  }
0xe7: {  	[hbm4b:s11+s1] =	stream.linear.scatter [tilespmem:s8], [sflag:$0x3], $0x80, $0x38;
	[tilespmem:$0x13600] =	vst v63  }
0xe8: {  	s8 =	simm.s32 $0x3700;
	s12 =	rddreg [dreg:$0x7]  }
0xe9: {  	s9 =	simm.s32 $0x10;
	s10 =	simm.s32 $0x3B00;
	s11 =	sadd.s32 $0x0, s12  }
.LBB2_14:
0xea: {  	[hbm4b:s11+s1] =	stream.linear.scatter [tilespmem:s8], [sflag:$0x3], $0x80, $0x38;
	[tilespmem:$0x13600] =	vst v63  }
0xeb: {  	s11 =	smov.u32 s9;
	s8 =	smov.u32 s10;
	p0 =	sne.s32 s9, $0x1F0  }
.Ltmp6:
0xec: {  	s9 =	sadd.s32 $0x10, s9;
	(pc) =	sbr.rel @p0 .LBB2_14-.Ltmp6, $2  }
0xed: {  	_ =	sdelay $0x2  }
0xee: {  	s10 =	sadd.s32 $0x400, s10;
	s11 =	sadd.s32 s11, s12  }
0xef: {  	[hbm4b:s11+s1] =	stream.linear.scatter [tilespmem:s8], [sflag:$0x3], $0x80, $0x38;
	[tilespmem:$0x13600] =	vst v63  }
0xf0: {  	s8 =	simm.s32 $0x3780;
	s12 =	rddreg [dreg:$0x8]  }
0xf1: {  	s9 =	simm.s32 $0x10;
	s10 =	simm.s32 $0x3B80;
	s11 =	sadd.s32 $0x0, s12  }
.LBB2_16:
0xf2: {  	[hbm4b:s11+s1] =	stream.linear.scatter [tilespmem:s8], [sflag:$0x3], $0x80, $0x38;
	[tilespmem:$0x13600] =	vst v63  }
0xf3: {  	s11 =	smov.u32 s9;
	s8 =	smov.u32 s10;
	p0 =	sne.s32 s9, $0x1F0  }
.Ltmp7:
0xf4: {  	s9 =	sadd.s32 $0x10, s9;
	(pc) =	sbr.rel @p0 .LBB2_16-.Ltmp7, $2  }
0xf5: {  	_ =	sdelay $0x2  }
0xf6: {  	s10 =	sadd.s32 $0x400, s10;
	s11 =	sadd.s32 s11, s12  }
0xf7: {  	[hbm4b:s11+s1] =	stream.linear.scatter [tilespmem:s8], [sflag:$0x3], $0x80, $0x38;
	[tilespmem:$0x13600] =	vst v63  }
0xf8: {  	s8 =	simm.s32 $0x3800;
	s12 =	rddreg [dreg:$0x9]  }
0xf9: {  	s9 =	simm.s32 $0x10;
	s10 =	simm.s32 $0x3C00;
	s11 =	sadd.s32 $0x0, s12  }
.LBB2_18:
0xfa: {  	[hbm4b:s11+s1] =	stream.linear.scatter [tilespmem:s8], [sflag:$0x3], $0x80, $0x38;
	[tilespmem:$0x13600] =	vst v63  }
0xfb: {  	s11 =	smov.u32 s9;
	s8 =	smov.u32 s10;
	p0 =	sne.s32 s9, $0x1F0  }
.Ltmp8:
0xfc: {  	s9 =	sadd.s32 $0x10, s9;
	(pc) =	sbr.rel @p0 .LBB2_18-.Ltmp8, $2  }
0xfd: {  	_ =	sdelay $0x2  }
0xfe: {  	s10 =	sadd.s32 $0x400, s10;
	s11 =	sadd.s32 s11, s12  }
0xff: {  	[hbm4b:s11+s1] =	stream.linear.scatter [tilespmem:s8], [sflag:$0x3], $0x80, $0x38;
	[tilespmem:$0x13600] =	vst v63  }
0x100: {  	s8 =	simm.s32 $0x3880;
	s12 =	rddreg [dreg:$0xa]  }
0x101: {  	s9 =	simm.s32 $0x10;
	s10 =	simm.s32 $0x3C80;
	s11 =	sadd.s32 $0x0, s12  }
.LBB2_20:
0x102: {  	[hbm4b:s11+s1] =	stream.linear.scatter [tilespmem:s8], [sflag:$0x3], $0x80, $0x38;
	[tilespmem:$0x13600] =	vst v63  }
0x103: {  	s11 =	smov.u32 s9;
	s8 =	smov.u32 s10;
	p0 =	sne.s32 s9, $0x1F0  }
.Ltmp9:
0x104: {  	s9 =	sadd.s32 $0x10, s9;
	(pc) =	sbr.rel @p0 .LBB2_20-.Ltmp9, $2  }
0x105: {  	_ =	sdelay $0x2  }
0x106: {  	s10 =	sadd.s32 $0x400, s10;
	s11 =	sadd.s32 s11, s12  }
0x107: {  	[hbm4b:s11+s1] =	stream.linear.scatter [tilespmem:s8], [sflag:$0x3], $0x80, $0x38;
	[tilespmem:$0x13600] =	vst v63  }
0x108: {  	s8 =	simm.s32 $0x3900  }
0x109: {  	s9 =	simm.s32 $0x10;
	s11 =	sadd.s32 $0x0, s13;
	s10 =	simm.s32 $0x3D00  }
.LBB2_22:
0x10a: {  	[hbm4b:s11+s1] =	stream.linear.scatter [tilespmem:s8], [sflag:$0x3], $0x80, $0x38;
	[tilespmem:$0x13600] =	vst v63  }
0x10b: {  	s11 =	smov.u32 s9;
	s8 =	smov.u32 s10;
	p0 =	sne.s32 s9, $0x1F0  }
.Ltmp10:
0x10c: {  	s9 =	sadd.s32 $0x10, s9;
	(pc) =	sbr.rel @p0 .LBB2_22-.Ltmp10, $2  }
0x10d: {  	_ =	sdelay $0x2  }
0x10e: {  	s10 =	sadd.s32 $0x400, s10;
	s11 =	sadd.s32 s11, s13  }
0x10f: {  	[hbm4b:s11+s1] =	stream.linear.scatter [tilespmem:s8], [sflag:$0x3], $0x80, $0x38;
	[tilespmem:$0x13600] =	vst v63  }
0x110: {  	s8 =	simm.s32 $0x3980;
	s9 =	simm.s32 $0x10;
	s14 =	rddreg [dreg:$0xe]  }
0x111: {  	s10 =	simm.s32 $0x3D80;
	s12 =	rddreg [dreg:$0xb];
	s11 =	sadd.s32 $0x0, s14  }
.LBB2_24:
0x112: {  	[hbm4b:s11+s1] =	stream.linear.scatter [tilespmem:s8], [sflag:$0x3], $0x80, $0x38;
	[tilespmem:$0x13600] =	vst v63  }
0x113: {  	s11 =	smov.u32 s9;
	s8 =	smov.u32 s10;
	p0 =	sne.s32 s9, $0x1F0  }
.Ltmp11:
0x114: {  	s9 =	sadd.s32 $0x10, s9;
	(pc) =	sbr.rel @p0 .LBB2_24-.Ltmp11, $2  }
0x115: {  	_ =	sdelay $0x2  }
0x116: {  	s10 =	sadd.s32 $0x400, s10;
	s11 =	sadd.s32 s11, s14  }
0x117: {  	[hbm4b:s11+s1] =	stream.linear.scatter [tilespmem:s8], [sflag:$0x3], $0x80, $0x38;
	[tilespmem:$0x13600] =	vst v63  }
0x118: {  	s8 =	simm.s32 $0x0  }
0x119: {  	s9 =	simm.s32 $0x19;
	s11 =	sadd.s32 $0x0, s12;
	s10 =	simm.s32 $0xD8  }
.LBB2_26:
0x11a: {  	[tilespmem:s8], [sflag:$0x1] =	stream.linear.gather [hbm4b:s11+s1], $0xC8, $0x38;
	[tilespmem:$0x13600] =	vst v63  }
0x11b: {  	s11 =	smov.u32 s9;
	s8 =	smov.u32 s10;
	p0 =	sne.s32 s9, $0x307  }
.Ltmp12:
0x11c: {  	s9 =	sadd.s32 $0x19, s9;
	(pc) =	sbr.rel @p0 .LBB2_26-.Ltmp12, $2  }
0x11d: {  	_ =	sdelay $0x2  }
0x11e: {  	s10 =	sadd.s32 $0xD8, s10;
	s11 =	sadd.s32 s11, s12  }
0x11f: {  	[tilespmem:s8], [sflag:$0x1] =	stream.linear.gather [hbm4b:s11+s1], $0xC8, $0x38;
	[tilespmem:$0x13600] =	vst v63  }
0x120: {  	s14 =	simm.s32 $0x2  }
0x121: {  	_ =	swait.ge [sflag:s14], $0x1900  }
0x122: {  	s8 =	simm.s32 $0x0;
	[sflag:s14] =	ssyncset.done $0x0  }
0x123: {  	s9 =	simm.s32 $0x1000;
	[sflag:s14] =	ssyncadd.s32 $0xFFFFE700;
	s14 =	rddreg [dreg:$0xf]  }
.LBB2_28:
0x124: {  	p0 =	sne.s32 s9, $0x1F000;
	[tilespmem:s8+$0xB9F0] =	vst v2  }
0x125: {  	[tilespmem:s8+$0xB600] =	vst v2  }
0x126: {  	[tilespmem:s8+$0xB610] =	vst v2  }
0x127: {  	[tilespmem:s8+$0xB620] =	vst v2  }
0x128: {  	[tilespmem:s8+$0xB630] =	vst v2  }
0x129: {  	[tilespmem:s8+$0xB640] =	vst v2  }
0x12a: {  	[tilespmem:s8+$0xB650] =	vst v2  }
0x12b: {  	[tilespmem:s8+$0xB660] =	vst v2  }
0x12c: {  	[tilespmem:s8+$0xB670] =	vst v2  }
0x12d: {  	[tilespmem:s8+$0xB680] =	vst v2  }
0x12e: {  	[tilespmem:s8+$0xB690] =	vst v2  }
0x12f: {  	[tilespmem:s8+$0xB6A0] =	vst v2  }
0x130: {  	[tilespmem:s8+$0xB6B0] =	vst v2  }
0x131: {  	[tilespmem:s8+$0xB6C0] =	vst v2  }
0x132: {  	[tilespmem:s8+$0xB6D0] =	vst v2  }
0x133: {  	[tilespmem:s8+$0xB6E0] =	vst v2  }
0x134: {  	[tilespmem:s8+$0xB6F0] =	vst v2  }
0x135: {  	[tilespmem:s8+$0xB700] =	vst v2  }
0x136: {  	[tilespmem:s8+$0xB710] =	vst v2  }
0x137: {  	[tilespmem:s8+$0xB720] =	vst v2  }
0x138: {  	[tilespmem:s8+$0xB730] =	vst v2  }
0x139: {  	[tilespmem:s8+$0xB740] =	vst v2  }
0x13a: {  	[tilespmem:s8+$0xB750] =	vst v2  }
0x13b: {  	[tilespmem:s8+$0xB760] =	vst v2  }
0x13c: {  	[tilespmem:s8+$0xB770] =	vst v2  }
0x13d: {  	[tilespmem:s8+$0xB780] =	vst v2  }
0x13e: {  	[tilespmem:s8+$0xB790] =	vst v2  }
0x13f: {  	[tilespmem:s8+$0xB7A0] =	vst v2  }
0x140: {  	[tilespmem:s8+$0xB7B0] =	vst v2  }
0x141: {  	[tilespmem:s8+$0xB7C0] =	vst v2  }
0x142: {  	[tilespmem:s8+$0xB7D0] =	vst v2  }
0x143: {  	[tilespmem:s8+$0xB7E0] =	vst v2  }
0x144: {  	[tilespmem:s8+$0xB7F0] =	vst v2  }
0x145: {  	[tilespmem:s8+$0xB800] =	vst v2  }
0x146: {  	[tilespmem:s8+$0xB810] =	vst v2  }
0x147: {  	[tilespmem:s8+$0xB820] =	vst v2  }
0x148: {  	[tilespmem:s8+$0xB830] =	vst v2  }
0x149: {  	[tilespmem:s8+$0xB840] =	vst v2  }
0x14a: {  	[tilespmem:s8+$0xB850] =	vst v2  }
0x14b: {  	[tilespmem:s8+$0xB860] =	vst v2  }
0x14c: {  	[tilespmem:s8+$0xB870] =	vst v2  }
0x14d: {  	[tilespmem:s8+$0xB880] =	vst v2  }
0x14e: {  	[tilespmem:s8+$0xB890] =	vst v2  }
0x14f: {  	[tilespmem:s8+$0xB8A0] =	vst v2  }
0x150: {  	[tilespmem:s8+$0xB8B0] =	vst v2  }
0x151: {  	[tilespmem:s8+$0xB8C0] =	vst v2  }
0x152: {  	[tilespmem:s8+$0xB8D0] =	vst v2  }
0x153: {  	[tilespmem:s8+$0xB8E0] =	vst v2  }
0x154: {  	[tilespmem:s8+$0xB8F0] =	vst v2  }
0x155: {  	[tilespmem:s8+$0xB900] =	vst v2  }
0x156: {  	[tilespmem:s8+$0xB910] =	vst v2  }
0x157: {  	[tilespmem:s8+$0xB920] =	vst v2  }
0x158: {  	[tilespmem:s8+$0xB930] =	vst v2  }
0x159: {  	[tilespmem:s8+$0xB940] =	vst v2  }
0x15a: {  	[tilespmem:s8+$0xB950] =	vst v2  }
0x15b: {  	[tilespmem:s8+$0xB960] =	vst v2  }
0x15c: {  	[tilespmem:s8+$0xB970] =	vst v2  }
0x15d: {  	[tilespmem:s8+$0xB980] =	vst v2  }
0x15e: {  	[tilespmem:s8+$0xB990] =	vst v2  }
.Ltmp13:
0x15f: {  	[tilespmem:s8+$0xB9A0] =	vst v2;
	(pc) =	sbr.rel @p0 .LBB2_28-.Ltmp13, $4  }
0x160: {  	[tilespmem:s8+$0xB9B0] =	vst v2  }
0x161: {  	[tilespmem:s8+$0xB9C0] =	vst v2  }
0x162: {  	[tilespmem:s8+$0xB9D0] =	vst v2  }
0x163: {  	[tilespmem:s8+$0xB9E0] =	vst v2;
	s8 =	sshra.s32 s9, $0x2;
	s9 =	sadd.s32 $0x1000, s9  }
0x164: {  	[tilespmem:s8+$0xB9F0] =	vst v2  }
0x165: {  	[tilespmem:s8+$0xB600] =	vst v2  }
0x166: {  	[tilespmem:s8+$0xB610] =	vst v2  }
0x167: {  	[tilespmem:s8+$0xB620] =	vst v2  }
0x168: {  	[tilespmem:s8+$0xB630] =	vst v2  }
0x169: {  	[tilespmem:s8+$0xB640] =	vst v2  }
0x16a: {  	[tilespmem:s8+$0xB650] =	vst v2  }
0x16b: {  	[tilespmem:s8+$0xB660] =	vst v2  }
0x16c: {  	[tilespmem:s8+$0xB670] =	vst v2  }
0x16d: {  	[tilespmem:s8+$0xB680] =	vst v2  }
0x16e: {  	[tilespmem:s8+$0xB690] =	vst v2  }
0x16f: {  	[tilespmem:s8+$0xB6A0] =	vst v2  }
0x170: {  	[tilespmem:s8+$0xB6B0] =	vst v2  }
0x171: {  	[tilespmem:s8+$0xB6C0] =	vst v2  }
0x172: {  	[tilespmem:s8+$0xB6D0] =	vst v2  }
0x173: {  	[tilespmem:s8+$0xB6E0] =	vst v2  }
0x174: {  	[tilespmem:s8+$0xB6F0] =	vst v2  }
0x175: {  	[tilespmem:s8+$0xB700] =	vst v2  }
0x176: {  	[tilespmem:s8+$0xB710] =	vst v2  }
0x177: {  	[tilespmem:s8+$0xB720] =	vst v2  }
0x178: {  	[tilespmem:s8+$0xB730] =	vst v2  }
0x179: {  	[tilespmem:s8+$0xB740] =	vst v2  }
0x17a: {  	[tilespmem:s8+$0xB750] =	vst v2  }
0x17b: {  	[tilespmem:s8+$0xB760] =	vst v2  }
0x17c: {  	[tilespmem:s8+$0xB770] =	vst v2  }
0x17d: {  	[tilespmem:s8+$0xB780] =	vst v2  }
0x17e: {  	[tilespmem:s8+$0xB790] =	vst v2  }
0x17f: {  	[tilespmem:s8+$0xB7A0] =	vst v2  }
0x180: {  	[tilespmem:s8+$0xB7B0] =	vst v2  }
0x181: {  	[tilespmem:s8+$0xB7C0] =	vst v2  }
0x182: {  	[tilespmem:s8+$0xB7D0] =	vst v2  }
0x183: {  	[tilespmem:s8+$0xB7E0] =	vst v2  }
0x184: {  	[tilespmem:s8+$0xB7F0] =	vst v2  }
0x185: {  	[tilespmem:s8+$0xB800] =	vst v2  }
0x186: {  	[tilespmem:s8+$0xB810] =	vst v2  }
0x187: {  	[tilespmem:s8+$0xB820] =	vst v2  }
0x188: {  	[tilespmem:s8+$0xB830] =	vst v2  }
0x189: {  	[tilespmem:s8+$0xB840] =	vst v2  }
0x18a: {  	[tilespmem:s8+$0xB850] =	vst v2  }
0x18b: {  	[tilespmem:s8+$0xB860] =	vst v2  }
0x18c: {  	[tilespmem:s8+$0xB870] =	vst v2  }
0x18d: {  	[tilespmem:s8+$0xB880] =	vst v2  }
0x18e: {  	[tilespmem:s8+$0xB890] =	vst v2  }
0x18f: {  	[tilespmem:s8+$0xB8A0] =	vst v2  }
0x190: {  	[tilespmem:s8+$0xB8B0] =	vst v2  }
0x191: {  	[tilespmem:s8+$0xB8C0] =	vst v2  }
0x192: {  	[tilespmem:s8+$0xB8D0] =	vst v2  }
0x193: {  	[tilespmem:s8+$0xB8E0] =	vst v2  }
0x194: {  	[tilespmem:s8+$0xB8F0] =	vst v2  }
0x195: {  	[tilespmem:s8+$0xB900] =	vst v2  }
0x196: {  	[tilespmem:s8+$0xB910] =	vst v2  }
0x197: {  	[tilespmem:s8+$0xB920] =	vst v2  }
0x198: {  	[tilespmem:s8+$0xB930] =	vst v2  }
0x199: {  	[tilespmem:s8+$0xB940] =	vst v2  }
0x19a: {  	[tilespmem:s8+$0xB950] =	vst v2  }
0x19b: {  	[tilespmem:s8+$0xB960] =	vst v2  }
0x19c: {  	[tilespmem:s8+$0xB970] =	vst v2  }
0x19d: {  	[tilespmem:s8+$0xB980] =	vst v2  }
0x19e: {  	[tilespmem:s8+$0xB990] =	vst v2  }
0x19f: {  	[tilespmem:s8+$0xB9A0] =	vst v2  }
0x1a0: {  	[tilespmem:s8+$0xB9B0] =	vst v2  }
0x1a1: {  	[tilespmem:s8+$0xB9C0] =	vst v2  }
0x1a2: {  	[tilespmem:s8+$0xB9D0] =	vst v2  }
0x1a3: {  	[tilespmem:s8+$0xB9E0] =	vst v2;
	v6 =	vimm.s32 $0x0;
	s8 =	simm.s32 $0x32;
	s9 =	simm.s32 $0x1B00;
	s10 =	simm.s32 $0xB600  }
.LBB2_30:
0x1a4: {  	v7 =	vand.u32 $0xFFFFFFF8, v6  }
0x1a5: {  	v8 =	vand.u32 $0x4, v6;
	v9 =	vadd.s32 v0, v7  }
0x1a6: {  	v10 =	vor.u32 v8, v9;
	_ =	sdelay $0x4  }
0x1a7: {  	v10 =	vld.idx.msk [tilespmem:v10+s9+$0x0], $0xffff;
	_ =	sdelay $0x4  }
0x1a8: {  	v7 =	vadd.s32 v4, v7;
	v10 =	vadd.s32 v1, v10  }
0x1a9: {  	v11 =	vor.u32 v8, v7;
	_ =	sdelay $0x3  }
0x1aa: {  	[tilespmem:v10+s10+$0x0] =	vst.idx.add.f32.msk $0xffff, v3  }
0x1ab: {  	v10 =	vld.idx.msk [tilespmem:v11+s9+$0x0], $0xffff;
	_ =	sdelay $0x4  }
0x1ac: {  	v61 =	vor.u32 $0x1, v8;
	v10 =	vadd.s32 v5, v10  }
0x1ad: {  	v12 =	vor.u32 v61, v9;
	_ =	sdelay $0x3  }
0x1ae: {  	[tilespmem:v10+s10+$0x0] =	vst.idx.add.f32.msk $0xffff, v3  }
0x1af: {  	v10 =	vld.idx.msk [tilespmem:v12+s9+$0x0], $0xffff;
	_ =	sdelay $0x4  }
0x1b0: {  	v10 =	vadd.s32 v1, v10  }
0x1b1: {  	v11 =	vor.u32 v61, v7;
	_ =	sdelay $0x3  }
0x1b2: {  	[tilespmem:v10+s10+$0x0] =	vst.idx.add.f32.msk $0xffff, v3  }
0x1b3: {  	v10 =	vld.idx.msk [tilespmem:v11+s9+$0x0], $0xffff;
	_ =	sdelay $0x4  }
0x1b4: {  	v62 =	vor.u32 $0x2, v8;
	v10 =	vadd.s32 v5, v10  }
0x1b5: {  	v63 =	vor.u32 v62, v9;
	_ =	sdelay $0x3  }
0x1b6: {  	[tilespmem:v10+s10+$0x0] =	vst.idx.add.f32.msk $0xffff, v3  }
0x1b7: {  	v10 =	vld.idx.msk [tilespmem:v63+s9+$0x0], $0xffff;
	_ =	sdelay $0x4  }
0x1b8: {  	v10 =	vadd.s32 v1, v10  }
0x1b9: {  	v11 =	vor.u32 v62, v7;
	_ =	sdelay $0x3  }
0x1ba: {  	[tilespmem:v10+s10+$0x0] =	vst.idx.add.f32.msk $0xffff, v3  }
0x1bb: {  	v10 =	vld.idx.msk [tilespmem:v11+s9+$0x0], $0xffff;
	_ =	sdelay $0x4  }
0x1bc: {  	v8 =	vor.u32 $0x3, v8;
	v10 =	vadd.s32 v5, v10  }
0x1bd: {  	v9 =	vor.u32 v8, v9;
	_ =	sdelay $0x3  }
0x1be: {  	[tilespmem:v10+s10+$0x0] =	vst.idx.add.f32.msk $0xffff, v3  }
0x1bf: {  	v9 =	vld.idx.msk [tilespmem:v9+s9+$0x0], $0xffff;
	_ =	sdelay $0x4  }
0x1c0: {  	v9 =	vadd.s32 v1, v9  }
0x1c1: {  	v7 =	vor.u32 v8, v7;
	_ =	sdelay $0x3  }
0x1c2: {  	[tilespmem:v9+s10+$0x0] =	vst.idx.add.f32.msk $0xffff, v3  }
0x1c3: {  	v7 =	vld.idx.msk [tilespmem:v7+s9+$0x0], $0xffff;
	_ =	sdelay $0x4  }
0x1c4: {  	p0 =	sne.s32 s8, $0x1;
	v7 =	vadd.s32 v5, v7  }
.Ltmp14:
0x1c5: {  	_ = 	snop;
	(pc) =	sbr.rel @p0 .LBB2_30-.Ltmp14, $2  }
0x1c6: {  	_ =	sdelay $0x2  }
0x1c7: {  	v6 =	vadd.s32 $0x4, v6;
	s8 =	sadd.s32 $0xFFFFFFFF, s8;
	[tilespmem:v7+s10+$0x0] =	vst.idx.add.f32.msk $0xffff, v3  }
0x1c8: {  	s8 =	simm.s32 $0xB600  }
0x1c9: {  	s9 =	simm.s32 $0x10;
	s11 =	sadd.s32 $0x0, s14;
	s10 =	simm.s32 $0xBA00  }
.LBB2_32:
0x1ca: {  	[hbm4b:s11+s1] =	stream.linear.scatter [tilespmem:s8], [sflag:$0x4], $0x80, $0x38;
	[tilespmem:$0x13600] =	vst v63  }
0x1cb: {  	s11 =	smov.u32 s9;
	s8 =	smov.u32 s10;
	p0 =	sne.s32 s9, $0x1F0  }
.Ltmp15:
0x1cc: {  	s9 =	sadd.s32 $0x10, s9;
	(pc) =	sbr.rel @p0 .LBB2_32-.Ltmp15, $2  }
0x1cd: {  	_ =	sdelay $0x2  }
0x1ce: {  	s10 =	sadd.s32 $0x400, s10;
	s11 =	sadd.s32 s11, s14  }
0x1cf: {  	[hbm4b:s11+s1] =	stream.linear.scatter [tilespmem:s8], [sflag:$0x4], $0x80, $0x38;
	[tilespmem:$0x13600] =	vst v63  }
0x1d0: {  	s8 =	simm.s32 $0xB680  }
0x1d1: {  	s9 =	simm.s32 $0x10;
	s11 =	sadd.s32 $0x0, s15;
	s10 =	simm.s32 $0xBA80  }
.LBB2_34:
0x1d2: {  	[hbm4b:s11+s1] =	stream.linear.scatter [tilespmem:s8], [sflag:$0x4], $0x80, $0x38;
	[tilespmem:$0x13600] =	vst v63  }
0x1d3: {  	s11 =	smov.u32 s9;
	s8 =	smov.u32 s10;
	p0 =	sne.s32 s9, $0x1F0  }
.Ltmp16:
0x1d4: {  	s9 =	sadd.s32 $0x10, s9;
	(pc) =	sbr.rel @p0 .LBB2_34-.Ltmp16, $2  }
0x1d5: {  	_ =	sdelay $0x2  }
0x1d6: {  	s10 =	sadd.s32 $0x400, s10;
	s11 =	sadd.s32 s11, s15  }
0x1d7: {  	[hbm4b:s11+s1] =	stream.linear.scatter [tilespmem:s8], [sflag:$0x4], $0x80, $0x38;
	[tilespmem:$0x13600] =	vst v63  }
0x1d8: {  	s8 =	simm.s32 $0xB700  }
0x1d9: {  	s9 =	simm.s32 $0x10;
	s11 =	sadd.s32 $0x0, s16;
	s10 =	simm.s32 $0xBB00  }
.LBB2_36:
0x1da: {  	[hbm4b:s11+s1] =	stream.linear.scatter [tilespmem:s8], [sflag:$0x4], $0x80, $0x38;
	[tilespmem:$0x13600] =	vst v63  }
0x1db: {  	s11 =	smov.u32 s9;
	s8 =	smov.u32 s10;
	p0 =	sne.s32 s9, $0x1F0  }
.Ltmp17:
0x1dc: {  	s9 =	sadd.s32 $0x10, s9;
	(pc) =	sbr.rel @p0 .LBB2_36-.Ltmp17, $2  }
0x1dd: {  	_ =	sdelay $0x2  }
0x1de: {  	s10 =	sadd.s32 $0x400, s10;
	s11 =	sadd.s32 s11, s16  }
0x1df: {  	[hbm4b:s11+s1] =	stream.linear.scatter [tilespmem:s8], [sflag:$0x4], $0x80, $0x38;
	[tilespmem:$0x13600] =	vst v63  }
0x1e0: {  	s8 =	simm.s32 $0xB780  }
0x1e1: {  	s9 =	simm.s32 $0x10;
	s11 =	sadd.s32 $0x0, s17;
	s10 =	simm.s32 $0xBB80  }
.LBB2_38:
0x1e2: {  	[hbm4b:s11+s1] =	stream.linear.scatter [tilespmem:s8], [sflag:$0x4], $0x80, $0x38;
	[tilespmem:$0x13600] =	vst v63  }
0x1e3: {  	s11 =	smov.u32 s9;
	s8 =	smov.u32 s10;
	p0 =	sne.s32 s9, $0x1F0  }
.Ltmp18:
0x1e4: {  	s9 =	sadd.s32 $0x10, s9;
	(pc) =	sbr.rel @p0 .LBB2_38-.Ltmp18, $2  }
0x1e5: {  	_ =	sdelay $0x2  }
0x1e6: {  	s10 =	sadd.s32 $0x400, s10;
	s11 =	sadd.s32 s11, s17  }
0x1e7: {  	[hbm4b:s11+s1] =	stream.linear.scatter [tilespmem:s8], [sflag:$0x4], $0x80, $0x38;
	[tilespmem:$0x13600] =	vst v63  }
0x1e8: {  	s8 =	simm.s32 $0xB800  }
0x1e9: {  	s9 =	simm.s32 $0x10;
	s11 =	sadd.s32 $0x0, s18;
	s10 =	simm.s32 $0xBC00  }
.LBB2_40:
0x1ea: {  	[hbm4b:s11+s1] =	stream.linear.scatter [tilespmem:s8], [sflag:$0x4], $0x80, $0x38;
	[tilespmem:$0x13600] =	vst v63  }
0x1eb: {  	s11 =	smov.u32 s9;
	s8 =	smov.u32 s10;
	p0 =	sne.s32 s9, $0x1F0  }
.Ltmp19:
0x1ec: {  	s9 =	sadd.s32 $0x10, s9;
	(pc) =	sbr.rel @p0 .LBB2_40-.Ltmp19, $2  }
0x1ed: {  	_ =	sdelay $0x2  }
0x1ee: {  	s10 =	sadd.s32 $0x400, s10;
	s11 =	sadd.s32 s11, s18  }
0x1ef: {  	[hbm4b:s11+s1] =	stream.linear.scatter [tilespmem:s8], [sflag:$0x4], $0x80, $0x38;
	[tilespmem:$0x13600] =	vst v63  }
0x1f0: {  	s8 =	simm.s32 $0xB880  }
0x1f1: {  	s9 =	simm.s32 $0x10;
	s11 =	sadd.s32 $0x0, s19;
	s10 =	simm.s32 $0xBC80  }
.LBB2_42:
0x1f2: {  	[hbm4b:s11+s1] =	stream.linear.scatter [tilespmem:s8], [sflag:$0x4], $0x80, $0x38;
	[tilespmem:$0x13600] =	vst v63  }
0x1f3: {  	s11 =	smov.u32 s9;
	s8 =	smov.u32 s10;
	p0 =	sne.s32 s9, $0x1F0  }
.Ltmp20:
0x1f4: {  	s9 =	sadd.s32 $0x10, s9;
	(pc) =	sbr.rel @p0 .LBB2_42-.Ltmp20, $2  }
0x1f5: {  	_ =	sdelay $0x2  }
0x1f6: {  	s10 =	sadd.s32 $0x400, s10;
	s11 =	sadd.s32 s11, s19  }
0x1f7: {  	[hbm4b:s11+s1] =	stream.linear.scatter [tilespmem:s8], [sflag:$0x4], $0x80, $0x38;
	[tilespmem:$0x13600] =	vst v63  }
0x1f8: {  	s8 =	simm.s32 $0xB900  }
0x1f9: {  	s9 =	simm.s32 $0x10;
	s11 =	sadd.s32 $0x0, s20;
	s10 =	simm.s32 $0xBD00  }
.LBB2_44:
0x1fa: {  	[hbm4b:s11+s1] =	stream.linear.scatter [tilespmem:s8], [sflag:$0x4], $0x80, $0x38;
	[tilespmem:$0x13600] =	vst v63  }
0x1fb: {  	s11 =	smov.u32 s9;
	s8 =	smov.u32 s10;
	p0 =	sne.s32 s9, $0x1F0  }
.Ltmp21:
0x1fc: {  	s9 =	sadd.s32 $0x10, s9;
	(pc) =	sbr.rel @p0 .LBB2_44-.Ltmp21, $2  }
0x1fd: {  	_ =	sdelay $0x2  }
0x1fe: {  	s10 =	sadd.s32 $0x400, s10;
	s11 =	sadd.s32 s11, s20  }
0x1ff: {  	[hbm4b:s11+s1] =	stream.linear.scatter [tilespmem:s8], [sflag:$0x4], $0x80, $0x38;
	[tilespmem:$0x13600] =	vst v63  }
0x200: {  	s8 =	simm.s32 $0xB980  }
0x201: {  	s9 =	simm.s32 $0x10;
	s11 =	sadd.s32 $0x0, s21;
	s10 =	simm.s32 $0xBD80  }
.LBB2_46:
0x202: {  	[hbm4b:s11+s1] =	stream.linear.scatter [tilespmem:s8], [sflag:$0x4], $0x80, $0x38;
	[tilespmem:$0x13600] =	vst v63  }
0x203: {  	s11 =	smov.u32 s9;
	s8 =	smov.u32 s10;
	p0 =	sne.s32 s9, $0x1F0  }
.Ltmp22:
0x204: {  	s9 =	sadd.s32 $0x10, s9;
	(pc) =	sbr.rel @p0 .LBB2_46-.Ltmp22, $2  }
0x205: {  	_ =	sdelay $0x2  }
0x206: {  	s10 =	sadd.s32 $0x400, s10;
	s11 =	sadd.s32 s11, s21  }
0x207: {  	[hbm4b:s11+s1] =	stream.linear.scatter [tilespmem:s8], [sflag:$0x4], $0x80, $0x38;
	[tilespmem:$0x13600] =	vst v63  }
0x208: {  	s8 =	simm.s32 $0x1B00;
	s13 =	rddreg [dreg:$0xc]  }
0x209: {  	s9 =	simm.s32 $0x19;
	s10 =	simm.s32 $0x1BD8;
	s11 =	sadd.s32 $0x0, s13  }
.LBB2_48:
0x20a: {  	[tilespmem:s8], [sflag:$0x2] =	stream.linear.gather [hbm4b:s11+s1], $0xC8, $0x38;
	[tilespmem:$0x13600] =	vst v63  }
0x20b: {  	s11 =	smov.u32 s9;
	s8 =	smov.u32 s10;
	p0 =	sne.s32 s9, $0x307  }
.Ltmp23:
0x20c: {  	s9 =	sadd.s32 $0x19, s9;
	(pc) =	sbr.rel @p0 .LBB2_48-.Ltmp23, $2  }
0x20d: {  	_ =	sdelay $0x2  }
0x20e: {  	s10 =	sadd.s32 $0xD8, s10;
	s11 =	sadd.s32 s11, s13  }
0x20f: {  	[tilespmem:s8], [sflag:$0x2] =	stream.linear.gather [hbm4b:s11+s1], $0xC8, $0x38;
	[tilespmem:$0x13600] =	vst v63  }
0x210: {  	s13 =	simm.s32 $0x1  }
0x211: {  	_ =	swait.ge [sflag:s13], $0x1900  }
0x212: {  	[sflag:s13] =	ssyncset.done $0x0  }
0x213: {  	s14 =	simm.s32 $0x3;
	[sflag:s13] =	ssyncadd.s32 $0xFFFFE700  }
0x214: {  	_ =	swait.ge [sflag:s14], $0x1000  }
0x215: {  	[sflag:s14] =	ssyncset.done $0x0  }
0x216: {  	[sflag:s14] =	ssyncadd.s32 $0xFFFFF000  }
0x217: {  	_ =	swait.ge [sflag:s14], $0x1000  }
0x218: {  	[sflag:s14] =	ssyncset.done $0x0  }
0x219: {  	[sflag:s14] =	ssyncadd.s32 $0xFFFFF000  }
0x21a: {  	_ =	swait.ge [sflag:s14], $0x1000  }
0x21b: {  	[sflag:s14] =	ssyncset.done $0x0  }
0x21c: {  	[sflag:s14] =	ssyncadd.s32 $0xFFFFF000  }
0x21d: {  	_ =	swait.ge [sflag:s14], $0x1000  }
0x21e: {  	[sflag:s14] =	ssyncset.done $0x0  }
0x21f: {  	[sflag:s14] =	ssyncadd.s32 $0xFFFFF000  }
0x220: {  	_ =	swait.ge [sflag:s14], $0x1000  }
0x221: {  	[sflag:s14] =	ssyncset.done $0x0  }
0x222: {  	[sflag:s14] =	ssyncadd.s32 $0xFFFFF000  }
0x223: {  	_ =	swait.ge [sflag:s14], $0x1000  }
0x224: {  	[sflag:s14] =	ssyncset.done $0x0  }
0x225: {  	[sflag:s14] =	ssyncadd.s32 $0xFFFFF000  }
0x226: {  	_ =	swait.ge [sflag:s14], $0x1000  }
0x227: {  	[sflag:s14] =	ssyncset.done $0x0  }
0x228: {  	[sflag:s14] =	ssyncadd.s32 $0xFFFFF000  }
0x229: {  	_ =	swait.ge [sflag:s14], $0x1000  }
0x22a: {  	[sflag:s14] =	ssyncset.done $0x0  }
0x22b: {  	s8 =	simm.s32 $0x0;
	s9 =	simm.s32 $0x1000;
	[sflag:s14] =	ssyncadd.s32 $0xFFFFF000  }
.LBB2_50:
0x22c: {  	p0 =	sne.s32 s9, $0x1F000;
	[tilespmem:s8+$0x39F0] =	vst v2  }
0x22d: {  	[tilespmem:s8+$0x3600] =	vst v2  }
0x22e: {  	[tilespmem:s8+$0x3610] =	vst v2  }
0x22f: {  	[tilespmem:s8+$0x3620] =	vst v2  }
0x230: {  	[tilespmem:s8+$0x3630] =	vst v2  }
0x231: {  	[tilespmem:s8+$0x3640] =	vst v2  }
0x232: {  	[tilespmem:s8+$0x3650] =	vst v2  }
0x233: {  	[tilespmem:s8+$0x3660] =	vst v2  }
0x234: {  	[tilespmem:s8+$0x3670] =	vst v2  }
0x235: {  	[tilespmem:s8+$0x3680] =	vst v2  }
0x236: {  	[tilespmem:s8+$0x3690] =	vst v2  }
0x237: {  	[tilespmem:s8+$0x36A0] =	vst v2  }
0x238: {  	[tilespmem:s8+$0x36B0] =	vst v2  }
0x239: {  	[tilespmem:s8+$0x36C0] =	vst v2  }
0x23a: {  	[tilespmem:s8+$0x36D0] =	vst v2  }
0x23b: {  	[tilespmem:s8+$0x36E0] =	vst v2  }
0x23c: {  	[tilespmem:s8+$0x36F0] =	vst v2  }
0x23d: {  	[tilespmem:s8+$0x3700] =	vst v2  }
0x23e: {  	[tilespmem:s8+$0x3710] =	vst v2  }
0x23f: {  	[tilespmem:s8+$0x3720] =	vst v2  }
0x240: {  	[tilespmem:s8+$0x3730] =	vst v2  }
0x241: {  	[tilespmem:s8+$0x3740] =	vst v2  }
0x242: {  	[tilespmem:s8+$0x3750] =	vst v2  }
0x243: {  	[tilespmem:s8+$0x3760] =	vst v2  }
0x244: {  	[tilespmem:s8+$0x3770] =	vst v2  }
0x245: {  	[tilespmem:s8+$0x3780] =	vst v2  }
0x246: {  	[tilespmem:s8+$0x3790] =	vst v2  }
0x247: {  	[tilespmem:s8+$0x37A0] =	vst v2  }
0x248: {  	[tilespmem:s8+$0x37B0] =	vst v2  }
0x249: {  	[tilespmem:s8+$0x37C0] =	vst v2  }
0x24a: {  	[tilespmem:s8+$0x37D0] =	vst v2  }
0x24b: {  	[tilespmem:s8+$0x37E0] =	vst v2  }
0x24c: {  	[tilespmem:s8+$0x37F0] =	vst v2  }
0x24d: {  	[tilespmem:s8+$0x3800] =	vst v2  }
0x24e: {  	[tilespmem:s8+$0x3810] =	vst v2  }
0x24f: {  	[tilespmem:s8+$0x3820] =	vst v2  }
0x250: {  	[tilespmem:s8+$0x3830] =	vst v2  }
0x251: {  	[tilespmem:s8+$0x3840] =	vst v2  }
0x252: {  	[tilespmem:s8+$0x3850] =	vst v2  }
0x253: {  	[tilespmem:s8+$0x3860] =	vst v2  }
0x254: {  	[tilespmem:s8+$0x3870] =	vst v2  }
0x255: {  	[tilespmem:s8+$0x3880] =	vst v2  }
0x256: {  	[tilespmem:s8+$0x3890] =	vst v2  }
0x257: {  	[tilespmem:s8+$0x38A0] =	vst v2  }
0x258: {  	[tilespmem:s8+$0x38B0] =	vst v2  }
0x259: {  	[tilespmem:s8+$0x38C0] =	vst v2  }
0x25a: {  	[tilespmem:s8+$0x38D0] =	vst v2  }
0x25b: {  	[tilespmem:s8+$0x38E0] =	vst v2  }
0x25c: {  	[tilespmem:s8+$0x38F0] =	vst v2  }
0x25d: {  	[tilespmem:s8+$0x3900] =	vst v2  }
0x25e: {  	[tilespmem:s8+$0x3910] =	vst v2  }
0x25f: {  	[tilespmem:s8+$0x3920] =	vst v2  }
0x260: {  	[tilespmem:s8+$0x3930] =	vst v2  }
0x261: {  	[tilespmem:s8+$0x3940] =	vst v2  }
0x262: {  	[tilespmem:s8+$0x3950] =	vst v2  }
0x263: {  	[tilespmem:s8+$0x3960] =	vst v2  }
0x264: {  	[tilespmem:s8+$0x3970] =	vst v2  }
0x265: {  	[tilespmem:s8+$0x3980] =	vst v2  }
0x266: {  	[tilespmem:s8+$0x3990] =	vst v2  }
.Ltmp24:
0x267: {  	[tilespmem:s8+$0x39A0] =	vst v2;
	(pc) =	sbr.rel @p0 .LBB2_50-.Ltmp24, $4  }
0x268: {  	[tilespmem:s8+$0x39B0] =	vst v2  }
0x269: {  	[tilespmem:s8+$0x39C0] =	vst v2  }
0x26a: {  	[tilespmem:s8+$0x39D0] =	vst v2  }
0x26b: {  	[tilespmem:s8+$0x39E0] =	vst v2;
	s8 =	sshra.s32 s9, $0x2;
	s9 =	sadd.s32 $0x1000, s9  }
0x26c: {  	[tilespmem:s8+$0x39F0] =	vst v2  }
0x26d: {  	[tilespmem:s8+$0x3600] =	vst v2  }
0x26e: {  	[tilespmem:s8+$0x3610] =	vst v2  }
0x26f: {  	[tilespmem:s8+$0x3620] =	vst v2  }
0x270: {  	[tilespmem:s8+$0x3630] =	vst v2  }
0x271: {  	[tilespmem:s8+$0x3640] =	vst v2  }
0x272: {  	[tilespmem:s8+$0x3650] =	vst v2  }
0x273: {  	[tilespmem:s8+$0x3660] =	vst v2  }
0x274: {  	[tilespmem:s8+$0x3670] =	vst v2  }
0x275: {  	[tilespmem:s8+$0x3680] =	vst v2  }
0x276: {  	[tilespmem:s8+$0x3690] =	vst v2  }
0x277: {  	[tilespmem:s8+$0x36A0] =	vst v2  }
0x278: {  	[tilespmem:s8+$0x36B0] =	vst v2  }
0x279: {  	[tilespmem:s8+$0x36C0] =	vst v2  }
0x27a: {  	[tilespmem:s8+$0x36D0] =	vst v2  }
0x27b: {  	[tilespmem:s8+$0x36E0] =	vst v2  }
0x27c: {  	[tilespmem:s8+$0x36F0] =	vst v2  }
0x27d: {  	[tilespmem:s8+$0x3700] =	vst v2  }
0x27e: {  	[tilespmem:s8+$0x3710] =	vst v2  }
0x27f: {  	[tilespmem:s8+$0x3720] =	vst v2  }
0x280: {  	[tilespmem:s8+$0x3730] =	vst v2  }
0x281: {  	[tilespmem:s8+$0x3740] =	vst v2  }
0x282: {  	[tilespmem:s8+$0x3750] =	vst v2  }
0x283: {  	[tilespmem:s8+$0x3760] =	vst v2  }
0x284: {  	[tilespmem:s8+$0x3770] =	vst v2  }
0x285: {  	[tilespmem:s8+$0x3780] =	vst v2  }
0x286: {  	[tilespmem:s8+$0x3790] =	vst v2  }
0x287: {  	[tilespmem:s8+$0x37A0] =	vst v2  }
0x288: {  	[tilespmem:s8+$0x37B0] =	vst v2  }
0x289: {  	[tilespmem:s8+$0x37C0] =	vst v2  }
0x28a: {  	[tilespmem:s8+$0x37D0] =	vst v2  }
0x28b: {  	[tilespmem:s8+$0x37E0] =	vst v2  }
0x28c: {  	[tilespmem:s8+$0x37F0] =	vst v2  }
0x28d: {  	[tilespmem:s8+$0x3800] =	vst v2  }
0x28e: {  	[tilespmem:s8+$0x3810] =	vst v2  }
0x28f: {  	[tilespmem:s8+$0x3820] =	vst v2  }
0x290: {  	[tilespmem:s8+$0x3830] =	vst v2  }
0x291: {  	[tilespmem:s8+$0x3840] =	vst v2  }
0x292: {  	[tilespmem:s8+$0x3850] =	vst v2  }
0x293: {  	[tilespmem:s8+$0x3860] =	vst v2  }
0x294: {  	[tilespmem:s8+$0x3870] =	vst v2  }
0x295: {  	[tilespmem:s8+$0x3880] =	vst v2  }
0x296: {  	[tilespmem:s8+$0x3890] =	vst v2  }
0x297: {  	[tilespmem:s8+$0x38A0] =	vst v2  }
0x298: {  	[tilespmem:s8+$0x38B0] =	vst v2  }
0x299: {  	[tilespmem:s8+$0x38C0] =	vst v2  }
0x29a: {  	[tilespmem:s8+$0x38D0] =	vst v2  }
0x29b: {  	[tilespmem:s8+$0x38E0] =	vst v2  }
0x29c: {  	[tilespmem:s8+$0x38F0] =	vst v2  }
0x29d: {  	[tilespmem:s8+$0x3900] =	vst v2  }
0x29e: {  	[tilespmem:s8+$0x3910] =	vst v2  }
0x29f: {  	[tilespmem:s8+$0x3920] =	vst v2  }
0x2a0: {  	[tilespmem:s8+$0x3930] =	vst v2  }
0x2a1: {  	[tilespmem:s8+$0x3940] =	vst v2  }
0x2a2: {  	[tilespmem:s8+$0x3950] =	vst v2  }
0x2a3: {  	[tilespmem:s8+$0x3960] =	vst v2  }
0x2a4: {  	[tilespmem:s8+$0x3970] =	vst v2  }
0x2a5: {  	[tilespmem:s8+$0x3980] =	vst v2  }
0x2a6: {  	[tilespmem:s8+$0x3990] =	vst v2  }
0x2a7: {  	[tilespmem:s8+$0x39A0] =	vst v2  }
0x2a8: {  	[tilespmem:s8+$0x39B0] =	vst v2  }
0x2a9: {  	[tilespmem:s8+$0x39C0] =	vst v2  }
0x2aa: {  	[tilespmem:s8+$0x39D0] =	vst v2  }
0x2ab: {  	[tilespmem:s8+$0x39E0] =	vst v2;
	v6 =	vimm.s32 $0x0;
	s8 =	simm.s32 $0x32;
	s13 =	rddreg [dreg:$0xd];
	s9 =	simm.s32 $0x3600  }
.LBB2_52:
0x2ac: {  	v7 =	vand.u32 $0xFFFFFFF8, v6  }
0x2ad: {  	v8 =	vand.u32 $0x4, v6;
	v9 =	vadd.s32 v0, v7  }
0x2ae: {  	v10 =	vor.u32 v8, v9;
	_ =	sdelay $0x4  }
0x2af: {  	v10 =	vld.idx.msk [tilespmem:v10+s1+$0x0], $0xffff;
	_ =	sdelay $0x4  }
0x2b0: {  	v7 =	vadd.s32 v4, v7;
	v10 =	vadd.s32 v1, v10  }
0x2b1: {  	v11 =	vor.u32 v8, v7;
	_ =	sdelay $0x3  }
0x2b2: {  	[tilespmem:v10+s9+$0x0] =	vst.idx.add.f32.msk $0xffff, v3  }
0x2b3: {  	v10 =	vld.idx.msk [tilespmem:v11+s1+$0x0], $0xffff;
	_ =	sdelay $0x4  }
0x2b4: {  	v61 =	vor.u32 $0x1, v8;
	v10 =	vadd.s32 v5, v10  }
0x2b5: {  	v12 =	vor.u32 v61, v9;
	_ =	sdelay $0x3  }
0x2b6: {  	[tilespmem:v10+s9+$0x0] =	vst.idx.add.f32.msk $0xffff, v3  }
0x2b7: {  	v10 =	vld.idx.msk [tilespmem:v12+s1+$0x0], $0xffff;
	_ =	sdelay $0x4  }
0x2b8: {  	v10 =	vadd.s32 v1, v10  }
0x2b9: {  	v11 =	vor.u32 v61, v7;
	_ =	sdelay $0x3  }
0x2ba: {  	[tilespmem:v10+s9+$0x0] =	vst.idx.add.f32.msk $0xffff, v3  }
0x2bb: {  	v10 =	vld.idx.msk [tilespmem:v11+s1+$0x0], $0xffff;
	_ =	sdelay $0x4  }
0x2bc: {  	v62 =	vor.u32 $0x2, v8;
	v10 =	vadd.s32 v5, v10  }
0x2bd: {  	v63 =	vor.u32 v62, v9;
	_ =	sdelay $0x3  }
0x2be: {  	[tilespmem:v10+s9+$0x0] =	vst.idx.add.f32.msk $0xffff, v3  }
0x2bf: {  	v10 =	vld.idx.msk [tilespmem:v63+s1+$0x0], $0xffff;
	_ =	sdelay $0x4  }
0x2c0: {  	v10 =	vadd.s32 v1, v10  }
0x2c1: {  	v11 =	vor.u32 v62, v7;
	_ =	sdelay $0x3  }
0x2c2: {  	[tilespmem:v10+s9+$0x0] =	vst.idx.add.f32.msk $0xffff, v3  }
0x2c3: {  	v10 =	vld.idx.msk [tilespmem:v11+s1+$0x0], $0xffff;
	_ =	sdelay $0x4  }
0x2c4: {  	v8 =	vor.u32 $0x3, v8;
	v10 =	vadd.s32 v5, v10  }
0x2c5: {  	v9 =	vor.u32 v8, v9;
	_ =	sdelay $0x3  }
0x2c6: {  	[tilespmem:v10+s9+$0x0] =	vst.idx.add.f32.msk $0xffff, v3  }
0x2c7: {  	v9 =	vld.idx.msk [tilespmem:v9+s1+$0x0], $0xffff;
	_ =	sdelay $0x4  }
0x2c8: {  	v9 =	vadd.s32 v1, v9  }
0x2c9: {  	v7 =	vor.u32 v8, v7;
	_ =	sdelay $0x3  }
0x2ca: {  	[tilespmem:v9+s9+$0x0] =	vst.idx.add.f32.msk $0xffff, v3  }
0x2cb: {  	v7 =	vld.idx.msk [tilespmem:v7+s1+$0x0], $0xffff;
	_ =	sdelay $0x4  }
0x2cc: {  	p0 =	sne.s32 s8, $0x1;
	v7 =	vadd.s32 v5, v7  }
.Ltmp25:
0x2cd: {  	_ = 	snop;
	(pc) =	sbr.rel @p0 .LBB2_52-.Ltmp25, $2  }
0x2ce: {  	_ =	sdelay $0x2  }
0x2cf: {  	v6 =	vadd.s32 $0x4, v6;
	s8 =	sadd.s32 $0xFFFFFFFF, s8;
	[tilespmem:v7+s9+$0x0] =	vst.idx.add.f32.msk $0xffff, v3  }
0x2d0: {  	s8 =	simm.s32 $0x3600  }
0x2d1: {  	s9 =	simm.s32 $0x10;
	s11 =	sadd.s32 $0x0, s22;
	s10 =	simm.s32 $0x3A00  }
.LBB2_54:
0x2d2: {  	[hbm4b:s11+s1] =	stream.linear.scatter [tilespmem:s8], [sflag:$0x3], $0x80, $0x38;
	[tilespmem:$0x13600] =	vst v63  }
0x2d3: {  	s11 =	smov.u32 s9;
	s8 =	smov.u32 s10;
	p0 =	sne.s32 s9, $0x1F0  }
.Ltmp26:
0x2d4: {  	s9 =	sadd.s32 $0x10, s9;
	(pc) =	sbr.rel @p0 .LBB2_54-.Ltmp26, $2  }
0x2d5: {  	_ =	sdelay $0x2  }
0x2d6: {  	s10 =	sadd.s32 $0x400, s10;
	s11 =	sadd.s32 s11, s22  }
0x2d7: {  	[hbm4b:s11+s1] =	stream.linear.scatter [tilespmem:s8], [sflag:$0x3], $0x80, $0x38;
	[tilespmem:$0x13600] =	vst v63  }
0x2d8: {  	s8 =	simm.s32 $0x3680  }
0x2d9: {  	s9 =	simm.s32 $0x10;
	s11 =	sadd.s32 $0x0, s23;
	s10 =	simm.s32 $0x3A80  }
.LBB2_56:
0x2da: {  	[hbm4b:s11+s1] =	stream.linear.scatter [tilespmem:s8], [sflag:$0x3], $0x80, $0x38;
	[tilespmem:$0x13600] =	vst v63  }
0x2db: {  	s11 =	smov.u32 s9;
	s8 =	smov.u32 s10;
	p0 =	sne.s32 s9, $0x1F0  }
.Ltmp27:
0x2dc: {  	s9 =	sadd.s32 $0x10, s9;
	(pc) =	sbr.rel @p0 .LBB2_56-.Ltmp27, $2  }
0x2dd: {  	_ =	sdelay $0x2  }
0x2de: {  	s10 =	sadd.s32 $0x400, s10;
	s11 =	sadd.s32 s11, s23  }
0x2df: {  	[hbm4b:s11+s1] =	stream.linear.scatter [tilespmem:s8], [sflag:$0x3], $0x80, $0x38;
	[tilespmem:$0x13600] =	vst v63  }
0x2e0: {  	s8 =	simm.s32 $0x3700  }
0x2e1: {  	s9 =	simm.s32 $0x10;
	s11 =	sadd.s32 $0x0, s24;
	s10 =	simm.s32 $0x3B00  }
.LBB2_58:
0x2e2: {  	[hbm4b:s11+s1] =	stream.linear.scatter [tilespmem:s8], [sflag:$0x3], $0x80, $0x38;
	[tilespmem:$0x13600] =	vst v63  }
0x2e3: {  	s11 =	smov.u32 s9;
	s8 =	smov.u32 s10;
	p0 =	sne.s32 s9, $0x1F0  }
.Ltmp28:
0x2e4: {  	s9 =	sadd.s32 $0x10, s9;
	(pc) =	sbr.rel @p0 .LBB2_58-.Ltmp28, $2  }
0x2e5: {  	_ =	sdelay $0x2  }
0x2e6: {  	s10 =	sadd.s32 $0x400, s10;
	s11 =	sadd.s32 s11, s24  }
0x2e7: {  	[hbm4b:s11+s1] =	stream.linear.scatter [tilespmem:s8], [sflag:$0x3], $0x80, $0x38;
	[tilespmem:$0x13600] =	vst v63  }
0x2e8: {  	s8 =	simm.s32 $0x3780  }
0x2e9: {  	s9 =	simm.s32 $0x10;
	s11 =	sadd.s32 $0x0, s25;
	s10 =	simm.s32 $0x3B80  }
.LBB2_60:
0x2ea: {  	[hbm4b:s11+s1] =	stream.linear.scatter [tilespmem:s8], [sflag:$0x3], $0x80, $0x38;
	[tilespmem:$0x13600] =	vst v63  }
0x2eb: {  	s11 =	smov.u32 s9;
	s8 =	smov.u32 s10;
	p0 =	sne.s32 s9, $0x1F0  }
.Ltmp29:
0x2ec: {  	s9 =	sadd.s32 $0x10, s9;
	(pc) =	sbr.rel @p0 .LBB2_60-.Ltmp29, $2  }
0x2ed: {  	_ =	sdelay $0x2  }
0x2ee: {  	s10 =	sadd.s32 $0x400, s10;
	s11 =	sadd.s32 s11, s25  }
0x2ef: {  	[hbm4b:s11+s1] =	stream.linear.scatter [tilespmem:s8], [sflag:$0x3], $0x80, $0x38;
	[tilespmem:$0x13600] =	vst v63  }
0x2f0: {  	s8 =	simm.s32 $0x3800  }
0x2f1: {  	s9 =	simm.s32 $0x10;
	s11 =	sadd.s32 $0x0, s26;
	s10 =	simm.s32 $0x3C00  }
.LBB2_62:
0x2f2: {  	[hbm4b:s11+s1] =	stream.linear.scatter [tilespmem:s8], [sflag:$0x3], $0x80, $0x38;
	[tilespmem:$0x13600] =	vst v63  }
0x2f3: {  	s11 =	smov.u32 s9;
	s8 =	smov.u32 s10;
	p0 =	sne.s32 s9, $0x1F0  }
.Ltmp30:
0x2f4: {  	s9 =	sadd.s32 $0x10, s9;
	(pc) =	sbr.rel @p0 .LBB2_62-.Ltmp30, $2  }
0x2f5: {  	_ =	sdelay $0x2  }
0x2f6: {  	s10 =	sadd.s32 $0x400, s10;
	s11 =	sadd.s32 s11, s26  }
0x2f7: {  	[hbm4b:s11+s1] =	stream.linear.scatter [tilespmem:s8], [sflag:$0x3], $0x80, $0x38;
	[tilespmem:$0x13600] =	vst v63  }
0x2f8: {  	s8 =	simm.s32 $0x3880  }
0x2f9: {  	s9 =	simm.s32 $0x10;
	s11 =	sadd.s32 $0x0, s28;
	s10 =	simm.s32 $0x3C80  }
.LBB2_64:
0x2fa: {  	[hbm4b:s11+s1] =	stream.linear.scatter [tilespmem:s8], [sflag:$0x3], $0x80, $0x38;
	[tilespmem:$0x13600] =	vst v63  }
0x2fb: {  	s11 =	smov.u32 s9;
	s8 =	smov.u32 s10;
	p0 =	sne.s32 s9, $0x1F0  }
.Ltmp31:
0x2fc: {  	s9 =	sadd.s32 $0x10, s9;
	(pc) =	sbr.rel @p0 .LBB2_64-.Ltmp31, $2  }
0x2fd: {  	_ =	sdelay $0x2  }
0x2fe: {  	s10 =	sadd.s32 $0x400, s10;
	s11 =	sadd.s32 s11, s28  }
0x2ff: {  	[hbm4b:s11+s1] =	stream.linear.scatter [tilespmem:s8], [sflag:$0x3], $0x80, $0x38;
	[tilespmem:$0x13600] =	vst v63  }
0x300: {  	s8 =	simm.s32 $0x3900  }
0x301: {  	s9 =	simm.s32 $0x10;
	s11 =	sadd.s32 $0x0, s29;
	s10 =	simm.s32 $0x3D00  }
.LBB2_66:
0x302: {  	[hbm4b:s11+s1] =	stream.linear.scatter [tilespmem:s8], [sflag:$0x3], $0x80, $0x38;
	[tilespmem:$0x13600] =	vst v63  }
0x303: {  	s11 =	smov.u32 s9;
	s8 =	smov.u32 s10;
	p0 =	sne.s32 s9, $0x1F0  }
.Ltmp32:
0x304: {  	s9 =	sadd.s32 $0x10, s9;
	(pc) =	sbr.rel @p0 .LBB2_66-.Ltmp32, $2  }
0x305: {  	_ =	sdelay $0x2  }
0x306: {  	s10 =	sadd.s32 $0x400, s10;
	s11 =	sadd.s32 s11, s29  }
0x307: {  	[hbm4b:s11+s1] =	stream.linear.scatter [tilespmem:s8], [sflag:$0x3], $0x80, $0x38;
	[tilespmem:$0x13600] =	vst v63  }
0x308: {  	s8 =	simm.s32 $0x3980  }
0x309: {  	s9 =	simm.s32 $0x10;
	s11 =	sadd.s32 $0x0, s30;
	s10 =	simm.s32 $0x3D80  }
.LBB2_68:
0x30a: {  	[hbm4b:s11+s1] =	stream.linear.scatter [tilespmem:s8], [sflag:$0x3], $0x80, $0x38;
	[tilespmem:$0x13600] =	vst v63  }
0x30b: {  	s11 =	smov.u32 s9;
	s8 =	smov.u32 s10;
	p0 =	sne.s32 s9, $0x1F0  }
.Ltmp33:
0x30c: {  	s9 =	sadd.s32 $0x10, s9;
	(pc) =	sbr.rel @p0 .LBB2_68-.Ltmp33, $2  }
0x30d: {  	_ =	sdelay $0x2  }
0x30e: {  	s10 =	sadd.s32 $0x400, s10;
	s11 =	sadd.s32 s11, s30  }
0x30f: {  	[hbm4b:s11+s1] =	stream.linear.scatter [tilespmem:s8], [sflag:$0x3], $0x80, $0x38;
	[tilespmem:$0x13600] =	vst v63  }
0x310: {  	s12 =	simm.s32 $0x2  }
0x311: {  	_ =	swait.ge [sflag:s12], $0x1900  }
0x312: {  	[sflag:s12] =	ssyncset.done $0x0  }
0x313: {  	s14 =	simm.s32 $0x4;
	[sflag:s12] =	ssyncadd.s32 $0xFFFFE700  }
0x314: {  	_ =	swait.ge [sflag:s14], $0x1000  }
0x315: {  	[sflag:s14] =	ssyncset.done $0x0  }
0x316: {  	[sflag:s14] =	ssyncadd.s32 $0xFFFFF000  }
0x317: {  	_ =	swait.ge [sflag:s14], $0x1000  }
0x318: {  	[sflag:s14] =	ssyncset.done $0x0  }
0x319: {  	[sflag:s14] =	ssyncadd.s32 $0xFFFFF000  }
0x31a: {  	_ =	swait.ge [sflag:s14], $0x1000  }
0x31b: {  	[sflag:s14] =	ssyncset.done $0x0  }
0x31c: {  	[sflag:s14] =	ssyncadd.s32 $0xFFFFF000  }
0x31d: {  	_ =	swait.ge [sflag:s14], $0x1000  }
0x31e: {  	[sflag:s14] =	ssyncset.done $0x0  }
0x31f: {  	[sflag:s14] =	ssyncadd.s32 $0xFFFFF000  }
0x320: {  	_ =	swait.ge [sflag:s14], $0x1000  }
0x321: {  	[sflag:s14] =	ssyncset.done $0x0  }
0x322: {  	[sflag:s14] =	ssyncadd.s32 $0xFFFFF000  }
0x323: {  	_ =	swait.ge [sflag:s14], $0x1000  }
0x324: {  	[sflag:s14] =	ssyncset.done $0x0  }
0x325: {  	[sflag:s14] =	ssyncadd.s32 $0xFFFFF000  }
0x326: {  	_ =	swait.ge [sflag:s14], $0x1000  }
0x327: {  	[sflag:s14] =	ssyncset.done $0x0  }
0x328: {  	[sflag:s14] =	ssyncadd.s32 $0xFFFFF000  }
0x329: {  	_ =	swait.ge [sflag:s14], $0x1000  }
0x32a: {  	[sflag:s14] =	ssyncset.done $0x0  }
0x32b: {  	s8 =	simm.s32 $0x0;
	s9 =	simm.s32 $0x1000;
	[sflag:s14] =	ssyncadd.s32 $0xFFFFF000  }
.LBB2_70:
0x32c: {  	p0 =	sne.s32 s9, $0x1F000;
	[tilespmem:s8+$0xB9F0] =	vst v2  }
0x32d: {  	[tilespmem:s8+$0xB600] =	vst v2  }
0x32e: {  	[tilespmem:s8+$0xB610] =	vst v2  }
0x32f: {  	[tilespmem:s8+$0xB620] =	vst v2  }
0x330: {  	[tilespmem:s8+$0xB630] =	vst v2  }
0x331: {  	[tilespmem:s8+$0xB640] =	vst v2  }
0x332: {  	[tilespmem:s8+$0xB650] =	vst v2  }
0x333: {  	[tilespmem:s8+$0xB660] =	vst v2  }
0x334: {  	[tilespmem:s8+$0xB670] =	vst v2  }
0x335: {  	[tilespmem:s8+$0xB680] =	vst v2  }
0x336: {  	[tilespmem:s8+$0xB690] =	vst v2  }
0x337: {  	[tilespmem:s8+$0xB6A0] =	vst v2  }
0x338: {  	[tilespmem:s8+$0xB6B0] =	vst v2  }
0x339: {  	[tilespmem:s8+$0xB6C0] =	vst v2  }
0x33a: {  	[tilespmem:s8+$0xB6D0] =	vst v2  }
0x33b: {  	[tilespmem:s8+$0xB6E0] =	vst v2  }
0x33c: {  	[tilespmem:s8+$0xB6F0] =	vst v2  }
0x33d: {  	[tilespmem:s8+$0xB700] =	vst v2  }
0x33e: {  	[tilespmem:s8+$0xB710] =	vst v2  }
0x33f: {  	[tilespmem:s8+$0xB720] =	vst v2  }
0x340: {  	[tilespmem:s8+$0xB730] =	vst v2  }
0x341: {  	[tilespmem:s8+$0xB740] =	vst v2  }
0x342: {  	[tilespmem:s8+$0xB750] =	vst v2  }
0x343: {  	[tilespmem:s8+$0xB760] =	vst v2  }
0x344: {  	[tilespmem:s8+$0xB770] =	vst v2  }
0x345: {  	[tilespmem:s8+$0xB780] =	vst v2  }
0x346: {  	[tilespmem:s8+$0xB790] =	vst v2  }
0x347: {  	[tilespmem:s8+$0xB7A0] =	vst v2  }
0x348: {  	[tilespmem:s8+$0xB7B0] =	vst v2  }
0x349: {  	[tilespmem:s8+$0xB7C0] =	vst v2  }
0x34a: {  	[tilespmem:s8+$0xB7D0] =	vst v2  }
0x34b: {  	[tilespmem:s8+$0xB7E0] =	vst v2  }
0x34c: {  	[tilespmem:s8+$0xB7F0] =	vst v2  }
0x34d: {  	[tilespmem:s8+$0xB800] =	vst v2  }
0x34e: {  	[tilespmem:s8+$0xB810] =	vst v2  }
0x34f: {  	[tilespmem:s8+$0xB820] =	vst v2  }
0x350: {  	[tilespmem:s8+$0xB830] =	vst v2  }
0x351: {  	[tilespmem:s8+$0xB840] =	vst v2  }
0x352: {  	[tilespmem:s8+$0xB850] =	vst v2  }
0x353: {  	[tilespmem:s8+$0xB860] =	vst v2  }
0x354: {  	[tilespmem:s8+$0xB870] =	vst v2  }
0x355: {  	[tilespmem:s8+$0xB880] =	vst v2  }
0x356: {  	[tilespmem:s8+$0xB890] =	vst v2  }
0x357: {  	[tilespmem:s8+$0xB8A0] =	vst v2  }
0x358: {  	[tilespmem:s8+$0xB8B0] =	vst v2  }
0x359: {  	[tilespmem:s8+$0xB8C0] =	vst v2  }
0x35a: {  	[tilespmem:s8+$0xB8D0] =	vst v2  }
0x35b: {  	[tilespmem:s8+$0xB8E0] =	vst v2  }
0x35c: {  	[tilespmem:s8+$0xB8F0] =	vst v2  }
0x35d: {  	[tilespmem:s8+$0xB900] =	vst v2  }
0x35e: {  	[tilespmem:s8+$0xB910] =	vst v2  }
0x35f: {  	[tilespmem:s8+$0xB920] =	vst v2  }
0x360: {  	[tilespmem:s8+$0xB930] =	vst v2  }
0x361: {  	[tilespmem:s8+$0xB940] =	vst v2  }
0x362: {  	[tilespmem:s8+$0xB950] =	vst v2  }
0x363: {  	[tilespmem:s8+$0xB960] =	vst v2  }
0x364: {  	[tilespmem:s8+$0xB970] =	vst v2  }
0x365: {  	[tilespmem:s8+$0xB980] =	vst v2  }
0x366: {  	[tilespmem:s8+$0xB990] =	vst v2  }
.Ltmp34:
0x367: {  	[tilespmem:s8+$0xB9A0] =	vst v2;
	(pc) =	sbr.rel @p0 .LBB2_70-.Ltmp34, $4  }
0x368: {  	[tilespmem:s8+$0xB9B0] =	vst v2  }
0x369: {  	[tilespmem:s8+$0xB9C0] =	vst v2  }
0x36a: {  	[tilespmem:s8+$0xB9D0] =	vst v2  }
0x36b: {  	[tilespmem:s8+$0xB9E0] =	vst v2;
	s8 =	sshra.s32 s9, $0x2;
	s9 =	sadd.s32 $0x1000, s9  }
0x36c: {  	[tilespmem:s8+$0xB9F0] =	vst v2  }
0x36d: {  	[tilespmem:s8+$0xB600] =	vst v2  }
0x36e: {  	[tilespmem:s8+$0xB610] =	vst v2  }
0x36f: {  	[tilespmem:s8+$0xB620] =	vst v2  }
0x370: {  	[tilespmem:s8+$0xB630] =	vst v2  }
0x371: {  	[tilespmem:s8+$0xB640] =	vst v2  }
0x372: {  	[tilespmem:s8+$0xB650] =	vst v2  }
0x373: {  	[tilespmem:s8+$0xB660] =	vst v2  }
0x374: {  	[tilespmem:s8+$0xB670] =	vst v2  }
0x375: {  	[tilespmem:s8+$0xB680] =	vst v2  }
0x376: {  	[tilespmem:s8+$0xB690] =	vst v2  }
0x377: {  	[tilespmem:s8+$0xB6A0] =	vst v2  }
0x378: {  	[tilespmem:s8+$0xB6B0] =	vst v2  }
0x379: {  	[tilespmem:s8+$0xB6C0] =	vst v2  }
0x37a: {  	[tilespmem:s8+$0xB6D0] =	vst v2  }
0x37b: {  	[tilespmem:s8+$0xB6E0] =	vst v2  }
0x37c: {  	[tilespmem:s8+$0xB6F0] =	vst v2  }
0x37d: {  	[tilespmem:s8+$0xB700] =	vst v2  }
0x37e: {  	[tilespmem:s8+$0xB710] =	vst v2  }
0x37f: {  	[tilespmem:s8+$0xB720] =	vst v2  }
0x380: {  	[tilespmem:s8+$0xB730] =	vst v2  }
0x381: {  	[tilespmem:s8+$0xB740] =	vst v2  }
0x382: {  	[tilespmem:s8+$0xB750] =	vst v2  }
0x383: {  	[tilespmem:s8+$0xB760] =	vst v2  }
0x384: {  	[tilespmem:s8+$0xB770] =	vst v2  }
0x385: {  	[tilespmem:s8+$0xB780] =	vst v2  }
0x386: {  	[tilespmem:s8+$0xB790] =	vst v2  }
0x387: {  	[tilespmem:s8+$0xB7A0] =	vst v2  }
0x388: {  	[tilespmem:s8+$0xB7B0] =	vst v2  }
0x389: {  	[tilespmem:s8+$0xB7C0] =	vst v2  }
0x38a: {  	[tilespmem:s8+$0xB7D0] =	vst v2  }
0x38b: {  	[tilespmem:s8+$0xB7E0] =	vst v2  }
0x38c: {  	[tilespmem:s8+$0xB7F0] =	vst v2  }
0x38d: {  	[tilespmem:s8+$0xB800] =	vst v2  }
0x38e: {  	[tilespmem:s8+$0xB810] =	vst v2  }
0x38f: {  	[tilespmem:s8+$0xB820] =	vst v2  }
0x390: {  	[tilespmem:s8+$0xB830] =	vst v2  }
0x391: {  	[tilespmem:s8+$0xB840] =	vst v2  }
0x392: {  	[tilespmem:s8+$0xB850] =	vst v2  }
0x393: {  	[tilespmem:s8+$0xB860] =	vst v2  }
0x394: {  	[tilespmem:s8+$0xB870] =	vst v2  }
0x395: {  	[tilespmem:s8+$0xB880] =	vst v2  }
0x396: {  	[tilespmem:s8+$0xB890] =	vst v2  }
0x397: {  	[tilespmem:s8+$0xB8A0] =	vst v2  }
0x398: {  	[tilespmem:s8+$0xB8B0] =	vst v2  }
0x399: {  	[tilespmem:s8+$0xB8C0] =	vst v2  }
0x39a: {  	[tilespmem:s8+$0xB8D0] =	vst v2  }
0x39b: {  	[tilespmem:s8+$0xB8E0] =	vst v2  }
0x39c: {  	[tilespmem:s8+$0xB8F0] =	vst v2  }
0x39d: {  	[tilespmem:s8+$0xB900] =	vst v2  }
0x39e: {  	[tilespmem:s8+$0xB910] =	vst v2  }
0x39f: {  	[tilespmem:s8+$0xB920] =	vst v2  }
0x3a0: {  	[tilespmem:s8+$0xB930] =	vst v2  }
0x3a1: {  	[tilespmem:s8+$0xB940] =	vst v2  }
0x3a2: {  	[tilespmem:s8+$0xB950] =	vst v2  }
0x3a3: {  	[tilespmem:s8+$0xB960] =	vst v2  }
0x3a4: {  	[tilespmem:s8+$0xB970] =	vst v2  }
0x3a5: {  	[tilespmem:s8+$0xB980] =	vst v2  }
0x3a6: {  	[tilespmem:s8+$0xB990] =	vst v2  }
0x3a7: {  	[tilespmem:s8+$0xB9A0] =	vst v2  }
0x3a8: {  	[tilespmem:s8+$0xB9B0] =	vst v2  }
0x3a9: {  	[tilespmem:s8+$0xB9C0] =	vst v2  }
0x3aa: {  	[tilespmem:s8+$0xB9D0] =	vst v2  }
0x3ab: {  	[tilespmem:s8+$0xB9E0] =	vst v2;
	v6 =	vimm.s32 $0x0;
	s8 =	simm.s32 $0x32;
	s9 =	simm.s32 $0x1B00;
	s10 =	simm.s32 $0xB600  }
.LBB2_72:
0x3ac: {  	v7 =	vand.u32 $0xFFFFFFF8, v6  }
0x3ad: {  	v8 =	vand.u32 $0x4, v6;
	v9 =	vadd.s32 v0, v7  }
0x3ae: {  	v10 =	vor.u32 v8, v9;
	_ =	sdelay $0x4  }
0x3af: {  	v10 =	vld.idx.msk [tilespmem:v10+s9+$0x0], $0xffff;
	_ =	sdelay $0x4  }
0x3b0: {  	v7 =	vadd.s32 v4, v7;
	v10 =	vadd.s32 v1, v10  }
0x3b1: {  	v11 =	vor.u32 v8, v7;
	_ =	sdelay $0x3  }
0x3b2: {  	[tilespmem:v10+s10+$0x0] =	vst.idx.add.f32.msk $0xffff, v3  }
0x3b3: {  	v10 =	vld.idx.msk [tilespmem:v11+s9+$0x0], $0xffff;
	_ =	sdelay $0x4  }
0x3b4: {  	v61 =	vor.u32 $0x1, v8;
	v10 =	vadd.s32 v5, v10  }
0x3b5: {  	v12 =	vor.u32 v61, v9;
	_ =	sdelay $0x3  }
0x3b6: {  	[tilespmem:v10+s10+$0x0] =	vst.idx.add.f32.msk $0xffff, v3  }
0x3b7: {  	v10 =	vld.idx.msk [tilespmem:v12+s9+$0x0], $0xffff;
	_ =	sdelay $0x4  }
0x3b8: {  	v10 =	vadd.s32 v1, v10  }
0x3b9: {  	v11 =	vor.u32 v61, v7;
	_ =	sdelay $0x3  }
0x3ba: {  	[tilespmem:v10+s10+$0x0] =	vst.idx.add.f32.msk $0xffff, v3  }
0x3bb: {  	v10 =	vld.idx.msk [tilespmem:v11+s9+$0x0], $0xffff;
	_ =	sdelay $0x4  }
0x3bc: {  	v62 =	vor.u32 $0x2, v8;
	v10 =	vadd.s32 v5, v10  }
0x3bd: {  	v63 =	vor.u32 v62, v9;
	_ =	sdelay $0x3  }
0x3be: {  	[tilespmem:v10+s10+$0x0] =	vst.idx.add.f32.msk $0xffff, v3  }
0x3bf: {  	v10 =	vld.idx.msk [tilespmem:v63+s9+$0x0], $0xffff;
	_ =	sdelay $0x4  }
0x3c0: {  	v10 =	vadd.s32 v1, v10  }
0x3c1: {  	v11 =	vor.u32 v62, v7;
	_ =	sdelay $0x3  }
0x3c2: {  	[tilespmem:v10+s10+$0x0] =	vst.idx.add.f32.msk $0xffff, v3  }
0x3c3: {  	v10 =	vld.idx.msk [tilespmem:v11+s9+$0x0], $0xffff;
	_ =	sdelay $0x4  }
0x3c4: {  	v8 =	vor.u32 $0x3, v8;
	v10 =	vadd.s32 v5, v10  }
0x3c5: {  	v9 =	vor.u32 v8, v9;
	_ =	sdelay $0x3  }
0x3c6: {  	[tilespmem:v10+s10+$0x0] =	vst.idx.add.f32.msk $0xffff, v3  }
0x3c7: {  	v9 =	vld.idx.msk [tilespmem:v9+s9+$0x0], $0xffff;
	_ =	sdelay $0x4  }
0x3c8: {  	v9 =	vadd.s32 v1, v9  }
0x3c9: {  	v7 =	vor.u32 v8, v7;
	_ =	sdelay $0x3  }
0x3ca: {  	[tilespmem:v9+s10+$0x0] =	vst.idx.add.f32.msk $0xffff, v3  }
0x3cb: {  	v7 =	vld.idx.msk [tilespmem:v7+s9+$0x0], $0xffff;
	_ =	sdelay $0x4  }
0x3cc: {  	p0 =	sne.s32 s8, $0x1;
	v7 =	vadd.s32 v5, v7  }
.Ltmp35:
0x3cd: {  	_ = 	snop;
	(pc) =	sbr.rel @p0 .LBB2_72-.Ltmp35, $2  }
0x3ce: {  	_ =	sdelay $0x2  }
0x3cf: {  	v6 =	vadd.s32 $0x4, v6;
	s8 =	sadd.s32 $0xFFFFFFFF, s8;
	[tilespmem:v7+s10+$0x0] =	vst.idx.add.f32.msk $0xffff, v3  }
0x3d0: {  	s8 =	simm.s32 $0xB600  }
0x3d1: {  	s9 =	simm.s32 $0x10;
	s11 =	sadd.s32 $0x0, s31;
	s10 =	simm.s32 $0xBA00  }
.LBB2_74:
0x3d2: {  	[hbm4b:s11+s1] =	stream.linear.scatter [tilespmem:s8], [sflag:$0x4], $0x80, $0x38;
	[tilespmem:$0x13600] =	vst v63  }
0x3d3: {  	s11 =	smov.u32 s9;
	s8 =	smov.u32 s10;
	p0 =	sne.s32 s9, $0x1F0  }
.Ltmp36:
0x3d4: {  	s9 =	sadd.s32 $0x10, s9;
	(pc) =	sbr.rel @p0 .LBB2_74-.Ltmp36, $2  }
0x3d5: {  	_ =	sdelay $0x2  }
0x3d6: {  	s10 =	sadd.s32 $0x400, s10;
	s11 =	sadd.s32 s11, s31  }
0x3d7: {  	[hbm4b:s11+s1] =	stream.linear.scatter [tilespmem:s8], [sflag:$0x4], $0x80, $0x38;
	[tilespmem:$0x13600] =	vst v63  }
0x3d8: {  	s8 =	simm.s32 $0xB680  }
0x3d9: {  	s9 =	simm.s32 $0x10;
	s11 =	sadd.s32 $0x0, s0;
	s10 =	simm.s32 $0xBA80  }
.LBB2_76:
0x3da: {  	[hbm4b:s11+s1] =	stream.linear.scatter [tilespmem:s8], [sflag:$0x4], $0x80, $0x38;
	[tilespmem:$0x13600] =	vst v63  }
0x3db: {  	s11 =	smov.u32 s9;
	s8 =	smov.u32 s10;
	p0 =	sne.s32 s9, $0x1F0  }
.Ltmp37:
0x3dc: {  	s9 =	sadd.s32 $0x10, s9;
	(pc) =	sbr.rel @p0 .LBB2_76-.Ltmp37, $2  }
0x3dd: {  	_ =	sdelay $0x2  }
0x3de: {  	s10 =	sadd.s32 $0x400, s10;
	s11 =	sadd.s32 s11, s0  }
0x3df: {  	[hbm4b:s11+s1] =	stream.linear.scatter [tilespmem:s8], [sflag:$0x4], $0x80, $0x38;
	[tilespmem:$0x13600] =	vst v63  }
0x3e0: {  	s8 =	simm.s32 $0xB700  }
0x3e1: {  	s9 =	simm.s32 $0x10;
	s11 =	sadd.s32 $0x0, s2;
	s10 =	simm.s32 $0xBB00  }
.LBB2_78:
0x3e2: {  	[hbm4b:s11+s1] =	stream.linear.scatter [tilespmem:s8], [sflag:$0x4], $0x80, $0x38;
	[tilespmem:$0x13600] =	vst v63  }
0x3e3: {  	s11 =	smov.u32 s9;
	s8 =	smov.u32 s10;
	p0 =	sne.s32 s9, $0x1F0  }
.Ltmp38:
0x3e4: {  	s9 =	sadd.s32 $0x10, s9;
	(pc) =	sbr.rel @p0 .LBB2_78-.Ltmp38, $2  }
0x3e5: {  	_ =	sdelay $0x2  }
0x3e6: {  	s10 =	sadd.s32 $0x400, s10;
	s11 =	sadd.s32 s11, s2  }
0x3e7: {  	[hbm4b:s11+s1] =	stream.linear.scatter [tilespmem:s8], [sflag:$0x4], $0x80, $0x38;
	[tilespmem:$0x13600] =	vst v63  }
0x3e8: {  	s8 =	simm.s32 $0xB780  }
0x3e9: {  	s9 =	simm.s32 $0x10;
	s11 =	sadd.s32 $0x0, s3;
	s10 =	simm.s32 $0xBB80  }
.LBB2_80:
0x3ea: {  	[hbm4b:s11+s1] =	stream.linear.scatter [tilespmem:s8], [sflag:$0x4], $0x80, $0x38;
	[tilespmem:$0x13600] =	vst v63  }
0x3eb: {  	s11 =	smov.u32 s9;
	s8 =	smov.u32 s10;
	p0 =	sne.s32 s9, $0x1F0  }
.Ltmp39:
0x3ec: {  	s9 =	sadd.s32 $0x10, s9;
	(pc) =	sbr.rel @p0 .LBB2_80-.Ltmp39, $2  }
0x3ed: {  	_ =	sdelay $0x2  }
0x3ee: {  	s10 =	sadd.s32 $0x400, s10;
	s11 =	sadd.s32 s11, s3  }
0x3ef: {  	[hbm4b:s11+s1] =	stream.linear.scatter [tilespmem:s8], [sflag:$0x4], $0x80, $0x38;
	[tilespmem:$0x13600] =	vst v63  }
0x3f0: {  	s8 =	simm.s32 $0xB800  }
0x3f1: {  	s9 =	simm.s32 $0x10;
	s11 =	sadd.s32 $0x0, s4;
	s10 =	simm.s32 $0xBC00  }
.LBB2_82:
0x3f2: {  	[hbm4b:s11+s1] =	stream.linear.scatter [tilespmem:s8], [sflag:$0x4], $0x80, $0x38;
	[tilespmem:$0x13600] =	vst v63  }
0x3f3: {  	s11 =	smov.u32 s9;
	s8 =	smov.u32 s10;
	p0 =	sne.s32 s9, $0x1F0  }
.Ltmp40:
0x3f4: {  	s9 =	sadd.s32 $0x10, s9;
	(pc) =	sbr.rel @p0 .LBB2_82-.Ltmp40, $2  }
0x3f5: {  	_ =	sdelay $0x2  }
0x3f6: {  	s10 =	sadd.s32 $0x400, s10;
	s11 =	sadd.s32 s11, s4  }
0x3f7: {  	[hbm4b:s11+s1] =	stream.linear.scatter [tilespmem:s8], [sflag:$0x4], $0x80, $0x38;
	[tilespmem:$0x13600] =	vst v63  }
0x3f8: {  	s8 =	simm.s32 $0xB880  }
0x3f9: {  	s9 =	simm.s32 $0x10;
	s11 =	sadd.s32 $0x0, s5;
	s10 =	simm.s32 $0xBC80  }
.LBB2_84:
0x3fa: {  	[hbm4b:s11+s1] =	stream.linear.scatter [tilespmem:s8], [sflag:$0x4], $0x80, $0x38;
	[tilespmem:$0x13600] =	vst v63  }
0x3fb: {  	s11 =	smov.u32 s9;
	s8 =	smov.u32 s10;
	p0 =	sne.s32 s9, $0x1F0  }
.Ltmp41:
0x3fc: {  	s9 =	sadd.s32 $0x10, s9;
	(pc) =	sbr.rel @p0 .LBB2_84-.Ltmp41, $2  }
0x3fd: {  	_ =	sdelay $0x2  }
0x3fe: {  	s10 =	sadd.s32 $0x400, s10;
	s11 =	sadd.s32 s11, s5  }
0x3ff: {  	[hbm4b:s11+s1] =	stream.linear.scatter [tilespmem:s8], [sflag:$0x4], $0x80, $0x38;
	[tilespmem:$0x13600] =	vst v63  }
0x400: {  	s8 =	simm.s32 $0xB900  }
0x401: {  	s9 =	simm.s32 $0x10;
	s11 =	sadd.s32 $0x0, s6;
	s10 =	simm.s32 $0xBD00  }
.LBB2_86:
0x402: {  	[hbm4b:s11+s1] =	stream.linear.scatter [tilespmem:s8], [sflag:$0x4], $0x80, $0x38;
	[tilespmem:$0x13600] =	vst v63  }
0x403: {  	s11 =	smov.u32 s9;
	s8 =	smov.u32 s10;
	p0 =	sne.s32 s9, $0x1F0  }
.Ltmp42:
0x404: {  	s9 =	sadd.s32 $0x10, s9;
	(pc) =	sbr.rel @p0 .LBB2_86-.Ltmp42, $2  }
0x405: {  	_ =	sdelay $0x2  }
0x406: {  	s10 =	sadd.s32 $0x400, s10;
	s11 =	sadd.s32 s11, s6  }
0x407: {  	[hbm4b:s11+s1] =	stream.linear.scatter [tilespmem:s8], [sflag:$0x4], $0x80, $0x38;
	[tilespmem:$0x13600] =	vst v63  }
0x408: {  	s8 =	simm.s32 $0xB980  }
0x409: {  	s9 =	simm.s32 $0x10;
	s11 =	sadd.s32 $0x0, s7;
	s10 =	simm.s32 $0xBD80  }
.LBB2_88:
0x40a: {  	[hbm4b:s11+s1] =	stream.linear.scatter [tilespmem:s8], [sflag:$0x4], $0x80, $0x38;
	[tilespmem:$0x13600] =	vst v63  }
0x40b: {  	s11 =	smov.u32 s9;
	s8 =	smov.u32 s10;
	p0 =	sne.s32 s9, $0x1F0  }
.Ltmp43:
0x40c: {  	s9 =	sadd.s32 $0x10, s9;
	(pc) =	sbr.rel @p0 .LBB2_88-.Ltmp43, $2  }
0x40d: {  	_ =	sdelay $0x2  }
0x40e: {  	s10 =	sadd.s32 $0x400, s10;
	s11 =	sadd.s32 s11, s7  }
0x40f: {  	[hbm4b:s11+s1] =	stream.linear.scatter [tilespmem:s8], [sflag:$0x4], $0x80, $0x38;
	[tilespmem:$0x13600] =	vst v63  }
0x410: {  	s12 =	simm.s32 $0x3  }
0x411: {  	_ =	swait.ge [sflag:s12], $0x1000  }
0x412: {  	[sflag:s12] =	ssyncset.done $0x0  }
0x413: {  	[sflag:s12] =	ssyncadd.s32 $0xFFFFF000  }
0x414: {  	_ =	swait.ge [sflag:s12], $0x1000  }
0x415: {  	[sflag:s12] =	ssyncset.done $0x0  }
0x416: {  	[sflag:s12] =	ssyncadd.s32 $0xFFFFF000  }
0x417: {  	_ =	swait.ge [sflag:s12], $0x1000  }
0x418: {  	[sflag:s12] =	ssyncset.done $0x0  }
0x419: {  	[sflag:s12] =	ssyncadd.s32 $0xFFFFF000  }
0x41a: {  	_ =	swait.ge [sflag:s12], $0x1000  }
0x41b: {  	[sflag:s12] =	ssyncset.done $0x0  }
0x41c: {  	[sflag:s12] =	ssyncadd.s32 $0xFFFFF000  }
0x41d: {  	_ =	swait.ge [sflag:s12], $0x1000  }
0x41e: {  	[sflag:s12] =	ssyncset.done $0x0  }
0x41f: {  	[sflag:s12] =	ssyncadd.s32 $0xFFFFF000  }
0x420: {  	_ =	swait.ge [sflag:s12], $0x1000  }
0x421: {  	[sflag:s12] =	ssyncset.done $0x0  }
0x422: {  	[sflag:s12] =	ssyncadd.s32 $0xFFFFF000  }
0x423: {  	_ =	swait.ge [sflag:s12], $0x1000  }
0x424: {  	[sflag:s12] =	ssyncset.done $0x0  }
0x425: {  	[sflag:s12] =	ssyncadd.s32 $0xFFFFF000  }
0x426: {  	_ =	swait.ge [sflag:s12], $0x1000  }
0x427: {  	[sflag:s12] =	ssyncset.done $0x0  }
0x428: {  	s9 =	simm.s32 $0x4;
	[sflag:s12] =	ssyncadd.s32 $0xFFFFF000  }
0x429: {  	_ =	swait.ge [sflag:s9], $0x1000  }
0x42a: {  	[sflag:s9] =	ssyncset.done $0x0  }
0x42b: {  	[sflag:s9] =	ssyncadd.s32 $0xFFFFF000  }
0x42c: {  	_ =	swait.ge [sflag:s9], $0x1000  }
0x42d: {  	[sflag:s9] =	ssyncset.done $0x0  }
0x42e: {  	[sflag:s9] =	ssyncadd.s32 $0xFFFFF000  }
0x42f: {  	_ =	swait.ge [sflag:s9], $0x1000  }
0x430: {  	[sflag:s9] =	ssyncset.done $0x0  }
0x431: {  	[sflag:s9] =	ssyncadd.s32 $0xFFFFF000  }
0x432: {  	_ =	swait.ge [sflag:s9], $0x1000  }
0x433: {  	[sflag:s9] =	ssyncset.done $0x0  }
0x434: {  	[sflag:s9] =	ssyncadd.s32 $0xFFFFF000  }
0x435: {  	_ =	swait.ge [sflag:s9], $0x1000  }
0x436: {  	[sflag:s9] =	ssyncset.done $0x0  }
0x437: {  	[sflag:s9] =	ssyncadd.s32 $0xFFFFF000  }
0x438: {  	_ =	swait.ge [sflag:s9], $0x1000  }
0x439: {  	[sflag:s9] =	ssyncset.done $0x0  }
0x43a: {  	[sflag:s9] =	ssyncadd.s32 $0xFFFFF000  }
0x43b: {  	_ =	swait.ge [sflag:s9], $0x1000  }
0x43c: {  	[sflag:s9] =	ssyncset.done $0x0  }
0x43d: {  	[sflag:s9] =	ssyncadd.s32 $0xFFFFF000  }
0x43e: {  	_ =	swait.ge [sflag:s9], $0x1000  }
0x43f: {  	s10 =	rddreg [dreg:$0x11]  }
0x440: {  	s14 =	rddreg [dreg:$0x10];
	s10 =	sadd.s32 $0x1, s10  }
0x441: {  	p0 =	sne.s32 s10, s14  }
.Ltmp44:
0x442: {  	_ = 	snop;
	(pc) =	sbr.rel @p0 .LBB2_1-.Ltmp44, $3  }
0x443: {  	_ =	sdelay $0x1  }
0x444: {  	[sflag:s9] =	ssyncset.done $0x0  }
0x445: {  	[sflag:s9] =	ssyncadd.s32 $0xFFFFF000  }
0x446: {  	_ =	sfence.sel $0x180000  }
0x447: {  	[bflag:$0x0] =	sbarrier.arrive $0xFFFF  }
0x448: {  	_ =	strace $0x90000047  }
0x449: {  	s0 =	stileid.u32;
	[bflag:$0x2] =	sbarrier.arrive $0xFFFF  }
0x44a: {  	p0 =	sne.s32 s0, $0x0;
	s0 =	rddreg [dreg:$0x2]  }
0x44b: {  	s0 =	sadd.s32 @!p0 $0x100000, s0  }
0x44c: {  	[sflag:s0] =	ssyncadd.tile.s32 @!p0 $0x1;
	_ =	shalt  }
.Lfunc_end2:
_tile_overlayer_lowered:
.L_overlay_start_2:
0x44d: {  	(tag) =	ssettag $0x2  }
0x44e: {  	s0 =	rddreg [dreg:$0x0];
	s2 =	stileid.u32  }
0x44f: {  	s1 =	rddreg [dreg:$0x1];
	p0 =	sne.s32 s2, $0x0  }
0x450: {  	s3 =	rddreg [dreg:$0x2];
	[bflag:$0x3] =	sbarrier.arrive $0xFFFF;
	s2 =	simm.s32 @!p0 $0x1C05  }
0x451: {  	[timem:s3], [sflag:s2] =	dma.local @!p0 [hbm:s0], s1  }
0x452: {  	s0 =	simm.s32 @!p0 $0x5  }
0x453: {  	_ =	swait.ge @!p0 [sflag:s0], s1  }
0x454: {  	s1 =	ssub.s32 @!p0 $0x0, s1;
	[sflag:s0] =	ssyncset.done @!p0 $0x0  }
0x455: {  	[sflag:s0] =	ssyncadd.s32 @!p0 s1  }
0x456: {  	[bflag:$0x3] =	sbarrier.arrive $0xFFFF  }
0x457: {  	_ =	shalt  }

</sc_bundles>
